<compile_context>
chip_gen: v7x
topology: tpu7x:2x2x1
jax: 0.10.2.dev20260603
libtpu: 0.0.44.dev20260713+nightly
codegen_flags: <defaults>
</compile_context>

<pallas_src>
import functools

import jax
import jax.numpy as jnp
from jax import lax
from jax.experimental import pallas as pl
from jax.experimental.pallas import tpu as pltpu
from jax.experimental.pallas import tpu_sc as plsc

N = 10000
E = 160000
D_IN = 256
D_H = 256
D_OUT = 64

NS = 16
NC = 2
NB = 5

EPT = E // NS

KD = 80
CCD = (E // NS) // KD

KH = 80
CCH = (E // NS) // KH

DH2 = D_OUT // 2

RCH = 624
RTAIL = N - NS * RCH

BM = 2000
GRID = N // BM

_mesh = plsc.VectorSubcoreMesh(core_axis_name="c", subcore_axis_name="s")
_params = pltpu.CompilerParams(use_tc_tiling_on_sc=False)


def _zero_acc(zrows, acc, s):
    pltpu.sync_copy(zrows.at[pl.ds(0, RCH)], acc.at[pl.ds(s * RCH, RCH)])

    @pl.when(s == NS - 1)
    def _():
        pltpu.sync_copy(zrows.at[pl.ds(0, RTAIL)],
                        acc.at[pl.ds(NS * RCH, RTAIL)])


def _dump_acc(acc, out, s):
    pltpu.sync_copy(acc.at[pl.ds(s * RCH, RCH)], out.at[pl.ds(s * RCH, RCH)])

    @pl.when(s == NS - 1)
    def _():
        pltpu.sync_copy(acc.at[pl.ds(NS * RCH, RTAIL)],
                        out.at[pl.ds(NS * RCH, RTAIL)])


def _edge_loop(hw, acc, idx_s, idx_d, gbufs, gsems, ssems, cch, k):
    nb = len(gbufs)
    t_outer = cch // nb

    def sl(ref, j):
        return ref.at[pl.ds(j * k, k)]

    for b in range(nb - 1):
        pltpu.async_copy(hw.at[sl(idx_s, b)], gbufs[b], gsems[b])

    def outer(t, carry):
        for b in range(nb):
            jj = t * nb + b
            bprev = (b - 1) % nb

            def wait_scatter(bp=bprev, j=jj):
                pltpu.make_async_copy(gbufs[bp], acc.at[sl(idx_d, j - 1)],
                                      ssems[bp]).wait()

            def issue_gather(bp=bprev, j=jj):
                pltpu.async_copy(hw.at[sl(idx_s, j + nb - 1)], gbufs[bp],
                                 gsems[bp])

            if b == 0:
                pl.when(t > 0)(wait_scatter)
                issue_gather()
            else:
                wait_scatter()
                pl.when(t < t_outer - 1)(issue_gather)
            pltpu.make_async_copy(hw.at[sl(idx_s, jj)], gbufs[b],
                                  gsems[b]).wait()
            pltpu.async_copy(gbufs[b], acc.at[sl(idx_d, jj)], ssems[b],
                             add=True)
        return carry

    lax.fori_loop(0, t_outer, outer, 0)
    bl = (cch - 1) % nb
    pltpu.make_async_copy(gbufs[bl], acc.at[sl(idx_d, cch - 1)],
                          ssems[bl]).wait()



@functools.partial(
    pl.kernel,
    out_type=jax.ShapeDtypeStruct((NC, N, 16), jnp.float32),
    mesh=_mesh,
    compiler_params=_params,
    scratch_types=[
        pltpu.VMEM((EPT,), jnp.int32),
        pltpu.VMEM((KD, 16), jnp.float32),
        pltpu.VMEM_SHARED((N, 16), jnp.float32),
        [pltpu.SemaphoreType.DMA] * NB,
    ],
)
def _deg_kernel(edge, zrows, ones_rows, deg_out, idx, ones_v, deg_sp, dsems):
    c = lax.axis_index("c")
    s = lax.axis_index("s")
    _zero_acc(zrows, deg_sp, s)
    pltpu.sync_copy(edge.at[c, pl.ds(s * EPT, EPT)], idx)
    pltpu.sync_copy(ones_rows, ones_v)
    plsc.subcore_barrier()

    def outer(t, carry):
        for b in range(NB):
            jj = t * NB + b

            def wait_prev(b=b, jj=jj):
                pltpu.make_async_copy(
                    ones_v, deg_sp.at[idx.at[pl.ds((jj - NB) * KD, KD)]],
                    dsems[b]).wait()

            pl.when(t > 0)(wait_prev)
            pltpu.async_copy(ones_v, deg_sp.at[idx.at[pl.ds(jj * KD, KD)]],
                             dsems[b], add=True)
        return carry

    lax.fori_loop(0, CCD // NB, outer, 0)
    for b in range(NB):
        pltpu.make_async_copy(
            ones_v, deg_sp.at[idx.at[pl.ds((CCD - NB + b) * KD, KD)]],
            dsems[b]).wait()
    plsc.subcore_barrier()
    _dump_acc(deg_sp, deg_out.at[c], s)



@functools.partial(
    pl.kernel,
    out_type=[jax.ShapeDtypeStruct((N, D_H // 4), jnp.float32)] * 4,
    mesh=_mesh,
    compiler_params=_params,
    scratch_types=[
        pltpu.VMEM((EPT,), jnp.int32),
        pltpu.VMEM((EPT,), jnp.int32),
        [pltpu.VMEM((KH, D_H // 4), jnp.float32)] * NB,
        pltpu.VMEM_SHARED((N, D_H // 4), jnp.float32),
        [pltpu.SemaphoreType.DMA] * NB,
        [pltpu.SemaphoreType.DMA] * NB,
    ],
)
def _agg_h(hw0, hw1, hw2, hw3, edge, zrows,
           out0, out1, out2, out3, idx_s, idx_d, gbufs, acc, gsems, ssems):
    c = lax.axis_index("c")
    s = lax.axis_index("s")
    pltpu.sync_copy(edge.at[0, pl.ds(s * EPT, EPT)], idx_s)
    pltpu.sync_copy(edge.at[1, pl.ds(s * EPT, EPT)], idx_d)

    def run(hw, out):
        _zero_acc(zrows, acc, s)
        plsc.subcore_barrier()
        _edge_loop(hw, acc, idx_s, idx_d, gbufs, gsems, ssems, CCH, KH)
        plsc.subcore_barrier()
        _dump_acc(acc, out, s)
        plsc.subcore_barrier()

    @pl.when(c == 0)
    def _():
        run(hw0, out0)
        run(hw1, out1)

    @pl.when(c == 1)
    def _():
        run(hw2, out2)
        run(hw3, out3)



@functools.partial(
    pl.kernel,
    out_type=jax.ShapeDtypeStruct((N, D_OUT), jnp.float32),
    mesh=_mesh,
    compiler_params=_params,
    scratch_types=[
        pltpu.VMEM((EPT,), jnp.int32),
        pltpu.VMEM((EPT,), jnp.int32),
        [pltpu.VMEM((KH, DH2), jnp.float32)] * NB,
        pltpu.VMEM_SHARED((N, DH2), jnp.float32),
        pltpu.VMEM((RCH + RTAIL, DH2), jnp.float32),
        pltpu.VMEM((RCH + RTAIL, DH2), jnp.float32),
        pltpu.VMEM((2, DH2), jnp.float32),
        [pltpu.SemaphoreType.DMA] * NB,
        [pltpu.SemaphoreType.DMA] * NB,
    ],
)
def _agg_o(g0, g1, edge, zrows, nrm32, b2h, out,
           idx_s, idx_d, gbufs, acc, tbuf, nbuf, b2v, gsems, ssems):
    c = lax.axis_index("c")
    s = lax.axis_index("s")
    pltpu.sync_copy(edge.at[0, pl.ds(s * EPT, EPT)], idx_s)
    pltpu.sync_copy(edge.at[1, pl.ds(s * EPT, EPT)], idx_d)
    pltpu.sync_copy(b2h, b2v)
    pltpu.sync_copy(nrm32.at[pl.ds(s * RCH, RCH)], nbuf.at[pl.ds(0, RCH)])

    @pl.when(s == NS - 1)
    def _():
        pltpu.sync_copy(nrm32.at[pl.ds(NS * RCH, RTAIL)],
                        nbuf.at[pl.ds(RCH, RTAIL)])

    def run(g, q):
        _zero_acc(zrows, acc, s)
        plsc.subcore_barrier()
        _edge_loop(g, acc, idx_s, idx_d, gbufs, gsems, ssems, CCH, KH)
        plsc.subcore_barrier()
        pltpu.sync_copy(acc.at[pl.ds(s * RCH, RCH)], tbuf.at[pl.ds(0, RCH)])

        @pl.when(s == NS - 1)
        def _():
            pltpu.sync_copy(acc.at[pl.ds(NS * RCH, RTAIL)],
                            tbuf.at[pl.ds(RCH, RTAIL)])

        def scale_rows(lo, nrows):
            def body(r, carry):
                for v in range(DH2 // 16):
                    sl = pl.ds(v * 16, 16)
                    tbuf[r, sl] = (tbuf[r, sl] * nbuf[r, sl]
                                   + b2v[q, sl])
                return carry
            lax.fori_loop(lo, lo + nrows, body, 0)

        scale_rows(0, RCH)

        @pl.when(s == NS - 1)
        def _():
            scale_rows(RCH, RTAIL)

        pltpu.sync_copy(tbuf.at[pl.ds(0, RCH)],
                        out.at[pl.ds(s * RCH, RCH), pl.ds(q * DH2, DH2)])

        @pl.when(s == NS - 1)
        def _():
            pltpu.sync_copy(tbuf.at[pl.ds(RCH, RTAIL)],
                            out.at[pl.ds(NS * RCH, RTAIL),
                                   pl.ds(q * DH2, DH2)])

    @pl.when(c == 0)
    def _():
        run(g0, 0)

    @pl.when(c == 1)
    def _():
        run(g1, 1)



def _tc1_body(x_ref, deg_ref, w_ref, o0, o1, o2, o3):
    n_out = lax.rsqrt(jnp.maximum(deg_ref[0, :, 0:1], 1.0))
    y = jnp.dot((x_ref[...] * n_out).astype(jnp.bfloat16),
                w_ref[...].astype(jnp.bfloat16),
                preferred_element_type=jnp.float32)
    dq = D_H // 4
    for q, o in enumerate((o0, o1, o2, o3)):
        o[...] = y[:, q * dq:(q + 1) * dq]


def _tc1(x, deg16, w1):
    return pl.pallas_call(
        _tc1_body,
        grid=(GRID,),
        in_specs=[
            pl.BlockSpec((BM, D_IN), lambda i: (i, 0)),
            pl.BlockSpec((1, BM, 16), lambda i: (0, i, 0)),
            pl.BlockSpec((D_IN, D_H), lambda i: (0, 0)),
        ],
        out_specs=[pl.BlockSpec((BM, D_H // 4), lambda i: (i, 0))] * 4,
        out_shape=[jax.ShapeDtypeStruct((N, D_H // 4), jnp.float32)] * 4,
    )(x, deg16, w1)


def _tc2_body(a0, a1, a2, a3, deg_ref, b1_ref, w_ref, o0, o1, on):
    n_out = lax.rsqrt(jnp.maximum(deg_ref[0, :, 0:1], 1.0))
    n_in = lax.rsqrt(jnp.maximum(deg_ref[1, :, 0:1], 1.0))
    agg = jnp.concatenate([a0[...], a1[...], a2[...], a3[...]], axis=1)
    h = jax.nn.relu(agg * n_in + b1_ref[...]) * n_out
    y = jnp.dot(h.astype(jnp.bfloat16), w_ref[...].astype(jnp.bfloat16),
                preferred_element_type=jnp.float32)
    for q, o in enumerate((o0, o1)):
        o[...] = y[:, q * DH2:(q + 1) * DH2]
    on[...] = jnp.broadcast_to(n_in, (BM, DH2))


def _tc2(aggs, deg16, b1, w2):
    return pl.pallas_call(
        _tc2_body,
        grid=(GRID,),
        in_specs=[pl.BlockSpec((BM, D_H // 4), lambda i: (i, 0))] * 4 + [
            pl.BlockSpec((2, BM, 16), lambda i: (0, i, 0)),
            pl.BlockSpec((1, D_H), lambda i: (0, 0)),
            pl.BlockSpec((D_H, D_OUT), lambda i: (0, 0)),
        ],
        out_specs=[pl.BlockSpec((BM, DH2), lambda i: (i, 0))] * 2 + [
            pl.BlockSpec((BM, DH2), lambda i: (i, 0))],
        out_shape=[jax.ShapeDtypeStruct((N, DH2), jnp.float32)] * 2 + [
            jax.ShapeDtypeStruct((N, DH2), jnp.float32)],
    )(*aggs, deg16, b1, w2)


def kernel(in_feat, edge_index, W1, b1, W2, b2):
    z16 = jnp.zeros((RCH, 16), jnp.float32)
    zh = jnp.zeros((RCH, D_H // 4), jnp.float32)
    zo = jnp.zeros((RCH, DH2), jnp.float32)
    ones_rows = jnp.zeros((KD, 16), jnp.float32).at[:, 0].set(1.0)

    deg16 = _deg_kernel(edge_index, z16, ones_rows)
    hw = _tc1(in_feat, deg16, W1)
    a1 = _agg_h(*hw, edge_index, zh)
    g0, g1, nrm32 = _tc2(a1, deg16, b1.reshape(1, D_H), W2)
    return _agg_o(g0, g1, edge_index, zo, nrm32, b2.reshape(2, DH2))

# --- scband reference (transcript-rebuilt; emitter-appended) ---
"""Pipeline reference for scband-gnnmodel-16638703305123 (READ-ONLY COPY).

The authoritative reference and input builder live on the scoring server;
editing this copy changes nothing except your own understanding.
"""

import jax, jax.numpy as jnp
import numpy as np

N = 10000
E = 160000
D_IN = 256
D_H = 256
D_OUT = 64


def setup_inputs(seed: int = 0) -> dict:
    key = jax.random.key(seed)
    ks = jax.random.split(key, 6)
    in_feat = jax.random.normal(ks[0], (N, D_IN), dtype=jnp.float32)
    edge_index = jax.random.randint(ks[1], (2, E), 0, N, dtype=jnp.int32)
    W1 = jax.random.normal(ks[2], (D_IN, D_H), dtype=jnp.float32) * jnp.sqrt(2.0 / (D_IN + D_H))
    b1 = jnp.zeros((D_H,), dtype=jnp.float32)
    W2 = jax.random.normal(ks[3], (D_H, D_OUT), dtype=jnp.float32) * jnp.sqrt(2.0 / (D_H + D_OUT))
    b2 = jnp.zeros((D_OUT,), dtype=jnp.float32)
    return {"in_feat": in_feat, "edge_index": edge_index, "W1": W1, "b1": b1, "W2": W2, "b2": b2}


def reference(in_feat, edge_index, W1, b1, W2, b2):
    # DGL GraphConv with norm='both': h = D_in^{-1/2} A D_out^{-1/2} X W + b
    src = edge_index[0]
    dst = edge_index[1]
    ones = jnp.ones((E,), dtype=jnp.float32)
    deg_in = jax.ops.segment_sum(ones, dst, num_segments=N)
    deg_out = jax.ops.segment_sum(ones, src, num_segments=N)
    norm_out = jax.lax.rsqrt(jnp.maximum(deg_out, 1.0))
    norm_in = jax.lax.rsqrt(jnp.maximum(deg_in, 1.0))

    def graph_conv(h, W, b):
        # src-side normalization, weight multiply first (in_feats >= out_feats path)
        hw = (h * norm_out[:, None]) @ W
        msg = jnp.take(hw, src, axis=0)
        agg = jax.ops.segment_sum(msg, dst, num_segments=N)
        return agg * norm_in[:, None] + b

    h = graph_conv(in_feat, W1, b1)
    h = jax.nn.relu(h)
    h = graph_conv(h, W2, b2)
    return h

if __name__ == "__main__":
    import jax
    _d = setup_inputs()
    print(jax.jit(kernel)(*tuple(_d.values())))

</pallas_src>

<mosaic_0001>
#map = affine_map<(d0, d1) -> (0, 0)>
#map1 = affine_map<(d0, d1) -> (0, 0, 0)>
module attributes {stable_mosaic.version = 14 : i64} {
  func.func @_deg_kernel(%arg0: i32, %arg1: i32, %arg2: memref<2x160000xi32, #tpu.memory_space<hbm>>, %arg3: memref<624x16xf32, #tpu.memory_space<hbm>>, %arg4: memref<80x16xf32, #tpu.memory_space<hbm>>, %arg5: memref<2x10000x16xf32, #tpu.memory_space<hbm>>, %arg6: memref<10000xi32, #tpu.memory_space<vmem>>, %arg7: memref<80x16xf32, #tpu.memory_space<vmem>>, %arg8: memref<10000x16xf32, #tpu.memory_space<vmem_shared>>, %arg9: memref<!tpu.dma_semaphore, #tpu.memory_space<semaphore_mem>>, %arg10: memref<!tpu.dma_semaphore, #tpu.memory_space<semaphore_mem>>, %arg11: memref<!tpu.dma_semaphore, #tpu.memory_space<semaphore_mem>>, %arg12: memref<!tpu.dma_semaphore, #tpu.memory_space<semaphore_mem>>, %arg13: memref<!tpu.dma_semaphore, #tpu.memory_space<semaphore_mem>>) attributes {dimension_semantics = [#tpu.dimension_semantics<core_parallel>, #tpu.dimension_semantics<subcore_parallel>], iteration_bounds = array<i64: 2, 16>, scalar_prefetch = 0 : i64, scratch_operands = 8 : i64, tpu.core_type = #tpu.core_type<sc_vector_subcore>, window_params = [{transform_indices = #map}, {transform_indices = #map}, {transform_indices = #map}, {transform_indices = #map1}]} {
    %mul3A = arith.constant 624 : i32
    %mul3A_0 = arith.muli %arg1, %mul3A : i32
    "tpu.region"() ({
      %run_scoped3A = tpu.sem_alloc : memref<!tpu.dma_semaphore, #tpu.memory_space<semaphore_mem>>
      %dma_start3A = arith.constant 0 : i32
      %dma_start3A_44 = tpu.memref_slice %arg8[%mul3A_0, %dma_start3A] : memref<10000x16xf32, #tpu.memory_space<vmem_shared>> -> memref<624x16xf32, #tpu.memory_space<vmem_shared>>
      %dma_start3A_45 = arith.constant 0 : i32
      %dma_start3A_46 = arith.constant 0 : i32
      %dma_start3A_47 = tpu.memref_slice %arg3[%dma_start3A_45, %dma_start3A_46] : memref<624x16xf32, #tpu.memory_space<hbm>> -> memref<624x16xf32, #tpu.memory_space<hbm>>
      tpu.enqueue_dma source(%dma_start3A_47 : memref<624x16xf32, #tpu.memory_space<hbm>>) target(%dma_start3A_44 : memref<624x16xf32, #tpu.memory_space<vmem_shared>>) target_semaphore(%run_scoped3A : memref<!tpu.dma_semaphore, #tpu.memory_space<semaphore_mem>>)
      %dma_wait3A_48 = arith.constant 0 : i32
      %dma_wait3A_49 = tpu.memref_slice %arg8[%mul3A_0, %dma_wait3A_48] : memref<10000x16xf32, #tpu.memory_space<vmem_shared>> -> memref<624x16xf32, #tpu.memory_space<vmem_shared>>
      %dma_wait3A_50 = arith.constant 0 : i32
      %dma_wait3A_51 = arith.constant 0 : i32
      %dma_wait3A_52 = tpu.memref_slice %arg3[%dma_wait3A_50, %dma_wait3A_51] : memref<624x16xf32, #tpu.memory_space<hbm>> -> memref<624x16xf32, #tpu.memory_space<hbm>>
      tpu.wait_dma2 semaphore(%run_scoped3A : memref<!tpu.dma_semaphore, #tpu.memory_space<semaphore_mem>>) src(%dma_wait3A_52 : memref<624x16xf32, #tpu.memory_space<hbm>>) dst(%dma_wait3A_49 : memref<624x16xf32, #tpu.memory_space<vmem_shared>>)
      tpu.yield
    }) : () -> ()
    %eq3A = arith.constant 15 : i32
    %eq3A_1 = arith.cmpi eq, %arg1, %eq3A : i32
    %convert_element_type3A = arith.extui %eq3A_1 : i1 to i32
    %cond3A = arith.constant 0 : i32
    %cond3A_2 = arith.cmpi ne, %convert_element_type3A, %cond3A : i32
    scf.if %cond3A_2 {
      "tpu.region"() ({
        %run_scoped3A = tpu.sem_alloc : memref<!tpu.dma_semaphore, #tpu.memory_space<semaphore_mem>>
        %dma_start3A = arith.constant 9984 : i32
        %dma_start3A_44 = arith.constant 0 : i32
        %dma_start3A_45 = tpu.memref_slice %arg8[%dma_start3A, %dma_start3A_44] : memref<10000x16xf32, #tpu.memory_space<vmem_shared>> -> memref<16x16xf32, #tpu.memory_space<vmem_shared>>
        %dma_start3A_46 = arith.constant 0 : i32
        %dma_start3A_47 = arith.constant 0 : i32
        %dma_start3A_48 = tpu.memref_slice %arg3[%dma_start3A_46, %dma_start3A_47] : memref<624x16xf32, #tpu.memory_space<hbm>> -> memref<16x16xf32, #tpu.memory_space<hbm>>
        tpu.enqueue_dma source(%dma_start3A_48 : memref<16x16xf32, #tpu.memory_space<hbm>>) target(%dma_start3A_45 : memref<16x16xf32, #tpu.memory_space<vmem_shared>>) target_semaphore(%run_scoped3A : memref<!tpu.dma_semaphore, #tpu.memory_space<semaphore_mem>>)
        %dma_wait3A_49 = arith.constant 9984 : i32
        %dma_wait3A_50 = arith.constant 0 : i32
        %dma_wait3A_51 = tpu.memref_slice %arg8[%dma_wait3A_49, %dma_wait3A_50] : memref<10000x16xf32, #tpu.memory_space<vmem_shared>> -> memref<16x16xf32, #tpu.memory_space<vmem_shared>>
        %dma_wait3A_52 = arith.constant 0 : i32
        %dma_wait3A_53 = arith.constant 0 : i32
        %dma_wait3A_54 = tpu.memref_slice %arg3[%dma_wait3A_52, %dma_wait3A_53] : memref<624x16xf32, #tpu.memory_space<hbm>> -> memref<16x16xf32, #tpu.memory_space<hbm>>
        tpu.wait_dma2 semaphore(%run_scoped3A : memref<!tpu.dma_semaphore, #tpu.memory_space<semaphore_mem>>) src(%dma_wait3A_54 : memref<16x16xf32, #tpu.memory_space<hbm>>) dst(%dma_wait3A_51 : memref<16x16xf32, #tpu.memory_space<vmem_shared>>)
        tpu.yield
      }) : () -> ()
    } else {
    }
    %mul3A_3 = arith.constant 10000 : i32
    %mul3A_4 = arith.muli %arg1, %mul3A_3 : i32
    "tpu.region"() ({
      %run_scoped3A = tpu.sem_alloc : memref<!tpu.dma_semaphore, #tpu.memory_space<semaphore_mem>>
      %dma_start3A = tpu.memref_slice %arg2[%arg0, %mul3A_4] : memref<2x160000xi32, #tpu.memory_space<hbm>> -> memref<1x10000xi32, #tpu.memory_space<hbm>>
      %dma_start3A_44 = tpu.memref_squeeze %dma_start3A : memref<1x10000xi32, #tpu.memory_space<hbm>> -> memref<10000xi32, #tpu.memory_space<hbm>>
      %dma_start3A_45 = tpu.memref_slice %arg2[%arg0, %mul3A_4] : memref<2x160000xi32, #tpu.memory_space<hbm>> -> memref<1x10000xi32, #tpu.memory_space<hbm>>
      %dma_start3A_46 = tpu.memref_squeeze %dma_start3A_45 : memref<1x10000xi32, #tpu.memory_space<hbm>> -> memref<10000xi32, #tpu.memory_space<hbm>>
      tpu.enqueue_dma source(%dma_start3A_46 : memref<10000xi32, #tpu.memory_space<hbm>>) target(%arg6 : memref<10000xi32, #tpu.memory_space<vmem>>) target_semaphore(%run_scoped3A : memref<!tpu.dma_semaphore, #tpu.memory_space<semaphore_mem>>)
      %dma_wait3A_47 = tpu.memref_slice %arg2[%arg0, %mul3A_4] : memref<2x160000xi32, #tpu.memory_space<hbm>> -> memref<1x10000xi32, #tpu.memory_space<hbm>>
      %dma_wait3A_48 = tpu.memref_squeeze %dma_wait3A_47 : memref<1x10000xi32, #tpu.memory_space<hbm>> -> memref<10000xi32, #tpu.memory_space<hbm>>
      %dma_wait3A_49 = tpu.memref_slice %arg2[%arg0, %mul3A_4] : memref<2x160000xi32, #tpu.memory_space<hbm>> -> memref<1x10000xi32, #tpu.memory_space<hbm>>
      %dma_wait3A_50 = tpu.memref_squeeze %dma_wait3A_49 : memref<1x10000xi32, #tpu.memory_space<hbm>> -> memref<10000xi32, #tpu.memory_space<hbm>>
      tpu.wait_dma2 semaphore(%run_scoped3A : memref<!tpu.dma_semaphore, #tpu.memory_space<semaphore_mem>>) src(%dma_wait3A_50 : memref<10000xi32, #tpu.memory_space<hbm>>) dst(%arg6 : memref<10000xi32, #tpu.memory_space<vmem>>)
      tpu.yield
    }) : () -> ()
    "tpu.region"() ({
      %run_scoped3A = tpu.sem_alloc : memref<!tpu.dma_semaphore, #tpu.memory_space<semaphore_mem>>
      tpu.enqueue_dma source(%arg4 : memref<80x16xf32, #tpu.memory_space<hbm>>) target(%arg7 : memref<80x16xf32, #tpu.memory_space<vmem>>) target_semaphore(%run_scoped3A : memref<!tpu.dma_semaphore, #tpu.memory_space<semaphore_mem>>)
      tpu.wait_dma2 semaphore(%run_scoped3A : memref<!tpu.dma_semaphore, #tpu.memory_space<semaphore_mem>>) src(%arg4 : memref<80x16xf32, #tpu.memory_space<hbm>>) dst(%arg7 : memref<80x16xf32, #tpu.memory_space<vmem>>)
      tpu.yield
    }) : () -> ()
    %barrier3A = arith.constant 0 : index
    tpu.barrier barrier_id(%barrier3A)
    %scan3A = arith.constant 0 : i32
    %scan3A_5 = arith.constant 0 : i32
    %scan3A_6 = arith.constant 25 : i32
    %scan3A_7 = arith.addi %scan3A_5, %scan3A_6 : i32
    %scan3A_8 = arith.constant 1 : i32
    scf.for %scan3A_44 = %scan3A_5 to %scan3A_7 step %scan3A_8  : i32 {
      %mul3A_45 = arith.constant 5 : i32
      %mul3A_46 = arith.muli %scan3A_44, %mul3A_45 : i32
      %add3A = arith.constant 0 : i32
      %add3A_47 = arith.addi %mul3A_46, %add3A : i32
      %gt3A = arith.constant 0 : i32
      %gt3A_48 = arith.cmpi sgt, %scan3A_44, %gt3A : i32
      %convert_element_type3A_49 = arith.extui %gt3A_48 : i1 to i32
      %cond3A_50 = arith.constant 0 : i32
      %cond3A_51 = arith.cmpi ne, %convert_element_type3A_49, %cond3A_50 : i32
      scf.if %cond3A_51 {
        %sub3A = arith.constant 5 : i32
        %sub3A_117 = arith.subi %add3A_47, %sub3A : i32
        %mul3A_118 = arith.constant 80 : i32
        %mul3A_119 = arith.muli %sub3A_117, %mul3A_118 : i32
        %dma_wait3A_120 = tpu.memref_slice %arg6[%mul3A_119] : memref<10000xi32, #tpu.memory_space<vmem>> -> memref<80xi32, #tpu.memory_space<vmem>>
        %dma_wait3A_121 = arith.constant 0 : i32
        %dma_wait3A_122 = arith.constant 0 : i32
        %dma_wait3A_123 = tpu.memref_slice %arg8[%dma_wait3A_121, %dma_wait3A_122] : memref<10000x16xf32, #tpu.memory_space<vmem_shared>> -> memref<10000x16xf32, #tpu.memory_space<vmem_shared>>
        tpu.wait_indirect_dma semaphore(%arg9 : memref<!tpu.dma_semaphore, #tpu.memory_space<semaphore_mem>>) src(%arg7 : memref<80x16xf32, #tpu.memory_space<vmem>>) dst(%dma_wait3A_123 : memref<10000x16xf32, #tpu.memory_space<vmem_shared>>)
      } else {
      }
      %mul3A_52 = arith.constant 80 : i32
      %mul3A_53 = arith.muli %add3A_47, %mul3A_52 : i32
      %dma_start3A = tpu.memref_slice %arg6[%mul3A_53] : memref<10000xi32, #tpu.memory_space<vmem>> -> memref<80xi32, #tpu.memory_space<vmem>>
      %dma_start3A_54 = arith.constant 0 : i32
      %dma_start3A_55 = arith.constant 0 : i32
      %dma_start3A_56 = tpu.memref_slice %arg8[%dma_start3A_54, %dma_start3A_55] : memref<10000x16xf32, #tpu.memory_space<vmem_shared>> -> memref<10000x16xf32, #tpu.memory_space<vmem_shared>>
      tpu.enqueue_indirect_dma source(%arg7 : memref<80x16xf32, #tpu.memory_space<vmem>>) target(%dma_start3A_56 : memref<10000x16xf32, #tpu.memory_space<vmem_shared>>) offsets(%dma_start3A : memref<80xi32, #tpu.memory_space<vmem>>) semaphore(%arg9 : memref<!tpu.dma_semaphore, #tpu.memory_space<semaphore_mem>>) {add = true}
      %mul3A_57 = arith.constant 5 : i32
      %mul3A_58 = arith.muli %scan3A_44, %mul3A_57 : i32
      %add3A_59 = arith.constant 1 : i32
      %add3A_60 = arith.addi %mul3A_58, %add3A_59 : i32
      %gt3A_61 = arith.constant 0 : i32
      %gt3A_62 = arith.cmpi sgt, %scan3A_44, %gt3A_61 : i32
      %convert_element_type3A_63 = arith.extui %gt3A_62 : i1 to i32
      %cond3A_64 = arith.constant 0 : i32
      %cond3A_65 = arith.cmpi ne, %convert_element_type3A_63, %cond3A_64 : i32
      scf.if %cond3A_65 {
        %sub3A = arith.constant 5 : i32
        %sub3A_117 = arith.subi %add3A_60, %sub3A : i32
        %mul3A_118 = arith.constant 80 : i32
        %mul3A_119 = arith.muli %sub3A_117, %mul3A_118 : i32
        %dma_wait3A_120 = tpu.memref_slice %arg6[%mul3A_119] : memref<10000xi32, #tpu.memory_space<vmem>> -> memref<80xi32, #tpu.memory_space<vmem>>
        %dma_wait3A_121 = arith.constant 0 : i32
        %dma_wait3A_122 = arith.constant 0 : i32
        %dma_wait3A_123 = tpu.memref_slice %arg8[%dma_wait3A_121, %dma_wait3A_122] : memref<10000x16xf32, #tpu.memory_space<vmem_shared>> -> memref<10000x16xf32, #tpu.memory_space<vmem_shared>>
        tpu.wait_indirect_dma semaphore(%arg10 : memref<!tpu.dma_semaphore, #tpu.memory_space<semaphore_mem>>) src(%arg7 : memref<80x16xf32, #tpu.memory_space<vmem>>) dst(%dma_wait3A_123 : memref<10000x16xf32, #tpu.memory_space<vmem_shared>>)
      } else {
      }
      %mul3A_66 = arith.constant 80 : i32
      %mul3A_67 = arith.muli %add3A_60, %mul3A_66 : i32
      %dma_start3A_68 = tpu.memref_slice %arg6[%mul3A_67] : memref<10000xi32, #tpu.memory_space<vmem>> -> memref<80xi32, #tpu.memory_space<vmem>>
      %dma_start3A_69 = arith.constant 0 : i32
      %dma_start3A_70 = arith.constant 0 : i32
      %dma_start3A_71 = tpu.memref_slice %arg8[%dma_start3A_69, %dma_start3A_70] : memref<10000x16xf32, #tpu.memory_space<vmem_shared>> -> memref<10000x16xf32, #tpu.memory_space<vmem_shared>>
      tpu.enqueue_indirect_dma source(%arg7 : memref<80x16xf32, #tpu.memory_space<vmem>>) target(%dma_start3A_71 : memref<10000x16xf32, #tpu.memory_space<vmem_shared>>) offsets(%dma_start3A_68 : memref<80xi32, #tpu.memory_space<vmem>>) semaphore(%arg10 : memref<!tpu.dma_semaphore, #tpu.memory_space<semaphore_mem>>) {add = true}
      %mul3A_72 = arith.constant 5 : i32
      %mul3A_73 = arith.muli %scan3A_44, %mul3A_72 : i32
      %add3A_74 = arith.constant 2 : i32
      %add3A_75 = arith.addi %mul3A_73, %add3A_74 : i32
      %gt3A_76 = arith.constant 0 : i32
      %gt3A_77 = arith.cmpi sgt, %scan3A_44, %gt3A_76 : i32
      %convert_element_type3A_78 = arith.extui %gt3A_77 : i1 to i32
      %cond3A_79 = arith.constant 0 : i32
      %cond3A_80 = arith.cmpi ne, %convert_element_type3A_78, %cond3A_79 : i32
      scf.if %cond3A_80 {
        %sub3A = arith.constant 5 : i32
        %sub3A_117 = arith.subi %add3A_75, %sub3A : i32
        %mul3A_118 = arith.constant 80 : i32
        %mul3A_119 = arith.muli %sub3A_117, %mul3A_118 : i32
        %dma_wait3A_120 = tpu.memref_slice %arg6[%mul3A_119] : memref<10000xi32, #tpu.memory_space<vmem>> -> memref<80xi32, #tpu.memory_space<vmem>>
        %dma_wait3A_121 = arith.constant 0 : i32
        %dma_wait3A_122 = arith.constant 0 : i32
        %dma_wait3A_123 = tpu.memref_slice %arg8[%dma_wait3A_121, %dma_wait3A_122] : memref<10000x16xf32, #tpu.memory_space<vmem_shared>> -> memref<10000x16xf32, #tpu.memory_space<vmem_shared>>
        tpu.wait_indirect_dma semaphore(%arg11 : memref<!tpu.dma_semaphore, #tpu.memory_space<semaphore_mem>>) src(%arg7 : memref<80x16xf32, #tpu.memory_space<vmem>>) dst(%dma_wait3A_123 : memref<10000x16xf32, #tpu.memory_space<vmem_shared>>)
      } else {
      }
      %mul3A_81 = arith.constant 80 : i32
      %mul3A_82 = arith.muli %add3A_75, %mul3A_81 : i32
      %dma_start3A_83 = tpu.memref_slice %arg6[%mul3A_82] : memref<10000xi32, #tpu.memory_space<vmem>> -> memref<80xi32, #tpu.memory_space<vmem>>
      %dma_start3A_84 = arith.constant 0 : i32
      %dma_start3A_85 = arith.constant 0 : i32
      %dma_start3A_86 = tpu.memref_slice %arg8[%dma_start3A_84, %dma_start3A_85] : memref<10000x16xf32, #tpu.memory_space<vmem_shared>> -> memref<10000x16xf32, #tpu.memory_space<vmem_shared>>
      tpu.enqueue_indirect_dma source(%arg7 : memref<80x16xf32, #tpu.memory_space<vmem>>) target(%dma_start3A_86 : memref<10000x16xf32, #tpu.memory_space<vmem_shared>>) offsets(%dma_start3A_83 : memref<80xi32, #tpu.memory_space<vmem>>) semaphore(%arg11 : memref<!tpu.dma_semaphore, #tpu.memory_space<semaphore_mem>>) {add = true}
      %mul3A_87 = arith.constant 5 : i32
      %mul3A_88 = arith.muli %scan3A_44, %mul3A_87 : i32
      %add3A_89 = arith.constant 3 : i32
      %add3A_90 = arith.addi %mul3A_88, %add3A_89 : i32
      %gt3A_91 = arith.constant 0 : i32
      %gt3A_92 = arith.cmpi sgt, %scan3A_44, %gt3A_91 : i32
      %convert_element_type3A_93 = arith.extui %gt3A_92 : i1 to i32
      %cond3A_94 = arith.constant 0 : i32
      %cond3A_95 = arith.cmpi ne, %convert_element_type3A_93, %cond3A_94 : i32
      scf.if %cond3A_95 {
        %sub3A = arith.constant 5 : i32
        %sub3A_117 = arith.subi %add3A_90, %sub3A : i32
        %mul3A_118 = arith.constant 80 : i32
        %mul3A_119 = arith.muli %sub3A_117, %mul3A_118 : i32
        %dma_wait3A_120 = tpu.memref_slice %arg6[%mul3A_119] : memref<10000xi32, #tpu.memory_space<vmem>> -> memref<80xi32, #tpu.memory_space<vmem>>
        %dma_wait3A_121 = arith.constant 0 : i32
        %dma_wait3A_122 = arith.constant 0 : i32
        %dma_wait3A_123 = tpu.memref_slice %arg8[%dma_wait3A_121, %dma_wait3A_122] : memref<10000x16xf32, #tpu.memory_space<vmem_shared>> -> memref<10000x16xf32, #tpu.memory_space<vmem_shared>>
        tpu.wait_indirect_dma semaphore(%arg12 : memref<!tpu.dma_semaphore, #tpu.memory_space<semaphore_mem>>) src(%arg7 : memref<80x16xf32, #tpu.memory_space<vmem>>) dst(%dma_wait3A_123 : memref<10000x16xf32, #tpu.memory_space<vmem_shared>>)
      } else {
      }
      %mul3A_96 = arith.constant 80 : i32
      %mul3A_97 = arith.muli %add3A_90, %mul3A_96 : i32
      %dma_start3A_98 = tpu.memref_slice %arg6[%mul3A_97] : memref<10000xi32, #tpu.memory_space<vmem>> -> memref<80xi32, #tpu.memory_space<vmem>>
      %dma_start3A_99 = arith.constant 0 : i32
      %dma_start3A_100 = arith.constant 0 : i32
      %dma_start3A_101 = tpu.memref_slice %arg8[%dma_start3A_99, %dma_start3A_100] : memref<10000x16xf32, #tpu.memory_space<vmem_shared>> -> memref<10000x16xf32, #tpu.memory_space<vmem_shared>>
      tpu.enqueue_indirect_dma source(%arg7 : memref<80x16xf32, #tpu.memory_space<vmem>>) target(%dma_start3A_101 : memref<10000x16xf32, #tpu.memory_space<vmem_shared>>) offsets(%dma_start3A_98 : memref<80xi32, #tpu.memory_space<vmem>>) semaphore(%arg12 : memref<!tpu.dma_semaphore, #tpu.memory_space<semaphore_mem>>) {add = true}
      %mul3A_102 = arith.constant 5 : i32
      %mul3A_103 = arith.muli %scan3A_44, %mul3A_102 : i32
      %add3A_104 = arith.constant 4 : i32
      %add3A_105 = arith.addi %mul3A_103, %add3A_104 : i32
      %gt3A_106 = arith.constant 0 : i32
      %gt3A_107 = arith.cmpi sgt, %scan3A_44, %gt3A_106 : i32
      %convert_element_type3A_108 = arith.extui %gt3A_107 : i1 to i32
      %cond3A_109 = arith.constant 0 : i32
      %cond3A_110 = arith.cmpi ne, %convert_element_type3A_108, %cond3A_109 : i32
      scf.if %cond3A_110 {
        %sub3A = arith.constant 5 : i32
        %sub3A_117 = arith.subi %add3A_105, %sub3A : i32
        %mul3A_118 = arith.constant 80 : i32
        %mul3A_119 = arith.muli %sub3A_117, %mul3A_118 : i32
        %dma_wait3A_120 = tpu.memref_slice %arg6[%mul3A_119] : memref<10000xi32, #tpu.memory_space<vmem>> -> memref<80xi32, #tpu.memory_space<vmem>>
        %dma_wait3A_121 = arith.constant 0 : i32
        %dma_wait3A_122 = arith.constant 0 : i32
        %dma_wait3A_123 = tpu.memref_slice %arg8[%dma_wait3A_121, %dma_wait3A_122] : memref<10000x16xf32, #tpu.memory_space<vmem_shared>> -> memref<10000x16xf32, #tpu.memory_space<vmem_shared>>
        tpu.wait_indirect_dma semaphore(%arg13 : memref<!tpu.dma_semaphore, #tpu.memory_space<semaphore_mem>>) src(%arg7 : memref<80x16xf32, #tpu.memory_space<vmem>>) dst(%dma_wait3A_123 : memref<10000x16xf32, #tpu.memory_space<vmem_shared>>)
      } else {
      }
      %mul3A_111 = arith.constant 80 : i32
      %mul3A_112 = arith.muli %add3A_105, %mul3A_111 : i32
      %dma_start3A_113 = tpu.memref_slice %arg6[%mul3A_112] : memref<10000xi32, #tpu.memory_space<vmem>> -> memref<80xi32, #tpu.memory_space<vmem>>
      %dma_start3A_114 = arith.constant 0 : i32
      %dma_start3A_115 = arith.constant 0 : i32
      %dma_start3A_116 = tpu.memref_slice %arg8[%dma_start3A_114, %dma_start3A_115] : memref<10000x16xf32, #tpu.memory_space<vmem_shared>> -> memref<10000x16xf32, #tpu.memory_space<vmem_shared>>
      tpu.enqueue_indirect_dma source(%arg7 : memref<80x16xf32, #tpu.memory_space<vmem>>) target(%dma_start3A_116 : memref<10000x16xf32, #tpu.memory_space<vmem_shared>>) offsets(%dma_start3A_113 : memref<80xi32, #tpu.memory_space<vmem>>) semaphore(%arg13 : memref<!tpu.dma_semaphore, #tpu.memory_space<semaphore_mem>>) {add = true}
    }
    %scan3A_9 = arith.constant 25 : i32
    %dma_wait3A = arith.constant 9600 : i32
    %dma_wait3A_10 = tpu.memref_slice %arg6[%dma_wait3A] : memref<10000xi32, #tpu.memory_space<vmem>> -> memref<80xi32, #tpu.memory_space<vmem>>
    %dma_wait3A_11 = arith.constant 0 : i32
    %dma_wait3A_12 = arith.constant 0 : i32
    %dma_wait3A_13 = tpu.memref_slice %arg8[%dma_wait3A_11, %dma_wait3A_12] : memref<10000x16xf32, #tpu.memory_space<vmem_shared>> -> memref<10000x16xf32, #tpu.memory_space<vmem_shared>>
    tpu.wait_indirect_dma semaphore(%arg9 : memref<!tpu.dma_semaphore, #tpu.memory_space<semaphore_mem>>) src(%arg7 : memref<80x16xf32, #tpu.memory_space<vmem>>) dst(%dma_wait3A_13 : memref<10000x16xf32, #tpu.memory_space<vmem_shared>>)
    %dma_wait3A_14 = arith.constant 9680 : i32
    %dma_wait3A_15 = tpu.memref_slice %arg6[%dma_wait3A_14] : memref<10000xi32, #tpu.memory_space<vmem>> -> memref<80xi32, #tpu.memory_space<vmem>>
    %dma_wait3A_16 = arith.constant 0 : i32
    %dma_wait3A_17 = arith.constant 0 : i32
    %dma_wait3A_18 = tpu.memref_slice %arg8[%dma_wait3A_16, %dma_wait3A_17] : memref<10000x16xf32, #tpu.memory_space<vmem_shared>> -> memref<10000x16xf32, #tpu.memory_space<vmem_shared>>
    tpu.wait_indirect_dma semaphore(%arg10 : memref<!tpu.dma_semaphore, #tpu.memory_space<semaphore_mem>>) src(%arg7 : memref<80x16xf32, #tpu.memory_space<vmem>>) dst(%dma_wait3A_18 : memref<10000x16xf32, #tpu.memory_space<vmem_shared>>)
    %dma_wait3A_19 = arith.constant 9760 : i32
    %dma_wait3A_20 = tpu.memref_slice %arg6[%dma_wait3A_19] : memref<10000xi32, #tpu.memory_space<vmem>> -> memref<80xi32, #tpu.memory_space<vmem>>
    %dma_wait3A_21 = arith.constant 0 : i32
    %dma_wait3A_22 = arith.constant 0 : i32
    %dma_wait3A_23 = tpu.memref_slice %arg8[%dma_wait3A_21, %dma_wait3A_22] : memref<10000x16xf32, #tpu.memory_space<vmem_shared>> -> memref<10000x16xf32, #tpu.memory_space<vmem_shared>>
    tpu.wait_indirect_dma semaphore(%arg11 : memref<!tpu.dma_semaphore, #tpu.memory_space<semaphore_mem>>) src(%arg7 : memref<80x16xf32, #tpu.memory_space<vmem>>) dst(%dma_wait3A_23 : memref<10000x16xf32, #tpu.memory_space<vmem_shared>>)
    %dma_wait3A_24 = arith.constant 9840 : i32
    %dma_wait3A_25 = tpu.memref_slice %arg6[%dma_wait3A_24] : memref<10000xi32, #tpu.memory_space<vmem>> -> memref<80xi32, #tpu.memory_space<vmem>>
    %dma_wait3A_26 = arith.constant 0 : i32
    %dma_wait3A_27 = arith.constant 0 : i32
    %dma_wait3A_28 = tpu.memref_slice %arg8[%dma_wait3A_26, %dma_wait3A_27] : memref<10000x16xf32, #tpu.memory_space<vmem_shared>> -> memref<10000x16xf32, #tpu.memory_space<vmem_shared>>
    tpu.wait_indirect_dma semaphore(%arg12 : memref<!tpu.dma_semaphore, #tpu.memory_space<semaphore_mem>>) src(%arg7 : memref<80x16xf32, #tpu.memory_space<vmem>>) dst(%dma_wait3A_28 : memref<10000x16xf32, #tpu.memory_space<vmem_shared>>)
    %dma_wait3A_29 = arith.constant 9920 : i32
    %dma_wait3A_30 = tpu.memref_slice %arg6[%dma_wait3A_29] : memref<10000xi32, #tpu.memory_space<vmem>> -> memref<80xi32, #tpu.memory_space<vmem>>
    %dma_wait3A_31 = arith.constant 0 : i32
    %dma_wait3A_32 = arith.constant 0 : i32
    %dma_wait3A_33 = tpu.memref_slice %arg8[%dma_wait3A_31, %dma_wait3A_32] : memref<10000x16xf32, #tpu.memory_space<vmem_shared>> -> memref<10000x16xf32, #tpu.memory_space<vmem_shared>>
    tpu.wait_indirect_dma semaphore(%arg13 : memref<!tpu.dma_semaphore, #tpu.memory_space<semaphore_mem>>) src(%arg7 : memref<80x16xf32, #tpu.memory_space<vmem>>) dst(%dma_wait3A_33 : memref<10000x16xf32, #tpu.memory_space<vmem_shared>>)
    %barrier3A_34 = arith.constant 0 : index
    tpu.barrier barrier_id(%barrier3A_34)
    %mul3A_35 = arith.constant 624 : i32
    %mul3A_36 = arith.muli %arg1, %mul3A_35 : i32
    %mul3A_37 = arith.constant 624 : i32
    %mul3A_38 = arith.muli %arg1, %mul3A_37 : i32
    "tpu.region"() ({
      %run_scoped3A = tpu.sem_alloc : memref<!tpu.dma_semaphore, #tpu.memory_space<semaphore_mem>>
      %dma_start3A = arith.constant 0 : i32
      %dma_start3A_44 = arith.constant 0 : i32
      %dma_start3A_45 = tpu.memref_slice %arg5[%arg0, %dma_start3A, %dma_start3A_44] : memref<2x10000x16xf32, #tpu.memory_space<hbm>> -> memref<1x10000x16xf32, #tpu.memory_space<hbm>>
      %dma_start3A_46 = tpu.memref_squeeze %dma_start3A_45 : memref<1x10000x16xf32, #tpu.memory_space<hbm>> -> memref<10000x16xf32, #tpu.memory_space<hbm>>
      %dma_start3A_47 = arith.constant 0 : i32
      %dma_start3A_48 = tpu.memref_slice %dma_start3A_46[%mul3A_38, %dma_start3A_47] : memref<10000x16xf32, #tpu.memory_space<hbm>> -> memref<624x16xf32, #tpu.memory_space<hbm>>
      %dma_start3A_49 = arith.constant 0 : i32
      %dma_start3A_50 = tpu.memref_slice %arg8[%mul3A_36, %dma_start3A_49] : memref<10000x16xf32, #tpu.memory_space<vmem_shared>> -> memref<624x16xf32, #tpu.memory_space<vmem_shared>>
      tpu.enqueue_dma source(%dma_start3A_50 : memref<624x16xf32, #tpu.memory_space<vmem_shared>>) target(%dma_start3A_48 : memref<624x16xf32, #tpu.memory_space<hbm>>) target_semaphore(%run_scoped3A : memref<!tpu.dma_semaphore, #tpu.memory_space<semaphore_mem>>)
      %dma_wait3A_51 = arith.constant 0 : i32
      %dma_wait3A_52 = arith.constant 0 : i32
      %dma_wait3A_53 = tpu.memref_slice %arg5[%arg0, %dma_wait3A_51, %dma_wait3A_52] : memref<2x10000x16xf32, #tpu.memory_space<hbm>> -> memref<1x10000x16xf32, #tpu.memory_space<hbm>>
      %dma_wait3A_54 = tpu.memref_squeeze %dma_wait3A_53 : memref<1x10000x16xf32, #tpu.memory_space<hbm>> -> memref<10000x16xf32, #tpu.memory_space<hbm>>
      %dma_wait3A_55 = arith.constant 0 : i32
      %dma_wait3A_56 = tpu.memref_slice %dma_wait3A_54[%mul3A_38, %dma_wait3A_55] : memref<10000x16xf32, #tpu.memory_space<hbm>> -> memref<624x16xf32, #tpu.memory_space<hbm>>
      %dma_wait3A_57 = arith.constant 0 : i32
      %dma_wait3A_58 = tpu.memref_slice %arg8[%mul3A_36, %dma_wait3A_57] : memref<10000x16xf32, #tpu.memory_space<vmem_shared>> -> memref<624x16xf32, #tpu.memory_space<vmem_shared>>
      tpu.wait_dma2 semaphore(%run_scoped3A : memref<!tpu.dma_semaphore, #tpu.memory_space<semaphore_mem>>) src(%dma_wait3A_58 : memref<624x16xf32, #tpu.memory_space<vmem_shared>>) dst(%dma_wait3A_56 : memref<624x16xf32, #tpu.memory_space<hbm>>)
      tpu.yield
    }) : () -> ()
    %eq3A_39 = arith.constant 15 : i32
    %eq3A_40 = arith.cmpi eq, %arg1, %eq3A_39 : i32
    %convert_element_type3A_41 = arith.extui %eq3A_40 : i1 to i32
    %cond3A_42 = arith.constant 0 : i32
    %cond3A_43 = arith.cmpi ne, %convert_element_type3A_41, %cond3A_42 : i32
    scf.if %cond3A_43 {
      "tpu.region"() ({
        %run_scoped3A = tpu.sem_alloc : memref<!tpu.dma_semaphore, #tpu.memory_space<semaphore_mem>>
        %dma_start3A = arith.constant 0 : i32
        %dma_start3A_44 = arith.constant 0 : i32
        %dma_start3A_45 = tpu.memref_slice %arg5[%arg0, %dma_start3A, %dma_start3A_44] : memref<2x10000x16xf32, #tpu.memory_space<hbm>> -> memref<1x10000x16xf32, #tpu.memory_space<hbm>>
        %dma_start3A_46 = tpu.memref_squeeze %dma_start3A_45 : memref<1x10000x16xf32, #tpu.memory_space<hbm>> -> memref<10000x16xf32, #tpu.memory_space<hbm>>
        %dma_start3A_47 = arith.constant 9984 : i32
        %dma_start3A_48 = arith.constant 0 : i32
        %dma_start3A_49 = tpu.memref_slice %dma_start3A_46[%dma_start3A_47, %dma_start3A_48] : memref<10000x16xf32, #tpu.memory_space<hbm>> -> memref<16x16xf32, #tpu.memory_space<hbm>>
        %dma_start3A_50 = arith.constant 9984 : i32
        %dma_start3A_51 = arith.constant 0 : i32
        %dma_start3A_52 = tpu.memref_slice %arg8[%dma_start3A_50, %dma_start3A_51] : memref<10000x16xf32, #tpu.memory_space<vmem_shared>> -> memref<16x16xf32, #tpu.memory_space<vmem_shared>>
        tpu.enqueue_dma source(%dma_start3A_52 : memref<16x16xf32, #tpu.memory_space<vmem_shared>>) target(%dma_start3A_49 : memref<16x16xf32, #tpu.memory_space<hbm>>) target_semaphore(%run_scoped3A : memref<!tpu.dma_semaphore, #tpu.memory_space<semaphore_mem>>)
        %dma_wait3A_53 = arith.constant 0 : i32
        %dma_wait3A_54 = arith.constant 0 : i32
        %dma_wait3A_55 = tpu.memref_slice %arg5[%arg0, %dma_wait3A_53, %dma_wait3A_54] : memref<2x10000x16xf32, #tpu.memory_space<hbm>> -> memref<1x10000x16xf32, #tpu.memory_space<hbm>>
        %dma_wait3A_56 = tpu.memref_squeeze %dma_wait3A_55 : memref<1x10000x16xf32, #tpu.memory_space<hbm>> -> memref<10000x16xf32, #tpu.memory_space<hbm>>
        %dma_wait3A_57 = arith.constant 9984 : i32
        %dma_wait3A_58 = arith.constant 0 : i32
        %dma_wait3A_59 = tpu.memref_slice %dma_wait3A_56[%dma_wait3A_57, %dma_wait3A_58] : memref<10000x16xf32, #tpu.memory_space<hbm>> -> memref<16x16xf32, #tpu.memory_space<hbm>>
        %dma_wait3A_60 = arith.constant 9984 : i32
        %dma_wait3A_61 = arith.constant 0 : i32
        %dma_wait3A_62 = tpu.memref_slice %arg8[%dma_wait3A_60, %dma_wait3A_61] : memref<10000x16xf32, #tpu.memory_space<vmem_shared>> -> memref<16x16xf32, #tpu.memory_space<vmem_shared>>
        tpu.wait_dma2 semaphore(%run_scoped3A : memref<!tpu.dma_semaphore, #tpu.memory_space<semaphore_mem>>) src(%dma_wait3A_62 : memref<16x16xf32, #tpu.memory_space<vmem_shared>>) dst(%dma_wait3A_59 : memref<16x16xf32, #tpu.memory_space<hbm>>)
        tpu.yield
      }) : () -> ()
    } else {
    }
    return
  }
}

#map = affine_map<(d0, d1) -> (0, 0)>
module attributes {stable_mosaic.version = 14 : i64} {
  func.func @_agg_h(%arg0: i32, %arg1: i32, %arg2: memref<10000x64xf32, #tpu.memory_space<hbm>>, %arg3: memref<10000x64xf32, #tpu.memory_space<hbm>>, %arg4: memref<10000x64xf32, #tpu.memory_space<hbm>>, %arg5: memref<10000x64xf32, #tpu.memory_space<hbm>>, %arg6: memref<2x160000xi32, #tpu.memory_space<hbm>>, %arg7: memref<624x64xf32, #tpu.memory_space<hbm>>, %arg8: memref<10000x64xf32, #tpu.memory_space<hbm>>, %arg9: memref<10000x64xf32, #tpu.memory_space<hbm>>, %arg10: memref<10000x64xf32, #tpu.memory_space<hbm>>, %arg11: memref<10000x64xf32, #tpu.memory_space<hbm>>, %arg12: memref<10000xi32, #tpu.memory_space<vmem>>, %arg13: memref<10000xi32, #tpu.memory_space<vmem>>, %arg14: memref<80x64xf32, #tpu.memory_space<vmem>>, %arg15: memref<80x64xf32, #tpu.memory_space<vmem>>, %arg16: memref<80x64xf32, #tpu.memory_space<vmem>>, %arg17: memref<80x64xf32, #tpu.memory_space<vmem>>, %arg18: memref<80x64xf32, #tpu.memory_space<vmem>>, %arg19: memref<10000x64xf32, #tpu.memory_space<vmem_shared>>, %arg20: memref<!tpu.dma_semaphore, #tpu.memory_space<semaphore_mem>>, %arg21: memref<!tpu.dma_semaphore, #tpu.memory_space<semaphore_mem>>, %arg22: memref<!tpu.dma_semaphore, #tpu.memory_space<semaphore_mem>>, %arg23: memref<!tpu.dma_semaphore, #tpu.memory_space<semaphore_mem>>, %arg24: memref<!tpu.dma_semaphore, #tpu.memory_space<semaphore_mem>>, %arg25: memref<!tpu.dma_semaphore, #tpu.memory_space<semaphore_mem>>, %arg26: memref<!tpu.dma_semaphore, #tpu.memory_space<semaphore_mem>>, %arg27: memref<!tpu.dma_semaphore, #tpu.memory_space<semaphore_mem>>, %arg28: memref<!tpu.dma_semaphore, #tpu.memory_space<semaphore_mem>>, %arg29: memref<!tpu.dma_semaphore, #tpu.memory_space<semaphore_mem>>) attributes {dimension_semantics = [#tpu.dimension_semantics<core_parallel>, #tpu.dimension_semantics<subcore_parallel>], iteration_bounds = array<i64: 2, 16>, scalar_prefetch = 0 : i64, scratch_operands = 18 : i64, tpu.core_type = #tpu.core_type<sc_vector_subcore>, window_params = [{transform_indices = #map}, {transform_indices = #map}, {transform_indices = #map}, {transform_indices = #map}, {transform_indices = #map}, {transform_indices = #map}, {transform_indices = #map}, {transform_indices = #map}, {transform_indices = #map}, {transform_indices = #map}]} {
    %mul3A = arith.constant 10000 : i32
    %mul3A_0 = arith.muli %arg1, %mul3A : i32
    %run_scoped3A = arith.constant 0 : i32
    "tpu.region"() ({
      %run_scoped3A_11 = tpu.sem_alloc : memref<!tpu.dma_semaphore, #tpu.memory_space<semaphore_mem>>
      %dma_start3A = tpu.memref_slice %arg6[%run_scoped3A, %mul3A_0] : memref<2x160000xi32, #tpu.memory_space<hbm>> -> memref<1x10000xi32, #tpu.memory_space<hbm>>
      %dma_start3A_12 = tpu.memref_squeeze %dma_start3A : memref<1x10000xi32, #tpu.memory_space<hbm>> -> memref<10000xi32, #tpu.memory_space<hbm>>
      %dma_start3A_13 = tpu.memref_slice %arg6[%run_scoped3A, %mul3A_0] : memref<2x160000xi32, #tpu.memory_space<hbm>> -> memref<1x10000xi32, #tpu.memory_space<hbm>>
      %dma_start3A_14 = tpu.memref_squeeze %dma_start3A_13 : memref<1x10000xi32, #tpu.memory_space<hbm>> -> memref<10000xi32, #tpu.memory_space<hbm>>
      tpu.enqueue_dma source(%dma_start3A_14 : memref<10000xi32, #tpu.memory_space<hbm>>) target(%arg12 : memref<10000xi32, #tpu.memory_space<vmem>>) target_semaphore(%run_scoped3A_11 : memref<!tpu.dma_semaphore, #tpu.memory_space<semaphore_mem>>)
      %dma_wait3A = tpu.memref_slice %arg6[%run_scoped3A, %mul3A_0] : memref<2x160000xi32, #tpu.memory_space<hbm>> -> memref<1x10000xi32, #tpu.memory_space<hbm>>
      %dma_wait3A_15 = tpu.memref_squeeze %dma_wait3A : memref<1x10000xi32, #tpu.memory_space<hbm>> -> memref<10000xi32, #tpu.memory_space<hbm>>
      %dma_wait3A_16 = tpu.memref_slice %arg6[%run_scoped3A, %mul3A_0] : memref<2x160000xi32, #tpu.memory_space<hbm>> -> memref<1x10000xi32, #tpu.memory_space<hbm>>
      %dma_wait3A_17 = tpu.memref_squeeze %dma_wait3A_16 : memref<1x10000xi32, #tpu.memory_space<hbm>> -> memref<10000xi32, #tpu.memory_space<hbm>>
      tpu.wait_dma2 semaphore(%run_scoped3A_11 : memref<!tpu.dma_semaphore, #tpu.memory_space<semaphore_mem>>) src(%dma_wait3A_17 : memref<10000xi32, #tpu.memory_space<hbm>>) dst(%arg12 : memref<10000xi32, #tpu.memory_space<vmem>>)
      tpu.yield
    }) : () -> ()
    %mul3A_1 = arith.constant 10000 : i32
    %mul3A_2 = arith.muli %arg1, %mul3A_1 : i32
    %run_scoped3A_3 = arith.constant 1 : i32
    "tpu.region"() ({
      %run_scoped3A_11 = tpu.sem_alloc : memref<!tpu.dma_semaphore, #tpu.memory_space<semaphore_mem>>
      %dma_start3A = tpu.memref_slice %arg6[%run_scoped3A_3, %mul3A_2] : memref<2x160000xi32, #tpu.memory_space<hbm>> -> memref<1x10000xi32, #tpu.memory_space<hbm>>
      %dma_start3A_12 = tpu.memref_squeeze %dma_start3A : memref<1x10000xi32, #tpu.memory_space<hbm>> -> memref<10000xi32, #tpu.memory_space<hbm>>
      %dma_start3A_13 = tpu.memref_slice %arg6[%run_scoped3A_3, %mul3A_2] : memref<2x160000xi32, #tpu.memory_space<hbm>> -> memref<1x10000xi32, #tpu.memory_space<hbm>>
      %dma_start3A_14 = tpu.memref_squeeze %dma_start3A_13 : memref<1x10000xi32, #tpu.memory_space<hbm>> -> memref<10000xi32, #tpu.memory_space<hbm>>
      tpu.enqueue_dma source(%dma_start3A_14 : memref<10000xi32, #tpu.memory_space<hbm>>) target(%arg13 : memref<10000xi32, #tpu.memory_space<vmem>>) target_semaphore(%run_scoped3A_11 : memref<!tpu.dma_semaphore, #tpu.memory_space<semaphore_mem>>)
      %dma_wait3A = tpu.memref_slice %arg6[%run_scoped3A_3, %mul3A_2] : memref<2x160000xi32, #tpu.memory_space<hbm>> -> memref<1x10000xi32, #tpu.memory_space<hbm>>
      %dma_wait3A_15 = tpu.memref_squeeze %dma_wait3A : memref<1x10000xi32, #tpu.memory_space<hbm>> -> memref<10000xi32, #tpu.memory_space<hbm>>
      %dma_wait3A_16 = tpu.memref_slice %arg6[%run_scoped3A_3, %mul3A_2] : memref<2x160000xi32, #tpu.memory_space<hbm>> -> memref<1x10000xi32, #tpu.memory_space<hbm>>
      %dma_wait3A_17 = tpu.memref_squeeze %dma_wait3A_16 : memref<1x10000xi32, #tpu.memory_space<hbm>> -> memref<10000xi32, #tpu.memory_space<hbm>>
      tpu.wait_dma2 semaphore(%run_scoped3A_11 : memref<!tpu.dma_semaphore, #tpu.memory_space<semaphore_mem>>) src(%dma_wait3A_17 : memref<10000xi32, #tpu.memory_space<hbm>>) dst(%arg13 : memref<10000xi32, #tpu.memory_space<vmem>>)
      tpu.yield
    }) : () -> ()
    %eq3A = arith.constant 0 : i32
    %eq3A_4 = arith.cmpi eq, %arg0, %eq3A : i32
    %convert_element_type3A = arith.extui %eq3A_4 : i1 to i32
    %cond3A = arith.constant 0 : i32
    %cond3A_5 = arith.cmpi ne, %convert_element_type3A, %cond3A : i32
    scf.if %cond3A_5 {
      %mul3A_11 = arith.constant 624 : i32
      %mul3A_12 = arith.muli %arg1, %mul3A_11 : i32
      "tpu.region"() ({
        %run_scoped3A_107 = tpu.sem_alloc : memref<!tpu.dma_semaphore, #tpu.memory_space<semaphore_mem>>
        %dma_start3A_108 = arith.constant 0 : i32
        %dma_start3A_109 = tpu.memref_slice %arg19[%mul3A_12, %dma_start3A_108] : memref<10000x64xf32, #tpu.memory_space<vmem_shared>> -> memref<624x64xf32, #tpu.memory_space<vmem_shared>>
        %dma_start3A_110 = arith.constant 0 : i32
        %dma_start3A_111 = arith.constant 0 : i32
        %dma_start3A_112 = tpu.memref_slice %arg7[%dma_start3A_110, %dma_start3A_111] : memref<624x64xf32, #tpu.memory_space<hbm>> -> memref<624x64xf32, #tpu.memory_space<hbm>>
        tpu.enqueue_dma source(%dma_start3A_112 : memref<624x64xf32, #tpu.memory_space<hbm>>) target(%dma_start3A_109 : memref<624x64xf32, #tpu.memory_space<vmem_shared>>) target_semaphore(%run_scoped3A_107 : memref<!tpu.dma_semaphore, #tpu.memory_space<semaphore_mem>>)
        %dma_wait3A_113 = arith.constant 0 : i32
        %dma_wait3A_114 = tpu.memref_slice %arg19[%mul3A_12, %dma_wait3A_113] : memref<10000x64xf32, #tpu.memory_space<vmem_shared>> -> memref<624x64xf32, #tpu.memory_space<vmem_shared>>
        %dma_wait3A_115 = arith.constant 0 : i32
        %dma_wait3A_116 = arith.constant 0 : i32
        %dma_wait3A_117 = tpu.memref_slice %arg7[%dma_wait3A_115, %dma_wait3A_116] : memref<624x64xf32, #tpu.memory_space<hbm>> -> memref<624x64xf32, #tpu.memory_space<hbm>>
        tpu.wait_dma2 semaphore(%run_scoped3A_107 : memref<!tpu.dma_semaphore, #tpu.memory_space<semaphore_mem>>) src(%dma_wait3A_117 : memref<624x64xf32, #tpu.memory_space<hbm>>) dst(%dma_wait3A_114 : memref<624x64xf32, #tpu.memory_space<vmem_shared>>)
        tpu.yield
      }) : () -> ()
      %eq3A_13 = arith.constant 15 : i32
      %eq3A_14 = arith.cmpi eq, %arg1, %eq3A_13 : i32
      %convert_element_type3A_15 = arith.extui %eq3A_14 : i1 to i32
      %cond3A_16 = arith.constant 0 : i32
      %cond3A_17 = arith.cmpi ne, %convert_element_type3A_15, %cond3A_16 : i32
      scf.if %cond3A_17 {
        "tpu.region"() ({
          %run_scoped3A_107 = tpu.sem_alloc : memref<!tpu.dma_semaphore, #tpu.memory_space<semaphore_mem>>
          %dma_start3A_108 = arith.constant 9984 : i32
          %dma_start3A_109 = arith.constant 0 : i32
          %dma_start3A_110 = tpu.memref_slice %arg19[%dma_start3A_108, %dma_start3A_109] : memref<10000x64xf32, #tpu.memory_space<vmem_shared>> -> memref<16x64xf32, #tpu.memory_space<vmem_shared>>
          %dma_start3A_111 = arith.constant 0 : i32
          %dma_start3A_112 = arith.constant 0 : i32
          %dma_start3A_113 = tpu.memref_slice %arg7[%dma_start3A_111, %dma_start3A_112] : memref<624x64xf32, #tpu.memory_space<hbm>> -> memref<16x64xf32, #tpu.memory_space<hbm>>
          tpu.enqueue_dma source(%dma_start3A_113 : memref<16x64xf32, #tpu.memory_space<hbm>>) target(%dma_start3A_110 : memref<16x64xf32, #tpu.memory_space<vmem_shared>>) target_semaphore(%run_scoped3A_107 : memref<!tpu.dma_semaphore, #tpu.memory_space<semaphore_mem>>)
          %dma_wait3A_114 = arith.constant 9984 : i32
          %dma_wait3A_115 = arith.constant 0 : i32
          %dma_wait3A_116 = tpu.memref_slice %arg19[%dma_wait3A_114, %dma_wait3A_115] : memref<10000x64xf32, #tpu.memory_space<vmem_shared>> -> memref<16x64xf32, #tpu.memory_space<vmem_shared>>
          %dma_wait3A_117 = arith.constant 0 : i32
          %dma_wait3A_118 = arith.constant 0 : i32
          %dma_wait3A_119 = tpu.memref_slice %arg7[%dma_wait3A_117, %dma_wait3A_118] : memref<624x64xf32, #tpu.memory_space<hbm>> -> memref<16x64xf32, #tpu.memory_space<hbm>>
          tpu.wait_dma2 semaphore(%run_scoped3A_107 : memref<!tpu.dma_semaphore, #tpu.memory_space<semaphore_mem>>) src(%dma_wait3A_119 : memref<16x64xf32, #tpu.memory_space<hbm>>) dst(%dma_wait3A_116 : memref<16x64xf32, #tpu.memory_space<vmem_shared>>)
          tpu.yield
        }) : () -> ()
      } else {
      }
      %barrier3A = arith.constant 0 : index
      tpu.barrier barrier_id(%barrier3A)
      %dma_start3A = arith.constant 0 : i32
      %dma_start3A_18 = tpu.memref_slice %arg12[%dma_start3A] : memref<10000xi32, #tpu.memory_space<vmem>> -> memref<80xi32, #tpu.memory_space<vmem>>
      %dma_start3A_19 = arith.constant 0 : i32
      %dma_start3A_20 = arith.constant 0 : i32
      %dma_start3A_21 = tpu.memref_slice %arg2[%dma_start3A_19, %dma_start3A_20] : memref<10000x64xf32, #tpu.memory_space<hbm>> -> memref<10000x64xf32, #tpu.memory_space<hbm>>
      tpu.enqueue_indirect_dma source(%dma_start3A_21 : memref<10000x64xf32, #tpu.memory_space<hbm>>) target(%arg14 : memref<80x64xf32, #tpu.memory_space<vmem>>) offsets(%dma_start3A_18 : memref<80xi32, #tpu.memory_space<vmem>>) semaphore(%arg20 : memref<!tpu.dma_semaphore, #tpu.memory_space<semaphore_mem>>)
      %dma_start3A_22 = arith.constant 80 : i32
      %dma_start3A_23 = tpu.memref_slice %arg12[%dma_start3A_22] : memref<10000xi32, #tpu.memory_space<vmem>> -> memref<80xi32, #tpu.memory_space<vmem>>
      %dma_start3A_24 = arith.constant 0 : i32
      %dma_start3A_25 = arith.constant 0 : i32
      %dma_start3A_26 = tpu.memref_slice %arg2[%dma_start3A_24, %dma_start3A_25] : memref<10000x64xf32, #tpu.memory_space<hbm>> -> memref<10000x64xf32, #tpu.memory_space<hbm>>
      tpu.enqueue_indirect_dma source(%dma_start3A_26 : memref<10000x64xf32, #tpu.memory_space<hbm>>) target(%arg15 : memref<80x64xf32, #tpu.memory_space<vmem>>) offsets(%dma_start3A_23 : memref<80xi32, #tpu.memory_space<vmem>>) semaphore(%arg21 : memref<!tpu.dma_semaphore, #tpu.memory_space<semaphore_mem>>)
      %dma_start3A_27 = arith.constant 160 : i32
      %dma_start3A_28 = tpu.memref_slice %arg12[%dma_start3A_27] : memref<10000xi32, #tpu.memory_space<vmem>> -> memref<80xi32, #tpu.memory_space<vmem>>
      %dma_start3A_29 = arith.constant 0 : i32
      %dma_start3A_30 = arith.constant 0 : i32
      %dma_start3A_31 = tpu.memref_slice %arg2[%dma_start3A_29, %dma_start3A_30] : memref<10000x64xf32, #tpu.memory_space<hbm>> -> memref<10000x64xf32, #tpu.memory_space<hbm>>
      tpu.enqueue_indirect_dma source(%dma_start3A_31 : memref<10000x64xf32, #tpu.memory_space<hbm>>) target(%arg16 : memref<80x64xf32, #tpu.memory_space<vmem>>) offsets(%dma_start3A_28 : memref<80xi32, #tpu.memory_space<vmem>>) semaphore(%arg22 : memref<!tpu.dma_semaphore, #tpu.memory_space<semaphore_mem>>)
      %dma_start3A_32 = arith.constant 240 : i32
      %dma_start3A_33 = tpu.memref_slice %arg12[%dma_start3A_32] : memref<10000xi32, #tpu.memory_space<vmem>> -> memref<80xi32, #tpu.memory_space<vmem>>
      %dma_start3A_34 = arith.constant 0 : i32
      %dma_start3A_35 = arith.constant 0 : i32
      %dma_start3A_36 = tpu.memref_slice %arg2[%dma_start3A_34, %dma_start3A_35] : memref<10000x64xf32, #tpu.memory_space<hbm>> -> memref<10000x64xf32, #tpu.memory_space<hbm>>
      tpu.enqueue_indirect_dma source(%dma_start3A_36 : memref<10000x64xf32, #tpu.memory_space<hbm>>) target(%arg17 : memref<80x64xf32, #tpu.memory_space<vmem>>) offsets(%dma_start3A_33 : memref<80xi32, #tpu.memory_space<vmem>>) semaphore(%arg23 : memref<!tpu.dma_semaphore, #tpu.memory_space<semaphore_mem>>)
      %scan3A = arith.constant 0 : i32
      %scan3A_37 = arith.constant 0 : i32
      %scan3A_38 = arith.constant 25 : i32
      %scan3A_39 = arith.addi %scan3A_37, %scan3A_38 : i32
      %scan3A_40 = arith.constant 1 : i32
      scf.for %scan3A_107 = %scan3A_37 to %scan3A_39 step %scan3A_40  : i32 {
        %mul3A_108 = arith.constant 5 : i32
        %mul3A_109 = arith.muli %scan3A_107, %mul3A_108 : i32
        %add3A = arith.constant 0 : i32
        %add3A_110 = arith.addi %mul3A_109, %add3A : i32
        %gt3A = arith.constant 0 : i32
        %gt3A_111 = arith.cmpi sgt, %scan3A_107, %gt3A : i32
        %convert_element_type3A_112 = arith.extui %gt3A_111 : i1 to i32
        %cond3A_113 = arith.constant 0 : i32
        %cond3A_114 = arith.cmpi ne, %convert_element_type3A_112, %cond3A_113 : i32
        scf.if %cond3A_114 {
          %sub3A_251 = arith.constant 1 : i32
          %sub3A_252 = arith.subi %add3A_110, %sub3A_251 : i32
          %mul3A_253 = arith.constant 80 : i32
          %mul3A_254 = arith.muli %sub3A_252, %mul3A_253 : i32
          %dma_wait3A_255 = tpu.memref_slice %arg13[%mul3A_254] : memref<10000xi32, #tpu.memory_space<vmem>> -> memref<80xi32, #tpu.memory_space<vmem>>
          %dma_wait3A_256 = arith.constant 0 : i32
          %dma_wait3A_257 = arith.constant 0 : i32
          %dma_wait3A_258 = tpu.memref_slice %arg19[%dma_wait3A_256, %dma_wait3A_257] : memref<10000x64xf32, #tpu.memory_space<vmem_shared>> -> memref<10000x64xf32, #tpu.memory_space<vmem_shared>>
          tpu.wait_indirect_dma semaphore(%arg29 : memref<!tpu.dma_semaphore, #tpu.memory_space<semaphore_mem>>) src(%arg18 : memref<80x64xf32, #tpu.memory_space<vmem>>) dst(%dma_wait3A_258 : memref<10000x64xf32, #tpu.memory_space<vmem_shared>>)
        } else {
        }
        %add3A_115 = arith.constant 5 : i32
        %add3A_116 = arith.addi %add3A_110, %add3A_115 : i32
        %sub3A = arith.constant 1 : i32
        %sub3A_117 = arith.subi %add3A_116, %sub3A : i32
        %mul3A_118 = arith.constant 80 : i32
        %mul3A_119 = arith.muli %sub3A_117, %mul3A_118 : i32
        %dma_start3A_120 = tpu.memref_slice %arg12[%mul3A_119] : memref<10000xi32, #tpu.memory_space<vmem>> -> memref<80xi32, #tpu.memory_space<vmem>>
        %dma_start3A_121 = arith.constant 0 : i32
        %dma_start3A_122 = arith.constant 0 : i32
        %dma_start3A_123 = tpu.memref_slice %arg2[%dma_start3A_121, %dma_start3A_122] : memref<10000x64xf32, #tpu.memory_space<hbm>> -> memref<10000x64xf32, #tpu.memory_space<hbm>>
        tpu.enqueue_indirect_dma source(%dma_start3A_123 : memref<10000x64xf32, #tpu.memory_space<hbm>>) target(%arg18 : memref<80x64xf32, #tpu.memory_space<vmem>>) offsets(%dma_start3A_120 : memref<80xi32, #tpu.memory_space<vmem>>) semaphore(%arg24 : memref<!tpu.dma_semaphore, #tpu.memory_space<semaphore_mem>>)
        %mul3A_124 = arith.constant 80 : i32
        %mul3A_125 = arith.muli %add3A_110, %mul3A_124 : i32
        %dma_wait3A_126 = tpu.memref_slice %arg12[%mul3A_125] : memref<10000xi32, #tpu.memory_space<vmem>> -> memref<80xi32, #tpu.memory_space<vmem>>
        %dma_wait3A_127 = arith.constant 0 : i32
        %dma_wait3A_128 = arith.constant 0 : i32
        %dma_wait3A_129 = tpu.memref_slice %arg2[%dma_wait3A_127, %dma_wait3A_128] : memref<10000x64xf32, #tpu.memory_space<hbm>> -> memref<10000x64xf32, #tpu.memory_space<hbm>>
        tpu.wait_indirect_dma semaphore(%arg20 : memref<!tpu.dma_semaphore, #tpu.memory_space<semaphore_mem>>) src(%dma_wait3A_129 : memref<10000x64xf32, #tpu.memory_space<hbm>>) dst(%arg14 : memref<80x64xf32, #tpu.memory_space<vmem>>)
        %mul3A_130 = arith.constant 80 : i32
        %mul3A_131 = arith.muli %add3A_110, %mul3A_130 : i32
        %dma_start3A_132 = tpu.memref_slice %arg13[%mul3A_131] : memref<10000xi32, #tpu.memory_space<vmem>> -> memref<80xi32, #tpu.memory_space<vmem>>
        %dma_start3A_133 = arith.constant 0 : i32
        %dma_start3A_134 = arith.constant 0 : i32
        %dma_start3A_135 = tpu.memref_slice %arg19[%dma_start3A_133, %dma_start3A_134] : memref<10000x64xf32, #tpu.memory_space<vmem_shared>> -> memref<10000x64xf32, #tpu.memory_space<vmem_shared>>
        tpu.enqueue_indirect_dma source(%arg14 : memref<80x64xf32, #tpu.memory_space<vmem>>) target(%dma_start3A_135 : memref<10000x64xf32, #tpu.memory_space<vmem_shared>>) offsets(%dma_start3A_132 : memref<80xi32, #tpu.memory_space<vmem>>) semaphore(%arg25 : memref<!tpu.dma_semaphore, #tpu.memory_space<semaphore_mem>>) {add = true}
        %mul3A_136 = arith.constant 5 : i32
        %mul3A_137 = arith.muli %scan3A_107, %mul3A_136 : i32
        %add3A_138 = arith.constant 1 : i32
        %add3A_139 = arith.addi %mul3A_137, %add3A_138 : i32
        %sub3A_140 = arith.constant 1 : i32
        %sub3A_141 = arith.subi %add3A_139, %sub3A_140 : i32
        %mul3A_142 = arith.constant 80 : i32
        %mul3A_143 = arith.muli %sub3A_141, %mul3A_142 : i32
        %dma_wait3A_144 = tpu.memref_slice %arg13[%mul3A_143] : memref<10000xi32, #tpu.memory_space<vmem>> -> memref<80xi32, #tpu.memory_space<vmem>>
        %dma_wait3A_145 = arith.constant 0 : i32
        %dma_wait3A_146 = arith.constant 0 : i32
        %dma_wait3A_147 = tpu.memref_slice %arg19[%dma_wait3A_145, %dma_wait3A_146] : memref<10000x64xf32, #tpu.memory_space<vmem_shared>> -> memref<10000x64xf32, #tpu.memory_space<vmem_shared>>
        tpu.wait_indirect_dma semaphore(%arg25 : memref<!tpu.dma_semaphore, #tpu.memory_space<semaphore_mem>>) src(%arg14 : memref<80x64xf32, #tpu.memory_space<vmem>>) dst(%dma_wait3A_147 : memref<10000x64xf32, #tpu.memory_space<vmem_shared>>)
        %lt3A = arith.constant 24 : i32
        %lt3A_148 = arith.cmpi slt, %scan3A_107, %lt3A : i32
        %convert_element_type3A_149 = arith.extui %lt3A_148 : i1 to i32
        %cond3A_150 = arith.constant 0 : i32
        %cond3A_151 = arith.cmpi ne, %convert_element_type3A_149, %cond3A_150 : i32
        scf.if %cond3A_151 {
          %add3A_251 = arith.constant 5 : i32
          %add3A_252 = arith.addi %add3A_139, %add3A_251 : i32
          %sub3A_253 = arith.constant 1 : i32
          %sub3A_254 = arith.subi %add3A_252, %sub3A_253 : i32
          %mul3A_255 = arith.constant 80 : i32
          %mul3A_256 = arith.muli %sub3A_254, %mul3A_255 : i32
          %dma_start3A_257 = tpu.memref_slice %arg12[%mul3A_256] : memref<10000xi32, #tpu.memory_space<vmem>> -> memref<80xi32, #tpu.memory_space<vmem>>
          %dma_start3A_258 = arith.constant 0 : i32
          %dma_start3A_259 = arith.constant 0 : i32
          %dma_start3A_260 = tpu.memref_slice %arg2[%dma_start3A_258, %dma_start3A_259] : memref<10000x64xf32, #tpu.memory_space<hbm>> -> memref<10000x64xf32, #tpu.memory_space<hbm>>
          tpu.enqueue_indirect_dma source(%dma_start3A_260 : memref<10000x64xf32, #tpu.memory_space<hbm>>) target(%arg14 : memref<80x64xf32, #tpu.memory_space<vmem>>) offsets(%dma_start3A_257 : memref<80xi32, #tpu.memory_space<vmem>>) semaphore(%arg20 : memref<!tpu.dma_semaphore, #tpu.memory_space<semaphore_mem>>)
        } else {
        }
        %mul3A_152 = arith.constant 80 : i32
        %mul3A_153 = arith.muli %add3A_139, %mul3A_152 : i32
        %dma_wait3A_154 = tpu.memref_slice %arg12[%mul3A_153] : memref<10000xi32, #tpu.memory_space<vmem>> -> memref<80xi32, #tpu.memory_space<vmem>>
        %dma_wait3A_155 = arith.constant 0 : i32
        %dma_wait3A_156 = arith.constant 0 : i32
        %dma_wait3A_157 = tpu.memref_slice %arg2[%dma_wait3A_155, %dma_wait3A_156] : memref<10000x64xf32, #tpu.memory_space<hbm>> -> memref<10000x64xf32, #tpu.memory_space<hbm>>
        tpu.wait_indirect_dma semaphore(%arg21 : memref<!tpu.dma_semaphore, #tpu.memory_space<semaphore_mem>>) src(%dma_wait3A_157 : memref<10000x64xf32, #tpu.memory_space<hbm>>) dst(%arg15 : memref<80x64xf32, #tpu.memory_space<vmem>>)
        %mul3A_158 = arith.constant 80 : i32
        %mul3A_159 = arith.muli %add3A_139, %mul3A_158 : i32
        %dma_start3A_160 = tpu.memref_slice %arg13[%mul3A_159] : memref<10000xi32, #tpu.memory_space<vmem>> -> memref<80xi32, #tpu.memory_space<vmem>>
        %dma_start3A_161 = arith.constant 0 : i32
        %dma_start3A_162 = arith.constant 0 : i32
        %dma_start3A_163 = tpu.memref_slice %arg19[%dma_start3A_161, %dma_start3A_162] : memref<10000x64xf32, #tpu.memory_space<vmem_shared>> -> memref<10000x64xf32, #tpu.memory_space<vmem_shared>>
        tpu.enqueue_indirect_dma source(%arg15 : memref<80x64xf32, #tpu.memory_space<vmem>>) target(%dma_start3A_163 : memref<10000x64xf32, #tpu.memory_space<vmem_shared>>) offsets(%dma_start3A_160 : memref<80xi32, #tpu.memory_space<vmem>>) semaphore(%arg26 : memref<!tpu.dma_semaphore, #tpu.memory_space<semaphore_mem>>) {add = true}
        %mul3A_164 = arith.constant 5 : i32
        %mul3A_165 = arith.muli %scan3A_107, %mul3A_164 : i32
        %add3A_166 = arith.constant 2 : i32
        %add3A_167 = arith.addi %mul3A_165, %add3A_166 : i32
        %sub3A_168 = arith.constant 1 : i32
        %sub3A_169 = arith.subi %add3A_167, %sub3A_168 : i32
        %mul3A_170 = arith.constant 80 : i32
        %mul3A_171 = arith.muli %sub3A_169, %mul3A_170 : i32
        %dma_wait3A_172 = tpu.memref_slice %arg13[%mul3A_171] : memref<10000xi32, #tpu.memory_space<vmem>> -> memref<80xi32, #tpu.memory_space<vmem>>
        %dma_wait3A_173 = arith.constant 0 : i32
        %dma_wait3A_174 = arith.constant 0 : i32
        %dma_wait3A_175 = tpu.memref_slice %arg19[%dma_wait3A_173, %dma_wait3A_174] : memref<10000x64xf32, #tpu.memory_space<vmem_shared>> -> memref<10000x64xf32, #tpu.memory_space<vmem_shared>>
        tpu.wait_indirect_dma semaphore(%arg26 : memref<!tpu.dma_semaphore, #tpu.memory_space<semaphore_mem>>) src(%arg15 : memref<80x64xf32, #tpu.memory_space<vmem>>) dst(%dma_wait3A_175 : memref<10000x64xf32, #tpu.memory_space<vmem_shared>>)
        %lt3A_176 = arith.constant 24 : i32
        %lt3A_177 = arith.cmpi slt, %scan3A_107, %lt3A_176 : i32
        %convert_element_type3A_178 = arith.extui %lt3A_177 : i1 to i32
        %cond3A_179 = arith.constant 0 : i32
        %cond3A_180 = arith.cmpi ne, %convert_element_type3A_178, %cond3A_179 : i32
        scf.if %cond3A_180 {
          %add3A_251 = arith.constant 5 : i32
          %add3A_252 = arith.addi %add3A_167, %add3A_251 : i32
          %sub3A_253 = arith.constant 1 : i32
          %sub3A_254 = arith.subi %add3A_252, %sub3A_253 : i32
          %mul3A_255 = arith.constant 80 : i32
          %mul3A_256 = arith.muli %sub3A_254, %mul3A_255 : i32
          %dma_start3A_257 = tpu.memref_slice %arg12[%mul3A_256] : memref<10000xi32, #tpu.memory_space<vmem>> -> memref<80xi32, #tpu.memory_space<vmem>>
          %dma_start3A_258 = arith.constant 0 : i32
          %dma_start3A_259 = arith.constant 0 : i32
          %dma_start3A_260 = tpu.memref_slice %arg2[%dma_start3A_258, %dma_start3A_259] : memref<10000x64xf32, #tpu.memory_space<hbm>> -> memref<10000x64xf32, #tpu.memory_space<hbm>>
          tpu.enqueue_indirect_dma source(%dma_start3A_260 : memref<10000x64xf32, #tpu.memory_space<hbm>>) target(%arg15 : memref<80x64xf32, #tpu.memory_space<vmem>>) offsets(%dma_start3A_257 : memref<80xi32, #tpu.memory_space<vmem>>) semaphore(%arg21 : memref<!tpu.dma_semaphore, #tpu.memory_space<semaphore_mem>>)
        } else {
        }
        %mul3A_181 = arith.constant 80 : i32
        %mul3A_182 = arith.muli %add3A_167, %mul3A_181 : i32
        %dma_wait3A_183 = tpu.memref_slice %arg12[%mul3A_182] : memref<10000xi32, #tpu.memory_space<vmem>> -> memref<80xi32, #tpu.memory_space<vmem>>
        %dma_wait3A_184 = arith.constant 0 : i32
        %dma_wait3A_185 = arith.constant 0 : i32
        %dma_wait3A_186 = tpu.memref_slice %arg2[%dma_wait3A_184, %dma_wait3A_185] : memref<10000x64xf32, #tpu.memory_space<hbm>> -> memref<10000x64xf32, #tpu.memory_space<hbm>>
        tpu.wait_indirect_dma semaphore(%arg22 : memref<!tpu.dma_semaphore, #tpu.memory_space<semaphore_mem>>) src(%dma_wait3A_186 : memref<10000x64xf32, #tpu.memory_space<hbm>>) dst(%arg16 : memref<80x64xf32, #tpu.memory_space<vmem>>)
        %mul3A_187 = arith.constant 80 : i32
        %mul3A_188 = arith.muli %add3A_167, %mul3A_187 : i32
        %dma_start3A_189 = tpu.memref_slice %arg13[%mul3A_188] : memref<10000xi32, #tpu.memory_space<vmem>> -> memref<80xi32, #tpu.memory_space<vmem>>
        %dma_start3A_190 = arith.constant 0 : i32
        %dma_start3A_191 = arith.constant 0 : i32
        %dma_start3A_192 = tpu.memref_slice %arg19[%dma_start3A_190, %dma_start3A_191] : memref<10000x64xf32, #tpu.memory_space<vmem_shared>> -> memref<10000x64xf32, #tpu.memory_space<vmem_shared>>
        tpu.enqueue_indirect_dma source(%arg16 : memref<80x64xf32, #tpu.memory_space<vmem>>) target(%dma_start3A_192 : memref<10000x64xf32, #tpu.memory_space<vmem_shared>>) offsets(%dma_start3A_189 : memref<80xi32, #tpu.memory_space<vmem>>) semaphore(%arg27 : memref<!tpu.dma_semaphore, #tpu.memory_space<semaphore_mem>>) {add = true}
        %mul3A_193 = arith.constant 5 : i32
        %mul3A_194 = arith.muli %scan3A_107, %mul3A_193 : i32
        %add3A_195 = arith.constant 3 : i32
        %add3A_196 = arith.addi %mul3A_194, %add3A_195 : i32
        %sub3A_197 = arith.constant 1 : i32
        %sub3A_198 = arith.subi %add3A_196, %sub3A_197 : i32
        %mul3A_199 = arith.constant 80 : i32
        %mul3A_200 = arith.muli %sub3A_198, %mul3A_199 : i32
        %dma_wait3A_201 = tpu.memref_slice %arg13[%mul3A_200] : memref<10000xi32, #tpu.memory_space<vmem>> -> memref<80xi32, #tpu.memory_space<vmem>>
        %dma_wait3A_202 = arith.constant 0 : i32
        %dma_wait3A_203 = arith.constant 0 : i32
        %dma_wait3A_204 = tpu.memref_slice %arg19[%dma_wait3A_202, %dma_wait3A_203] : memref<10000x64xf32, #tpu.memory_space<vmem_shared>> -> memref<10000x64xf32, #tpu.memory_space<vmem_shared>>
        tpu.wait_indirect_dma semaphore(%arg27 : memref<!tpu.dma_semaphore, #tpu.memory_space<semaphore_mem>>) src(%arg16 : memref<80x64xf32, #tpu.memory_space<vmem>>) dst(%dma_wait3A_204 : memref<10000x64xf32, #tpu.memory_space<vmem_shared>>)
        %lt3A_205 = arith.constant 24 : i32
        %lt3A_206 = arith.cmpi slt, %scan3A_107, %lt3A_205 : i32
        %convert_element_type3A_207 = arith.extui %lt3A_206 : i1 to i32
        %cond3A_208 = arith.constant 0 : i32
        %cond3A_209 = arith.cmpi ne, %convert_element_type3A_207, %cond3A_208 : i32
        scf.if %cond3A_209 {
          %add3A_251 = arith.constant 5 : i32
          %add3A_252 = arith.addi %add3A_196, %add3A_251 : i32
          %sub3A_253 = arith.constant 1 : i32
          %sub3A_254 = arith.subi %add3A_252, %sub3A_253 : i32
          %mul3A_255 = arith.constant 80 : i32
          %mul3A_256 = arith.muli %sub3A_254, %mul3A_255 : i32
          %dma_start3A_257 = tpu.memref_slice %arg12[%mul3A_256] : memref<10000xi32, #tpu.memory_space<vmem>> -> memref<80xi32, #tpu.memory_space<vmem>>
          %dma_start3A_258 = arith.constant 0 : i32
          %dma_start3A_259 = arith.constant 0 : i32
          %dma_start3A_260 = tpu.memref_slice %arg2[%dma_start3A_258, %dma_start3A_259] : memref<10000x64xf32, #tpu.memory_space<hbm>> -> memref<10000x64xf32, #tpu.memory_space<hbm>>
          tpu.enqueue_indirect_dma source(%dma_start3A_260 : memref<10000x64xf32, #tpu.memory_space<hbm>>) target(%arg16 : memref<80x64xf32, #tpu.memory_space<vmem>>) offsets(%dma_start3A_257 : memref<80xi32, #tpu.memory_space<vmem>>) semaphore(%arg22 : memref<!tpu.dma_semaphore, #tpu.memory_space<semaphore_mem>>)
        } else {
        }
        %mul3A_210 = arith.constant 80 : i32
        %mul3A_211 = arith.muli %add3A_196, %mul3A_210 : i32
        %dma_wait3A_212 = tpu.memref_slice %arg12[%mul3A_211] : memref<10000xi32, #tpu.memory_space<vmem>> -> memref<80xi32, #tpu.memory_space<vmem>>
        %dma_wait3A_213 = arith.constant 0 : i32
        %dma_wait3A_214 = arith.constant 0 : i32
        %dma_wait3A_215 = tpu.memref_slice %arg2[%dma_wait3A_213, %dma_wait3A_214] : memref<10000x64xf32, #tpu.memory_space<hbm>> -> memref<10000x64xf32, #tpu.memory_space<hbm>>
        tpu.wait_indirect_dma semaphore(%arg23 : memref<!tpu.dma_semaphore, #tpu.memory_space<semaphore_mem>>) src(%dma_wait3A_215 : memref<10000x64xf32, #tpu.memory_space<hbm>>) dst(%arg17 : memref<80x64xf32, #tpu.memory_space<vmem>>)
        %mul3A_216 = arith.constant 80 : i32
        %mul3A_217 = arith.muli %add3A_196, %mul3A_216 : i32
        %dma_start3A_218 = tpu.memref_slice %arg13[%mul3A_217] : memref<10000xi32, #tpu.memory_space<vmem>> -> memref<80xi32, #tpu.memory_space<vmem>>
        %dma_start3A_219 = arith.constant 0 : i32
        %dma_start3A_220 = arith.constant 0 : i32
        %dma_start3A_221 = tpu.memref_slice %arg19[%dma_start3A_219, %dma_start3A_220] : memref<10000x64xf32, #tpu.memory_space<vmem_shared>> -> memref<10000x64xf32, #tpu.memory_space<vmem_shared>>
        tpu.enqueue_indirect_dma source(%arg17 : memref<80x64xf32, #tpu.memory_space<vmem>>) target(%dma_start3A_221 : memref<10000x64xf32, #tpu.memory_space<vmem_shared>>) offsets(%dma_start3A_218 : memref<80xi32, #tpu.memory_space<vmem>>) semaphore(%arg28 : memref<!tpu.dma_semaphore, #tpu.memory_space<semaphore_mem>>) {add = true}
        %mul3A_222 = arith.constant 5 : i32
        %mul3A_223 = arith.muli %scan3A_107, %mul3A_222 : i32
        %add3A_224 = arith.constant 4 : i32
        %add3A_225 = arith.addi %mul3A_223, %add3A_224 : i32
        %sub3A_226 = arith.constant 1 : i32
        %sub3A_227 = arith.subi %add3A_225, %sub3A_226 : i32
        %mul3A_228 = arith.constant 80 : i32
        %mul3A_229 = arith.muli %sub3A_227, %mul3A_228 : i32
        %dma_wait3A_230 = tpu.memref_slice %arg13[%mul3A_229] : memref<10000xi32, #tpu.memory_space<vmem>> -> memref<80xi32, #tpu.memory_space<vmem>>
        %dma_wait3A_231 = arith.constant 0 : i32
        %dma_wait3A_232 = arith.constant 0 : i32
        %dma_wait3A_233 = tpu.memref_slice %arg19[%dma_wait3A_231, %dma_wait3A_232] : memref<10000x64xf32, #tpu.memory_space<vmem_shared>> -> memref<10000x64xf32, #tpu.memory_space<vmem_shared>>
        tpu.wait_indirect_dma semaphore(%arg28 : memref<!tpu.dma_semaphore, #tpu.memory_space<semaphore_mem>>) src(%arg17 : memref<80x64xf32, #tpu.memory_space<vmem>>) dst(%dma_wait3A_233 : memref<10000x64xf32, #tpu.memory_space<vmem_shared>>)
        %lt3A_234 = arith.constant 24 : i32
        %lt3A_235 = arith.cmpi slt, %scan3A_107, %lt3A_234 : i32
        %convert_element_type3A_236 = arith.extui %lt3A_235 : i1 to i32
        %cond3A_237 = arith.constant 0 : i32
        %cond3A_238 = arith.cmpi ne, %convert_element_type3A_236, %cond3A_237 : i32
        scf.if %cond3A_238 {
          %add3A_251 = arith.constant 5 : i32
          %add3A_252 = arith.addi %add3A_225, %add3A_251 : i32
          %sub3A_253 = arith.constant 1 : i32
          %sub3A_254 = arith.subi %add3A_252, %sub3A_253 : i32
          %mul3A_255 = arith.constant 80 : i32
          %mul3A_256 = arith.muli %sub3A_254, %mul3A_255 : i32
          %dma_start3A_257 = tpu.memref_slice %arg12[%mul3A_256] : memref<10000xi32, #tpu.memory_space<vmem>> -> memref<80xi32, #tpu.memory_space<vmem>>
          %dma_start3A_258 = arith.constant 0 : i32
          %dma_start3A_259 = arith.constant 0 : i32
          %dma_start3A_260 = tpu.memref_slice %arg2[%dma_start3A_258, %dma_start3A_259] : memref<10000x64xf32, #tpu.memory_space<hbm>> -> memref<10000x64xf32, #tpu.memory_space<hbm>>
          tpu.enqueue_indirect_dma source(%dma_start3A_260 : memref<10000x64xf32, #tpu.memory_space<hbm>>) target(%arg17 : memref<80x64xf32, #tpu.memory_space<vmem>>) offsets(%dma_start3A_257 : memref<80xi32, #tpu.memory_space<vmem>>) semaphore(%arg23 : memref<!tpu.dma_semaphore, #tpu.memory_space<semaphore_mem>>)
        } else {
        }
        %mul3A_239 = arith.constant 80 : i32
        %mul3A_240 = arith.muli %add3A_225, %mul3A_239 : i32
        %dma_wait3A_241 = tpu.memref_slice %arg12[%mul3A_240] : memref<10000xi32, #tpu.memory_space<vmem>> -> memref<80xi32, #tpu.memory_space<vmem>>
        %dma_wait3A_242 = arith.constant 0 : i32
        %dma_wait3A_243 = arith.constant 0 : i32
        %dma_wait3A_244 = tpu.memref_slice %arg2[%dma_wait3A_242, %dma_wait3A_243] : memref<10000x64xf32, #tpu.memory_space<hbm>> -> memref<10000x64xf32, #tpu.memory_space<hbm>>
        tpu.wait_indirect_dma semaphore(%arg24 : memref<!tpu.dma_semaphore, #tpu.memory_space<semaphore_mem>>) src(%dma_wait3A_244 : memref<10000x64xf32, #tpu.memory_space<hbm>>) dst(%arg18 : memref<80x64xf32, #tpu.memory_space<vmem>>)
        %mul3A_245 = arith.constant 80 : i32
        %mul3A_246 = arith.muli %add3A_225, %mul3A_245 : i32
        %dma_start3A_247 = tpu.memref_slice %arg13[%mul3A_246] : memref<10000xi32, #tpu.memory_space<vmem>> -> memref<80xi32, #tpu.memory_space<vmem>>
        %dma_start3A_248 = arith.constant 0 : i32
        %dma_start3A_249 = arith.constant 0 : i32
        %dma_start3A_250 = tpu.memref_slice %arg19[%dma_start3A_248, %dma_start3A_249] : memref<10000x64xf32, #tpu.memory_space<vmem_shared>> -> memref<10000x64xf32, #tpu.memory_space<vmem_shared>>
        tpu.enqueue_indirect_dma source(%arg18 : memref<80x64xf32, #tpu.memory_space<vmem>>) target(%dma_start3A_250 : memref<10000x64xf32, #tpu.memory_space<vmem_shared>>) offsets(%dma_start3A_247 : memref<80xi32, #tpu.memory_space<vmem>>) semaphore(%arg29 : memref<!tpu.dma_semaphore, #tpu.memory_space<semaphore_mem>>) {add = true}
      }
      %scan3A_41 = arith.constant 25 : i32
      %dma_wait3A = arith.constant 9920 : i32
      %dma_wait3A_42 = tpu.memref_slice %arg13[%dma_wait3A] : memref<10000xi32, #tpu.memory_space<vmem>> -> memref<80xi32, #tpu.memory_space<vmem>>
      %dma_wait3A_43 = arith.constant 0 : i32
      %dma_wait3A_44 = arith.constant 0 : i32
      %dma_wait3A_45 = tpu.memref_slice %arg19[%dma_wait3A_43, %dma_wait3A_44] : memref<10000x64xf32, #tpu.memory_space<vmem_shared>> -> memref<10000x64xf32, #tpu.memory_space<vmem_shared>>
      tpu.wait_indirect_dma semaphore(%arg29 : memref<!tpu.dma_semaphore, #tpu.memory_space<semaphore_mem>>) src(%arg18 : memref<80x64xf32, #tpu.memory_space<vmem>>) dst(%dma_wait3A_45 : memref<10000x64xf32, #tpu.memory_space<vmem_shared>>)
      %barrier3A_46 = arith.constant 0 : index
      tpu.barrier barrier_id(%barrier3A_46)
      %mul3A_47 = arith.constant 624 : i32
      %mul3A_48 = arith.muli %arg1, %mul3A_47 : i32
      %mul3A_49 = arith.constant 624 : i32
      %mul3A_50 = arith.muli %arg1, %mul3A_49 : i32
      "tpu.region"() ({
        %run_scoped3A_107 = tpu.sem_alloc : memref<!tpu.dma_semaphore, #tpu.memory_space<semaphore_mem>>
        %dma_start3A_108 = arith.constant 0 : i32
        %dma_start3A_109 = tpu.memref_slice %arg8[%mul3A_50, %dma_start3A_108] : memref<10000x64xf32, #tpu.memory_space<hbm>> -> memref<624x64xf32, #tpu.memory_space<hbm>>
        %dma_start3A_110 = arith.constant 0 : i32
        %dma_start3A_111 = tpu.memref_slice %arg19[%mul3A_48, %dma_start3A_110] : memref<10000x64xf32, #tpu.memory_space<vmem_shared>> -> memref<624x64xf32, #tpu.memory_space<vmem_shared>>
        tpu.enqueue_dma source(%dma_start3A_111 : memref<624x64xf32, #tpu.memory_space<vmem_shared>>) target(%dma_start3A_109 : memref<624x64xf32, #tpu.memory_space<hbm>>) target_semaphore(%run_scoped3A_107 : memref<!tpu.dma_semaphore, #tpu.memory_space<semaphore_mem>>)
        %dma_wait3A_112 = arith.constant 0 : i32
        %dma_wait3A_113 = tpu.memref_slice %arg8[%mul3A_50, %dma_wait3A_112] : memref<10000x64xf32, #tpu.memory_space<hbm>> -> memref<624x64xf32, #tpu.memory_space<hbm>>
        %dma_wait3A_114 = arith.constant 0 : i32
        %dma_wait3A_115 = tpu.memref_slice %arg19[%mul3A_48, %dma_wait3A_114] : memref<10000x64xf32, #tpu.memory_space<vmem_shared>> -> memref<624x64xf32, #tpu.memory_space<vmem_shared>>
        tpu.wait_dma2 semaphore(%run_scoped3A_107 : memref<!tpu.dma_semaphore, #tpu.memory_space<semaphore_mem>>) src(%dma_wait3A_115 : memref<624x64xf32, #tpu.memory_space<vmem_shared>>) dst(%dma_wait3A_113 : memref<624x64xf32, #tpu.memory_space<hbm>>)
        tpu.yield
      }) : () -> ()
      %eq3A_51 = arith.constant 15 : i32
      %eq3A_52 = arith.cmpi eq, %arg1, %eq3A_51 : i32
      %convert_element_type3A_53 = arith.extui %eq3A_52 : i1 to i32
      %cond3A_54 = arith.constant 0 : i32
      %cond3A_55 = arith.cmpi ne, %convert_element_type3A_53, %cond3A_54 : i32
      scf.if %cond3A_55 {
        "tpu.region"() ({
          %run_scoped3A_107 = tpu.sem_alloc : memref<!tpu.dma_semaphore, #tpu.memory_space<semaphore_mem>>
          %dma_start3A_108 = arith.constant 9984 : i32
          %dma_start3A_109 = arith.constant 0 : i32
          %dma_start3A_110 = tpu.memref_slice %arg8[%dma_start3A_108, %dma_start3A_109] : memref<10000x64xf32, #tpu.memory_space<hbm>> -> memref<16x64xf32, #tpu.memory_space<hbm>>
          %dma_start3A_111 = arith.constant 9984 : i32
          %dma_start3A_112 = arith.constant 0 : i32
          %dma_start3A_113 = tpu.memref_slice %arg19[%dma_start3A_111, %dma_start3A_112] : memref<10000x64xf32, #tpu.memory_space<vmem_shared>> -> memref<16x64xf32, #tpu.memory_space<vmem_shared>>
          tpu.enqueue_dma source(%dma_start3A_113 : memref<16x64xf32, #tpu.memory_space<vmem_shared>>) target(%dma_start3A_110 : memref<16x64xf32, #tpu.memory_space<hbm>>) target_semaphore(%run_scoped3A_107 : memref<!tpu.dma_semaphore, #tpu.memory_space<semaphore_mem>>)
          %dma_wait3A_114 = arith.constant 9984 : i32
          %dma_wait3A_115 = arith.constant 0 : i32
          %dma_wait3A_116 = tpu.memref_slice %arg8[%dma_wait3A_114, %dma_wait3A_115] : memref<10000x64xf32, #tpu.memory_space<hbm>> -> memref<16x64xf32, #tpu.memory_space<hbm>>
          %dma_wait3A_117 = arith.constant 9984 : i32
          %dma_wait3A_118 = arith.constant 0 : i32
          %dma_wait3A_119 = tpu.memref_slice %arg19[%dma_wait3A_117, %dma_wait3A_118] : memref<10000x64xf32, #tpu.memory_space<vmem_shared>> -> memref<16x64xf32, #tpu.memory_space<vmem_shared>>
          tpu.wait_dma2 semaphore(%run_scoped3A_107 : memref<!tpu.dma_semaphore, #tpu.memory_space<semaphore_mem>>) src(%dma_wait3A_119 : memref<16x64xf32, #tpu.memory_space<vmem_shared>>) dst(%dma_wait3A_116 : memref<16x64xf32, #tpu.memory_space<hbm>>)
          tpu.yield
        }) : () -> ()
      } else {
      }
      %barrier3A_56 = arith.constant 0 : index
      tpu.barrier barrier_id(%barrier3A_56)
      %mul3A_57 = arith.constant 624 : i32
      %mul3A_58 = arith.muli %arg1, %mul3A_57 : i32
      "tpu.region"() ({
        %run_scoped3A_107 = tpu.sem_alloc : memref<!tpu.dma_semaphore, #tpu.memory_space<semaphore_mem>>
        %dma_start3A_108 = arith.constant 0 : i32
        %dma_start3A_109 = tpu.memref_slice %arg19[%mul3A_58, %dma_start3A_108] : memref<10000x64xf32, #tpu.memory_space<vmem_shared>> -> memref<624x64xf32, #tpu.memory_space<vmem_shared>>
        %dma_start3A_110 = arith.constant 0 : i32
        %dma_start3A_111 = arith.constant 0 : i32
        %dma_start3A_112 = tpu.memref_slice %arg7[%dma_start3A_110, %dma_start3A_111] : memref<624x64xf32, #tpu.memory_space<hbm>> -> memref<624x64xf32, #tpu.memory_space<hbm>>
        tpu.enqueue_dma source(%dma_start3A_112 : memref<624x64xf32, #tpu.memory_space<hbm>>) target(%dma_start3A_109 : memref<624x64xf32, #tpu.memory_space<vmem_shared>>) target_semaphore(%run_scoped3A_107 : memref<!tpu.dma_semaphore, #tpu.memory_space<semaphore_mem>>)
        %dma_wait3A_113 = arith.constant 0 : i32
        %dma_wait3A_114 = tpu.memref_slice %arg19[%mul3A_58, %dma_wait3A_113] : memref<10000x64xf32, #tpu.memory_space<vmem_shared>> -> memref<624x64xf32, #tpu.memory_space<vmem_shared>>
        %dma_wait3A_115 = arith.constant 0 : i32
        %dma_wait3A_116 = arith.constant 0 : i32
        %dma_wait3A_117 = tpu.memref_slice %arg7[%dma_wait3A_115, %dma_wait3A_116] : memref<624x64xf32, #tpu.memory_space<hbm>> -> memref<624x64xf32, #tpu.memory_space<hbm>>
        tpu.wait_dma2 semaphore(%run_scoped3A_107 : memref<!tpu.dma_semaphore, #tpu.memory_space<semaphore_mem>>) src(%dma_wait3A_117 : memref<624x64xf32, #tpu.memory_space<hbm>>) dst(%dma_wait3A_114 : memref<624x64xf32, #tpu.memory_space<vmem_shared>>)
        tpu.yield
      }) : () -> ()
      %eq3A_59 = arith.constant 15 : i32
      %eq3A_60 = arith.cmpi eq, %arg1, %eq3A_59 : i32
      %convert_element_type3A_61 = arith.extui %eq3A_60 : i1 to i32
      %cond3A_62 = arith.constant 0 : i32
      %cond3A_63 = arith.cmpi ne, %convert_element_type3A_61, %cond3A_62 : i32
      scf.if %cond3A_63 {
        "tpu.region"() ({
          %run_scoped3A_107 = tpu.sem_alloc : memref<!tpu.dma_semaphore, #tpu.memory_space<semaphore_mem>>
          %dma_start3A_108 = arith.constant 9984 : i32
          %dma_start3A_109 = arith.constant 0 : i32
          %dma_start3A_110 = tpu.memref_slice %arg19[%dma_start3A_108, %dma_start3A_109] : memref<10000x64xf32, #tpu.memory_space<vmem_shared>> -> memref<16x64xf32, #tpu.memory_space<vmem_shared>>
          %dma_start3A_111 = arith.constant 0 : i32
          %dma_start3A_112 = arith.constant 0 : i32
          %dma_start3A_113 = tpu.memref_slice %arg7[%dma_start3A_111, %dma_start3A_112] : memref<624x64xf32, #tpu.memory_space<hbm>> -> memref<16x64xf32, #tpu.memory_space<hbm>>
          tpu.enqueue_dma source(%dma_start3A_113 : memref<16x64xf32, #tpu.memory_space<hbm>>) target(%dma_start3A_110 : memref<16x64xf32, #tpu.memory_space<vmem_shared>>) target_semaphore(%run_scoped3A_107 : memref<!tpu.dma_semaphore, #tpu.memory_space<semaphore_mem>>)
          %dma_wait3A_114 = arith.constant 9984 : i32
          %dma_wait3A_115 = arith.constant 0 : i32
          %dma_wait3A_116 = tpu.memref_slice %arg19[%dma_wait3A_114, %dma_wait3A_115] : memref<10000x64xf32, #tpu.memory_space<vmem_shared>> -> memref<16x64xf32, #tpu.memory_space<vmem_shared>>
          %dma_wait3A_117 = arith.constant 0 : i32
          %dma_wait3A_118 = arith.constant 0 : i32
          %dma_wait3A_119 = tpu.memref_slice %arg7[%dma_wait3A_117, %dma_wait3A_118] : memref<624x64xf32, #tpu.memory_space<hbm>> -> memref<16x64xf32, #tpu.memory_space<hbm>>
          tpu.wait_dma2 semaphore(%run_scoped3A_107 : memref<!tpu.dma_semaphore, #tpu.memory_space<semaphore_mem>>) src(%dma_wait3A_119 : memref<16x64xf32, #tpu.memory_space<hbm>>) dst(%dma_wait3A_116 : memref<16x64xf32, #tpu.memory_space<vmem_shared>>)
          tpu.yield
        }) : () -> ()
      } else {
      }
      %barrier3A_64 = arith.constant 0 : index
      tpu.barrier barrier_id(%barrier3A_64)
      %dma_start3A_65 = arith.constant 0 : i32
      %dma_start3A_66 = tpu.memref_slice %arg12[%dma_start3A_65] : memref<10000xi32, #tpu.memory_space<vmem>> -> memref<80xi32, #tpu.memory_space<vmem>>
      %dma_start3A_67 = arith.constant 0 : i32
      %dma_start3A_68 = arith.constant 0 : i32
      %dma_start3A_69 = tpu.memref_slice %arg3[%dma_start3A_67, %dma_start3A_68] : memref<10000x64xf32, #tpu.memory_space<hbm>> -> memref<10000x64xf32, #tpu.memory_space<hbm>>
      tpu.enqueue_indirect_dma source(%dma_start3A_69 : memref<10000x64xf32, #tpu.memory_space<hbm>>) target(%arg14 : memref<80x64xf32, #tpu.memory_space<vmem>>) offsets(%dma_start3A_66 : memref<80xi32, #tpu.memory_space<vmem>>) semaphore(%arg20 : memref<!tpu.dma_semaphore, #tpu.memory_space<semaphore_mem>>)
      %dma_start3A_70 = arith.constant 80 : i32
      %dma_start3A_71 = tpu.memref_slice %arg12[%dma_start3A_70] : memref<10000xi32, #tpu.memory_space<vmem>> -> memref<80xi32, #tpu.memory_space<vmem>>
      %dma_start3A_72 = arith.constant 0 : i32
      %dma_start3A_73 = arith.constant 0 : i32
      %dma_start3A_74 = tpu.memref_slice %arg3[%dma_start3A_72, %dma_start3A_73] : memref<10000x64xf32, #tpu.memory_space<hbm>> -> memref<10000x64xf32, #tpu.memory_space<hbm>>
      tpu.enqueue_indirect_dma source(%dma_start3A_74 : memref<10000x64xf32, #tpu.memory_space<hbm>>) target(%arg15 : memref<80x64xf32, #tpu.memory_space<vmem>>) offsets(%dma_start3A_71 : memref<80xi32, #tpu.memory_space<vmem>>) semaphore(%arg21 : memref<!tpu.dma_semaphore, #tpu.memory_space<semaphore_mem>>)
      %dma_start3A_75 = arith.constant 160 : i32
      %dma_start3A_76 = tpu.memref_slice %arg12[%dma_start3A_75] : memref<10000xi32, #tpu.memory_space<vmem>> -> memref<80xi32, #tpu.memory_space<vmem>>
      %dma_start3A_77 = arith.constant 0 : i32
      %dma_start3A_78 = arith.constant 0 : i32
      %dma_start3A_79 = tpu.memref_slice %arg3[%dma_start3A_77, %dma_start3A_78] : memref<10000x64xf32, #tpu.memory_space<hbm>> -> memref<10000x64xf32, #tpu.memory_space<hbm>>
      tpu.enqueue_indirect_dma source(%dma_start3A_79 : memref<10000x64xf32, #tpu.memory_space<hbm>>) target(%arg16 : memref<80x64xf32, #tpu.memory_space<vmem>>) offsets(%dma_start3A_76 : memref<80xi32, #tpu.memory_space<vmem>>) semaphore(%arg22 : memref<!tpu.dma_semaphore, #tpu.memory_space<semaphore_mem>>)
      %dma_start3A_80 = arith.constant 240 : i32
      %dma_start3A_81 = tpu.memref_slice %arg12[%dma_start3A_80] : memref<10000xi32, #tpu.memory_space<vmem>> -> memref<80xi32, #tpu.memory_space<vmem>>
      %dma_start3A_82 = arith.constant 0 : i32
      %dma_start3A_83 = arith.constant 0 : i32
      %dma_start3A_84 = tpu.memref_slice %arg3[%dma_start3A_82, %dma_start3A_83] : memref<10000x64xf32, #tpu.memory_space<hbm>> -> memref<10000x64xf32, #tpu.memory_space<hbm>>
      tpu.enqueue_indirect_dma source(%dma_start3A_84 : memref<10000x64xf32, #tpu.memory_space<hbm>>) target(%arg17 : memref<80x64xf32, #tpu.memory_space<vmem>>) offsets(%dma_start3A_81 : memref<80xi32, #tpu.memory_space<vmem>>) semaphore(%arg23 : memref<!tpu.dma_semaphore, #tpu.memory_space<semaphore_mem>>)
      %scan3A_85 = arith.constant 0 : i32
      %scan3A_86 = arith.constant 0 : i32
      %scan3A_87 = arith.constant 25 : i32
      %scan3A_88 = arith.addi %scan3A_86, %scan3A_87 : i32
      %scan3A_89 = arith.constant 1 : i32
      scf.for %scan3A_107 = %scan3A_86 to %scan3A_88 step %scan3A_89  : i32 {
        %mul3A_108 = arith.constant 5 : i32
        %mul3A_109 = arith.muli %scan3A_107, %mul3A_108 : i32
        %add3A = arith.constant 0 : i32
        %add3A_110 = arith.addi %mul3A_109, %add3A : i32
        %gt3A = arith.constant 0 : i32
        %gt3A_111 = arith.cmpi sgt, %scan3A_107, %gt3A : i32
        %convert_element_type3A_112 = arith.extui %gt3A_111 : i1 to i32
        %cond3A_113 = arith.constant 0 : i32
        %cond3A_114 = arith.cmpi ne, %convert_element_type3A_112, %cond3A_113 : i32
        scf.if %cond3A_114 {
          %sub3A_251 = arith.constant 1 : i32
          %sub3A_252 = arith.subi %add3A_110, %sub3A_251 : i32
          %mul3A_253 = arith.constant 80 : i32
          %mul3A_254 = arith.muli %sub3A_252, %mul3A_253 : i32
          %dma_wait3A_255 = tpu.memref_slice %arg13[%mul3A_254] : memref<10000xi32, #tpu.memory_space<vmem>> -> memref<80xi32, #tpu.memory_space<vmem>>
          %dma_wait3A_256 = arith.constant 0 : i32
          %dma_wait3A_257 = arith.constant 0 : i32
          %dma_wait3A_258 = tpu.memref_slice %arg19[%dma_wait3A_256, %dma_wait3A_257] : memref<10000x64xf32, #tpu.memory_space<vmem_shared>> -> memref<10000x64xf32, #tpu.memory_space<vmem_shared>>
          tpu.wait_indirect_dma semaphore(%arg29 : memref<!tpu.dma_semaphore, #tpu.memory_space<semaphore_mem>>) src(%arg18 : memref<80x64xf32, #tpu.memory_space<vmem>>) dst(%dma_wait3A_258 : memref<10000x64xf32, #tpu.memory_space<vmem_shared>>)
        } else {
        }
        %add3A_115 = arith.constant 5 : i32
        %add3A_116 = arith.addi %add3A_110, %add3A_115 : i32
        %sub3A = arith.constant 1 : i32
        %sub3A_117 = arith.subi %add3A_116, %sub3A : i32
        %mul3A_118 = arith.constant 80 : i32
        %mul3A_119 = arith.muli %sub3A_117, %mul3A_118 : i32
        %dma_start3A_120 = tpu.memref_slice %arg12[%mul3A_119] : memref<10000xi32, #tpu.memory_space<vmem>> -> memref<80xi32, #tpu.memory_space<vmem>>
        %dma_start3A_121 = arith.constant 0 : i32
        %dma_start3A_122 = arith.constant 0 : i32
        %dma_start3A_123 = tpu.memref_slice %arg3[%dma_start3A_121, %dma_start3A_122] : memref<10000x64xf32, #tpu.memory_space<hbm>> -> memref<10000x64xf32, #tpu.memory_space<hbm>>
        tpu.enqueue_indirect_dma source(%dma_start3A_123 : memref<10000x64xf32, #tpu.memory_space<hbm>>) target(%arg18 : memref<80x64xf32, #tpu.memory_space<vmem>>) offsets(%dma_start3A_120 : memref<80xi32, #tpu.memory_space<vmem>>) semaphore(%arg24 : memref<!tpu.dma_semaphore, #tpu.memory_space<semaphore_mem>>)
        %mul3A_124 = arith.constant 80 : i32
        %mul3A_125 = arith.muli %add3A_110, %mul3A_124 : i32
        %dma_wait3A_126 = tpu.memref_slice %arg12[%mul3A_125] : memref<10000xi32, #tpu.memory_space<vmem>> -> memref<80xi32, #tpu.memory_space<vmem>>
        %dma_wait3A_127 = arith.constant 0 : i32
        %dma_wait3A_128 = arith.constant 0 : i32
        %dma_wait3A_129 = tpu.memref_slice %arg3[%dma_wait3A_127, %dma_wait3A_128] : memref<10000x64xf32, #tpu.memory_space<hbm>> -> memref<10000x64xf32, #tpu.memory_space<hbm>>
        tpu.wait_indirect_dma semaphore(%arg20 : memref<!tpu.dma_semaphore, #tpu.memory_space<semaphore_mem>>) src(%dma_wait3A_129 : memref<10000x64xf32, #tpu.memory_space<hbm>>) dst(%arg14 : memref<80x64xf32, #tpu.memory_space<vmem>>)
        %mul3A_130 = arith.constant 80 : i32
        %mul3A_131 = arith.muli %add3A_110, %mul3A_130 : i32
        %dma_start3A_132 = tpu.memref_slice %arg13[%mul3A_131] : memref<10000xi32, #tpu.memory_space<vmem>> -> memref<80xi32, #tpu.memory_space<vmem>>
        %dma_start3A_133 = arith.constant 0 : i32
        %dma_start3A_134 = arith.constant 0 : i32
        %dma_start3A_135 = tpu.memref_slice %arg19[%dma_start3A_133, %dma_start3A_134] : memref<10000x64xf32, #tpu.memory_space<vmem_shared>> -> memref<10000x64xf32, #tpu.memory_space<vmem_shared>>
        tpu.enqueue_indirect_dma source(%arg14 : memref<80x64xf32, #tpu.memory_space<vmem>>) target(%dma_start3A_135 : memref<10000x64xf32, #tpu.memory_space<vmem_shared>>) offsets(%dma_start3A_132 : memref<80xi32, #tpu.memory_space<vmem>>) semaphore(%arg25 : memref<!tpu.dma_semaphore, #tpu.memory_space<semaphore_mem>>) {add = true}
        %mul3A_136 = arith.constant 5 : i32
        %mul3A_137 = arith.muli %scan3A_107, %mul3A_136 : i32
        %add3A_138 = arith.constant 1 : i32
        %add3A_139 = arith.addi %mul3A_137, %add3A_138 : i32
        %sub3A_140 = arith.constant 1 : i32
        %sub3A_141 = arith.subi %add3A_139, %sub3A_140 : i32
        %mul3A_142 = arith.constant 80 : i32
        %mul3A_143 = arith.muli %sub3A_141, %mul3A_142 : i32
        %dma_wait3A_144 = tpu.memref_slice %arg13[%mul3A_143] : memref<10000xi32, #tpu.memory_space<vmem>> -> memref<80xi32, #tpu.memory_space<vmem>>
        %dma_wait3A_145 = arith.constant 0 : i32
        %dma_wait3A_146 = arith.constant 0 : i32
        %dma_wait3A_147 = tpu.memref_slice %arg19[%dma_wait3A_145, %dma_wait3A_146] : memref<10000x64xf32, #tpu.memory_space<vmem_shared>> -> memref<10000x64xf32, #tpu.memory_space<vmem_shared>>
        tpu.wait_indirect_dma semaphore(%arg25 : memref<!tpu.dma_semaphore, #tpu.memory_space<semaphore_mem>>) src(%arg14 : memref<80x64xf32, #tpu.memory_space<vmem>>) dst(%dma_wait3A_147 : memref<10000x64xf32, #tpu.memory_space<vmem_shared>>)
        %lt3A = arith.constant 24 : i32
        %lt3A_148 = arith.cmpi slt, %scan3A_107, %lt3A : i32
        %convert_element_type3A_149 = arith.extui %lt3A_148 : i1 to i32
        %cond3A_150 = arith.constant 0 : i32
        %cond3A_151 = arith.cmpi ne, %convert_element_type3A_149, %cond3A_150 : i32
        scf.if %cond3A_151 {
          %add3A_251 = arith.constant 5 : i32
          %add3A_252 = arith.addi %add3A_139, %add3A_251 : i32
          %sub3A_253 = arith.constant 1 : i32
          %sub3A_254 = arith.subi %add3A_252, %sub3A_253 : i32
          %mul3A_255 = arith.constant 80 : i32
          %mul3A_256 = arith.muli %sub3A_254, %mul3A_255 : i32
          %dma_start3A_257 = tpu.memref_slice %arg12[%mul3A_256] : memref<10000xi32, #tpu.memory_space<vmem>> -> memref<80xi32, #tpu.memory_space<vmem>>
          %dma_start3A_258 = arith.constant 0 : i32
          %dma_start3A_259 = arith.constant 0 : i32
          %dma_start3A_260 = tpu.memref_slice %arg3[%dma_start3A_258, %dma_start3A_259] : memref<10000x64xf32, #tpu.memory_space<hbm>> -> memref<10000x64xf32, #tpu.memory_space<hbm>>
          tpu.enqueue_indirect_dma source(%dma_start3A_260 : memref<10000x64xf32, #tpu.memory_space<hbm>>) target(%arg14 : memref<80x64xf32, #tpu.memory_space<vmem>>) offsets(%dma_start3A_257 : memref<80xi32, #tpu.memory_space<vmem>>) semaphore(%arg20 : memref<!tpu.dma_semaphore, #tpu.memory_space<semaphore_mem>>)
        } else {
        }
        %mul3A_152 = arith.constant 80 : i32
        %mul3A_153 = arith.muli %add3A_139, %mul3A_152 : i32
        %dma_wait3A_154 = tpu.memref_slice %arg12[%mul3A_153] : memref<10000xi32, #tpu.memory_space<vmem>> -> memref<80xi32, #tpu.memory_space<vmem>>
        %dma_wait3A_155 = arith.constant 0 : i32
        %dma_wait3A_156 = arith.constant 0 : i32
        %dma_wait3A_157 = tpu.memref_slice %arg3[%dma_wait3A_155, %dma_wait3A_156] : memref<10000x64xf32, #tpu.memory_space<hbm>> -> memref<10000x64xf32, #tpu.memory_space<hbm>>
        tpu.wait_indirect_dma semaphore(%arg21 : memref<!tpu.dma_semaphore, #tpu.memory_space<semaphore_mem>>) src(%dma_wait3A_157 : memref<10000x64xf32, #tpu.memory_space<hbm>>) dst(%arg15 : memref<80x64xf32, #tpu.memory_space<vmem>>)
        %mul3A_158 = arith.constant 80 : i32
        %mul3A_159 = arith.muli %add3A_139, %mul3A_158 : i32
        %dma_start3A_160 = tpu.memref_slice %arg13[%mul3A_159] : memref<10000xi32, #tpu.memory_space<vmem>> -> memref<80xi32, #tpu.memory_space<vmem>>
        %dma_start3A_161 = arith.constant 0 : i32
        %dma_start3A_162 = arith.constant 0 : i32
        %dma_start3A_163 = tpu.memref_slice %arg19[%dma_start3A_161, %dma_start3A_162] : memref<10000x64xf32, #tpu.memory_space<vmem_shared>> -> memref<10000x64xf32, #tpu.memory_space<vmem_shared>>
        tpu.enqueue_indirect_dma source(%arg15 : memref<80x64xf32, #tpu.memory_space<vmem>>) target(%dma_start3A_163 : memref<10000x64xf32, #tpu.memory_space<vmem_shared>>) offsets(%dma_start3A_160 : memref<80xi32, #tpu.memory_space<vmem>>) semaphore(%arg26 : memref<!tpu.dma_semaphore, #tpu.memory_space<semaphore_mem>>) {add = true}
        %mul3A_164 = arith.constant 5 : i32
        %mul3A_165 = arith.muli %scan3A_107, %mul3A_164 : i32
        %add3A_166 = arith.constant 2 : i32
        %add3A_167 = arith.addi %mul3A_165, %add3A_166 : i32
        %sub3A_168 = arith.constant 1 : i32
        %sub3A_169 = arith.subi %add3A_167, %sub3A_168 : i32
        %mul3A_170 = arith.constant 80 : i32
        %mul3A_171 = arith.muli %sub3A_169, %mul3A_170 : i32
        %dma_wait3A_172 = tpu.memref_slice %arg13[%mul3A_171] : memref<10000xi32, #tpu.memory_space<vmem>> -> memref<80xi32, #tpu.memory_space<vmem>>
        %dma_wait3A_173 = arith.constant 0 : i32
        %dma_wait3A_174 = arith.constant 0 : i32
        %dma_wait3A_175 = tpu.memref_slice %arg19[%dma_wait3A_173, %dma_wait3A_174] : memref<10000x64xf32, #tpu.memory_space<vmem_shared>> -> memref<10000x64xf32, #tpu.memory_space<vmem_shared>>
        tpu.wait_indirect_dma semaphore(%arg26 : memref<!tpu.dma_semaphore, #tpu.memory_space<semaphore_mem>>) src(%arg15 : memref<80x64xf32, #tpu.memory_space<vmem>>) dst(%dma_wait3A_175 : memref<10000x64xf32, #tpu.memory_space<vmem_shared>>)
        %lt3A_176 = arith.constant 24 : i32
        %lt3A_177 = arith.cmpi slt, %scan3A_107, %lt3A_176 : i32
        %convert_element_type3A_178 = arith.extui %lt3A_177 : i1 to i32
        %cond3A_179 = arith.constant 0 : i32
        %cond3A_180 = arith.cmpi ne, %convert_element_type3A_178, %cond3A_179 : i32
        scf.if %cond3A_180 {
          %add3A_251 = arith.constant 5 : i32
          %add3A_252 = arith.addi %add3A_167, %add3A_251 : i32
          %sub3A_253 = arith.constant 1 : i32
          %sub3A_254 = arith.subi %add3A_252, %sub3A_253 : i32
          %mul3A_255 = arith.constant 80 : i32
          %mul3A_256 = arith.muli %sub3A_254, %mul3A_255 : i32
          %dma_start3A_257 = tpu.memref_slice %arg12[%mul3A_256] : memref<10000xi32, #tpu.memory_space<vmem>> -> memref<80xi32, #tpu.memory_space<vmem>>
          %dma_start3A_258 = arith.constant 0 : i32
          %dma_start3A_259 = arith.constant 0 : i32
          %dma_start3A_260 = tpu.memref_slice %arg3[%dma_start3A_258, %dma_start3A_259] : memref<10000x64xf32, #tpu.memory_space<hbm>> -> memref<10000x64xf32, #tpu.memory_space<hbm>>
          tpu.enqueue_indirect_dma source(%dma_start3A_260 : memref<10000x64xf32, #tpu.memory_space<hbm>>) target(%arg15 : memref<80x64xf32, #tpu.memory_space<vmem>>) offsets(%dma_start3A_257 : memref<80xi32, #tpu.memory_space<vmem>>) semaphore(%arg21 : memref<!tpu.dma_semaphore, #tpu.memory_space<semaphore_mem>>)
        } else {
        }
        %mul3A_181 = arith.constant 80 : i32
        %mul3A_182 = arith.muli %add3A_167, %mul3A_181 : i32
        %dma_wait3A_183 = tpu.memref_slice %arg12[%mul3A_182] : memref<10000xi32, #tpu.memory_space<vmem>> -> memref<80xi32, #tpu.memory_space<vmem>>
        %dma_wait3A_184 = arith.constant 0 : i32
        %dma_wait3A_185 = arith.constant 0 : i32
        %dma_wait3A_186 = tpu.memref_slice %arg3[%dma_wait3A_184, %dma_wait3A_185] : memref<10000x64xf32, #tpu.memory_space<hbm>> -> memref<10000x64xf32, #tpu.memory_space<hbm>>
        tpu.wait_indirect_dma semaphore(%arg22 : memref<!tpu.dma_semaphore, #tpu.memory_space<semaphore_mem>>) src(%dma_wait3A_186 : memref<10000x64xf32, #tpu.memory_space<hbm>>) dst(%arg16 : memref<80x64xf32, #tpu.memory_space<vmem>>)
        %mul3A_187 = arith.constant 80 : i32
        %mul3A_188 = arith.muli %add3A_167, %mul3A_187 : i32
        %dma_start3A_189 = tpu.memref_slice %arg13[%mul3A_188] : memref<10000xi32, #tpu.memory_space<vmem>> -> memref<80xi32, #tpu.memory_space<vmem>>
        %dma_start3A_190 = arith.constant 0 : i32
        %dma_start3A_191 = arith.constant 0 : i32
        %dma_start3A_192 = tpu.memref_slice %arg19[%dma_start3A_190, %dma_start3A_191] : memref<10000x64xf32, #tpu.memory_space<vmem_shared>> -> memref<10000x64xf32, #tpu.memory_space<vmem_shared>>
        tpu.enqueue_indirect_dma source(%arg16 : memref<80x64xf32, #tpu.memory_space<vmem>>) target(%dma_start3A_192 : memref<10000x64xf32, #tpu.memory_space<vmem_shared>>) offsets(%dma_start3A_189 : memref<80xi32, #tpu.memory_space<vmem>>) semaphore(%arg27 : memref<!tpu.dma_semaphore, #tpu.memory_space<semaphore_mem>>) {add = true}
        %mul3A_193 = arith.constant 5 : i32
        %mul3A_194 = arith.muli %scan3A_107, %mul3A_193 : i32
        %add3A_195 = arith.constant 3 : i32
        %add3A_196 = arith.addi %mul3A_194, %add3A_195 : i32
        %sub3A_197 = arith.constant 1 : i32
        %sub3A_198 = arith.subi %add3A_196, %sub3A_197 : i32
        %mul3A_199 = arith.constant 80 : i32
        %mul3A_200 = arith.muli %sub3A_198, %mul3A_199 : i32
        %dma_wait3A_201 = tpu.memref_slice %arg13[%mul3A_200] : memref<10000xi32, #tpu.memory_space<vmem>> -> memref<80xi32, #tpu.memory_space<vmem>>
        %dma_wait3A_202 = arith.constant 0 : i32
        %dma_wait3A_203 = arith.constant 0 : i32
        %dma_wait3A_204 = tpu.memref_slice %arg19[%dma_wait3A_202, %dma_wait3A_203] : memref<10000x64xf32, #tpu.memory_space<vmem_shared>> -> memref<10000x64xf32, #tpu.memory_space<vmem_shared>>
        tpu.wait_indirect_dma semaphore(%arg27 : memref<!tpu.dma_semaphore, #tpu.memory_space<semaphore_mem>>) src(%arg16 : memref<80x64xf32, #tpu.memory_space<vmem>>) dst(%dma_wait3A_204 : memref<10000x64xf32, #tpu.memory_space<vmem_shared>>)
        %lt3A_205 = arith.constant 24 : i32
        %lt3A_206 = arith.cmpi slt, %scan3A_107, %lt3A_205 : i32
        %convert_element_type3A_207 = arith.extui %lt3A_206 : i1 to i32
        %cond3A_208 = arith.constant 0 : i32
        %cond3A_209 = arith.cmpi ne, %convert_element_type3A_207, %cond3A_208 : i32
        scf.if %cond3A_209 {
          %add3A_251 = arith.constant 5 : i32
          %add3A_252 = arith.addi %add3A_196, %add3A_251 : i32
          %sub3A_253 = arith.constant 1 : i32
          %sub3A_254 = arith.subi %add3A_252, %sub3A_253 : i32
          %mul3A_255 = arith.constant 80 : i32
          %mul3A_256 = arith.muli %sub3A_254, %mul3A_255 : i32
          %dma_start3A_257 = tpu.memref_slice %arg12[%mul3A_256] : memref<10000xi32, #tpu.memory_space<vmem>> -> memref<80xi32, #tpu.memory_space<vmem>>
          %dma_start3A_258 = arith.constant 0 : i32
          %dma_start3A_259 = arith.constant 0 : i32
          %dma_start3A_260 = tpu.memref_slice %arg3[%dma_start3A_258, %dma_start3A_259] : memref<10000x64xf32, #tpu.memory_space<hbm>> -> memref<10000x64xf32, #tpu.memory_space<hbm>>
          tpu.enqueue_indirect_dma source(%dma_start3A_260 : memref<10000x64xf32, #tpu.memory_space<hbm>>) target(%arg16 : memref<80x64xf32, #tpu.memory_space<vmem>>) offsets(%dma_start3A_257 : memref<80xi32, #tpu.memory_space<vmem>>) semaphore(%arg22 : memref<!tpu.dma_semaphore, #tpu.memory_space<semaphore_mem>>)
        } else {
        }
        %mul3A_210 = arith.constant 80 : i32
        %mul3A_211 = arith.muli %add3A_196, %mul3A_210 : i32
        %dma_wait3A_212 = tpu.memref_slice %arg12[%mul3A_211] : memref<10000xi32, #tpu.memory_space<vmem>> -> memref<80xi32, #tpu.memory_space<vmem>>
        %dma_wait3A_213 = arith.constant 0 : i32
        %dma_wait3A_214 = arith.constant 0 : i32
        %dma_wait3A_215 = tpu.memref_slice %arg3[%dma_wait3A_213, %dma_wait3A_214] : memref<10000x64xf32, #tpu.memory_space<hbm>> -> memref<10000x64xf32, #tpu.memory_space<hbm>>
        tpu.wait_indirect_dma semaphore(%arg23 : memref<!tpu.dma_semaphore, #tpu.memory_space<semaphore_mem>>) src(%dma_wait3A_215 : memref<10000x64xf32, #tpu.memory_space<hbm>>) dst(%arg17 : memref<80x64xf32, #tpu.memory_space<vmem>>)
        %mul3A_216 = arith.constant 80 : i32
        %mul3A_217 = arith.muli %add3A_196, %mul3A_216 : i32
        %dma_start3A_218 = tpu.memref_slice %arg13[%mul3A_217] : memref<10000xi32, #tpu.memory_space<vmem>> -> memref<80xi32, #tpu.memory_space<vmem>>
        %dma_start3A_219 = arith.constant 0 : i32
        %dma_start3A_220 = arith.constant 0 : i32
        %dma_start3A_221 = tpu.memref_slice %arg19[%dma_start3A_219, %dma_start3A_220] : memref<10000x64xf32, #tpu.memory_space<vmem_shared>> -> memref<10000x64xf32, #tpu.memory_space<vmem_shared>>
        tpu.enqueue_indirect_dma source(%arg17 : memref<80x64xf32, #tpu.memory_space<vmem>>) target(%dma_start3A_221 : memref<10000x64xf32, #tpu.memory_space<vmem_shared>>) offsets(%dma_start3A_218 : memref<80xi32, #tpu.memory_space<vmem>>) semaphore(%arg28 : memref<!tpu.dma_semaphore, #tpu.memory_space<semaphore_mem>>) {add = true}
        %mul3A_222 = arith.constant 5 : i32
        %mul3A_223 = arith.muli %scan3A_107, %mul3A_222 : i32
        %add3A_224 = arith.constant 4 : i32
        %add3A_225 = arith.addi %mul3A_223, %add3A_224 : i32
        %sub3A_226 = arith.constant 1 : i32
        %sub3A_227 = arith.subi %add3A_225, %sub3A_226 : i32
        %mul3A_228 = arith.constant 80 : i32
        %mul3A_229 = arith.muli %sub3A_227, %mul3A_228 : i32
        %dma_wait3A_230 = tpu.memref_slice %arg13[%mul3A_229] : memref<10000xi32, #tpu.memory_space<vmem>> -> memref<80xi32, #tpu.memory_space<vmem>>
        %dma_wait3A_231 = arith.constant 0 : i32
        %dma_wait3A_232 = arith.constant 0 : i32
        %dma_wait3A_233 = tpu.memref_slice %arg19[%dma_wait3A_231, %dma_wait3A_232] : memref<10000x64xf32, #tpu.memory_space<vmem_shared>> -> memref<10000x64xf32, #tpu.memory_space<vmem_shared>>
        tpu.wait_indirect_dma semaphore(%arg28 : memref<!tpu.dma_semaphore, #tpu.memory_space<semaphore_mem>>) src(%arg17 : memref<80x64xf32, #tpu.memory_space<vmem>>) dst(%dma_wait3A_233 : memref<10000x64xf32, #tpu.memory_space<vmem_shared>>)
        %lt3A_234 = arith.constant 24 : i32
        %lt3A_235 = arith.cmpi slt, %scan3A_107, %lt3A_234 : i32
        %convert_element_type3A_236 = arith.extui %lt3A_235 : i1 to i32
        %cond3A_237 = arith.constant 0 : i32
        %cond3A_238 = arith.cmpi ne, %convert_element_type3A_236, %cond3A_237 : i32
        scf.if %cond3A_238 {
          %add3A_251 = arith.constant 5 : i32
          %add3A_252 = arith.addi %add3A_225, %add3A_251 : i32
          %sub3A_253 = arith.constant 1 : i32
          %sub3A_254 = arith.subi %add3A_252, %sub3A_253 : i32
          %mul3A_255 = arith.constant 80 : i32
          %mul3A_256 = arith.muli %sub3A_254, %mul3A_255 : i32
          %dma_start3A_257 = tpu.memref_slice %arg12[%mul3A_256] : memref<10000xi32, #tpu.memory_space<vmem>> -> memref<80xi32, #tpu.memory_space<vmem>>
          %dma_start3A_258 = arith.constant 0 : i32
          %dma_start3A_259 = arith.constant 0 : i32
          %dma_start3A_260 = tpu.memref_slice %arg3[%dma_start3A_258, %dma_start3A_259] : memref<10000x64xf32, #tpu.memory_space<hbm>> -> memref<10000x64xf32, #tpu.memory_space<hbm>>
          tpu.enqueue_indirect_dma source(%dma_start3A_260 : memref<10000x64xf32, #tpu.memory_space<hbm>>) target(%arg17 : memref<80x64xf32, #tpu.memory_space<vmem>>) offsets(%dma_start3A_257 : memref<80xi32, #tpu.memory_space<vmem>>) semaphore(%arg23 : memref<!tpu.dma_semaphore, #tpu.memory_space<semaphore_mem>>)
        } else {
        }
        %mul3A_239 = arith.constant 80 : i32
        %mul3A_240 = arith.muli %add3A_225, %mul3A_239 : i32
        %dma_wait3A_241 = tpu.memref_slice %arg12[%mul3A_240] : memref<10000xi32, #tpu.memory_space<vmem>> -> memref<80xi32, #tpu.memory_space<vmem>>
        %dma_wait3A_242 = arith.constant 0 : i32
        %dma_wait3A_243 = arith.constant 0 : i32
        %dma_wait3A_244 = tpu.memref_slice %arg3[%dma_wait3A_242, %dma_wait3A_243] : memref<10000x64xf32, #tpu.memory_space<hbm>> -> memref<10000x64xf32, #tpu.memory_space<hbm>>
        tpu.wait_indirect_dma semaphore(%arg24 : memref<!tpu.dma_semaphore, #tpu.memory_space<semaphore_mem>>) src(%dma_wait3A_244 : memref<10000x64xf32, #tpu.memory_space<hbm>>) dst(%arg18 : memref<80x64xf32, #tpu.memory_space<vmem>>)
        %mul3A_245 = arith.constant 80 : i32
        %mul3A_246 = arith.muli %add3A_225, %mul3A_245 : i32
        %dma_start3A_247 = tpu.memref_slice %arg13[%mul3A_246] : memref<10000xi32, #tpu.memory_space<vmem>> -> memref<80xi32, #tpu.memory_space<vmem>>
        %dma_start3A_248 = arith.constant 0 : i32
        %dma_start3A_249 = arith.constant 0 : i32
        %dma_start3A_250 = tpu.memref_slice %arg19[%dma_start3A_248, %dma_start3A_249] : memref<10000x64xf32, #tpu.memory_space<vmem_shared>> -> memref<10000x64xf32, #tpu.memory_space<vmem_shared>>
        tpu.enqueue_indirect_dma source(%arg18 : memref<80x64xf32, #tpu.memory_space<vmem>>) target(%dma_start3A_250 : memref<10000x64xf32, #tpu.memory_space<vmem_shared>>) offsets(%dma_start3A_247 : memref<80xi32, #tpu.memory_space<vmem>>) semaphore(%arg29 : memref<!tpu.dma_semaphore, #tpu.memory_space<semaphore_mem>>) {add = true}
      }
      %scan3A_90 = arith.constant 25 : i32
      %dma_wait3A_91 = arith.constant 9920 : i32
      %dma_wait3A_92 = tpu.memref_slice %arg13[%dma_wait3A_91] : memref<10000xi32, #tpu.memory_space<vmem>> -> memref<80xi32, #tpu.memory_space<vmem>>
      %dma_wait3A_93 = arith.constant 0 : i32
      %dma_wait3A_94 = arith.constant 0 : i32
      %dma_wait3A_95 = tpu.memref_slice %arg19[%dma_wait3A_93, %dma_wait3A_94] : memref<10000x64xf32, #tpu.memory_space<vmem_shared>> -> memref<10000x64xf32, #tpu.memory_space<vmem_shared>>
      tpu.wait_indirect_dma semaphore(%arg29 : memref<!tpu.dma_semaphore, #tpu.memory_space<semaphore_mem>>) src(%arg18 : memref<80x64xf32, #tpu.memory_space<vmem>>) dst(%dma_wait3A_95 : memref<10000x64xf32, #tpu.memory_space<vmem_shared>>)
      %barrier3A_96 = arith.constant 0 : index
      tpu.barrier barrier_id(%barrier3A_96)
      %mul3A_97 = arith.constant 624 : i32
      %mul3A_98 = arith.muli %arg1, %mul3A_97 : i32
      %mul3A_99 = arith.constant 624 : i32
      %mul3A_100 = arith.muli %arg1, %mul3A_99 : i32
      "tpu.region"() ({
        %run_scoped3A_107 = tpu.sem_alloc : memref<!tpu.dma_semaphore, #tpu.memory_space<semaphore_mem>>
        %dma_start3A_108 = arith.constant 0 : i32
        %dma_start3A_109 = tpu.memref_slice %arg9[%mul3A_100, %dma_start3A_108] : memref<10000x64xf32, #tpu.memory_space<hbm>> -> memref<624x64xf32, #tpu.memory_space<hbm>>
        %dma_start3A_110 = arith.constant 0 : i32
        %dma_start3A_111 = tpu.memref_slice %arg19[%mul3A_98, %dma_start3A_110] : memref<10000x64xf32, #tpu.memory_space<vmem_shared>> -> memref<624x64xf32, #tpu.memory_space<vmem_shared>>
        tpu.enqueue_dma source(%dma_start3A_111 : memref<624x64xf32, #tpu.memory_space<vmem_shared>>) target(%dma_start3A_109 : memref<624x64xf32, #tpu.memory_space<hbm>>) target_semaphore(%run_scoped3A_107 : memref<!tpu.dma_semaphore, #tpu.memory_space<semaphore_mem>>)
        %dma_wait3A_112 = arith.constant 0 : i32
        %dma_wait3A_113 = tpu.memref_slice %arg9[%mul3A_100, %dma_wait3A_112] : memref<10000x64xf32, #tpu.memory_space<hbm>> -> memref<624x64xf32, #tpu.memory_space<hbm>>
        %dma_wait3A_114 = arith.constant 0 : i32
        %dma_wait3A_115 = tpu.memref_slice %arg19[%mul3A_98, %dma_wait3A_114] : memref<10000x64xf32, #tpu.memory_space<vmem_shared>> -> memref<624x64xf32, #tpu.memory_space<vmem_shared>>
        tpu.wait_dma2 semaphore(%run_scoped3A_107 : memref<!tpu.dma_semaphore, #tpu.memory_space<semaphore_mem>>) src(%dma_wait3A_115 : memref<624x64xf32, #tpu.memory_space<vmem_shared>>) dst(%dma_wait3A_113 : memref<624x64xf32, #tpu.memory_space<hbm>>)
        tpu.yield
      }) : () -> ()
      %eq3A_101 = arith.constant 15 : i32
      %eq3A_102 = arith.cmpi eq, %arg1, %eq3A_101 : i32
      %convert_element_type3A_103 = arith.extui %eq3A_102 : i1 to i32
      %cond3A_104 = arith.constant 0 : i32
      %cond3A_105 = arith.cmpi ne, %convert_element_type3A_103, %cond3A_104 : i32
      scf.if %cond3A_105 {
        "tpu.region"() ({
          %run_scoped3A_107 = tpu.sem_alloc : memref<!tpu.dma_semaphore, #tpu.memory_space<semaphore_mem>>
          %dma_start3A_108 = arith.constant 9984 : i32
          %dma_start3A_109 = arith.constant 0 : i32
          %dma_start3A_110 = tpu.memref_slice %arg9[%dma_start3A_108, %dma_start3A_109] : memref<10000x64xf32, #tpu.memory_space<hbm>> -> memref<16x64xf32, #tpu.memory_space<hbm>>
          %dma_start3A_111 = arith.constant 9984 : i32
          %dma_start3A_112 = arith.constant 0 : i32
          %dma_start3A_113 = tpu.memref_slice %arg19[%dma_start3A_111, %dma_start3A_112] : memref<10000x64xf32, #tpu.memory_space<vmem_shared>> -> memref<16x64xf32, #tpu.memory_space<vmem_shared>>
          tpu.enqueue_dma source(%dma_start3A_113 : memref<16x64xf32, #tpu.memory_space<vmem_shared>>) target(%dma_start3A_110 : memref<16x64xf32, #tpu.memory_space<hbm>>) target_semaphore(%run_scoped3A_107 : memref<!tpu.dma_semaphore, #tpu.memory_space<semaphore_mem>>)
          %dma_wait3A_114 = arith.constant 9984 : i32
          %dma_wait3A_115 = arith.constant 0 : i32
          %dma_wait3A_116 = tpu.memref_slice %arg9[%dma_wait3A_114, %dma_wait3A_115] : memref<10000x64xf32, #tpu.memory_space<hbm>> -> memref<16x64xf32, #tpu.memory_space<hbm>>
          %dma_wait3A_117 = arith.constant 9984 : i32
          %dma_wait3A_118 = arith.constant 0 : i32
          %dma_wait3A_119 = tpu.memref_slice %arg19[%dma_wait3A_117, %dma_wait3A_118] : memref<10000x64xf32, #tpu.memory_space<vmem_shared>> -> memref<16x64xf32, #tpu.memory_space<vmem_shared>>
          tpu.wait_dma2 semaphore(%run_scoped3A_107 : memref<!tpu.dma_semaphore, #tpu.memory_space<semaphore_mem>>) src(%dma_wait3A_119 : memref<16x64xf32, #tpu.memory_space<vmem_shared>>) dst(%dma_wait3A_116 : memref<16x64xf32, #tpu.memory_space<hbm>>)
          tpu.yield
        }) : () -> ()
      } else {
      }
      %barrier3A_106 = arith.constant 0 : index
      tpu.barrier barrier_id(%barrier3A_106)
    } else {
    }
    %eq3A_6 = arith.constant 1 : i32
    %eq3A_7 = arith.cmpi eq, %arg0, %eq3A_6 : i32
    %convert_element_type3A_8 = arith.extui %eq3A_7 : i1 to i32
    %cond3A_9 = arith.constant 0 : i32
    %cond3A_10 = arith.cmpi ne, %convert_element_type3A_8, %cond3A_9 : i32
    scf.if %cond3A_10 {
      %mul3A_11 = arith.constant 624 : i32
      %mul3A_12 = arith.muli %arg1, %mul3A_11 : i32
      "tpu.region"() ({
        %run_scoped3A_107 = tpu.sem_alloc : memref<!tpu.dma_semaphore, #tpu.memory_space<semaphore_mem>>
        %dma_start3A_108 = arith.constant 0 : i32
        %dma_start3A_109 = tpu.memref_slice %arg19[%mul3A_12, %dma_start3A_108] : memref<10000x64xf32, #tpu.memory_space<vmem_shared>> -> memref<624x64xf32, #tpu.memory_space<vmem_shared>>
        %dma_start3A_110 = arith.constant 0 : i32
        %dma_start3A_111 = arith.constant 0 : i32
        %dma_start3A_112 = tpu.memref_slice %arg7[%dma_start3A_110, %dma_start3A_111] : memref<624x64xf32, #tpu.memory_space<hbm>> -> memref<624x64xf32, #tpu.memory_space<hbm>>
        tpu.enqueue_dma source(%dma_start3A_112 : memref<624x64xf32, #tpu.memory_space<hbm>>) target(%dma_start3A_109 : memref<624x64xf32, #tpu.memory_space<vmem_shared>>) target_semaphore(%run_scoped3A_107 : memref<!tpu.dma_semaphore, #tpu.memory_space<semaphore_mem>>)
        %dma_wait3A_113 = arith.constant 0 : i32
        %dma_wait3A_114 = tpu.memref_slice %arg19[%mul3A_12, %dma_wait3A_113] : memref<10000x64xf32, #tpu.memory_space<vmem_shared>> -> memref<624x64xf32, #tpu.memory_space<vmem_shared>>
        %dma_wait3A_115 = arith.constant 0 : i32
        %dma_wait3A_116 = arith.constant 0 : i32
        %dma_wait3A_117 = tpu.memref_slice %arg7[%dma_wait3A_115, %dma_wait3A_116] : memref<624x64xf32, #tpu.memory_space<hbm>> -> memref<624x64xf32, #tpu.memory_space<hbm>>
        tpu.wait_dma2 semaphore(%run_scoped3A_107 : memref<!tpu.dma_semaphore, #tpu.memory_space<semaphore_mem>>) src(%dma_wait3A_117 : memref<624x64xf32, #tpu.memory_space<hbm>>) dst(%dma_wait3A_114 : memref<624x64xf32, #tpu.memory_space<vmem_shared>>)
        tpu.yield
      }) : () -> ()
      %eq3A_13 = arith.constant 15 : i32
      %eq3A_14 = arith.cmpi eq, %arg1, %eq3A_13 : i32
      %convert_element_type3A_15 = arith.extui %eq3A_14 : i1 to i32
      %cond3A_16 = arith.constant 0 : i32
      %cond3A_17 = arith.cmpi ne, %convert_element_type3A_15, %cond3A_16 : i32
      scf.if %cond3A_17 {
        "tpu.region"() ({
          %run_scoped3A_107 = tpu.sem_alloc : memref<!tpu.dma_semaphore, #tpu.memory_space<semaphore_mem>>
          %dma_start3A_108 = arith.constant 9984 : i32
          %dma_start3A_109 = arith.constant 0 : i32
          %dma_start3A_110 = tpu.memref_slice %arg19[%dma_start3A_108, %dma_start3A_109] : memref<10000x64xf32, #tpu.memory_space<vmem_shared>> -> memref<16x64xf32, #tpu.memory_space<vmem_shared>>
          %dma_start3A_111 = arith.constant 0 : i32
          %dma_start3A_112 = arith.constant 0 : i32
          %dma_start3A_113 = tpu.memref_slice %arg7[%dma_start3A_111, %dma_start3A_112] : memref<624x64xf32, #tpu.memory_space<hbm>> -> memref<16x64xf32, #tpu.memory_space<hbm>>
          tpu.enqueue_dma source(%dma_start3A_113 : memref<16x64xf32, #tpu.memory_space<hbm>>) target(%dma_start3A_110 : memref<16x64xf32, #tpu.memory_space<vmem_shared>>) target_semaphore(%run_scoped3A_107 : memref<!tpu.dma_semaphore, #tpu.memory_space<semaphore_mem>>)
          %dma_wait3A_114 = arith.constant 9984 : i32
          %dma_wait3A_115 = arith.constant 0 : i32
          %dma_wait3A_116 = tpu.memref_slice %arg19[%dma_wait3A_114, %dma_wait3A_115] : memref<10000x64xf32, #tpu.memory_space<vmem_shared>> -> memref<16x64xf32, #tpu.memory_space<vmem_shared>>
          %dma_wait3A_117 = arith.constant 0 : i32
          %dma_wait3A_118 = arith.constant 0 : i32
          %dma_wait3A_119 = tpu.memref_slice %arg7[%dma_wait3A_117, %dma_wait3A_118] : memref<624x64xf32, #tpu.memory_space<hbm>> -> memref<16x64xf32, #tpu.memory_space<hbm>>
          tpu.wait_dma2 semaphore(%run_scoped3A_107 : memref<!tpu.dma_semaphore, #tpu.memory_space<semaphore_mem>>) src(%dma_wait3A_119 : memref<16x64xf32, #tpu.memory_space<hbm>>) dst(%dma_wait3A_116 : memref<16x64xf32, #tpu.memory_space<vmem_shared>>)
          tpu.yield
        }) : () -> ()
      } else {
      }
      %barrier3A = arith.constant 0 : index
      tpu.barrier barrier_id(%barrier3A)
      %dma_start3A = arith.constant 0 : i32
      %dma_start3A_18 = tpu.memref_slice %arg12[%dma_start3A] : memref<10000xi32, #tpu.memory_space<vmem>> -> memref<80xi32, #tpu.memory_space<vmem>>
      %dma_start3A_19 = arith.constant 0 : i32
      %dma_start3A_20 = arith.constant 0 : i32
      %dma_start3A_21 = tpu.memref_slice %arg4[%dma_start3A_19, %dma_start3A_20] : memref<10000x64xf32, #tpu.memory_space<hbm>> -> memref<10000x64xf32, #tpu.memory_space<hbm>>
      tpu.enqueue_indirect_dma source(%dma_start3A_21 : memref<10000x64xf32, #tpu.memory_space<hbm>>) target(%arg14 : memref<80x64xf32, #tpu.memory_space<vmem>>) offsets(%dma_start3A_18 : memref<80xi32, #tpu.memory_space<vmem>>) semaphore(%arg20 : memref<!tpu.dma_semaphore, #tpu.memory_space<semaphore_mem>>)
      %dma_start3A_22 = arith.constant 80 : i32
      %dma_start3A_23 = tpu.memref_slice %arg12[%dma_start3A_22] : memref<10000xi32, #tpu.memory_space<vmem>> -> memref<80xi32, #tpu.memory_space<vmem>>
      %dma_start3A_24 = arith.constant 0 : i32
      %dma_start3A_25 = arith.constant 0 : i32
      %dma_start3A_26 = tpu.memref_slice %arg4[%dma_start3A_24, %dma_start3A_25] : memref<10000x64xf32, #tpu.memory_space<hbm>> -> memref<10000x64xf32, #tpu.memory_space<hbm>>
      tpu.enqueue_indirect_dma source(%dma_start3A_26 : memref<10000x64xf32, #tpu.memory_space<hbm>>) target(%arg15 : memref<80x64xf32, #tpu.memory_space<vmem>>) offsets(%dma_start3A_23 : memref<80xi32, #tpu.memory_space<vmem>>) semaphore(%arg21 : memref<!tpu.dma_semaphore, #tpu.memory_space<semaphore_mem>>)
      %dma_start3A_27 = arith.constant 160 : i32
      %dma_start3A_28 = tpu.memref_slice %arg12[%dma_start3A_27] : memref<10000xi32, #tpu.memory_space<vmem>> -> memref<80xi32, #tpu.memory_space<vmem>>
      %dma_start3A_29 = arith.constant 0 : i32
      %dma_start3A_30 = arith.constant 0 : i32
      %dma_start3A_31 = tpu.memref_slice %arg4[%dma_start3A_29, %dma_start3A_30] : memref<10000x64xf32, #tpu.memory_space<hbm>> -> memref<10000x64xf32, #tpu.memory_space<hbm>>
      tpu.enqueue_indirect_dma source(%dma_start3A_31 : memref<10000x64xf32, #tpu.memory_space<hbm>>) target(%arg16 : memref<80x64xf32, #tpu.memory_space<vmem>>) offsets(%dma_start3A_28 : memref<80xi32, #tpu.memory_space<vmem>>) semaphore(%arg22 : memref<!tpu.dma_semaphore, #tpu.memory_space<semaphore_mem>>)
      %dma_start3A_32 = arith.constant 240 : i32
      %dma_start3A_33 = tpu.memref_slice %arg12[%dma_start3A_32] : memref<10000xi32, #tpu.memory_space<vmem>> -> memref<80xi32, #tpu.memory_space<vmem>>
      %dma_start3A_34 = arith.constant 0 : i32
      %dma_start3A_35 = arith.constant 0 : i32
      %dma_start3A_36 = tpu.memref_slice %arg4[%dma_start3A_34, %dma_start3A_35] : memref<10000x64xf32, #tpu.memory_space<hbm>> -> memref<10000x64xf32, #tpu.memory_space<hbm>>
      tpu.enqueue_indirect_dma source(%dma_start3A_36 : memref<10000x64xf32, #tpu.memory_space<hbm>>) target(%arg17 : memref<80x64xf32, #tpu.memory_space<vmem>>) offsets(%dma_start3A_33 : memref<80xi32, #tpu.memory_space<vmem>>) semaphore(%arg23 : memref<!tpu.dma_semaphore, #tpu.memory_space<semaphore_mem>>)
      %scan3A = arith.constant 0 : i32
      %scan3A_37 = arith.constant 0 : i32
      %scan3A_38 = arith.constant 25 : i32
      %scan3A_39 = arith.addi %scan3A_37, %scan3A_38 : i32
      %scan3A_40 = arith.constant 1 : i32
      scf.for %scan3A_107 = %scan3A_37 to %scan3A_39 step %scan3A_40  : i32 {
        %mul3A_108 = arith.constant 5 : i32
        %mul3A_109 = arith.muli %scan3A_107, %mul3A_108 : i32
        %add3A = arith.constant 0 : i32
        %add3A_110 = arith.addi %mul3A_109, %add3A : i32
        %gt3A = arith.constant 0 : i32
        %gt3A_111 = arith.cmpi sgt, %scan3A_107, %gt3A : i32
        %convert_element_type3A_112 = arith.extui %gt3A_111 : i1 to i32
        %cond3A_113 = arith.constant 0 : i32
        %cond3A_114 = arith.cmpi ne, %convert_element_type3A_112, %cond3A_113 : i32
        scf.if %cond3A_114 {
          %sub3A_251 = arith.constant 1 : i32
          %sub3A_252 = arith.subi %add3A_110, %sub3A_251 : i32
          %mul3A_253 = arith.constant 80 : i32
          %mul3A_254 = arith.muli %sub3A_252, %mul3A_253 : i32
          %dma_wait3A_255 = tpu.memref_slice %arg13[%mul3A_254] : memref<10000xi32, #tpu.memory_space<vmem>> -> memref<80xi32, #tpu.memory_space<vmem>>
          %dma_wait3A_256 = arith.constant 0 : i32
          %dma_wait3A_257 = arith.constant 0 : i32
          %dma_wait3A_258 = tpu.memref_slice %arg19[%dma_wait3A_256, %dma_wait3A_257] : memref<10000x64xf32, #tpu.memory_space<vmem_shared>> -> memref<10000x64xf32, #tpu.memory_space<vmem_shared>>
          tpu.wait_indirect_dma semaphore(%arg29 : memref<!tpu.dma_semaphore, #tpu.memory_space<semaphore_mem>>) src(%arg18 : memref<80x64xf32, #tpu.memory_space<vmem>>) dst(%dma_wait3A_258 : memref<10000x64xf32, #tpu.memory_space<vmem_shared>>)
        } else {
        }
        %add3A_115 = arith.constant 5 : i32
        %add3A_116 = arith.addi %add3A_110, %add3A_115 : i32
        %sub3A = arith.constant 1 : i32
        %sub3A_117 = arith.subi %add3A_116, %sub3A : i32
        %mul3A_118 = arith.constant 80 : i32
        %mul3A_119 = arith.muli %sub3A_117, %mul3A_118 : i32
        %dma_start3A_120 = tpu.memref_slice %arg12[%mul3A_119] : memref<10000xi32, #tpu.memory_space<vmem>> -> memref<80xi32, #tpu.memory_space<vmem>>
        %dma_start3A_121 = arith.constant 0 : i32
        %dma_start3A_122 = arith.constant 0 : i32
        %dma_start3A_123 = tpu.memref_slice %arg4[%dma_start3A_121, %dma_start3A_122] : memref<10000x64xf32, #tpu.memory_space<hbm>> -> memref<10000x64xf32, #tpu.memory_space<hbm>>
        tpu.enqueue_indirect_dma source(%dma_start3A_123 : memref<10000x64xf32, #tpu.memory_space<hbm>>) target(%arg18 : memref<80x64xf32, #tpu.memory_space<vmem>>) offsets(%dma_start3A_120 : memref<80xi32, #tpu.memory_space<vmem>>) semaphore(%arg24 : memref<!tpu.dma_semaphore, #tpu.memory_space<semaphore_mem>>)
        %mul3A_124 = arith.constant 80 : i32
        %mul3A_125 = arith.muli %add3A_110, %mul3A_124 : i32
        %dma_wait3A_126 = tpu.memref_slice %arg12[%mul3A_125] : memref<10000xi32, #tpu.memory_space<vmem>> -> memref<80xi32, #tpu.memory_space<vmem>>
        %dma_wait3A_127 = arith.constant 0 : i32
        %dma_wait3A_128 = arith.constant 0 : i32
        %dma_wait3A_129 = tpu.memref_slice %arg4[%dma_wait3A_127, %dma_wait3A_128] : memref<10000x64xf32, #tpu.memory_space<hbm>> -> memref<10000x64xf32, #tpu.memory_space<hbm>>
        tpu.wait_indirect_dma semaphore(%arg20 : memref<!tpu.dma_semaphore, #tpu.memory_space<semaphore_mem>>) src(%dma_wait3A_129 : memref<10000x64xf32, #tpu.memory_space<hbm>>) dst(%arg14 : memref<80x64xf32, #tpu.memory_space<vmem>>)
        %mul3A_130 = arith.constant 80 : i32
        %mul3A_131 = arith.muli %add3A_110, %mul3A_130 : i32
        %dma_start3A_132 = tpu.memref_slice %arg13[%mul3A_131] : memref<10000xi32, #tpu.memory_space<vmem>> -> memref<80xi32, #tpu.memory_space<vmem>>
        %dma_start3A_133 = arith.constant 0 : i32
        %dma_start3A_134 = arith.constant 0 : i32
        %dma_start3A_135 = tpu.memref_slice %arg19[%dma_start3A_133, %dma_start3A_134] : memref<10000x64xf32, #tpu.memory_space<vmem_shared>> -> memref<10000x64xf32, #tpu.memory_space<vmem_shared>>
        tpu.enqueue_indirect_dma source(%arg14 : memref<80x64xf32, #tpu.memory_space<vmem>>) target(%dma_start3A_135 : memref<10000x64xf32, #tpu.memory_space<vmem_shared>>) offsets(%dma_start3A_132 : memref<80xi32, #tpu.memory_space<vmem>>) semaphore(%arg25 : memref<!tpu.dma_semaphore, #tpu.memory_space<semaphore_mem>>) {add = true}
        %mul3A_136 = arith.constant 5 : i32
        %mul3A_137 = arith.muli %scan3A_107, %mul3A_136 : i32
        %add3A_138 = arith.constant 1 : i32
        %add3A_139 = arith.addi %mul3A_137, %add3A_138 : i32
        %sub3A_140 = arith.constant 1 : i32
        %sub3A_141 = arith.subi %add3A_139, %sub3A_140 : i32
        %mul3A_142 = arith.constant 80 : i32
        %mul3A_143 = arith.muli %sub3A_141, %mul3A_142 : i32
        %dma_wait3A_144 = tpu.memref_slice %arg13[%mul3A_143] : memref<10000xi32, #tpu.memory_space<vmem>> -> memref<80xi32, #tpu.memory_space<vmem>>
        %dma_wait3A_145 = arith.constant 0 : i32
        %dma_wait3A_146 = arith.constant 0 : i32
        %dma_wait3A_147 = tpu.memref_slice %arg19[%dma_wait3A_145, %dma_wait3A_146] : memref<10000x64xf32, #tpu.memory_space<vmem_shared>> -> memref<10000x64xf32, #tpu.memory_space<vmem_shared>>
        tpu.wait_indirect_dma semaphore(%arg25 : memref<!tpu.dma_semaphore, #tpu.memory_space<semaphore_mem>>) src(%arg14 : memref<80x64xf32, #tpu.memory_space<vmem>>) dst(%dma_wait3A_147 : memref<10000x64xf32, #tpu.memory_space<vmem_shared>>)
        %lt3A = arith.constant 24 : i32
        %lt3A_148 = arith.cmpi slt, %scan3A_107, %lt3A : i32
        %convert_element_type3A_149 = arith.extui %lt3A_148 : i1 to i32
        %cond3A_150 = arith.constant 0 : i32
        %cond3A_151 = arith.cmpi ne, %convert_element_type3A_149, %cond3A_150 : i32
        scf.if %cond3A_151 {
          %add3A_251 = arith.constant 5 : i32
          %add3A_252 = arith.addi %add3A_139, %add3A_251 : i32
          %sub3A_253 = arith.constant 1 : i32
          %sub3A_254 = arith.subi %add3A_252, %sub3A_253 : i32
          %mul3A_255 = arith.constant 80 : i32
          %mul3A_256 = arith.muli %sub3A_254, %mul3A_255 : i32
          %dma_start3A_257 = tpu.memref_slice %arg12[%mul3A_256] : memref<10000xi32, #tpu.memory_space<vmem>> -> memref<80xi32, #tpu.memory_space<vmem>>
          %dma_start3A_258 = arith.constant 0 : i32
          %dma_start3A_259 = arith.constant 0 : i32
          %dma_start3A_260 = tpu.memref_slice %arg4[%dma_start3A_258, %dma_start3A_259] : memref<10000x64xf32, #tpu.memory_space<hbm>> -> memref<10000x64xf32, #tpu.memory_space<hbm>>
          tpu.enqueue_indirect_dma source(%dma_start3A_260 : memref<10000x64xf32, #tpu.memory_space<hbm>>) target(%arg14 : memref<80x64xf32, #tpu.memory_space<vmem>>) offsets(%dma_start3A_257 : memref<80xi32, #tpu.memory_space<vmem>>) semaphore(%arg20 : memref<!tpu.dma_semaphore, #tpu.memory_space<semaphore_mem>>)
        } else {
        }
        %mul3A_152 = arith.constant 80 : i32
        %mul3A_153 = arith.muli %add3A_139, %mul3A_152 : i32
        %dma_wait3A_154 = tpu.memref_slice %arg12[%mul3A_153] : memref<10000xi32, #tpu.memory_space<vmem>> -> memref<80xi32, #tpu.memory_space<vmem>>
        %dma_wait3A_155 = arith.constant 0 : i32
        %dma_wait3A_156 = arith.constant 0 : i32
        %dma_wait3A_157 = tpu.memref_slice %arg4[%dma_wait3A_155, %dma_wait3A_156] : memref<10000x64xf32, #tpu.memory_space<hbm>> -> memref<10000x64xf32, #tpu.memory_space<hbm>>
        tpu.wait_indirect_dma semaphore(%arg21 : memref<!tpu.dma_semaphore, #tpu.memory_space<semaphore_mem>>) src(%dma_wait3A_157 : memref<10000x64xf32, #tpu.memory_space<hbm>>) dst(%arg15 : memref<80x64xf32, #tpu.memory_space<vmem>>)
        %mul3A_158 = arith.constant 80 : i32
        %mul3A_159 = arith.muli %add3A_139, %mul3A_158 : i32
        %dma_start3A_160 = tpu.memref_slice %arg13[%mul3A_159] : memref<10000xi32, #tpu.memory_space<vmem>> -> memref<80xi32, #tpu.memory_space<vmem>>
        %dma_start3A_161 = arith.constant 0 : i32
        %dma_start3A_162 = arith.constant 0 : i32
        %dma_start3A_163 = tpu.memref_slice %arg19[%dma_start3A_161, %dma_start3A_162] : memref<10000x64xf32, #tpu.memory_space<vmem_shared>> -> memref<10000x64xf32, #tpu.memory_space<vmem_shared>>
        tpu.enqueue_indirect_dma source(%arg15 : memref<80x64xf32, #tpu.memory_space<vmem>>) target(%dma_start3A_163 : memref<10000x64xf32, #tpu.memory_space<vmem_shared>>) offsets(%dma_start3A_160 : memref<80xi32, #tpu.memory_space<vmem>>) semaphore(%arg26 : memref<!tpu.dma_semaphore, #tpu.memory_space<semaphore_mem>>) {add = true}
        %mul3A_164 = arith.constant 5 : i32
        %mul3A_165 = arith.muli %scan3A_107, %mul3A_164 : i32
        %add3A_166 = arith.constant 2 : i32
        %add3A_167 = arith.addi %mul3A_165, %add3A_166 : i32
        %sub3A_168 = arith.constant 1 : i32
        %sub3A_169 = arith.subi %add3A_167, %sub3A_168 : i32
        %mul3A_170 = arith.constant 80 : i32
        %mul3A_171 = arith.muli %sub3A_169, %mul3A_170 : i32
        %dma_wait3A_172 = tpu.memref_slice %arg13[%mul3A_171] : memref<10000xi32, #tpu.memory_space<vmem>> -> memref<80xi32, #tpu.memory_space<vmem>>
        %dma_wait3A_173 = arith.constant 0 : i32
        %dma_wait3A_174 = arith.constant 0 : i32
        %dma_wait3A_175 = tpu.memref_slice %arg19[%dma_wait3A_173, %dma_wait3A_174] : memref<10000x64xf32, #tpu.memory_space<vmem_shared>> -> memref<10000x64xf32, #tpu.memory_space<vmem_shared>>
        tpu.wait_indirect_dma semaphore(%arg26 : memref<!tpu.dma_semaphore, #tpu.memory_space<semaphore_mem>>) src(%arg15 : memref<80x64xf32, #tpu.memory_space<vmem>>) dst(%dma_wait3A_175 : memref<10000x64xf32, #tpu.memory_space<vmem_shared>>)
        %lt3A_176 = arith.constant 24 : i32
        %lt3A_177 = arith.cmpi slt, %scan3A_107, %lt3A_176 : i32
        %convert_element_type3A_178 = arith.extui %lt3A_177 : i1 to i32
        %cond3A_179 = arith.constant 0 : i32
        %cond3A_180 = arith.cmpi ne, %convert_element_type3A_178, %cond3A_179 : i32
        scf.if %cond3A_180 {
          %add3A_251 = arith.constant 5 : i32
          %add3A_252 = arith.addi %add3A_167, %add3A_251 : i32
          %sub3A_253 = arith.constant 1 : i32
          %sub3A_254 = arith.subi %add3A_252, %sub3A_253 : i32
          %mul3A_255 = arith.constant 80 : i32
          %mul3A_256 = arith.muli %sub3A_254, %mul3A_255 : i32
          %dma_start3A_257 = tpu.memref_slice %arg12[%mul3A_256] : memref<10000xi32, #tpu.memory_space<vmem>> -> memref<80xi32, #tpu.memory_space<vmem>>
          %dma_start3A_258 = arith.constant 0 : i32
          %dma_start3A_259 = arith.constant 0 : i32
          %dma_start3A_260 = tpu.memref_slice %arg4[%dma_start3A_258, %dma_start3A_259] : memref<10000x64xf32, #tpu.memory_space<hbm>> -> memref<10000x64xf32, #tpu.memory_space<hbm>>
          tpu.enqueue_indirect_dma source(%dma_start3A_260 : memref<10000x64xf32, #tpu.memory_space<hbm>>) target(%arg15 : memref<80x64xf32, #tpu.memory_space<vmem>>) offsets(%dma_start3A_257 : memref<80xi32, #tpu.memory_space<vmem>>) semaphore(%arg21 : memref<!tpu.dma_semaphore, #tpu.memory_space<semaphore_mem>>)
        } else {
        }
        %mul3A_181 = arith.constant 80 : i32
        %mul3A_182 = arith.muli %add3A_167, %mul3A_181 : i32
        %dma_wait3A_183 = tpu.memref_slice %arg12[%mul3A_182] : memref<10000xi32, #tpu.memory_space<vmem>> -> memref<80xi32, #tpu.memory_space<vmem>>
        %dma_wait3A_184 = arith.constant 0 : i32
        %dma_wait3A_185 = arith.constant 0 : i32
        %dma_wait3A_186 = tpu.memref_slice %arg4[%dma_wait3A_184, %dma_wait3A_185] : memref<10000x64xf32, #tpu.memory_space<hbm>> -> memref<10000x64xf32, #tpu.memory_space<hbm>>
        tpu.wait_indirect_dma semaphore(%arg22 : memref<!tpu.dma_semaphore, #tpu.memory_space<semaphore_mem>>) src(%dma_wait3A_186 : memref<10000x64xf32, #tpu.memory_space<hbm>>) dst(%arg16 : memref<80x64xf32, #tpu.memory_space<vmem>>)
        %mul3A_187 = arith.constant 80 : i32
        %mul3A_188 = arith.muli %add3A_167, %mul3A_187 : i32
        %dma_start3A_189 = tpu.memref_slice %arg13[%mul3A_188] : memref<10000xi32, #tpu.memory_space<vmem>> -> memref<80xi32, #tpu.memory_space<vmem>>
        %dma_start3A_190 = arith.constant 0 : i32
        %dma_start3A_191 = arith.constant 0 : i32
        %dma_start3A_192 = tpu.memref_slice %arg19[%dma_start3A_190, %dma_start3A_191] : memref<10000x64xf32, #tpu.memory_space<vmem_shared>> -> memref<10000x64xf32, #tpu.memory_space<vmem_shared>>
        tpu.enqueue_indirect_dma source(%arg16 : memref<80x64xf32, #tpu.memory_space<vmem>>) target(%dma_start3A_192 : memref<10000x64xf32, #tpu.memory_space<vmem_shared>>) offsets(%dma_start3A_189 : memref<80xi32, #tpu.memory_space<vmem>>) semaphore(%arg27 : memref<!tpu.dma_semaphore, #tpu.memory_space<semaphore_mem>>) {add = true}
        %mul3A_193 = arith.constant 5 : i32
        %mul3A_194 = arith.muli %scan3A_107, %mul3A_193 : i32
        %add3A_195 = arith.constant 3 : i32
        %add3A_196 = arith.addi %mul3A_194, %add3A_195 : i32
        %sub3A_197 = arith.constant 1 : i32
        %sub3A_198 = arith.subi %add3A_196, %sub3A_197 : i32
        %mul3A_199 = arith.constant 80 : i32
        %mul3A_200 = arith.muli %sub3A_198, %mul3A_199 : i32
        %dma_wait3A_201 = tpu.memref_slice %arg13[%mul3A_200] : memref<10000xi32, #tpu.memory_space<vmem>> -> memref<80xi32, #tpu.memory_space<vmem>>
        %dma_wait3A_202 = arith.constant 0 : i32
        %dma_wait3A_203 = arith.constant 0 : i32
        %dma_wait3A_204 = tpu.memref_slice %arg19[%dma_wait3A_202, %dma_wait3A_203] : memref<10000x64xf32, #tpu.memory_space<vmem_shared>> -> memref<10000x64xf32, #tpu.memory_space<vmem_shared>>
        tpu.wait_indirect_dma semaphore(%arg27 : memref<!tpu.dma_semaphore, #tpu.memory_space<semaphore_mem>>) src(%arg16 : memref<80x64xf32, #tpu.memory_space<vmem>>) dst(%dma_wait3A_204 : memref<10000x64xf32, #tpu.memory_space<vmem_shared>>)
        %lt3A_205 = arith.constant 24 : i32
        %lt3A_206 = arith.cmpi slt, %scan3A_107, %lt3A_205 : i32
        %convert_element_type3A_207 = arith.extui %lt3A_206 : i1 to i32
        %cond3A_208 = arith.constant 0 : i32
        %cond3A_209 = arith.cmpi ne, %convert_element_type3A_207, %cond3A_208 : i32
        scf.if %cond3A_209 {
          %add3A_251 = arith.constant 5 : i32
          %add3A_252 = arith.addi %add3A_196, %add3A_251 : i32
          %sub3A_253 = arith.constant 1 : i32
          %sub3A_254 = arith.subi %add3A_252, %sub3A_253 : i32
          %mul3A_255 = arith.constant 80 : i32
          %mul3A_256 = arith.muli %sub3A_254, %mul3A_255 : i32
          %dma_start3A_257 = tpu.memref_slice %arg12[%mul3A_256] : memref<10000xi32, #tpu.memory_space<vmem>> -> memref<80xi32, #tpu.memory_space<vmem>>
          %dma_start3A_258 = arith.constant 0 : i32
          %dma_start3A_259 = arith.constant 0 : i32
          %dma_start3A_260 = tpu.memref_slice %arg4[%dma_start3A_258, %dma_start3A_259] : memref<10000x64xf32, #tpu.memory_space<hbm>> -> memref<10000x64xf32, #tpu.memory_space<hbm>>
          tpu.enqueue_indirect_dma source(%dma_start3A_260 : memref<10000x64xf32, #tpu.memory_space<hbm>>) target(%arg16 : memref<80x64xf32, #tpu.memory_space<vmem>>) offsets(%dma_start3A_257 : memref<80xi32, #tpu.memory_space<vmem>>) semaphore(%arg22 : memref<!tpu.dma_semaphore, #tpu.memory_space<semaphore_mem>>)
        } else {
        }
        %mul3A_210 = arith.constant 80 : i32
        %mul3A_211 = arith.muli %add3A_196, %mul3A_210 : i32
        %dma_wait3A_212 = tpu.memref_slice %arg12[%mul3A_211] : memref<10000xi32, #tpu.memory_space<vmem>> -> memref<80xi32, #tpu.memory_space<vmem>>
        %dma_wait3A_213 = arith.constant 0 : i32
        %dma_wait3A_214 = arith.constant 0 : i32
        %dma_wait3A_215 = tpu.memref_slice %arg4[%dma_wait3A_213, %dma_wait3A_214] : memref<10000x64xf32, #tpu.memory_space<hbm>> -> memref<10000x64xf32, #tpu.memory_space<hbm>>
        tpu.wait_indirect_dma semaphore(%arg23 : memref<!tpu.dma_semaphore, #tpu.memory_space<semaphore_mem>>) src(%dma_wait3A_215 : memref<10000x64xf32, #tpu.memory_space<hbm>>) dst(%arg17 : memref<80x64xf32, #tpu.memory_space<vmem>>)
        %mul3A_216 = arith.constant 80 : i32
        %mul3A_217 = arith.muli %add3A_196, %mul3A_216 : i32
        %dma_start3A_218 = tpu.memref_slice %arg13[%mul3A_217] : memref<10000xi32, #tpu.memory_space<vmem>> -> memref<80xi32, #tpu.memory_space<vmem>>
        %dma_start3A_219 = arith.constant 0 : i32
        %dma_start3A_220 = arith.constant 0 : i32
        %dma_start3A_221 = tpu.memref_slice %arg19[%dma_start3A_219, %dma_start3A_220] : memref<10000x64xf32, #tpu.memory_space<vmem_shared>> -> memref<10000x64xf32, #tpu.memory_space<vmem_shared>>
        tpu.enqueue_indirect_dma source(%arg17 : memref<80x64xf32, #tpu.memory_space<vmem>>) target(%dma_start3A_221 : memref<10000x64xf32, #tpu.memory_space<vmem_shared>>) offsets(%dma_start3A_218 : memref<80xi32, #tpu.memory_space<vmem>>) semaphore(%arg28 : memref<!tpu.dma_semaphore, #tpu.memory_space<semaphore_mem>>) {add = true}
        %mul3A_222 = arith.constant 5 : i32
        %mul3A_223 = arith.muli %scan3A_107, %mul3A_222 : i32
        %add3A_224 = arith.constant 4 : i32
        %add3A_225 = arith.addi %mul3A_223, %add3A_224 : i32
        %sub3A_226 = arith.constant 1 : i32
        %sub3A_227 = arith.subi %add3A_225, %sub3A_226 : i32
        %mul3A_228 = arith.constant 80 : i32
        %mul3A_229 = arith.muli %sub3A_227, %mul3A_228 : i32
        %dma_wait3A_230 = tpu.memref_slice %arg13[%mul3A_229] : memref<10000xi32, #tpu.memory_space<vmem>> -> memref<80xi32, #tpu.memory_space<vmem>>
        %dma_wait3A_231 = arith.constant 0 : i32
        %dma_wait3A_232 = arith.constant 0 : i32
        %dma_wait3A_233 = tpu.memref_slice %arg19[%dma_wait3A_231, %dma_wait3A_232] : memref<10000x64xf32, #tpu.memory_space<vmem_shared>> -> memref<10000x64xf32, #tpu.memory_space<vmem_shared>>
        tpu.wait_indirect_dma semaphore(%arg28 : memref<!tpu.dma_semaphore, #tpu.memory_space<semaphore_mem>>) src(%arg17 : memref<80x64xf32, #tpu.memory_space<vmem>>) dst(%dma_wait3A_233 : memref<10000x64xf32, #tpu.memory_space<vmem_shared>>)
        %lt3A_234 = arith.constant 24 : i32
        %lt3A_235 = arith.cmpi slt, %scan3A_107, %lt3A_234 : i32
        %convert_element_type3A_236 = arith.extui %lt3A_235 : i1 to i32
        %cond3A_237 = arith.constant 0 : i32
        %cond3A_238 = arith.cmpi ne, %convert_element_type3A_236, %cond3A_237 : i32
        scf.if %cond3A_238 {
          %add3A_251 = arith.constant 5 : i32
          %add3A_252 = arith.addi %add3A_225, %add3A_251 : i32
          %sub3A_253 = arith.constant 1 : i32
          %sub3A_254 = arith.subi %add3A_252, %sub3A_253 : i32
          %mul3A_255 = arith.constant 80 : i32
          %mul3A_256 = arith.muli %sub3A_254, %mul3A_255 : i32
          %dma_start3A_257 = tpu.memref_slice %arg12[%mul3A_256] : memref<10000xi32, #tpu.memory_space<vmem>> -> memref<80xi32, #tpu.memory_space<vmem>>
          %dma_start3A_258 = arith.constant 0 : i32
          %dma_start3A_259 = arith.constant 0 : i32
          %dma_start3A_260 = tpu.memref_slice %arg4[%dma_start3A_258, %dma_start3A_259] : memref<10000x64xf32, #tpu.memory_space<hbm>> -> memref<10000x64xf32, #tpu.memory_space<hbm>>
          tpu.enqueue_indirect_dma source(%dma_start3A_260 : memref<10000x64xf32, #tpu.memory_space<hbm>>) target(%arg17 : memref<80x64xf32, #tpu.memory_space<vmem>>) offsets(%dma_start3A_257 : memref<80xi32, #tpu.memory_space<vmem>>) semaphore(%arg23 : memref<!tpu.dma_semaphore, #tpu.memory_space<semaphore_mem>>)
        } else {
        }
        %mul3A_239 = arith.constant 80 : i32
        %mul3A_240 = arith.muli %add3A_225, %mul3A_239 : i32
        %dma_wait3A_241 = tpu.memref_slice %arg12[%mul3A_240] : memref<10000xi32, #tpu.memory_space<vmem>> -> memref<80xi32, #tpu.memory_space<vmem>>
        %dma_wait3A_242 = arith.constant 0 : i32
        %dma_wait3A_243 = arith.constant 0 : i32
        %dma_wait3A_244 = tpu.memref_slice %arg4[%dma_wait3A_242, %dma_wait3A_243] : memref<10000x64xf32, #tpu.memory_space<hbm>> -> memref<10000x64xf32, #tpu.memory_space<hbm>>
        tpu.wait_indirect_dma semaphore(%arg24 : memref<!tpu.dma_semaphore, #tpu.memory_space<semaphore_mem>>) src(%dma_wait3A_244 : memref<10000x64xf32, #tpu.memory_space<hbm>>) dst(%arg18 : memref<80x64xf32, #tpu.memory_space<vmem>>)
        %mul3A_245 = arith.constant 80 : i32
        %mul3A_246 = arith.muli %add3A_225, %mul3A_245 : i32
        %dma_start3A_247 = tpu.memref_slice %arg13[%mul3A_246] : memref<10000xi32, #tpu.memory_space<vmem>> -> memref<80xi32, #tpu.memory_space<vmem>>
        %dma_start3A_248 = arith.constant 0 : i32
        %dma_start3A_249 = arith.constant 0 : i32
        %dma_start3A_250 = tpu.memref_slice %arg19[%dma_start3A_248, %dma_start3A_249] : memref<10000x64xf32, #tpu.memory_space<vmem_shared>> -> memref<10000x64xf32, #tpu.memory_space<vmem_shared>>
        tpu.enqueue_indirect_dma source(%arg18 : memref<80x64xf32, #tpu.memory_space<vmem>>) target(%dma_start3A_250 : memref<10000x64xf32, #tpu.memory_space<vmem_shared>>) offsets(%dma_start3A_247 : memref<80xi32, #tpu.memory_space<vmem>>) semaphore(%arg29 : memref<!tpu.dma_semaphore, #tpu.memory_space<semaphore_mem>>) {add = true}
      }
      %scan3A_41 = arith.constant 25 : i32
      %dma_wait3A = arith.constant 9920 : i32
      %dma_wait3A_42 = tpu.memref_slice %arg13[%dma_wait3A] : memref<10000xi32, #tpu.memory_space<vmem>> -> memref<80xi32, #tpu.memory_space<vmem>>
      %dma_wait3A_43 = arith.constant 0 : i32
      %dma_wait3A_44 = arith.constant 0 : i32
      %dma_wait3A_45 = tpu.memref_slice %arg19[%dma_wait3A_43, %dma_wait3A_44] : memref<10000x64xf32, #tpu.memory_space<vmem_shared>> -> memref<10000x64xf32, #tpu.memory_space<vmem_shared>>
      tpu.wait_indirect_dma semaphore(%arg29 : memref<!tpu.dma_semaphore, #tpu.memory_space<semaphore_mem>>) src(%arg18 : memref<80x64xf32, #tpu.memory_space<vmem>>) dst(%dma_wait3A_45 : memref<10000x64xf32, #tpu.memory_space<vmem_shared>>)
      %barrier3A_46 = arith.constant 0 : index
      tpu.barrier barrier_id(%barrier3A_46)
      %mul3A_47 = arith.constant 624 : i32
      %mul3A_48 = arith.muli %arg1, %mul3A_47 : i32
      %mul3A_49 = arith.constant 624 : i32
      %mul3A_50 = arith.muli %arg1, %mul3A_49 : i32
      "tpu.region"() ({
        %run_scoped3A_107 = tpu.sem_alloc : memref<!tpu.dma_semaphore, #tpu.memory_space<semaphore_mem>>
        %dma_start3A_108 = arith.constant 0 : i32
        %dma_start3A_109 = tpu.memref_slice %arg10[%mul3A_50, %dma_start3A_108] : memref<10000x64xf32, #tpu.memory_space<hbm>> -> memref<624x64xf32, #tpu.memory_space<hbm>>
        %dma_start3A_110 = arith.constant 0 : i32
        %dma_start3A_111 = tpu.memref_slice %arg19[%mul3A_48, %dma_start3A_110] : memref<10000x64xf32, #tpu.memory_space<vmem_shared>> -> memref<624x64xf32, #tpu.memory_space<vmem_shared>>
        tpu.enqueue_dma source(%dma_start3A_111 : memref<624x64xf32, #tpu.memory_space<vmem_shared>>) target(%dma_start3A_109 : memref<624x64xf32, #tpu.memory_space<hbm>>) target_semaphore(%run_scoped3A_107 : memref<!tpu.dma_semaphore, #tpu.memory_space<semaphore_mem>>)
        %dma_wait3A_112 = arith.constant 0 : i32
        %dma_wait3A_113 = tpu.memref_slice %arg10[%mul3A_50, %dma_wait3A_112] : memref<10000x64xf32, #tpu.memory_space<hbm>> -> memref<624x64xf32, #tpu.memory_space<hbm>>
        %dma_wait3A_114 = arith.constant 0 : i32
        %dma_wait3A_115 = tpu.memref_slice %arg19[%mul3A_48, %dma_wait3A_114] : memref<10000x64xf32, #tpu.memory_space<vmem_shared>> -> memref<624x64xf32, #tpu.memory_space<vmem_shared>>
        tpu.wait_dma2 semaphore(%run_scoped3A_107 : memref<!tpu.dma_semaphore, #tpu.memory_space<semaphore_mem>>) src(%dma_wait3A_115 : memref<624x64xf32, #tpu.memory_space<vmem_shared>>) dst(%dma_wait3A_113 : memref<624x64xf32, #tpu.memory_space<hbm>>)
        tpu.yield
      }) : () -> ()
      %eq3A_51 = arith.constant 15 : i32
      %eq3A_52 = arith.cmpi eq, %arg1, %eq3A_51 : i32
      %convert_element_type3A_53 = arith.extui %eq3A_52 : i1 to i32
      %cond3A_54 = arith.constant 0 : i32
      %cond3A_55 = arith.cmpi ne, %convert_element_type3A_53, %cond3A_54 : i32
      scf.if %cond3A_55 {
        "tpu.region"() ({
          %run_scoped3A_107 = tpu.sem_alloc : memref<!tpu.dma_semaphore, #tpu.memory_space<semaphore_mem>>
          %dma_start3A_108 = arith.constant 9984 : i32
          %dma_start3A_109 = arith.constant 0 : i32
          %dma_start3A_110 = tpu.memref_slice %arg10[%dma_start3A_108, %dma_start3A_109] : memref<10000x64xf32, #tpu.memory_space<hbm>> -> memref<16x64xf32, #tpu.memory_space<hbm>>
          %dma_start3A_111 = arith.constant 9984 : i32
          %dma_start3A_112 = arith.constant 0 : i32
          %dma_start3A_113 = tpu.memref_slice %arg19[%dma_start3A_111, %dma_start3A_112] : memref<10000x64xf32, #tpu.memory_space<vmem_shared>> -> memref<16x64xf32, #tpu.memory_space<vmem_shared>>
          tpu.enqueue_dma source(%dma_start3A_113 : memref<16x64xf32, #tpu.memory_space<vmem_shared>>) target(%dma_start3A_110 : memref<16x64xf32, #tpu.memory_space<hbm>>) target_semaphore(%run_scoped3A_107 : memref<!tpu.dma_semaphore, #tpu.memory_space<semaphore_mem>>)
          %dma_wait3A_114 = arith.constant 9984 : i32
          %dma_wait3A_115 = arith.constant 0 : i32
          %dma_wait3A_116 = tpu.memref_slice %arg10[%dma_wait3A_114, %dma_wait3A_115] : memref<10000x64xf32, #tpu.memory_space<hbm>> -> memref<16x64xf32, #tpu.memory_space<hbm>>
          %dma_wait3A_117 = arith.constant 9984 : i32
          %dma_wait3A_118 = arith.constant 0 : i32
          %dma_wait3A_119 = tpu.memref_slice %arg19[%dma_wait3A_117, %dma_wait3A_118] : memref<10000x64xf32, #tpu.memory_space<vmem_shared>> -> memref<16x64xf32, #tpu.memory_space<vmem_shared>>
          tpu.wait_dma2 semaphore(%run_scoped3A_107 : memref<!tpu.dma_semaphore, #tpu.memory_space<semaphore_mem>>) src(%dma_wait3A_119 : memref<16x64xf32, #tpu.memory_space<vmem_shared>>) dst(%dma_wait3A_116 : memref<16x64xf32, #tpu.memory_space<hbm>>)
          tpu.yield
        }) : () -> ()
      } else {
      }
      %barrier3A_56 = arith.constant 0 : index
      tpu.barrier barrier_id(%barrier3A_56)
      %mul3A_57 = arith.constant 624 : i32
      %mul3A_58 = arith.muli %arg1, %mul3A_57 : i32
      "tpu.region"() ({
        %run_scoped3A_107 = tpu.sem_alloc : memref<!tpu.dma_semaphore, #tpu.memory_space<semaphore_mem>>
        %dma_start3A_108 = arith.constant 0 : i32
        %dma_start3A_109 = tpu.memref_slice %arg19[%mul3A_58, %dma_start3A_108] : memref<10000x64xf32, #tpu.memory_space<vmem_shared>> -> memref<624x64xf32, #tpu.memory_space<vmem_shared>>
        %dma_start3A_110 = arith.constant 0 : i32
        %dma_start3A_111 = arith.constant 0 : i32
        %dma_start3A_112 = tpu.memref_slice %arg7[%dma_start3A_110, %dma_start3A_111] : memref<624x64xf32, #tpu.memory_space<hbm>> -> memref<624x64xf32, #tpu.memory_space<hbm>>
        tpu.enqueue_dma source(%dma_start3A_112 : memref<624x64xf32, #tpu.memory_space<hbm>>) target(%dma_start3A_109 : memref<624x64xf32, #tpu.memory_space<vmem_shared>>) target_semaphore(%run_scoped3A_107 : memref<!tpu.dma_semaphore, #tpu.memory_space<semaphore_mem>>)
        %dma_wait3A_113 = arith.constant 0 : i32
        %dma_wait3A_114 = tpu.memref_slice %arg19[%mul3A_58, %dma_wait3A_113] : memref<10000x64xf32, #tpu.memory_space<vmem_shared>> -> memref<624x64xf32, #tpu.memory_space<vmem_shared>>
        %dma_wait3A_115 = arith.constant 0 : i32
        %dma_wait3A_116 = arith.constant 0 : i32
        %dma_wait3A_117 = tpu.memref_slice %arg7[%dma_wait3A_115, %dma_wait3A_116] : memref<624x64xf32, #tpu.memory_space<hbm>> -> memref<624x64xf32, #tpu.memory_space<hbm>>
        tpu.wait_dma2 semaphore(%run_scoped3A_107 : memref<!tpu.dma_semaphore, #tpu.memory_space<semaphore_mem>>) src(%dma_wait3A_117 : memref<624x64xf32, #tpu.memory_space<hbm>>) dst(%dma_wait3A_114 : memref<624x64xf32, #tpu.memory_space<vmem_shared>>)
        tpu.yield
      }) : () -> ()
      %eq3A_59 = arith.constant 15 : i32
      %eq3A_60 = arith.cmpi eq, %arg1, %eq3A_59 : i32
      %convert_element_type3A_61 = arith.extui %eq3A_60 : i1 to i32
      %cond3A_62 = arith.constant 0 : i32
      %cond3A_63 = arith.cmpi ne, %convert_element_type3A_61, %cond3A_62 : i32
      scf.if %cond3A_63 {
        "tpu.region"() ({
          %run_scoped3A_107 = tpu.sem_alloc : memref<!tpu.dma_semaphore, #tpu.memory_space<semaphore_mem>>
          %dma_start3A_108 = arith.constant 9984 : i32
          %dma_start3A_109 = arith.constant 0 : i32
          %dma_start3A_110 = tpu.memref_slice %arg19[%dma_start3A_108, %dma_start3A_109] : memref<10000x64xf32, #tpu.memory_space<vmem_shared>> -> memref<16x64xf32, #tpu.memory_space<vmem_shared>>
          %dma_start3A_111 = arith.constant 0 : i32
          %dma_start3A_112 = arith.constant 0 : i32
          %dma_start3A_113 = tpu.memref_slice %arg7[%dma_start3A_111, %dma_start3A_112] : memref<624x64xf32, #tpu.memory_space<hbm>> -> memref<16x64xf32, #tpu.memory_space<hbm>>
          tpu.enqueue_dma source(%dma_start3A_113 : memref<16x64xf32, #tpu.memory_space<hbm>>) target(%dma_start3A_110 : memref<16x64xf32, #tpu.memory_space<vmem_shared>>) target_semaphore(%run_scoped3A_107 : memref<!tpu.dma_semaphore, #tpu.memory_space<semaphore_mem>>)
          %dma_wait3A_114 = arith.constant 9984 : i32
          %dma_wait3A_115 = arith.constant 0 : i32
          %dma_wait3A_116 = tpu.memref_slice %arg19[%dma_wait3A_114, %dma_wait3A_115] : memref<10000x64xf32, #tpu.memory_space<vmem_shared>> -> memref<16x64xf32, #tpu.memory_space<vmem_shared>>
          %dma_wait3A_117 = arith.constant 0 : i32
          %dma_wait3A_118 = arith.constant 0 : i32
          %dma_wait3A_119 = tpu.memref_slice %arg7[%dma_wait3A_117, %dma_wait3A_118] : memref<624x64xf32, #tpu.memory_space<hbm>> -> memref<16x64xf32, #tpu.memory_space<hbm>>
          tpu.wait_dma2 semaphore(%run_scoped3A_107 : memref<!tpu.dma_semaphore, #tpu.memory_space<semaphore_mem>>) src(%dma_wait3A_119 : memref<16x64xf32, #tpu.memory_space<hbm>>) dst(%dma_wait3A_116 : memref<16x64xf32, #tpu.memory_space<vmem_shared>>)
          tpu.yield
        }) : () -> ()
      } else {
      }
      %barrier3A_64 = arith.constant 0 : index
      tpu.barrier barrier_id(%barrier3A_64)
      %dma_start3A_65 = arith.constant 0 : i32
      %dma_start3A_66 = tpu.memref_slice %arg12[%dma_start3A_65] : memref<10000xi32, #tpu.memory_space<vmem>> -> memref<80xi32, #tpu.memory_space<vmem>>
      %dma_start3A_67 = arith.constant 0 : i32
      %dma_start3A_68 = arith.constant 0 : i32
      %dma_start3A_69 = tpu.memref_slice %arg5[%dma_start3A_67, %dma_start3A_68] : memref<10000x64xf32, #tpu.memory_space<hbm>> -> memref<10000x64xf32, #tpu.memory_space<hbm>>
      tpu.enqueue_indirect_dma source(%dma_start3A_69 : memref<10000x64xf32, #tpu.memory_space<hbm>>) target(%arg14 : memref<80x64xf32, #tpu.memory_space<vmem>>) offsets(%dma_start3A_66 : memref<80xi32, #tpu.memory_space<vmem>>) semaphore(%arg20 : memref<!tpu.dma_semaphore, #tpu.memory_space<semaphore_mem>>)
      %dma_start3A_70 = arith.constant 80 : i32
      %dma_start3A_71 = tpu.memref_slice %arg12[%dma_start3A_70] : memref<10000xi32, #tpu.memory_space<vmem>> -> memref<80xi32, #tpu.memory_space<vmem>>
      %dma_start3A_72 = arith.constant 0 : i32
      %dma_start3A_73 = arith.constant 0 : i32
      %dma_start3A_74 = tpu.memref_slice %arg5[%dma_start3A_72, %dma_start3A_73] : memref<10000x64xf32, #tpu.memory_space<hbm>> -> memref<10000x64xf32, #tpu.memory_space<hbm>>
      tpu.enqueue_indirect_dma source(%dma_start3A_74 : memref<10000x64xf32, #tpu.memory_space<hbm>>) target(%arg15 : memref<80x64xf32, #tpu.memory_space<vmem>>) offsets(%dma_start3A_71 : memref<80xi32, #tpu.memory_space<vmem>>) semaphore(%arg21 : memref<!tpu.dma_semaphore, #tpu.memory_space<semaphore_mem>>)
      %dma_start3A_75 = arith.constant 160 : i32
      %dma_start3A_76 = tpu.memref_slice %arg12[%dma_start3A_75] : memref<10000xi32, #tpu.memory_space<vmem>> -> memref<80xi32, #tpu.memory_space<vmem>>
      %dma_start3A_77 = arith.constant 0 : i32
      %dma_start3A_78 = arith.constant 0 : i32
      %dma_start3A_79 = tpu.memref_slice %arg5[%dma_start3A_77, %dma_start3A_78] : memref<10000x64xf32, #tpu.memory_space<hbm>> -> memref<10000x64xf32, #tpu.memory_space<hbm>>
      tpu.enqueue_indirect_dma source(%dma_start3A_79 : memref<10000x64xf32, #tpu.memory_space<hbm>>) target(%arg16 : memref<80x64xf32, #tpu.memory_space<vmem>>) offsets(%dma_start3A_76 : memref<80xi32, #tpu.memory_space<vmem>>) semaphore(%arg22 : memref<!tpu.dma_semaphore, #tpu.memory_space<semaphore_mem>>)
      %dma_start3A_80 = arith.constant 240 : i32
      %dma_start3A_81 = tpu.memref_slice %arg12[%dma_start3A_80] : memref<10000xi32, #tpu.memory_space<vmem>> -> memref<80xi32, #tpu.memory_space<vmem>>
      %dma_start3A_82 = arith.constant 0 : i32
      %dma_start3A_83 = arith.constant 0 : i32
      %dma_start3A_84 = tpu.memref_slice %arg5[%dma_start3A_82, %dma_start3A_83] : memref<10000x64xf32, #tpu.memory_space<hbm>> -> memref<10000x64xf32, #tpu.memory_space<hbm>>
      tpu.enqueue_indirect_dma source(%dma_start3A_84 : memref<10000x64xf32, #tpu.memory_space<hbm>>) target(%arg17 : memref<80x64xf32, #tpu.memory_space<vmem>>) offsets(%dma_start3A_81 : memref<80xi32, #tpu.memory_space<vmem>>) semaphore(%arg23 : memref<!tpu.dma_semaphore, #tpu.memory_space<semaphore_mem>>)
      %scan3A_85 = arith.constant 0 : i32
      %scan3A_86 = arith.constant 0 : i32
      %scan3A_87 = arith.constant 25 : i32
      %scan3A_88 = arith.addi %scan3A_86, %scan3A_87 : i32
      %scan3A_89 = arith.constant 1 : i32
      scf.for %scan3A_107 = %scan3A_86 to %scan3A_88 step %scan3A_89  : i32 {
        %mul3A_108 = arith.constant 5 : i32
        %mul3A_109 = arith.muli %scan3A_107, %mul3A_108 : i32
        %add3A = arith.constant 0 : i32
        %add3A_110 = arith.addi %mul3A_109, %add3A : i32
        %gt3A = arith.constant 0 : i32
        %gt3A_111 = arith.cmpi sgt, %scan3A_107, %gt3A : i32
        %convert_element_type3A_112 = arith.extui %gt3A_111 : i1 to i32
        %cond3A_113 = arith.constant 0 : i32
        %cond3A_114 = arith.cmpi ne, %convert_element_type3A_112, %cond3A_113 : i32
        scf.if %cond3A_114 {
          %sub3A_251 = arith.constant 1 : i32
          %sub3A_252 = arith.subi %add3A_110, %sub3A_251 : i32
          %mul3A_253 = arith.constant 80 : i32
          %mul3A_254 = arith.muli %sub3A_252, %mul3A_253 : i32
          %dma_wait3A_255 = tpu.memref_slice %arg13[%mul3A_254] : memref<10000xi32, #tpu.memory_space<vmem>> -> memref<80xi32, #tpu.memory_space<vmem>>
          %dma_wait3A_256 = arith.constant 0 : i32
          %dma_wait3A_257 = arith.constant 0 : i32
          %dma_wait3A_258 = tpu.memref_slice %arg19[%dma_wait3A_256, %dma_wait3A_257] : memref<10000x64xf32, #tpu.memory_space<vmem_shared>> -> memref<10000x64xf32, #tpu.memory_space<vmem_shared>>
          tpu.wait_indirect_dma semaphore(%arg29 : memref<!tpu.dma_semaphore, #tpu.memory_space<semaphore_mem>>) src(%arg18 : memref<80x64xf32, #tpu.memory_space<vmem>>) dst(%dma_wait3A_258 : memref<10000x64xf32, #tpu.memory_space<vmem_shared>>)
        } else {
        }
        %add3A_115 = arith.constant 5 : i32
        %add3A_116 = arith.addi %add3A_110, %add3A_115 : i32
        %sub3A = arith.constant 1 : i32
        %sub3A_117 = arith.subi %add3A_116, %sub3A : i32
        %mul3A_118 = arith.constant 80 : i32
        %mul3A_119 = arith.muli %sub3A_117, %mul3A_118 : i32
        %dma_start3A_120 = tpu.memref_slice %arg12[%mul3A_119] : memref<10000xi32, #tpu.memory_space<vmem>> -> memref<80xi32, #tpu.memory_space<vmem>>
        %dma_start3A_121 = arith.constant 0 : i32
        %dma_start3A_122 = arith.constant 0 : i32
        %dma_start3A_123 = tpu.memref_slice %arg5[%dma_start3A_121, %dma_start3A_122] : memref<10000x64xf32, #tpu.memory_space<hbm>> -> memref<10000x64xf32, #tpu.memory_space<hbm>>
        tpu.enqueue_indirect_dma source(%dma_start3A_123 : memref<10000x64xf32, #tpu.memory_space<hbm>>) target(%arg18 : memref<80x64xf32, #tpu.memory_space<vmem>>) offsets(%dma_start3A_120 : memref<80xi32, #tpu.memory_space<vmem>>) semaphore(%arg24 : memref<!tpu.dma_semaphore, #tpu.memory_space<semaphore_mem>>)
        %mul3A_124 = arith.constant 80 : i32
        %mul3A_125 = arith.muli %add3A_110, %mul3A_124 : i32
        %dma_wait3A_126 = tpu.memref_slice %arg12[%mul3A_125] : memref<10000xi32, #tpu.memory_space<vmem>> -> memref<80xi32, #tpu.memory_space<vmem>>
        %dma_wait3A_127 = arith.constant 0 : i32
        %dma_wait3A_128 = arith.constant 0 : i32
        %dma_wait3A_129 = tpu.memref_slice %arg5[%dma_wait3A_127, %dma_wait3A_128] : memref<10000x64xf32, #tpu.memory_space<hbm>> -> memref<10000x64xf32, #tpu.memory_space<hbm>>
        tpu.wait_indirect_dma semaphore(%arg20 : memref<!tpu.dma_semaphore, #tpu.memory_space<semaphore_mem>>) src(%dma_wait3A_129 : memref<10000x64xf32, #tpu.memory_space<hbm>>) dst(%arg14 : memref<80x64xf32, #tpu.memory_space<vmem>>)
        %mul3A_130 = arith.constant 80 : i32
        %mul3A_131 = arith.muli %add3A_110, %mul3A_130 : i32
        %dma_start3A_132 = tpu.memref_slice %arg13[%mul3A_131] : memref<10000xi32, #tpu.memory_space<vmem>> -> memref<80xi32, #tpu.memory_space<vmem>>
        %dma_start3A_133 = arith.constant 0 : i32
        %dma_start3A_134 = arith.constant 0 : i32
        %dma_start3A_135 = tpu.memref_slice %arg19[%dma_start3A_133, %dma_start3A_134] : memref<10000x64xf32, #tpu.memory_space<vmem_shared>> -> memref<10000x64xf32, #tpu.memory_space<vmem_shared>>
        tpu.enqueue_indirect_dma source(%arg14 : memref<80x64xf32, #tpu.memory_space<vmem>>) target(%dma_start3A_135 : memref<10000x64xf32, #tpu.memory_space<vmem_shared>>) offsets(%dma_start3A_132 : memref<80xi32, #tpu.memory_space<vmem>>) semaphore(%arg25 : memref<!tpu.dma_semaphore, #tpu.memory_space<semaphore_mem>>) {add = true}
        %mul3A_136 = arith.constant 5 : i32
        %mul3A_137 = arith.muli %scan3A_107, %mul3A_136 : i32
        %add3A_138 = arith.constant 1 : i32
        %add3A_139 = arith.addi %mul3A_137, %add3A_138 : i32
        %sub3A_140 = arith.constant 1 : i32
        %sub3A_141 = arith.subi %add3A_139, %sub3A_140 : i32
        %mul3A_142 = arith.constant 80 : i32
        %mul3A_143 = arith.muli %sub3A_141, %mul3A_142 : i32
        %dma_wait3A_144 = tpu.memref_slice %arg13[%mul3A_143] : memref<10000xi32, #tpu.memory_space<vmem>> -> memref<80xi32, #tpu.memory_space<vmem>>
        %dma_wait3A_145 = arith.constant 0 : i32
        %dma_wait3A_146 = arith.constant 0 : i32
        %dma_wait3A_147 = tpu.memref_slice %arg19[%dma_wait3A_145, %dma_wait3A_146] : memref<10000x64xf32, #tpu.memory_space<vmem_shared>> -> memref<10000x64xf32, #tpu.memory_space<vmem_shared>>
        tpu.wait_indirect_dma semaphore(%arg25 : memref<!tpu.dma_semaphore, #tpu.memory_space<semaphore_mem>>) src(%arg14 : memref<80x64xf32, #tpu.memory_space<vmem>>) dst(%dma_wait3A_147 : memref<10000x64xf32, #tpu.memory_space<vmem_shared>>)
        %lt3A = arith.constant 24 : i32
        %lt3A_148 = arith.cmpi slt, %scan3A_107, %lt3A : i32
        %convert_element_type3A_149 = arith.extui %lt3A_148 : i1 to i32
        %cond3A_150 = arith.constant 0 : i32
        %cond3A_151 = arith.cmpi ne, %convert_element_type3A_149, %cond3A_150 : i32
        scf.if %cond3A_151 {
          %add3A_251 = arith.constant 5 : i32
          %add3A_252 = arith.addi %add3A_139, %add3A_251 : i32
          %sub3A_253 = arith.constant 1 : i32
          %sub3A_254 = arith.subi %add3A_252, %sub3A_253 : i32
          %mul3A_255 = arith.constant 80 : i32
          %mul3A_256 = arith.muli %sub3A_254, %mul3A_255 : i32
          %dma_start3A_257 = tpu.memref_slice %arg12[%mul3A_256] : memref<10000xi32, #tpu.memory_space<vmem>> -> memref<80xi32, #tpu.memory_space<vmem>>
          %dma_start3A_258 = arith.constant 0 : i32
          %dma_start3A_259 = arith.constant 0 : i32
          %dma_start3A_260 = tpu.memref_slice %arg5[%dma_start3A_258, %dma_start3A_259] : memref<10000x64xf32, #tpu.memory_space<hbm>> -> memref<10000x64xf32, #tpu.memory_space<hbm>>
          tpu.enqueue_indirect_dma source(%dma_start3A_260 : memref<10000x64xf32, #tpu.memory_space<hbm>>) target(%arg14 : memref<80x64xf32, #tpu.memory_space<vmem>>) offsets(%dma_start3A_257 : memref<80xi32, #tpu.memory_space<vmem>>) semaphore(%arg20 : memref<!tpu.dma_semaphore, #tpu.memory_space<semaphore_mem>>)
        } else {
        }
        %mul3A_152 = arith.constant 80 : i32
        %mul3A_153 = arith.muli %add3A_139, %mul3A_152 : i32
        %dma_wait3A_154 = tpu.memref_slice %arg12[%mul3A_153] : memref<10000xi32, #tpu.memory_space<vmem>> -> memref<80xi32, #tpu.memory_space<vmem>>
        %dma_wait3A_155 = arith.constant 0 : i32
        %dma_wait3A_156 = arith.constant 0 : i32
        %dma_wait3A_157 = tpu.memref_slice %arg5[%dma_wait3A_155, %dma_wait3A_156] : memref<10000x64xf32, #tpu.memory_space<hbm>> -> memref<10000x64xf32, #tpu.memory_space<hbm>>
        tpu.wait_indirect_dma semaphore(%arg21 : memref<!tpu.dma_semaphore, #tpu.memory_space<semaphore_mem>>) src(%dma_wait3A_157 : memref<10000x64xf32, #tpu.memory_space<hbm>>) dst(%arg15 : memref<80x64xf32, #tpu.memory_space<vmem>>)
        %mul3A_158 = arith.constant 80 : i32
        %mul3A_159 = arith.muli %add3A_139, %mul3A_158 : i32
        %dma_start3A_160 = tpu.memref_slice %arg13[%mul3A_159] : memref<10000xi32, #tpu.memory_space<vmem>> -> memref<80xi32, #tpu.memory_space<vmem>>
        %dma_start3A_161 = arith.constant 0 : i32
        %dma_start3A_162 = arith.constant 0 : i32
        %dma_start3A_163 = tpu.memref_slice %arg19[%dma_start3A_161, %dma_start3A_162] : memref<10000x64xf32, #tpu.memory_space<vmem_shared>> -> memref<10000x64xf32, #tpu.memory_space<vmem_shared>>
        tpu.enqueue_indirect_dma source(%arg15 : memref<80x64xf32, #tpu.memory_space<vmem>>) target(%dma_start3A_163 : memref<10000x64xf32, #tpu.memory_space<vmem_shared>>) offsets(%dma_start3A_160 : memref<80xi32, #tpu.memory_space<vmem>>) semaphore(%arg26 : memref<!tpu.dma_semaphore, #tpu.memory_space<semaphore_mem>>) {add = true}
        %mul3A_164 = arith.constant 5 : i32
        %mul3A_165 = arith.muli %scan3A_107, %mul3A_164 : i32
        %add3A_166 = arith.constant 2 : i32
        %add3A_167 = arith.addi %mul3A_165, %add3A_166 : i32
        %sub3A_168 = arith.constant 1 : i32
        %sub3A_169 = arith.subi %add3A_167, %sub3A_168 : i32
        %mul3A_170 = arith.constant 80 : i32
        %mul3A_171 = arith.muli %sub3A_169, %mul3A_170 : i32
        %dma_wait3A_172 = tpu.memref_slice %arg13[%mul3A_171] : memref<10000xi32, #tpu.memory_space<vmem>> -> memref<80xi32, #tpu.memory_space<vmem>>
        %dma_wait3A_173 = arith.constant 0 : i32
        %dma_wait3A_174 = arith.constant 0 : i32
        %dma_wait3A_175 = tpu.memref_slice %arg19[%dma_wait3A_173, %dma_wait3A_174] : memref<10000x64xf32, #tpu.memory_space<vmem_shared>> -> memref<10000x64xf32, #tpu.memory_space<vmem_shared>>
        tpu.wait_indirect_dma semaphore(%arg26 : memref<!tpu.dma_semaphore, #tpu.memory_space<semaphore_mem>>) src(%arg15 : memref<80x64xf32, #tpu.memory_space<vmem>>) dst(%dma_wait3A_175 : memref<10000x64xf32, #tpu.memory_space<vmem_shared>>)
        %lt3A_176 = arith.constant 24 : i32
        %lt3A_177 = arith.cmpi slt, %scan3A_107, %lt3A_176 : i32
        %convert_element_type3A_178 = arith.extui %lt3A_177 : i1 to i32
        %cond3A_179 = arith.constant 0 : i32
        %cond3A_180 = arith.cmpi ne, %convert_element_type3A_178, %cond3A_179 : i32
        scf.if %cond3A_180 {
          %add3A_251 = arith.constant 5 : i32
          %add3A_252 = arith.addi %add3A_167, %add3A_251 : i32
          %sub3A_253 = arith.constant 1 : i32
          %sub3A_254 = arith.subi %add3A_252, %sub3A_253 : i32
          %mul3A_255 = arith.constant 80 : i32
          %mul3A_256 = arith.muli %sub3A_254, %mul3A_255 : i32
          %dma_start3A_257 = tpu.memref_slice %arg12[%mul3A_256] : memref<10000xi32, #tpu.memory_space<vmem>> -> memref<80xi32, #tpu.memory_space<vmem>>
          %dma_start3A_258 = arith.constant 0 : i32
          %dma_start3A_259 = arith.constant 0 : i32
          %dma_start3A_260 = tpu.memref_slice %arg5[%dma_start3A_258, %dma_start3A_259] : memref<10000x64xf32, #tpu.memory_space<hbm>> -> memref<10000x64xf32, #tpu.memory_space<hbm>>
          tpu.enqueue_indirect_dma source(%dma_start3A_260 : memref<10000x64xf32, #tpu.memory_space<hbm>>) target(%arg15 : memref<80x64xf32, #tpu.memory_space<vmem>>) offsets(%dma_start3A_257 : memref<80xi32, #tpu.memory_space<vmem>>) semaphore(%arg21 : memref<!tpu.dma_semaphore, #tpu.memory_space<semaphore_mem>>)
        } else {
        }
        %mul3A_181 = arith.constant 80 : i32
        %mul3A_182 = arith.muli %add3A_167, %mul3A_181 : i32
        %dma_wait3A_183 = tpu.memref_slice %arg12[%mul3A_182] : memref<10000xi32, #tpu.memory_space<vmem>> -> memref<80xi32, #tpu.memory_space<vmem>>
        %dma_wait3A_184 = arith.constant 0 : i32
        %dma_wait3A_185 = arith.constant 0 : i32
        %dma_wait3A_186 = tpu.memref_slice %arg5[%dma_wait3A_184, %dma_wait3A_185] : memref<10000x64xf32, #tpu.memory_space<hbm>> -> memref<10000x64xf32, #tpu.memory_space<hbm>>
        tpu.wait_indirect_dma semaphore(%arg22 : memref<!tpu.dma_semaphore, #tpu.memory_space<semaphore_mem>>) src(%dma_wait3A_186 : memref<10000x64xf32, #tpu.memory_space<hbm>>) dst(%arg16 : memref<80x64xf32, #tpu.memory_space<vmem>>)
        %mul3A_187 = arith.constant 80 : i32
        %mul3A_188 = arith.muli %add3A_167, %mul3A_187 : i32
        %dma_start3A_189 = tpu.memref_slice %arg13[%mul3A_188] : memref<10000xi32, #tpu.memory_space<vmem>> -> memref<80xi32, #tpu.memory_space<vmem>>
        %dma_start3A_190 = arith.constant 0 : i32
        %dma_start3A_191 = arith.constant 0 : i32
        %dma_start3A_192 = tpu.memref_slice %arg19[%dma_start3A_190, %dma_start3A_191] : memref<10000x64xf32, #tpu.memory_space<vmem_shared>> -> memref<10000x64xf32, #tpu.memory_space<vmem_shared>>
        tpu.enqueue_indirect_dma source(%arg16 : memref<80x64xf32, #tpu.memory_space<vmem>>) target(%dma_start3A_192 : memref<10000x64xf32, #tpu.memory_space<vmem_shared>>) offsets(%dma_start3A_189 : memref<80xi32, #tpu.memory_space<vmem>>) semaphore(%arg27 : memref<!tpu.dma_semaphore, #tpu.memory_space<semaphore_mem>>) {add = true}
        %mul3A_193 = arith.constant 5 : i32
        %mul3A_194 = arith.muli %scan3A_107, %mul3A_193 : i32
        %add3A_195 = arith.constant 3 : i32
        %add3A_196 = arith.addi %mul3A_194, %add3A_195 : i32
        %sub3A_197 = arith.constant 1 : i32
        %sub3A_198 = arith.subi %add3A_196, %sub3A_197 : i32
        %mul3A_199 = arith.constant 80 : i32
        %mul3A_200 = arith.muli %sub3A_198, %mul3A_199 : i32
        %dma_wait3A_201 = tpu.memref_slice %arg13[%mul3A_200] : memref<10000xi32, #tpu.memory_space<vmem>> -> memref<80xi32, #tpu.memory_space<vmem>>
        %dma_wait3A_202 = arith.constant 0 : i32
        %dma_wait3A_203 = arith.constant 0 : i32
        %dma_wait3A_204 = tpu.memref_slice %arg19[%dma_wait3A_202, %dma_wait3A_203] : memref<10000x64xf32, #tpu.memory_space<vmem_shared>> -> memref<10000x64xf32, #tpu.memory_space<vmem_shared>>
        tpu.wait_indirect_dma semaphore(%arg27 : memref<!tpu.dma_semaphore, #tpu.memory_space<semaphore_mem>>) src(%arg16 : memref<80x64xf32, #tpu.memory_space<vmem>>) dst(%dma_wait3A_204 : memref<10000x64xf32, #tpu.memory_space<vmem_shared>>)
        %lt3A_205 = arith.constant 24 : i32
        %lt3A_206 = arith.cmpi slt, %scan3A_107, %lt3A_205 : i32
        %convert_element_type3A_207 = arith.extui %lt3A_206 : i1 to i32
        %cond3A_208 = arith.constant 0 : i32
        %cond3A_209 = arith.cmpi ne, %convert_element_type3A_207, %cond3A_208 : i32
        scf.if %cond3A_209 {
          %add3A_251 = arith.constant 5 : i32
          %add3A_252 = arith.addi %add3A_196, %add3A_251 : i32
          %sub3A_253 = arith.constant 1 : i32
          %sub3A_254 = arith.subi %add3A_252, %sub3A_253 : i32
          %mul3A_255 = arith.constant 80 : i32
          %mul3A_256 = arith.muli %sub3A_254, %mul3A_255 : i32
          %dma_start3A_257 = tpu.memref_slice %arg12[%mul3A_256] : memref<10000xi32, #tpu.memory_space<vmem>> -> memref<80xi32, #tpu.memory_space<vmem>>
          %dma_start3A_258 = arith.constant 0 : i32
          %dma_start3A_259 = arith.constant 0 : i32
          %dma_start3A_260 = tpu.memref_slice %arg5[%dma_start3A_258, %dma_start3A_259] : memref<10000x64xf32, #tpu.memory_space<hbm>> -> memref<10000x64xf32, #tpu.memory_space<hbm>>
          tpu.enqueue_indirect_dma source(%dma_start3A_260 : memref<10000x64xf32, #tpu.memory_space<hbm>>) target(%arg16 : memref<80x64xf32, #tpu.memory_space<vmem>>) offsets(%dma_start3A_257 : memref<80xi32, #tpu.memory_space<vmem>>) semaphore(%arg22 : memref<!tpu.dma_semaphore, #tpu.memory_space<semaphore_mem>>)
        } else {
        }
        %mul3A_210 = arith.constant 80 : i32
        %mul3A_211 = arith.muli %add3A_196, %mul3A_210 : i32
        %dma_wait3A_212 = tpu.memref_slice %arg12[%mul3A_211] : memref<10000xi32, #tpu.memory_space<vmem>> -> memref<80xi32, #tpu.memory_space<vmem>>
        %dma_wait3A_213 = arith.constant 0 : i32
        %dma_wait3A_214 = arith.constant 0 : i32
        %dma_wait3A_215 = tpu.memref_slice %arg5[%dma_wait3A_213, %dma_wait3A_214] : memref<10000x64xf32, #tpu.memory_space<hbm>> -> memref<10000x64xf32, #tpu.memory_space<hbm>>
        tpu.wait_indirect_dma semaphore(%arg23 : memref<!tpu.dma_semaphore, #tpu.memory_space<semaphore_mem>>) src(%dma_wait3A_215 : memref<10000x64xf32, #tpu.memory_space<hbm>>) dst(%arg17 : memref<80x64xf32, #tpu.memory_space<vmem>>)
        %mul3A_216 = arith.constant 80 : i32
        %mul3A_217 = arith.muli %add3A_196, %mul3A_216 : i32
        %dma_start3A_218 = tpu.memref_slice %arg13[%mul3A_217] : memref<10000xi32, #tpu.memory_space<vmem>> -> memref<80xi32, #tpu.memory_space<vmem>>
        %dma_start3A_219 = arith.constant 0 : i32
        %dma_start3A_220 = arith.constant 0 : i32
        %dma_start3A_221 = tpu.memref_slice %arg19[%dma_start3A_219, %dma_start3A_220] : memref<10000x64xf32, #tpu.memory_space<vmem_shared>> -> memref<10000x64xf32, #tpu.memory_space<vmem_shared>>
        tpu.enqueue_indirect_dma source(%arg17 : memref<80x64xf32, #tpu.memory_space<vmem>>) target(%dma_start3A_221 : memref<10000x64xf32, #tpu.memory_space<vmem_shared>>) offsets(%dma_start3A_218 : memref<80xi32, #tpu.memory_space<vmem>>) semaphore(%arg28 : memref<!tpu.dma_semaphore, #tpu.memory_space<semaphore_mem>>) {add = true}
        %mul3A_222 = arith.constant 5 : i32
        %mul3A_223 = arith.muli %scan3A_107, %mul3A_222 : i32
        %add3A_224 = arith.constant 4 : i32
        %add3A_225 = arith.addi %mul3A_223, %add3A_224 : i32
        %sub3A_226 = arith.constant 1 : i32
        %sub3A_227 = arith.subi %add3A_225, %sub3A_226 : i32
        %mul3A_228 = arith.constant 80 : i32
        %mul3A_229 = arith.muli %sub3A_227, %mul3A_228 : i32
        %dma_wait3A_230 = tpu.memref_slice %arg13[%mul3A_229] : memref<10000xi32, #tpu.memory_space<vmem>> -> memref<80xi32, #tpu.memory_space<vmem>>
        %dma_wait3A_231 = arith.constant 0 : i32
        %dma_wait3A_232 = arith.constant 0 : i32
        %dma_wait3A_233 = tpu.memref_slice %arg19[%dma_wait3A_231, %dma_wait3A_232] : memref<10000x64xf32, #tpu.memory_space<vmem_shared>> -> memref<10000x64xf32, #tpu.memory_space<vmem_shared>>
        tpu.wait_indirect_dma semaphore(%arg28 : memref<!tpu.dma_semaphore, #tpu.memory_space<semaphore_mem>>) src(%arg17 : memref<80x64xf32, #tpu.memory_space<vmem>>) dst(%dma_wait3A_233 : memref<10000x64xf32, #tpu.memory_space<vmem_shared>>)
        %lt3A_234 = arith.constant 24 : i32
        %lt3A_235 = arith.cmpi slt, %scan3A_107, %lt3A_234 : i32
        %convert_element_type3A_236 = arith.extui %lt3A_235 : i1 to i32
        %cond3A_237 = arith.constant 0 : i32
        %cond3A_238 = arith.cmpi ne, %convert_element_type3A_236, %cond3A_237 : i32
        scf.if %cond3A_238 {
          %add3A_251 = arith.constant 5 : i32
          %add3A_252 = arith.addi %add3A_225, %add3A_251 : i32
          %sub3A_253 = arith.constant 1 : i32
          %sub3A_254 = arith.subi %add3A_252, %sub3A_253 : i32
          %mul3A_255 = arith.constant 80 : i32
          %mul3A_256 = arith.muli %sub3A_254, %mul3A_255 : i32
          %dma_start3A_257 = tpu.memref_slice %arg12[%mul3A_256] : memref<10000xi32, #tpu.memory_space<vmem>> -> memref<80xi32, #tpu.memory_space<vmem>>
          %dma_start3A_258 = arith.constant 0 : i32
          %dma_start3A_259 = arith.constant 0 : i32
          %dma_start3A_260 = tpu.memref_slice %arg5[%dma_start3A_258, %dma_start3A_259] : memref<10000x64xf32, #tpu.memory_space<hbm>> -> memref<10000x64xf32, #tpu.memory_space<hbm>>
          tpu.enqueue_indirect_dma source(%dma_start3A_260 : memref<10000x64xf32, #tpu.memory_space<hbm>>) target(%arg17 : memref<80x64xf32, #tpu.memory_space<vmem>>) offsets(%dma_start3A_257 : memref<80xi32, #tpu.memory_space<vmem>>) semaphore(%arg23 : memref<!tpu.dma_semaphore, #tpu.memory_space<semaphore_mem>>)
        } else {
        }
        %mul3A_239 = arith.constant 80 : i32
        %mul3A_240 = arith.muli %add3A_225, %mul3A_239 : i32
        %dma_wait3A_241 = tpu.memref_slice %arg12[%mul3A_240] : memref<10000xi32, #tpu.memory_space<vmem>> -> memref<80xi32, #tpu.memory_space<vmem>>
        %dma_wait3A_242 = arith.constant 0 : i32
        %dma_wait3A_243 = arith.constant 0 : i32
        %dma_wait3A_244 = tpu.memref_slice %arg5[%dma_wait3A_242, %dma_wait3A_243] : memref<10000x64xf32, #tpu.memory_space<hbm>> -> memref<10000x64xf32, #tpu.memory_space<hbm>>
        tpu.wait_indirect_dma semaphore(%arg24 : memref<!tpu.dma_semaphore, #tpu.memory_space<semaphore_mem>>) src(%dma_wait3A_244 : memref<10000x64xf32, #tpu.memory_space<hbm>>) dst(%arg18 : memref<80x64xf32, #tpu.memory_space<vmem>>)
        %mul3A_245 = arith.constant 80 : i32
        %mul3A_246 = arith.muli %add3A_225, %mul3A_245 : i32
        %dma_start3A_247 = tpu.memref_slice %arg13[%mul3A_246] : memref<10000xi32, #tpu.memory_space<vmem>> -> memref<80xi32, #tpu.memory_space<vmem>>
        %dma_start3A_248 = arith.constant 0 : i32
        %dma_start3A_249 = arith.constant 0 : i32
        %dma_start3A_250 = tpu.memref_slice %arg19[%dma_start3A_248, %dma_start3A_249] : memref<10000x64xf32, #tpu.memory_space<vmem_shared>> -> memref<10000x64xf32, #tpu.memory_space<vmem_shared>>
        tpu.enqueue_indirect_dma source(%arg18 : memref<80x64xf32, #tpu.memory_space<vmem>>) target(%dma_start3A_250 : memref<10000x64xf32, #tpu.memory_space<vmem_shared>>) offsets(%dma_start3A_247 : memref<80xi32, #tpu.memory_space<vmem>>) semaphore(%arg29 : memref<!tpu.dma_semaphore, #tpu.memory_space<semaphore_mem>>) {add = true}
      }
      %scan3A_90 = arith.constant 25 : i32
      %dma_wait3A_91 = arith.constant 9920 : i32
      %dma_wait3A_92 = tpu.memref_slice %arg13[%dma_wait3A_91] : memref<10000xi32, #tpu.memory_space<vmem>> -> memref<80xi32, #tpu.memory_space<vmem>>
      %dma_wait3A_93 = arith.constant 0 : i32
      %dma_wait3A_94 = arith.constant 0 : i32
      %dma_wait3A_95 = tpu.memref_slice %arg19[%dma_wait3A_93, %dma_wait3A_94] : memref<10000x64xf32, #tpu.memory_space<vmem_shared>> -> memref<10000x64xf32, #tpu.memory_space<vmem_shared>>
      tpu.wait_indirect_dma semaphore(%arg29 : memref<!tpu.dma_semaphore, #tpu.memory_space<semaphore_mem>>) src(%arg18 : memref<80x64xf32, #tpu.memory_space<vmem>>) dst(%dma_wait3A_95 : memref<10000x64xf32, #tpu.memory_space<vmem_shared>>)
      %barrier3A_96 = arith.constant 0 : index
      tpu.barrier barrier_id(%barrier3A_96)
      %mul3A_97 = arith.constant 624 : i32
      %mul3A_98 = arith.muli %arg1, %mul3A_97 : i32
      %mul3A_99 = arith.constant 624 : i32
      %mul3A_100 = arith.muli %arg1, %mul3A_99 : i32
      "tpu.region"() ({
        %run_scoped3A_107 = tpu.sem_alloc : memref<!tpu.dma_semaphore, #tpu.memory_space<semaphore_mem>>
        %dma_start3A_108 = arith.constant 0 : i32
        %dma_start3A_109 = tpu.memref_slice %arg11[%mul3A_100, %dma_start3A_108] : memref<10000x64xf32, #tpu.memory_space<hbm>> -> memref<624x64xf32, #tpu.memory_space<hbm>>
        %dma_start3A_110 = arith.constant 0 : i32
        %dma_start3A_111 = tpu.memref_slice %arg19[%mul3A_98, %dma_start3A_110] : memref<10000x64xf32, #tpu.memory_space<vmem_shared>> -> memref<624x64xf32, #tpu.memory_space<vmem_shared>>
        tpu.enqueue_dma source(%dma_start3A_111 : memref<624x64xf32, #tpu.memory_space<vmem_shared>>) target(%dma_start3A_109 : memref<624x64xf32, #tpu.memory_space<hbm>>) target_semaphore(%run_scoped3A_107 : memref<!tpu.dma_semaphore, #tpu.memory_space<semaphore_mem>>)
        %dma_wait3A_112 = arith.constant 0 : i32
        %dma_wait3A_113 = tpu.memref_slice %arg11[%mul3A_100, %dma_wait3A_112] : memref<10000x64xf32, #tpu.memory_space<hbm>> -> memref<624x64xf32, #tpu.memory_space<hbm>>
        %dma_wait3A_114 = arith.constant 0 : i32
        %dma_wait3A_115 = tpu.memref_slice %arg19[%mul3A_98, %dma_wait3A_114] : memref<10000x64xf32, #tpu.memory_space<vmem_shared>> -> memref<624x64xf32, #tpu.memory_space<vmem_shared>>
        tpu.wait_dma2 semaphore(%run_scoped3A_107 : memref<!tpu.dma_semaphore, #tpu.memory_space<semaphore_mem>>) src(%dma_wait3A_115 : memref<624x64xf32, #tpu.memory_space<vmem_shared>>) dst(%dma_wait3A_113 : memref<624x64xf32, #tpu.memory_space<hbm>>)
        tpu.yield
      }) : () -> ()
      %eq3A_101 = arith.constant 15 : i32
      %eq3A_102 = arith.cmpi eq, %arg1, %eq3A_101 : i32
      %convert_element_type3A_103 = arith.extui %eq3A_102 : i1 to i32
      %cond3A_104 = arith.constant 0 : i32
      %cond3A_105 = arith.cmpi ne, %convert_element_type3A_103, %cond3A_104 : i32
      scf.if %cond3A_105 {
        "tpu.region"() ({
          %run_scoped3A_107 = tpu.sem_alloc : memref<!tpu.dma_semaphore, #tpu.memory_space<semaphore_mem>>
          %dma_start3A_108 = arith.constant 9984 : i32
          %dma_start3A_109 = arith.constant 0 : i32
          %dma_start3A_110 = tpu.memref_slice %arg11[%dma_start3A_108, %dma_start3A_109] : memref<10000x64xf32, #tpu.memory_space<hbm>> -> memref<16x64xf32, #tpu.memory_space<hbm>>
          %dma_start3A_111 = arith.constant 9984 : i32
          %dma_start3A_112 = arith.constant 0 : i32
          %dma_start3A_113 = tpu.memref_slice %arg19[%dma_start3A_111, %dma_start3A_112] : memref<10000x64xf32, #tpu.memory_space<vmem_shared>> -> memref<16x64xf32, #tpu.memory_space<vmem_shared>>
          tpu.enqueue_dma source(%dma_start3A_113 : memref<16x64xf32, #tpu.memory_space<vmem_shared>>) target(%dma_start3A_110 : memref<16x64xf32, #tpu.memory_space<hbm>>) target_semaphore(%run_scoped3A_107 : memref<!tpu.dma_semaphore, #tpu.memory_space<semaphore_mem>>)
          %dma_wait3A_114 = arith.constant 9984 : i32
          %dma_wait3A_115 = arith.constant 0 : i32
          %dma_wait3A_116 = tpu.memref_slice %arg11[%dma_wait3A_114, %dma_wait3A_115] : memref<10000x64xf32, #tpu.memory_space<hbm>> -> memref<16x64xf32, #tpu.memory_space<hbm>>
          %dma_wait3A_117 = arith.constant 9984 : i32
          %dma_wait3A_118 = arith.constant 0 : i32
          %dma_wait3A_119 = tpu.memref_slice %arg19[%dma_wait3A_117, %dma_wait3A_118] : memref<10000x64xf32, #tpu.memory_space<vmem_shared>> -> memref<16x64xf32, #tpu.memory_space<vmem_shared>>
          tpu.wait_dma2 semaphore(%run_scoped3A_107 : memref<!tpu.dma_semaphore, #tpu.memory_space<semaphore_mem>>) src(%dma_wait3A_119 : memref<16x64xf32, #tpu.memory_space<vmem_shared>>) dst(%dma_wait3A_116 : memref<16x64xf32, #tpu.memory_space<hbm>>)
          tpu.yield
        }) : () -> ()
      } else {
      }
      %barrier3A_106 = arith.constant 0 : index
      tpu.barrier barrier_id(%barrier3A_106)
    } else {
    }
    return
  }
}

#map = affine_map<(d0, d1) -> (0, 0)>
module attributes {stable_mosaic.version = 14 : i64} {
  func.func @_agg_o(%arg0: i32, %arg1: i32, %arg2: memref<10000x32xf32, #tpu.memory_space<hbm>>, %arg3: memref<10000x32xf32, #tpu.memory_space<hbm>>, %arg4: memref<2x160000xi32, #tpu.memory_space<hbm>>, %arg5: memref<624x32xf32, #tpu.memory_space<hbm>>, %arg6: memref<10000x32xf32, #tpu.memory_space<hbm>>, %arg7: memref<2x32xf32, #tpu.memory_space<hbm>>, %arg8: memref<10000x64xf32, #tpu.memory_space<hbm>>, %arg9: memref<10000xi32, #tpu.memory_space<vmem>>, %arg10: memref<10000xi32, #tpu.memory_space<vmem>>, %arg11: memref<80x32xf32, #tpu.memory_space<vmem>>, %arg12: memref<80x32xf32, #tpu.memory_space<vmem>>, %arg13: memref<80x32xf32, #tpu.memory_space<vmem>>, %arg14: memref<80x32xf32, #tpu.memory_space<vmem>>, %arg15: memref<80x32xf32, #tpu.memory_space<vmem>>, %arg16: memref<10000x32xf32, #tpu.memory_space<vmem_shared>>, %arg17: memref<640x32xf32, #tpu.memory_space<vmem>>, %arg18: memref<640x32xf32, #tpu.memory_space<vmem>>, %arg19: memref<2x32xf32, #tpu.memory_space<vmem>>, %arg20: memref<!tpu.dma_semaphore, #tpu.memory_space<semaphore_mem>>, %arg21: memref<!tpu.dma_semaphore, #tpu.memory_space<semaphore_mem>>, %arg22: memref<!tpu.dma_semaphore, #tpu.memory_space<semaphore_mem>>, %arg23: memref<!tpu.dma_semaphore, #tpu.memory_space<semaphore_mem>>, %arg24: memref<!tpu.dma_semaphore, #tpu.memory_space<semaphore_mem>>, %arg25: memref<!tpu.dma_semaphore, #tpu.memory_space<semaphore_mem>>, %arg26: memref<!tpu.dma_semaphore, #tpu.memory_space<semaphore_mem>>, %arg27: memref<!tpu.dma_semaphore, #tpu.memory_space<semaphore_mem>>, %arg28: memref<!tpu.dma_semaphore, #tpu.memory_space<semaphore_mem>>, %arg29: memref<!tpu.dma_semaphore, #tpu.memory_space<semaphore_mem>>) attributes {dimension_semantics = [#tpu.dimension_semantics<core_parallel>, #tpu.dimension_semantics<subcore_parallel>], iteration_bounds = array<i64: 2, 16>, scalar_prefetch = 0 : i64, scratch_operands = 21 : i64, tpu.core_type = #tpu.core_type<sc_vector_subcore>, window_params = [{transform_indices = #map}, {transform_indices = #map}, {transform_indices = #map}, {transform_indices = #map}, {transform_indices = #map}, {transform_indices = #map}, {transform_indices = #map}]} {
    %mul3A = arith.constant 10000 : i32
    %mul3A_0 = arith.muli %arg1, %mul3A : i32
    %run_scoped3A = arith.constant 0 : i32
    "tpu.region"() ({
      %run_scoped3A_18 = tpu.sem_alloc : memref<!tpu.dma_semaphore, #tpu.memory_space<semaphore_mem>>
      %dma_start3A = tpu.memref_slice %arg4[%run_scoped3A, %mul3A_0] : memref<2x160000xi32, #tpu.memory_space<hbm>> -> memref<1x10000xi32, #tpu.memory_space<hbm>>
      %dma_start3A_19 = tpu.memref_squeeze %dma_start3A : memref<1x10000xi32, #tpu.memory_space<hbm>> -> memref<10000xi32, #tpu.memory_space<hbm>>
      %dma_start3A_20 = tpu.memref_slice %arg4[%run_scoped3A, %mul3A_0] : memref<2x160000xi32, #tpu.memory_space<hbm>> -> memref<1x10000xi32, #tpu.memory_space<hbm>>
      %dma_start3A_21 = tpu.memref_squeeze %dma_start3A_20 : memref<1x10000xi32, #tpu.memory_space<hbm>> -> memref<10000xi32, #tpu.memory_space<hbm>>
      tpu.enqueue_dma source(%dma_start3A_21 : memref<10000xi32, #tpu.memory_space<hbm>>) target(%arg9 : memref<10000xi32, #tpu.memory_space<vmem>>) target_semaphore(%run_scoped3A_18 : memref<!tpu.dma_semaphore, #tpu.memory_space<semaphore_mem>>)
      %dma_wait3A = tpu.memref_slice %arg4[%run_scoped3A, %mul3A_0] : memref<2x160000xi32, #tpu.memory_space<hbm>> -> memref<1x10000xi32, #tpu.memory_space<hbm>>
      %dma_wait3A_22 = tpu.memref_squeeze %dma_wait3A : memref<1x10000xi32, #tpu.memory_space<hbm>> -> memref<10000xi32, #tpu.memory_space<hbm>>
      %dma_wait3A_23 = tpu.memref_slice %arg4[%run_scoped3A, %mul3A_0] : memref<2x160000xi32, #tpu.memory_space<hbm>> -> memref<1x10000xi32, #tpu.memory_space<hbm>>
      %dma_wait3A_24 = tpu.memref_squeeze %dma_wait3A_23 : memref<1x10000xi32, #tpu.memory_space<hbm>> -> memref<10000xi32, #tpu.memory_space<hbm>>
      tpu.wait_dma2 semaphore(%run_scoped3A_18 : memref<!tpu.dma_semaphore, #tpu.memory_space<semaphore_mem>>) src(%dma_wait3A_24 : memref<10000xi32, #tpu.memory_space<hbm>>) dst(%arg9 : memref<10000xi32, #tpu.memory_space<vmem>>)
      tpu.yield
    }) : () -> ()
    %mul3A_1 = arith.constant 10000 : i32
    %mul3A_2 = arith.muli %arg1, %mul3A_1 : i32
    %run_scoped3A_3 = arith.constant 1 : i32
    "tpu.region"() ({
      %run_scoped3A_18 = tpu.sem_alloc : memref<!tpu.dma_semaphore, #tpu.memory_space<semaphore_mem>>
      %dma_start3A = tpu.memref_slice %arg4[%run_scoped3A_3, %mul3A_2] : memref<2x160000xi32, #tpu.memory_space<hbm>> -> memref<1x10000xi32, #tpu.memory_space<hbm>>
      %dma_start3A_19 = tpu.memref_squeeze %dma_start3A : memref<1x10000xi32, #tpu.memory_space<hbm>> -> memref<10000xi32, #tpu.memory_space<hbm>>
      %dma_start3A_20 = tpu.memref_slice %arg4[%run_scoped3A_3, %mul3A_2] : memref<2x160000xi32, #tpu.memory_space<hbm>> -> memref<1x10000xi32, #tpu.memory_space<hbm>>
      %dma_start3A_21 = tpu.memref_squeeze %dma_start3A_20 : memref<1x10000xi32, #tpu.memory_space<hbm>> -> memref<10000xi32, #tpu.memory_space<hbm>>
      tpu.enqueue_dma source(%dma_start3A_21 : memref<10000xi32, #tpu.memory_space<hbm>>) target(%arg10 : memref<10000xi32, #tpu.memory_space<vmem>>) target_semaphore(%run_scoped3A_18 : memref<!tpu.dma_semaphore, #tpu.memory_space<semaphore_mem>>)
      %dma_wait3A = tpu.memref_slice %arg4[%run_scoped3A_3, %mul3A_2] : memref<2x160000xi32, #tpu.memory_space<hbm>> -> memref<1x10000xi32, #tpu.memory_space<hbm>>
      %dma_wait3A_22 = tpu.memref_squeeze %dma_wait3A : memref<1x10000xi32, #tpu.memory_space<hbm>> -> memref<10000xi32, #tpu.memory_space<hbm>>
      %dma_wait3A_23 = tpu.memref_slice %arg4[%run_scoped3A_3, %mul3A_2] : memref<2x160000xi32, #tpu.memory_space<hbm>> -> memref<1x10000xi32, #tpu.memory_space<hbm>>
      %dma_wait3A_24 = tpu.memref_squeeze %dma_wait3A_23 : memref<1x10000xi32, #tpu.memory_space<hbm>> -> memref<10000xi32, #tpu.memory_space<hbm>>
      tpu.wait_dma2 semaphore(%run_scoped3A_18 : memref<!tpu.dma_semaphore, #tpu.memory_space<semaphore_mem>>) src(%dma_wait3A_24 : memref<10000xi32, #tpu.memory_space<hbm>>) dst(%arg10 : memref<10000xi32, #tpu.memory_space<vmem>>)
      tpu.yield
    }) : () -> ()
    "tpu.region"() ({
      %run_scoped3A_18 = tpu.sem_alloc : memref<!tpu.dma_semaphore, #tpu.memory_space<semaphore_mem>>
      tpu.enqueue_dma source(%arg7 : memref<2x32xf32, #tpu.memory_space<hbm>>) target(%arg19 : memref<2x32xf32, #tpu.memory_space<vmem>>) target_semaphore(%run_scoped3A_18 : memref<!tpu.dma_semaphore, #tpu.memory_space<semaphore_mem>>)
      tpu.wait_dma2 semaphore(%run_scoped3A_18 : memref<!tpu.dma_semaphore, #tpu.memory_space<semaphore_mem>>) src(%arg7 : memref<2x32xf32, #tpu.memory_space<hbm>>) dst(%arg19 : memref<2x32xf32, #tpu.memory_space<vmem>>)
      tpu.yield
    }) : () -> ()
    %mul3A_4 = arith.constant 624 : i32
    %mul3A_5 = arith.muli %arg1, %mul3A_4 : i32
    "tpu.region"() ({
      %run_scoped3A_18 = tpu.sem_alloc : memref<!tpu.dma_semaphore, #tpu.memory_space<semaphore_mem>>
      %dma_start3A = arith.constant 0 : i32
      %dma_start3A_19 = arith.constant 0 : i32
      %dma_start3A_20 = tpu.memref_slice %arg18[%dma_start3A, %dma_start3A_19] : memref<640x32xf32, #tpu.memory_space<vmem>> -> memref<624x32xf32, #tpu.memory_space<vmem>>
      %dma_start3A_21 = arith.constant 0 : i32
      %dma_start3A_22 = tpu.memref_slice %arg6[%mul3A_5, %dma_start3A_21] : memref<10000x32xf32, #tpu.memory_space<hbm>> -> memref<624x32xf32, #tpu.memory_space<hbm>>
      %dma_start3A_23 = arith.constant 0 : i32
      %dma_start3A_24 = arith.constant 0 : i32
      %dma_start3A_25 = tpu.memref_slice %arg18[%dma_start3A_23, %dma_start3A_24] : memref<640x32xf32, #tpu.memory_space<vmem>> -> memref<624x32xf32, #tpu.memory_space<vmem>>
      %dma_start3A_26 = arith.constant 0 : i32
      %dma_start3A_27 = tpu.memref_slice %arg6[%mul3A_5, %dma_start3A_26] : memref<10000x32xf32, #tpu.memory_space<hbm>> -> memref<624x32xf32, #tpu.memory_space<hbm>>
      tpu.enqueue_dma source(%dma_start3A_27 : memref<624x32xf32, #tpu.memory_space<hbm>>) target(%dma_start3A_25 : memref<624x32xf32, #tpu.memory_space<vmem>>) target_semaphore(%run_scoped3A_18 : memref<!tpu.dma_semaphore, #tpu.memory_space<semaphore_mem>>)
      %dma_wait3A = arith.constant 0 : i32
      %dma_wait3A_28 = arith.constant 0 : i32
      %dma_wait3A_29 = tpu.memref_slice %arg18[%dma_wait3A, %dma_wait3A_28] : memref<640x32xf32, #tpu.memory_space<vmem>> -> memref<624x32xf32, #tpu.memory_space<vmem>>
      %dma_wait3A_30 = arith.constant 0 : i32
      %dma_wait3A_31 = tpu.memref_slice %arg6[%mul3A_5, %dma_wait3A_30] : memref<10000x32xf32, #tpu.memory_space<hbm>> -> memref<624x32xf32, #tpu.memory_space<hbm>>
      %dma_wait3A_32 = arith.constant 0 : i32
      %dma_wait3A_33 = arith.constant 0 : i32
      %dma_wait3A_34 = tpu.memref_slice %arg18[%dma_wait3A_32, %dma_wait3A_33] : memref<640x32xf32, #tpu.memory_space<vmem>> -> memref<624x32xf32, #tpu.memory_space<vmem>>
      %dma_wait3A_35 = arith.constant 0 : i32
      %dma_wait3A_36 = tpu.memref_slice %arg6[%mul3A_5, %dma_wait3A_35] : memref<10000x32xf32, #tpu.memory_space<hbm>> -> memref<624x32xf32, #tpu.memory_space<hbm>>
      tpu.wait_dma2 semaphore(%run_scoped3A_18 : memref<!tpu.dma_semaphore, #tpu.memory_space<semaphore_mem>>) src(%dma_wait3A_36 : memref<624x32xf32, #tpu.memory_space<hbm>>) dst(%dma_wait3A_34 : memref<624x32xf32, #tpu.memory_space<vmem>>)
      tpu.yield
    }) : () -> ()
    %eq3A = arith.constant 15 : i32
    %eq3A_6 = arith.cmpi eq, %arg1, %eq3A : i32
    %convert_element_type3A = arith.extui %eq3A_6 : i1 to i32
    %cond3A = arith.constant 0 : i32
    %cond3A_7 = arith.cmpi ne, %convert_element_type3A, %cond3A : i32
    scf.if %cond3A_7 {
      "tpu.region"() ({
        %run_scoped3A_18 = tpu.sem_alloc : memref<!tpu.dma_semaphore, #tpu.memory_space<semaphore_mem>>
        %dma_start3A = arith.constant 624 : i32
        %dma_start3A_19 = arith.constant 0 : i32
        %dma_start3A_20 = tpu.memref_slice %arg18[%dma_start3A, %dma_start3A_19] : memref<640x32xf32, #tpu.memory_space<vmem>> -> memref<16x32xf32, #tpu.memory_space<vmem>>
        %dma_start3A_21 = arith.constant 9984 : i32
        %dma_start3A_22 = arith.constant 0 : i32
        %dma_start3A_23 = tpu.memref_slice %arg6[%dma_start3A_21, %dma_start3A_22] : memref<10000x32xf32, #tpu.memory_space<hbm>> -> memref<16x32xf32, #tpu.memory_space<hbm>>
        %dma_start3A_24 = arith.constant 624 : i32
        %dma_start3A_25 = arith.constant 0 : i32
        %dma_start3A_26 = tpu.memref_slice %arg18[%dma_start3A_24, %dma_start3A_25] : memref<640x32xf32, #tpu.memory_space<vmem>> -> memref<16x32xf32, #tpu.memory_space<vmem>>
        %dma_start3A_27 = arith.constant 9984 : i32
        %dma_start3A_28 = arith.constant 0 : i32
        %dma_start3A_29 = tpu.memref_slice %arg6[%dma_start3A_27, %dma_start3A_28] : memref<10000x32xf32, #tpu.memory_space<hbm>> -> memref<16x32xf32, #tpu.memory_space<hbm>>
        tpu.enqueue_dma source(%dma_start3A_29 : memref<16x32xf32, #tpu.memory_space<hbm>>) target(%dma_start3A_26 : memref<16x32xf32, #tpu.memory_space<vmem>>) target_semaphore(%run_scoped3A_18 : memref<!tpu.dma_semaphore, #tpu.memory_space<semaphore_mem>>)
        %dma_wait3A = arith.constant 624 : i32
        %dma_wait3A_30 = arith.constant 0 : i32
        %dma_wait3A_31 = tpu.memref_slice %arg18[%dma_wait3A, %dma_wait3A_30] : memref<640x32xf32, #tpu.memory_space<vmem>> -> memref<16x32xf32, #tpu.memory_space<vmem>>
        %dma_wait3A_32 = arith.constant 9984 : i32
        %dma_wait3A_33 = arith.constant 0 : i32
        %dma_wait3A_34 = tpu.memref_slice %arg6[%dma_wait3A_32, %dma_wait3A_33] : memref<10000x32xf32, #tpu.memory_space<hbm>> -> memref<16x32xf32, #tpu.memory_space<hbm>>
        %dma_wait3A_35 = arith.constant 624 : i32
        %dma_wait3A_36 = arith.constant 0 : i32
        %dma_wait3A_37 = tpu.memref_slice %arg18[%dma_wait3A_35, %dma_wait3A_36] : memref<640x32xf32, #tpu.memory_space<vmem>> -> memref<16x32xf32, #tpu.memory_space<vmem>>
        %dma_wait3A_38 = arith.constant 9984 : i32
        %dma_wait3A_39 = arith.constant 0 : i32
        %dma_wait3A_40 = tpu.memref_slice %arg6[%dma_wait3A_38, %dma_wait3A_39] : memref<10000x32xf32, #tpu.memory_space<hbm>> -> memref<16x32xf32, #tpu.memory_space<hbm>>
        tpu.wait_dma2 semaphore(%run_scoped3A_18 : memref<!tpu.dma_semaphore, #tpu.memory_space<semaphore_mem>>) src(%dma_wait3A_40 : memref<16x32xf32, #tpu.memory_space<hbm>>) dst(%dma_wait3A_37 : memref<16x32xf32, #tpu.memory_space<vmem>>)
        tpu.yield
      }) : () -> ()
    } else {
    }
    %eq3A_8 = arith.constant 0 : i32
    %eq3A_9 = arith.cmpi eq, %arg0, %eq3A_8 : i32
    %convert_element_type3A_10 = arith.extui %eq3A_9 : i1 to i32
    %cond3A_11 = arith.constant 0 : i32
    %cond3A_12 = arith.cmpi ne, %convert_element_type3A_10, %cond3A_11 : i32
    scf.if %cond3A_12 {
      %mul3A_18 = arith.constant 624 : i32
      %mul3A_19 = arith.muli %arg1, %mul3A_18 : i32
      "tpu.region"() ({
        %run_scoped3A_79 = tpu.sem_alloc : memref<!tpu.dma_semaphore, #tpu.memory_space<semaphore_mem>>
        %dma_start3A_80 = arith.constant 0 : i32
        %dma_start3A_81 = tpu.memref_slice %arg16[%mul3A_19, %dma_start3A_80] : memref<10000x32xf32, #tpu.memory_space<vmem_shared>> -> memref<624x32xf32, #tpu.memory_space<vmem_shared>>
        %dma_start3A_82 = arith.constant 0 : i32
        %dma_start3A_83 = arith.constant 0 : i32
        %dma_start3A_84 = tpu.memref_slice %arg5[%dma_start3A_82, %dma_start3A_83] : memref<624x32xf32, #tpu.memory_space<hbm>> -> memref<624x32xf32, #tpu.memory_space<hbm>>
        tpu.enqueue_dma source(%dma_start3A_84 : memref<624x32xf32, #tpu.memory_space<hbm>>) target(%dma_start3A_81 : memref<624x32xf32, #tpu.memory_space<vmem_shared>>) target_semaphore(%run_scoped3A_79 : memref<!tpu.dma_semaphore, #tpu.memory_space<semaphore_mem>>)
        %dma_wait3A_85 = arith.constant 0 : i32
        %dma_wait3A_86 = tpu.memref_slice %arg16[%mul3A_19, %dma_wait3A_85] : memref<10000x32xf32, #tpu.memory_space<vmem_shared>> -> memref<624x32xf32, #tpu.memory_space<vmem_shared>>
        %dma_wait3A_87 = arith.constant 0 : i32
        %dma_wait3A_88 = arith.constant 0 : i32
        %dma_wait3A_89 = tpu.memref_slice %arg5[%dma_wait3A_87, %dma_wait3A_88] : memref<624x32xf32, #tpu.memory_space<hbm>> -> memref<624x32xf32, #tpu.memory_space<hbm>>
        tpu.wait_dma2 semaphore(%run_scoped3A_79 : memref<!tpu.dma_semaphore, #tpu.memory_space<semaphore_mem>>) src(%dma_wait3A_89 : memref<624x32xf32, #tpu.memory_space<hbm>>) dst(%dma_wait3A_86 : memref<624x32xf32, #tpu.memory_space<vmem_shared>>)
        tpu.yield
      }) : () -> ()
      %eq3A_20 = arith.constant 15 : i32
      %eq3A_21 = arith.cmpi eq, %arg1, %eq3A_20 : i32
      %convert_element_type3A_22 = arith.extui %eq3A_21 : i1 to i32
      %cond3A_23 = arith.constant 0 : i32
      %cond3A_24 = arith.cmpi ne, %convert_element_type3A_22, %cond3A_23 : i32
      scf.if %cond3A_24 {
        "tpu.region"() ({
          %run_scoped3A_79 = tpu.sem_alloc : memref<!tpu.dma_semaphore, #tpu.memory_space<semaphore_mem>>
          %dma_start3A_80 = arith.constant 9984 : i32
          %dma_start3A_81 = arith.constant 0 : i32
          %dma_start3A_82 = tpu.memref_slice %arg16[%dma_start3A_80, %dma_start3A_81] : memref<10000x32xf32, #tpu.memory_space<vmem_shared>> -> memref<16x32xf32, #tpu.memory_space<vmem_shared>>
          %dma_start3A_83 = arith.constant 0 : i32
          %dma_start3A_84 = arith.constant 0 : i32
          %dma_start3A_85 = tpu.memref_slice %arg5[%dma_start3A_83, %dma_start3A_84] : memref<624x32xf32, #tpu.memory_space<hbm>> -> memref<16x32xf32, #tpu.memory_space<hbm>>
          tpu.enqueue_dma source(%dma_start3A_85 : memref<16x32xf32, #tpu.memory_space<hbm>>) target(%dma_start3A_82 : memref<16x32xf32, #tpu.memory_space<vmem_shared>>) target_semaphore(%run_scoped3A_79 : memref<!tpu.dma_semaphore, #tpu.memory_space<semaphore_mem>>)
          %dma_wait3A_86 = arith.constant 9984 : i32
          %dma_wait3A_87 = arith.constant 0 : i32
          %dma_wait3A_88 = tpu.memref_slice %arg16[%dma_wait3A_86, %dma_wait3A_87] : memref<10000x32xf32, #tpu.memory_space<vmem_shared>> -> memref<16x32xf32, #tpu.memory_space<vmem_shared>>
          %dma_wait3A_89 = arith.constant 0 : i32
          %dma_wait3A_90 = arith.constant 0 : i32
          %dma_wait3A_91 = tpu.memref_slice %arg5[%dma_wait3A_89, %dma_wait3A_90] : memref<624x32xf32, #tpu.memory_space<hbm>> -> memref<16x32xf32, #tpu.memory_space<hbm>>
          tpu.wait_dma2 semaphore(%run_scoped3A_79 : memref<!tpu.dma_semaphore, #tpu.memory_space<semaphore_mem>>) src(%dma_wait3A_91 : memref<16x32xf32, #tpu.memory_space<hbm>>) dst(%dma_wait3A_88 : memref<16x32xf32, #tpu.memory_space<vmem_shared>>)
          tpu.yield
        }) : () -> ()
      } else {
      }
      %barrier3A = arith.constant 0 : index
      tpu.barrier barrier_id(%barrier3A)
      %dma_start3A = arith.constant 0 : i32
      %dma_start3A_25 = tpu.memref_slice %arg9[%dma_start3A] : memref<10000xi32, #tpu.memory_space<vmem>> -> memref<80xi32, #tpu.memory_space<vmem>>
      %dma_start3A_26 = arith.constant 0 : i32
      %dma_start3A_27 = arith.constant 0 : i32
      %dma_start3A_28 = tpu.memref_slice %arg2[%dma_start3A_26, %dma_start3A_27] : memref<10000x32xf32, #tpu.memory_space<hbm>> -> memref<10000x32xf32, #tpu.memory_space<hbm>>
      tpu.enqueue_indirect_dma source(%dma_start3A_28 : memref<10000x32xf32, #tpu.memory_space<hbm>>) target(%arg11 : memref<80x32xf32, #tpu.memory_space<vmem>>) offsets(%dma_start3A_25 : memref<80xi32, #tpu.memory_space<vmem>>) semaphore(%arg20 : memref<!tpu.dma_semaphore, #tpu.memory_space<semaphore_mem>>)
      %dma_start3A_29 = arith.constant 80 : i32
      %dma_start3A_30 = tpu.memref_slice %arg9[%dma_start3A_29] : memref<10000xi32, #tpu.memory_space<vmem>> -> memref<80xi32, #tpu.memory_space<vmem>>
      %dma_start3A_31 = arith.constant 0 : i32
      %dma_start3A_32 = arith.constant 0 : i32
      %dma_start3A_33 = tpu.memref_slice %arg2[%dma_start3A_31, %dma_start3A_32] : memref<10000x32xf32, #tpu.memory_space<hbm>> -> memref<10000x32xf32, #tpu.memory_space<hbm>>
      tpu.enqueue_indirect_dma source(%dma_start3A_33 : memref<10000x32xf32, #tpu.memory_space<hbm>>) target(%arg12 : memref<80x32xf32, #tpu.memory_space<vmem>>) offsets(%dma_start3A_30 : memref<80xi32, #tpu.memory_space<vmem>>) semaphore(%arg21 : memref<!tpu.dma_semaphore, #tpu.memory_space<semaphore_mem>>)
      %dma_start3A_34 = arith.constant 160 : i32
      %dma_start3A_35 = tpu.memref_slice %arg9[%dma_start3A_34] : memref<10000xi32, #tpu.memory_space<vmem>> -> memref<80xi32, #tpu.memory_space<vmem>>
      %dma_start3A_36 = arith.constant 0 : i32
      %dma_start3A_37 = arith.constant 0 : i32
      %dma_start3A_38 = tpu.memref_slice %arg2[%dma_start3A_36, %dma_start3A_37] : memref<10000x32xf32, #tpu.memory_space<hbm>> -> memref<10000x32xf32, #tpu.memory_space<hbm>>
      tpu.enqueue_indirect_dma source(%dma_start3A_38 : memref<10000x32xf32, #tpu.memory_space<hbm>>) target(%arg13 : memref<80x32xf32, #tpu.memory_space<vmem>>) offsets(%dma_start3A_35 : memref<80xi32, #tpu.memory_space<vmem>>) semaphore(%arg22 : memref<!tpu.dma_semaphore, #tpu.memory_space<semaphore_mem>>)
      %dma_start3A_39 = arith.constant 240 : i32
      %dma_start3A_40 = tpu.memref_slice %arg9[%dma_start3A_39] : memref<10000xi32, #tpu.memory_space<vmem>> -> memref<80xi32, #tpu.memory_space<vmem>>
      %dma_start3A_41 = arith.constant 0 : i32
      %dma_start3A_42 = arith.constant 0 : i32
      %dma_start3A_43 = tpu.memref_slice %arg2[%dma_start3A_41, %dma_start3A_42] : memref<10000x32xf32, #tpu.memory_space<hbm>> -> memref<10000x32xf32, #tpu.memory_space<hbm>>
      tpu.enqueue_indirect_dma source(%dma_start3A_43 : memref<10000x32xf32, #tpu.memory_space<hbm>>) target(%arg14 : memref<80x32xf32, #tpu.memory_space<vmem>>) offsets(%dma_start3A_40 : memref<80xi32, #tpu.memory_space<vmem>>) semaphore(%arg23 : memref<!tpu.dma_semaphore, #tpu.memory_space<semaphore_mem>>)
      %scan3A = arith.constant 0 : i32
      %scan3A_44 = arith.constant 0 : i32
      %scan3A_45 = arith.constant 25 : i32
      %scan3A_46 = arith.addi %scan3A_44, %scan3A_45 : i32
      %scan3A_47 = arith.constant 1 : i32
      scf.for %scan3A_79 = %scan3A_44 to %scan3A_46 step %scan3A_47  : i32 {
        %mul3A_80 = arith.constant 5 : i32
        %mul3A_81 = arith.muli %scan3A_79, %mul3A_80 : i32
        %add3A = arith.constant 0 : i32
        %add3A_82 = arith.addi %mul3A_81, %add3A : i32
        %gt3A = arith.constant 0 : i32
        %gt3A_83 = arith.cmpi sgt, %scan3A_79, %gt3A : i32
        %convert_element_type3A_84 = arith.extui %gt3A_83 : i1 to i32
        %cond3A_85 = arith.constant 0 : i32
        %cond3A_86 = arith.cmpi ne, %convert_element_type3A_84, %cond3A_85 : i32
        scf.if %cond3A_86 {
          %sub3A_223 = arith.constant 1 : i32
          %sub3A_224 = arith.subi %add3A_82, %sub3A_223 : i32
          %mul3A_225 = arith.constant 80 : i32
          %mul3A_226 = arith.muli %sub3A_224, %mul3A_225 : i32
          %dma_wait3A_227 = tpu.memref_slice %arg10[%mul3A_226] : memref<10000xi32, #tpu.memory_space<vmem>> -> memref<80xi32, #tpu.memory_space<vmem>>
          %dma_wait3A_228 = arith.constant 0 : i32
          %dma_wait3A_229 = arith.constant 0 : i32
          %dma_wait3A_230 = tpu.memref_slice %arg16[%dma_wait3A_228, %dma_wait3A_229] : memref<10000x32xf32, #tpu.memory_space<vmem_shared>> -> memref<10000x32xf32, #tpu.memory_space<vmem_shared>>
          tpu.wait_indirect_dma semaphore(%arg29 : memref<!tpu.dma_semaphore, #tpu.memory_space<semaphore_mem>>) src(%arg15 : memref<80x32xf32, #tpu.memory_space<vmem>>) dst(%dma_wait3A_230 : memref<10000x32xf32, #tpu.memory_space<vmem_shared>>)
        } else {
        }
        %add3A_87 = arith.constant 5 : i32
        %add3A_88 = arith.addi %add3A_82, %add3A_87 : i32
        %sub3A = arith.constant 1 : i32
        %sub3A_89 = arith.subi %add3A_88, %sub3A : i32
        %mul3A_90 = arith.constant 80 : i32
        %mul3A_91 = arith.muli %sub3A_89, %mul3A_90 : i32
        %dma_start3A_92 = tpu.memref_slice %arg9[%mul3A_91] : memref<10000xi32, #tpu.memory_space<vmem>> -> memref<80xi32, #tpu.memory_space<vmem>>
        %dma_start3A_93 = arith.constant 0 : i32
        %dma_start3A_94 = arith.constant 0 : i32
        %dma_start3A_95 = tpu.memref_slice %arg2[%dma_start3A_93, %dma_start3A_94] : memref<10000x32xf32, #tpu.memory_space<hbm>> -> memref<10000x32xf32, #tpu.memory_space<hbm>>
        tpu.enqueue_indirect_dma source(%dma_start3A_95 : memref<10000x32xf32, #tpu.memory_space<hbm>>) target(%arg15 : memref<80x32xf32, #tpu.memory_space<vmem>>) offsets(%dma_start3A_92 : memref<80xi32, #tpu.memory_space<vmem>>) semaphore(%arg24 : memref<!tpu.dma_semaphore, #tpu.memory_space<semaphore_mem>>)
        %mul3A_96 = arith.constant 80 : i32
        %mul3A_97 = arith.muli %add3A_82, %mul3A_96 : i32
        %dma_wait3A_98 = tpu.memref_slice %arg9[%mul3A_97] : memref<10000xi32, #tpu.memory_space<vmem>> -> memref<80xi32, #tpu.memory_space<vmem>>
        %dma_wait3A_99 = arith.constant 0 : i32
        %dma_wait3A_100 = arith.constant 0 : i32
        %dma_wait3A_101 = tpu.memref_slice %arg2[%dma_wait3A_99, %dma_wait3A_100] : memref<10000x32xf32, #tpu.memory_space<hbm>> -> memref<10000x32xf32, #tpu.memory_space<hbm>>
        tpu.wait_indirect_dma semaphore(%arg20 : memref<!tpu.dma_semaphore, #tpu.memory_space<semaphore_mem>>) src(%dma_wait3A_101 : memref<10000x32xf32, #tpu.memory_space<hbm>>) dst(%arg11 : memref<80x32xf32, #tpu.memory_space<vmem>>)
        %mul3A_102 = arith.constant 80 : i32
        %mul3A_103 = arith.muli %add3A_82, %mul3A_102 : i32
        %dma_start3A_104 = tpu.memref_slice %arg10[%mul3A_103] : memref<10000xi32, #tpu.memory_space<vmem>> -> memref<80xi32, #tpu.memory_space<vmem>>
        %dma_start3A_105 = arith.constant 0 : i32
        %dma_start3A_106 = arith.constant 0 : i32
        %dma_start3A_107 = tpu.memref_slice %arg16[%dma_start3A_105, %dma_start3A_106] : memref<10000x32xf32, #tpu.memory_space<vmem_shared>> -> memref<10000x32xf32, #tpu.memory_space<vmem_shared>>
        tpu.enqueue_indirect_dma source(%arg11 : memref<80x32xf32, #tpu.memory_space<vmem>>) target(%dma_start3A_107 : memref<10000x32xf32, #tpu.memory_space<vmem_shared>>) offsets(%dma_start3A_104 : memref<80xi32, #tpu.memory_space<vmem>>) semaphore(%arg25 : memref<!tpu.dma_semaphore, #tpu.memory_space<semaphore_mem>>) {add = true}
        %mul3A_108 = arith.constant 5 : i32
        %mul3A_109 = arith.muli %scan3A_79, %mul3A_108 : i32
        %add3A_110 = arith.constant 1 : i32
        %add3A_111 = arith.addi %mul3A_109, %add3A_110 : i32
        %sub3A_112 = arith.constant 1 : i32
        %sub3A_113 = arith.subi %add3A_111, %sub3A_112 : i32
        %mul3A_114 = arith.constant 80 : i32
        %mul3A_115 = arith.muli %sub3A_113, %mul3A_114 : i32
        %dma_wait3A_116 = tpu.memref_slice %arg10[%mul3A_115] : memref<10000xi32, #tpu.memory_space<vmem>> -> memref<80xi32, #tpu.memory_space<vmem>>
        %dma_wait3A_117 = arith.constant 0 : i32
        %dma_wait3A_118 = arith.constant 0 : i32
        %dma_wait3A_119 = tpu.memref_slice %arg16[%dma_wait3A_117, %dma_wait3A_118] : memref<10000x32xf32, #tpu.memory_space<vmem_shared>> -> memref<10000x32xf32, #tpu.memory_space<vmem_shared>>
        tpu.wait_indirect_dma semaphore(%arg25 : memref<!tpu.dma_semaphore, #tpu.memory_space<semaphore_mem>>) src(%arg11 : memref<80x32xf32, #tpu.memory_space<vmem>>) dst(%dma_wait3A_119 : memref<10000x32xf32, #tpu.memory_space<vmem_shared>>)
        %lt3A = arith.constant 24 : i32
        %lt3A_120 = arith.cmpi slt, %scan3A_79, %lt3A : i32
        %convert_element_type3A_121 = arith.extui %lt3A_120 : i1 to i32
        %cond3A_122 = arith.constant 0 : i32
        %cond3A_123 = arith.cmpi ne, %convert_element_type3A_121, %cond3A_122 : i32
        scf.if %cond3A_123 {
          %add3A_223 = arith.constant 5 : i32
          %add3A_224 = arith.addi %add3A_111, %add3A_223 : i32
          %sub3A_225 = arith.constant 1 : i32
          %sub3A_226 = arith.subi %add3A_224, %sub3A_225 : i32
          %mul3A_227 = arith.constant 80 : i32
          %mul3A_228 = arith.muli %sub3A_226, %mul3A_227 : i32
          %dma_start3A_229 = tpu.memref_slice %arg9[%mul3A_228] : memref<10000xi32, #tpu.memory_space<vmem>> -> memref<80xi32, #tpu.memory_space<vmem>>
          %dma_start3A_230 = arith.constant 0 : i32
          %dma_start3A_231 = arith.constant 0 : i32
          %dma_start3A_232 = tpu.memref_slice %arg2[%dma_start3A_230, %dma_start3A_231] : memref<10000x32xf32, #tpu.memory_space<hbm>> -> memref<10000x32xf32, #tpu.memory_space<hbm>>
          tpu.enqueue_indirect_dma source(%dma_start3A_232 : memref<10000x32xf32, #tpu.memory_space<hbm>>) target(%arg11 : memref<80x32xf32, #tpu.memory_space<vmem>>) offsets(%dma_start3A_229 : memref<80xi32, #tpu.memory_space<vmem>>) semaphore(%arg20 : memref<!tpu.dma_semaphore, #tpu.memory_space<semaphore_mem>>)
        } else {
        }
        %mul3A_124 = arith.constant 80 : i32
        %mul3A_125 = arith.muli %add3A_111, %mul3A_124 : i32
        %dma_wait3A_126 = tpu.memref_slice %arg9[%mul3A_125] : memref<10000xi32, #tpu.memory_space<vmem>> -> memref<80xi32, #tpu.memory_space<vmem>>
        %dma_wait3A_127 = arith.constant 0 : i32
        %dma_wait3A_128 = arith.constant 0 : i32
        %dma_wait3A_129 = tpu.memref_slice %arg2[%dma_wait3A_127, %dma_wait3A_128] : memref<10000x32xf32, #tpu.memory_space<hbm>> -> memref<10000x32xf32, #tpu.memory_space<hbm>>
        tpu.wait_indirect_dma semaphore(%arg21 : memref<!tpu.dma_semaphore, #tpu.memory_space<semaphore_mem>>) src(%dma_wait3A_129 : memref<10000x32xf32, #tpu.memory_space<hbm>>) dst(%arg12 : memref<80x32xf32, #tpu.memory_space<vmem>>)
        %mul3A_130 = arith.constant 80 : i32
        %mul3A_131 = arith.muli %add3A_111, %mul3A_130 : i32
        %dma_start3A_132 = tpu.memref_slice %arg10[%mul3A_131] : memref<10000xi32, #tpu.memory_space<vmem>> -> memref<80xi32, #tpu.memory_space<vmem>>
        %dma_start3A_133 = arith.constant 0 : i32
        %dma_start3A_134 = arith.constant 0 : i32
        %dma_start3A_135 = tpu.memref_slice %arg16[%dma_start3A_133, %dma_start3A_134] : memref<10000x32xf32, #tpu.memory_space<vmem_shared>> -> memref<10000x32xf32, #tpu.memory_space<vmem_shared>>
        tpu.enqueue_indirect_dma source(%arg12 : memref<80x32xf32, #tpu.memory_space<vmem>>) target(%dma_start3A_135 : memref<10000x32xf32, #tpu.memory_space<vmem_shared>>) offsets(%dma_start3A_132 : memref<80xi32, #tpu.memory_space<vmem>>) semaphore(%arg26 : memref<!tpu.dma_semaphore, #tpu.memory_space<semaphore_mem>>) {add = true}
        %mul3A_136 = arith.constant 5 : i32
        %mul3A_137 = arith.muli %scan3A_79, %mul3A_136 : i32
        %add3A_138 = arith.constant 2 : i32
        %add3A_139 = arith.addi %mul3A_137, %add3A_138 : i32
        %sub3A_140 = arith.constant 1 : i32
        %sub3A_141 = arith.subi %add3A_139, %sub3A_140 : i32
        %mul3A_142 = arith.constant 80 : i32
        %mul3A_143 = arith.muli %sub3A_141, %mul3A_142 : i32
        %dma_wait3A_144 = tpu.memref_slice %arg10[%mul3A_143] : memref<10000xi32, #tpu.memory_space<vmem>> -> memref<80xi32, #tpu.memory_space<vmem>>
        %dma_wait3A_145 = arith.constant 0 : i32
        %dma_wait3A_146 = arith.constant 0 : i32
        %dma_wait3A_147 = tpu.memref_slice %arg16[%dma_wait3A_145, %dma_wait3A_146] : memref<10000x32xf32, #tpu.memory_space<vmem_shared>> -> memref<10000x32xf32, #tpu.memory_space<vmem_shared>>
        tpu.wait_indirect_dma semaphore(%arg26 : memref<!tpu.dma_semaphore, #tpu.memory_space<semaphore_mem>>) src(%arg12 : memref<80x32xf32, #tpu.memory_space<vmem>>) dst(%dma_wait3A_147 : memref<10000x32xf32, #tpu.memory_space<vmem_shared>>)
        %lt3A_148 = arith.constant 24 : i32
        %lt3A_149 = arith.cmpi slt, %scan3A_79, %lt3A_148 : i32
        %convert_element_type3A_150 = arith.extui %lt3A_149 : i1 to i32
        %cond3A_151 = arith.constant 0 : i32
        %cond3A_152 = arith.cmpi ne, %convert_element_type3A_150, %cond3A_151 : i32
        scf.if %cond3A_152 {
          %add3A_223 = arith.constant 5 : i32
          %add3A_224 = arith.addi %add3A_139, %add3A_223 : i32
          %sub3A_225 = arith.constant 1 : i32
          %sub3A_226 = arith.subi %add3A_224, %sub3A_225 : i32
          %mul3A_227 = arith.constant 80 : i32
          %mul3A_228 = arith.muli %sub3A_226, %mul3A_227 : i32
          %dma_start3A_229 = tpu.memref_slice %arg9[%mul3A_228] : memref<10000xi32, #tpu.memory_space<vmem>> -> memref<80xi32, #tpu.memory_space<vmem>>
          %dma_start3A_230 = arith.constant 0 : i32
          %dma_start3A_231 = arith.constant 0 : i32
          %dma_start3A_232 = tpu.memref_slice %arg2[%dma_start3A_230, %dma_start3A_231] : memref<10000x32xf32, #tpu.memory_space<hbm>> -> memref<10000x32xf32, #tpu.memory_space<hbm>>
          tpu.enqueue_indirect_dma source(%dma_start3A_232 : memref<10000x32xf32, #tpu.memory_space<hbm>>) target(%arg12 : memref<80x32xf32, #tpu.memory_space<vmem>>) offsets(%dma_start3A_229 : memref<80xi32, #tpu.memory_space<vmem>>) semaphore(%arg21 : memref<!tpu.dma_semaphore, #tpu.memory_space<semaphore_mem>>)
        } else {
        }
        %mul3A_153 = arith.constant 80 : i32
        %mul3A_154 = arith.muli %add3A_139, %mul3A_153 : i32
        %dma_wait3A_155 = tpu.memref_slice %arg9[%mul3A_154] : memref<10000xi32, #tpu.memory_space<vmem>> -> memref<80xi32, #tpu.memory_space<vmem>>
        %dma_wait3A_156 = arith.constant 0 : i32
        %dma_wait3A_157 = arith.constant 0 : i32
        %dma_wait3A_158 = tpu.memref_slice %arg2[%dma_wait3A_156, %dma_wait3A_157] : memref<10000x32xf32, #tpu.memory_space<hbm>> -> memref<10000x32xf32, #tpu.memory_space<hbm>>
        tpu.wait_indirect_dma semaphore(%arg22 : memref<!tpu.dma_semaphore, #tpu.memory_space<semaphore_mem>>) src(%dma_wait3A_158 : memref<10000x32xf32, #tpu.memory_space<hbm>>) dst(%arg13 : memref<80x32xf32, #tpu.memory_space<vmem>>)
        %mul3A_159 = arith.constant 80 : i32
        %mul3A_160 = arith.muli %add3A_139, %mul3A_159 : i32
        %dma_start3A_161 = tpu.memref_slice %arg10[%mul3A_160] : memref<10000xi32, #tpu.memory_space<vmem>> -> memref<80xi32, #tpu.memory_space<vmem>>
        %dma_start3A_162 = arith.constant 0 : i32
        %dma_start3A_163 = arith.constant 0 : i32
        %dma_start3A_164 = tpu.memref_slice %arg16[%dma_start3A_162, %dma_start3A_163] : memref<10000x32xf32, #tpu.memory_space<vmem_shared>> -> memref<10000x32xf32, #tpu.memory_space<vmem_shared>>
        tpu.enqueue_indirect_dma source(%arg13 : memref<80x32xf32, #tpu.memory_space<vmem>>) target(%dma_start3A_164 : memref<10000x32xf32, #tpu.memory_space<vmem_shared>>) offsets(%dma_start3A_161 : memref<80xi32, #tpu.memory_space<vmem>>) semaphore(%arg27 : memref<!tpu.dma_semaphore, #tpu.memory_space<semaphore_mem>>) {add = true}
        %mul3A_165 = arith.constant 5 : i32
        %mul3A_166 = arith.muli %scan3A_79, %mul3A_165 : i32
        %add3A_167 = arith.constant 3 : i32
        %add3A_168 = arith.addi %mul3A_166, %add3A_167 : i32
        %sub3A_169 = arith.constant 1 : i32
        %sub3A_170 = arith.subi %add3A_168, %sub3A_169 : i32
        %mul3A_171 = arith.constant 80 : i32
        %mul3A_172 = arith.muli %sub3A_170, %mul3A_171 : i32
        %dma_wait3A_173 = tpu.memref_slice %arg10[%mul3A_172] : memref<10000xi32, #tpu.memory_space<vmem>> -> memref<80xi32, #tpu.memory_space<vmem>>
        %dma_wait3A_174 = arith.constant 0 : i32
        %dma_wait3A_175 = arith.constant 0 : i32
        %dma_wait3A_176 = tpu.memref_slice %arg16[%dma_wait3A_174, %dma_wait3A_175] : memref<10000x32xf32, #tpu.memory_space<vmem_shared>> -> memref<10000x32xf32, #tpu.memory_space<vmem_shared>>
        tpu.wait_indirect_dma semaphore(%arg27 : memref<!tpu.dma_semaphore, #tpu.memory_space<semaphore_mem>>) src(%arg13 : memref<80x32xf32, #tpu.memory_space<vmem>>) dst(%dma_wait3A_176 : memref<10000x32xf32, #tpu.memory_space<vmem_shared>>)
        %lt3A_177 = arith.constant 24 : i32
        %lt3A_178 = arith.cmpi slt, %scan3A_79, %lt3A_177 : i32
        %convert_element_type3A_179 = arith.extui %lt3A_178 : i1 to i32
        %cond3A_180 = arith.constant 0 : i32
        %cond3A_181 = arith.cmpi ne, %convert_element_type3A_179, %cond3A_180 : i32
        scf.if %cond3A_181 {
          %add3A_223 = arith.constant 5 : i32
          %add3A_224 = arith.addi %add3A_168, %add3A_223 : i32
          %sub3A_225 = arith.constant 1 : i32
          %sub3A_226 = arith.subi %add3A_224, %sub3A_225 : i32
          %mul3A_227 = arith.constant 80 : i32
          %mul3A_228 = arith.muli %sub3A_226, %mul3A_227 : i32
          %dma_start3A_229 = tpu.memref_slice %arg9[%mul3A_228] : memref<10000xi32, #tpu.memory_space<vmem>> -> memref<80xi32, #tpu.memory_space<vmem>>
          %dma_start3A_230 = arith.constant 0 : i32
          %dma_start3A_231 = arith.constant 0 : i32
          %dma_start3A_232 = tpu.memref_slice %arg2[%dma_start3A_230, %dma_start3A_231] : memref<10000x32xf32, #tpu.memory_space<hbm>> -> memref<10000x32xf32, #tpu.memory_space<hbm>>
          tpu.enqueue_indirect_dma source(%dma_start3A_232 : memref<10000x32xf32, #tpu.memory_space<hbm>>) target(%arg13 : memref<80x32xf32, #tpu.memory_space<vmem>>) offsets(%dma_start3A_229 : memref<80xi32, #tpu.memory_space<vmem>>) semaphore(%arg22 : memref<!tpu.dma_semaphore, #tpu.memory_space<semaphore_mem>>)
        } else {
        }
        %mul3A_182 = arith.constant 80 : i32
        %mul3A_183 = arith.muli %add3A_168, %mul3A_182 : i32
        %dma_wait3A_184 = tpu.memref_slice %arg9[%mul3A_183] : memref<10000xi32, #tpu.memory_space<vmem>> -> memref<80xi32, #tpu.memory_space<vmem>>
        %dma_wait3A_185 = arith.constant 0 : i32
        %dma_wait3A_186 = arith.constant 0 : i32
        %dma_wait3A_187 = tpu.memref_slice %arg2[%dma_wait3A_185, %dma_wait3A_186] : memref<10000x32xf32, #tpu.memory_space<hbm>> -> memref<10000x32xf32, #tpu.memory_space<hbm>>
        tpu.wait_indirect_dma semaphore(%arg23 : memref<!tpu.dma_semaphore, #tpu.memory_space<semaphore_mem>>) src(%dma_wait3A_187 : memref<10000x32xf32, #tpu.memory_space<hbm>>) dst(%arg14 : memref<80x32xf32, #tpu.memory_space<vmem>>)
        %mul3A_188 = arith.constant 80 : i32
        %mul3A_189 = arith.muli %add3A_168, %mul3A_188 : i32
        %dma_start3A_190 = tpu.memref_slice %arg10[%mul3A_189] : memref<10000xi32, #tpu.memory_space<vmem>> -> memref<80xi32, #tpu.memory_space<vmem>>
        %dma_start3A_191 = arith.constant 0 : i32
        %dma_start3A_192 = arith.constant 0 : i32
        %dma_start3A_193 = tpu.memref_slice %arg16[%dma_start3A_191, %dma_start3A_192] : memref<10000x32xf32, #tpu.memory_space<vmem_shared>> -> memref<10000x32xf32, #tpu.memory_space<vmem_shared>>
        tpu.enqueue_indirect_dma source(%arg14 : memref<80x32xf32, #tpu.memory_space<vmem>>) target(%dma_start3A_193 : memref<10000x32xf32, #tpu.memory_space<vmem_shared>>) offsets(%dma_start3A_190 : memref<80xi32, #tpu.memory_space<vmem>>) semaphore(%arg28 : memref<!tpu.dma_semaphore, #tpu.memory_space<semaphore_mem>>) {add = true}
        %mul3A_194 = arith.constant 5 : i32
        %mul3A_195 = arith.muli %scan3A_79, %mul3A_194 : i32
        %add3A_196 = arith.constant 4 : i32
        %add3A_197 = arith.addi %mul3A_195, %add3A_196 : i32
        %sub3A_198 = arith.constant 1 : i32
        %sub3A_199 = arith.subi %add3A_197, %sub3A_198 : i32
        %mul3A_200 = arith.constant 80 : i32
        %mul3A_201 = arith.muli %sub3A_199, %mul3A_200 : i32
        %dma_wait3A_202 = tpu.memref_slice %arg10[%mul3A_201] : memref<10000xi32, #tpu.memory_space<vmem>> -> memref<80xi32, #tpu.memory_space<vmem>>
        %dma_wait3A_203 = arith.constant 0 : i32
        %dma_wait3A_204 = arith.constant 0 : i32
        %dma_wait3A_205 = tpu.memref_slice %arg16[%dma_wait3A_203, %dma_wait3A_204] : memref<10000x32xf32, #tpu.memory_space<vmem_shared>> -> memref<10000x32xf32, #tpu.memory_space<vmem_shared>>
        tpu.wait_indirect_dma semaphore(%arg28 : memref<!tpu.dma_semaphore, #tpu.memory_space<semaphore_mem>>) src(%arg14 : memref<80x32xf32, #tpu.memory_space<vmem>>) dst(%dma_wait3A_205 : memref<10000x32xf32, #tpu.memory_space<vmem_shared>>)
        %lt3A_206 = arith.constant 24 : i32
        %lt3A_207 = arith.cmpi slt, %scan3A_79, %lt3A_206 : i32
        %convert_element_type3A_208 = arith.extui %lt3A_207 : i1 to i32
        %cond3A_209 = arith.constant 0 : i32
        %cond3A_210 = arith.cmpi ne, %convert_element_type3A_208, %cond3A_209 : i32
        scf.if %cond3A_210 {
          %add3A_223 = arith.constant 5 : i32
          %add3A_224 = arith.addi %add3A_197, %add3A_223 : i32
          %sub3A_225 = arith.constant 1 : i32
          %sub3A_226 = arith.subi %add3A_224, %sub3A_225 : i32
          %mul3A_227 = arith.constant 80 : i32
          %mul3A_228 = arith.muli %sub3A_226, %mul3A_227 : i32
          %dma_start3A_229 = tpu.memref_slice %arg9[%mul3A_228] : memref<10000xi32, #tpu.memory_space<vmem>> -> memref<80xi32, #tpu.memory_space<vmem>>
          %dma_start3A_230 = arith.constant 0 : i32
          %dma_start3A_231 = arith.constant 0 : i32
          %dma_start3A_232 = tpu.memref_slice %arg2[%dma_start3A_230, %dma_start3A_231] : memref<10000x32xf32, #tpu.memory_space<hbm>> -> memref<10000x32xf32, #tpu.memory_space<hbm>>
          tpu.enqueue_indirect_dma source(%dma_start3A_232 : memref<10000x32xf32, #tpu.memory_space<hbm>>) target(%arg14 : memref<80x32xf32, #tpu.memory_space<vmem>>) offsets(%dma_start3A_229 : memref<80xi32, #tpu.memory_space<vmem>>) semaphore(%arg23 : memref<!tpu.dma_semaphore, #tpu.memory_space<semaphore_mem>>)
        } else {
        }
        %mul3A_211 = arith.constant 80 : i32
        %mul3A_212 = arith.muli %add3A_197, %mul3A_211 : i32
        %dma_wait3A_213 = tpu.memref_slice %arg9[%mul3A_212] : memref<10000xi32, #tpu.memory_space<vmem>> -> memref<80xi32, #tpu.memory_space<vmem>>
        %dma_wait3A_214 = arith.constant 0 : i32
        %dma_wait3A_215 = arith.constant 0 : i32
        %dma_wait3A_216 = tpu.memref_slice %arg2[%dma_wait3A_214, %dma_wait3A_215] : memref<10000x32xf32, #tpu.memory_space<hbm>> -> memref<10000x32xf32, #tpu.memory_space<hbm>>
        tpu.wait_indirect_dma semaphore(%arg24 : memref<!tpu.dma_semaphore, #tpu.memory_space<semaphore_mem>>) src(%dma_wait3A_216 : memref<10000x32xf32, #tpu.memory_space<hbm>>) dst(%arg15 : memref<80x32xf32, #tpu.memory_space<vmem>>)
        %mul3A_217 = arith.constant 80 : i32
        %mul3A_218 = arith.muli %add3A_197, %mul3A_217 : i32
        %dma_start3A_219 = tpu.memref_slice %arg10[%mul3A_218] : memref<10000xi32, #tpu.memory_space<vmem>> -> memref<80xi32, #tpu.memory_space<vmem>>
        %dma_start3A_220 = arith.constant 0 : i32
        %dma_start3A_221 = arith.constant 0 : i32
        %dma_start3A_222 = tpu.memref_slice %arg16[%dma_start3A_220, %dma_start3A_221] : memref<10000x32xf32, #tpu.memory_space<vmem_shared>> -> memref<10000x32xf32, #tpu.memory_space<vmem_shared>>
        tpu.enqueue_indirect_dma source(%arg15 : memref<80x32xf32, #tpu.memory_space<vmem>>) target(%dma_start3A_222 : memref<10000x32xf32, #tpu.memory_space<vmem_shared>>) offsets(%dma_start3A_219 : memref<80xi32, #tpu.memory_space<vmem>>) semaphore(%arg29 : memref<!tpu.dma_semaphore, #tpu.memory_space<semaphore_mem>>) {add = true}
      }
      %scan3A_48 = arith.constant 25 : i32
      %dma_wait3A = arith.constant 9920 : i32
      %dma_wait3A_49 = tpu.memref_slice %arg10[%dma_wait3A] : memref<10000xi32, #tpu.memory_space<vmem>> -> memref<80xi32, #tpu.memory_space<vmem>>
      %dma_wait3A_50 = arith.constant 0 : i32
      %dma_wait3A_51 = arith.constant 0 : i32
      %dma_wait3A_52 = tpu.memref_slice %arg16[%dma_wait3A_50, %dma_wait3A_51] : memref<10000x32xf32, #tpu.memory_space<vmem_shared>> -> memref<10000x32xf32, #tpu.memory_space<vmem_shared>>
      tpu.wait_indirect_dma semaphore(%arg29 : memref<!tpu.dma_semaphore, #tpu.memory_space<semaphore_mem>>) src(%arg15 : memref<80x32xf32, #tpu.memory_space<vmem>>) dst(%dma_wait3A_52 : memref<10000x32xf32, #tpu.memory_space<vmem_shared>>)
      %barrier3A_53 = arith.constant 0 : index
      tpu.barrier barrier_id(%barrier3A_53)
      %mul3A_54 = arith.constant 624 : i32
      %mul3A_55 = arith.muli %arg1, %mul3A_54 : i32
      "tpu.region"() ({
        %run_scoped3A_79 = tpu.sem_alloc : memref<!tpu.dma_semaphore, #tpu.memory_space<semaphore_mem>>
        %dma_start3A_80 = arith.constant 0 : i32
        %dma_start3A_81 = arith.constant 0 : i32
        %dma_start3A_82 = tpu.memref_slice %arg17[%dma_start3A_80, %dma_start3A_81] : memref<640x32xf32, #tpu.memory_space<vmem>> -> memref<624x32xf32, #tpu.memory_space<vmem>>
        %dma_start3A_83 = arith.constant 0 : i32
        %dma_start3A_84 = tpu.memref_slice %arg16[%mul3A_55, %dma_start3A_83] : memref<10000x32xf32, #tpu.memory_space<vmem_shared>> -> memref<624x32xf32, #tpu.memory_space<vmem_shared>>
        %dma_start3A_85 = arith.constant 0 : i32
        %dma_start3A_86 = arith.constant 0 : i32
        %dma_start3A_87 = tpu.memref_slice %arg17[%dma_start3A_85, %dma_start3A_86] : memref<640x32xf32, #tpu.memory_space<vmem>> -> memref<624x32xf32, #tpu.memory_space<vmem>>
        %dma_start3A_88 = arith.constant 0 : i32
        %dma_start3A_89 = tpu.memref_slice %arg16[%mul3A_55, %dma_start3A_88] : memref<10000x32xf32, #tpu.memory_space<vmem_shared>> -> memref<624x32xf32, #tpu.memory_space<vmem_shared>>
        tpu.enqueue_dma source(%dma_start3A_89 : memref<624x32xf32, #tpu.memory_space<vmem_shared>>) target(%dma_start3A_87 : memref<624x32xf32, #tpu.memory_space<vmem>>) target_semaphore(%run_scoped3A_79 : memref<!tpu.dma_semaphore, #tpu.memory_space<semaphore_mem>>)
        %dma_wait3A_90 = arith.constant 0 : i32
        %dma_wait3A_91 = arith.constant 0 : i32
        %dma_wait3A_92 = tpu.memref_slice %arg17[%dma_wait3A_90, %dma_wait3A_91] : memref<640x32xf32, #tpu.memory_space<vmem>> -> memref<624x32xf32, #tpu.memory_space<vmem>>
        %dma_wait3A_93 = arith.constant 0 : i32
        %dma_wait3A_94 = tpu.memref_slice %arg16[%mul3A_55, %dma_wait3A_93] : memref<10000x32xf32, #tpu.memory_space<vmem_shared>> -> memref<624x32xf32, #tpu.memory_space<vmem_shared>>
        %dma_wait3A_95 = arith.constant 0 : i32
        %dma_wait3A_96 = arith.constant 0 : i32
        %dma_wait3A_97 = tpu.memref_slice %arg17[%dma_wait3A_95, %dma_wait3A_96] : memref<640x32xf32, #tpu.memory_space<vmem>> -> memref<624x32xf32, #tpu.memory_space<vmem>>
        %dma_wait3A_98 = arith.constant 0 : i32
        %dma_wait3A_99 = tpu.memref_slice %arg16[%mul3A_55, %dma_wait3A_98] : memref<10000x32xf32, #tpu.memory_space<vmem_shared>> -> memref<624x32xf32, #tpu.memory_space<vmem_shared>>
        tpu.wait_dma2 semaphore(%run_scoped3A_79 : memref<!tpu.dma_semaphore, #tpu.memory_space<semaphore_mem>>) src(%dma_wait3A_99 : memref<624x32xf32, #tpu.memory_space<vmem_shared>>) dst(%dma_wait3A_97 : memref<624x32xf32, #tpu.memory_space<vmem>>)
        tpu.yield
      }) : () -> ()
      %eq3A_56 = arith.constant 15 : i32
      %eq3A_57 = arith.cmpi eq, %arg1, %eq3A_56 : i32
      %convert_element_type3A_58 = arith.extui %eq3A_57 : i1 to i32
      %cond3A_59 = arith.constant 0 : i32
      %cond3A_60 = arith.cmpi ne, %convert_element_type3A_58, %cond3A_59 : i32
      scf.if %cond3A_60 {
        "tpu.region"() ({
          %run_scoped3A_79 = tpu.sem_alloc : memref<!tpu.dma_semaphore, #tpu.memory_space<semaphore_mem>>
          %dma_start3A_80 = arith.constant 624 : i32
          %dma_start3A_81 = arith.constant 0 : i32
          %dma_start3A_82 = tpu.memref_slice %arg17[%dma_start3A_80, %dma_start3A_81] : memref<640x32xf32, #tpu.memory_space<vmem>> -> memref<16x32xf32, #tpu.memory_space<vmem>>
          %dma_start3A_83 = arith.constant 9984 : i32
          %dma_start3A_84 = arith.constant 0 : i32
          %dma_start3A_85 = tpu.memref_slice %arg16[%dma_start3A_83, %dma_start3A_84] : memref<10000x32xf32, #tpu.memory_space<vmem_shared>> -> memref<16x32xf32, #tpu.memory_space<vmem_shared>>
          %dma_start3A_86 = arith.constant 624 : i32
          %dma_start3A_87 = arith.constant 0 : i32
          %dma_start3A_88 = tpu.memref_slice %arg17[%dma_start3A_86, %dma_start3A_87] : memref<640x32xf32, #tpu.memory_space<vmem>> -> memref<16x32xf32, #tpu.memory_space<vmem>>
          %dma_start3A_89 = arith.constant 9984 : i32
          %dma_start3A_90 = arith.constant 0 : i32
          %dma_start3A_91 = tpu.memref_slice %arg16[%dma_start3A_89, %dma_start3A_90] : memref<10000x32xf32, #tpu.memory_space<vmem_shared>> -> memref<16x32xf32, #tpu.memory_space<vmem_shared>>
          tpu.enqueue_dma source(%dma_start3A_91 : memref<16x32xf32, #tpu.memory_space<vmem_shared>>) target(%dma_start3A_88 : memref<16x32xf32, #tpu.memory_space<vmem>>) target_semaphore(%run_scoped3A_79 : memref<!tpu.dma_semaphore, #tpu.memory_space<semaphore_mem>>)
          %dma_wait3A_92 = arith.constant 624 : i32
          %dma_wait3A_93 = arith.constant 0 : i32
          %dma_wait3A_94 = tpu.memref_slice %arg17[%dma_wait3A_92, %dma_wait3A_93] : memref<640x32xf32, #tpu.memory_space<vmem>> -> memref<16x32xf32, #tpu.memory_space<vmem>>
          %dma_wait3A_95 = arith.constant 9984 : i32
          %dma_wait3A_96 = arith.constant 0 : i32
          %dma_wait3A_97 = tpu.memref_slice %arg16[%dma_wait3A_95, %dma_wait3A_96] : memref<10000x32xf32, #tpu.memory_space<vmem_shared>> -> memref<16x32xf32, #tpu.memory_space<vmem_shared>>
          %dma_wait3A_98 = arith.constant 624 : i32
          %dma_wait3A_99 = arith.constant 0 : i32
          %dma_wait3A_100 = tpu.memref_slice %arg17[%dma_wait3A_98, %dma_wait3A_99] : memref<640x32xf32, #tpu.memory_space<vmem>> -> memref<16x32xf32, #tpu.memory_space<vmem>>
          %dma_wait3A_101 = arith.constant 9984 : i32
          %dma_wait3A_102 = arith.constant 0 : i32
          %dma_wait3A_103 = tpu.memref_slice %arg16[%dma_wait3A_101, %dma_wait3A_102] : memref<10000x32xf32, #tpu.memory_space<vmem_shared>> -> memref<16x32xf32, #tpu.memory_space<vmem_shared>>
          tpu.wait_dma2 semaphore(%run_scoped3A_79 : memref<!tpu.dma_semaphore, #tpu.memory_space<semaphore_mem>>) src(%dma_wait3A_103 : memref<16x32xf32, #tpu.memory_space<vmem_shared>>) dst(%dma_wait3A_100 : memref<16x32xf32, #tpu.memory_space<vmem>>)
          tpu.yield
        }) : () -> ()
      } else {
      }
      %scan3A_61 = arith.constant 0 : i32
      %scan3A_62 = arith.constant 0 : i32
      %scan3A_63 = arith.constant 624 : i32
      %scan3A_64 = arith.addi %scan3A_62, %scan3A_63 : i32
      %scan3A_65 = arith.constant 1 : i32
      scf.for %scan3A_79 = %scan3A_62 to %scan3A_64 step %scan3A_65  : i32 {
        %get3A = arith.index_cast %scan3A_79 : i32 to index
        %get3A_80 = arith.constant 0 : index
        %get3A_81 = tpu.vector_load %arg17[%get3A, %get3A_80] {strides = array<i32>} : memref<640x32xf32, #tpu.memory_space<vmem>>, vector<1x16xf32>,
        %get3A_82 = vector.shape_cast %get3A_81 : vector<1x16xf32> to vector<16xf32>
        %get3A_83 = arith.index_cast %scan3A_79 : i32 to index
        %get3A_84 = arith.constant 0 : index
        %get3A_85 = tpu.vector_load %arg18[%get3A_83, %get3A_84] {strides = array<i32>} : memref<640x32xf32, #tpu.memory_space<vmem>>, vector<1x16xf32>,
        %get3A_86 = vector.shape_cast %get3A_85 : vector<1x16xf32> to vector<16xf32>
        %mul3A_87 = arith.mulf %get3A_82, %get3A_86 : vector<16xf32>
        %get3A_88 = arith.constant 0 : i32
        %get3A_89 = arith.index_cast %get3A_88 : i32 to index
        %get3A_90 = arith.constant 0 : index
        %get3A_91 = tpu.vector_load %arg19[%get3A_89, %get3A_90] {strides = array<i32>} : memref<2x32xf32, #tpu.memory_space<vmem>>, vector<1x16xf32>,
        %get3A_92 = vector.shape_cast %get3A_91 : vector<1x16xf32> to vector<16xf32>
        %add3A = arith.addf %mul3A_87, %get3A_92 : vector<16xf32>
        %swap3A = arith.index_cast %scan3A_79 : i32 to index
        %swap3A_93 = arith.constant 0 : index
        %swap3A_94 = tpu.vector_load %arg17[%swap3A, %swap3A_93] {strides = array<i32>} : memref<640x32xf32, #tpu.memory_space<vmem>>, vector<1x16xf32>,
        %swap3A_95 = vector.shape_cast %swap3A_94 : vector<1x16xf32> to vector<16xf32>
        %swap3A_96 = vector.shape_cast %add3A : vector<16xf32> to vector<1x16xf32>
        tpu.vector_store %arg17[%swap3A, %swap3A_93], %swap3A_96 {strides = array<i32>} : memref<640x32xf32, #tpu.memory_space<vmem>>, vector<1x16xf32>,
        %get3A_97 = arith.index_cast %scan3A_79 : i32 to index
        %get3A_98 = arith.constant 16 : index
        %get3A_99 = tpu.vector_load %arg17[%get3A_97, %get3A_98] {strides = array<i32>} : memref<640x32xf32, #tpu.memory_space<vmem>>, vector<1x16xf32>,
        %get3A_100 = vector.shape_cast %get3A_99 : vector<1x16xf32> to vector<16xf32>
        %get3A_101 = arith.index_cast %scan3A_79 : i32 to index
        %get3A_102 = arith.constant 16 : index
        %get3A_103 = tpu.vector_load %arg18[%get3A_101, %get3A_102] {strides = array<i32>} : memref<640x32xf32, #tpu.memory_space<vmem>>, vector<1x16xf32>,
        %get3A_104 = vector.shape_cast %get3A_103 : vector<1x16xf32> to vector<16xf32>
        %mul3A_105 = arith.mulf %get3A_100, %get3A_104 : vector<16xf32>
        %get3A_106 = arith.constant 0 : i32
        %get3A_107 = arith.index_cast %get3A_106 : i32 to index
        %get3A_108 = arith.constant 16 : index
        %get3A_109 = tpu.vector_load %arg19[%get3A_107, %get3A_108] {strides = array<i32>} : memref<2x32xf32, #tpu.memory_space<vmem>>, vector<1x16xf32>,
        %get3A_110 = vector.shape_cast %get3A_109 : vector<1x16xf32> to vector<16xf32>
        %add3A_111 = arith.addf %mul3A_105, %get3A_110 : vector<16xf32>
        %swap3A_112 = arith.index_cast %scan3A_79 : i32 to index
        %swap3A_113 = arith.constant 16 : index
        %swap3A_114 = tpu.vector_load %arg17[%swap3A_112, %swap3A_113] {strides = array<i32>} : memref<640x32xf32, #tpu.memory_space<vmem>>, vector<1x16xf32>,
        %swap3A_115 = vector.shape_cast %swap3A_114 : vector<1x16xf32> to vector<16xf32>
        %swap3A_116 = vector.shape_cast %add3A_111 : vector<16xf32> to vector<1x16xf32>
        tpu.vector_store %arg17[%swap3A_112, %swap3A_113], %swap3A_116 {strides = array<i32>} : memref<640x32xf32, #tpu.memory_space<vmem>>, vector<1x16xf32>,
      }
      %scan3A_66 = arith.constant 624 : i32
      %eq3A_67 = arith.constant 15 : i32
      %eq3A_68 = arith.cmpi eq, %arg1, %eq3A_67 : i32
      %convert_element_type3A_69 = arith.extui %eq3A_68 : i1 to i32
      %cond3A_70 = arith.constant 0 : i32
      %cond3A_71 = arith.cmpi ne, %convert_element_type3A_69, %cond3A_70 : i32
      scf.if %cond3A_71 {
        %scan3A_79 = arith.constant 0 : i32
        %scan3A_80 = arith.constant 624 : i32
        %scan3A_81 = arith.constant 16 : i32
        %scan3A_82 = arith.addi %scan3A_80, %scan3A_81 : i32
        %scan3A_83 = arith.constant 1 : i32
        scf.for %scan3A_85 = %scan3A_80 to %scan3A_82 step %scan3A_83  : i32 {
          %get3A = arith.index_cast %scan3A_85 : i32 to index
          %get3A_86 = arith.constant 0 : index
          %get3A_87 = tpu.vector_load %arg17[%get3A, %get3A_86] {strides = array<i32>} : memref<640x32xf32, #tpu.memory_space<vmem>>, vector<1x16xf32>,
          %get3A_88 = vector.shape_cast %get3A_87 : vector<1x16xf32> to vector<16xf32>
          %get3A_89 = arith.index_cast %scan3A_85 : i32 to index
          %get3A_90 = arith.constant 0 : index
          %get3A_91 = tpu.vector_load %arg18[%get3A_89, %get3A_90] {strides = array<i32>} : memref<640x32xf32, #tpu.memory_space<vmem>>, vector<1x16xf32>,
          %get3A_92 = vector.shape_cast %get3A_91 : vector<1x16xf32> to vector<16xf32>
          %mul3A_93 = arith.mulf %get3A_88, %get3A_92 : vector<16xf32>
          %get3A_94 = arith.constant 0 : i32
          %get3A_95 = arith.index_cast %get3A_94 : i32 to index
          %get3A_96 = arith.constant 0 : index
          %get3A_97 = tpu.vector_load %arg19[%get3A_95, %get3A_96] {strides = array<i32>} : memref<2x32xf32, #tpu.memory_space<vmem>>, vector<1x16xf32>,
          %get3A_98 = vector.shape_cast %get3A_97 : vector<1x16xf32> to vector<16xf32>
          %add3A = arith.addf %mul3A_93, %get3A_98 : vector<16xf32>
          %swap3A = arith.index_cast %scan3A_85 : i32 to index
          %swap3A_99 = arith.constant 0 : index
          %swap3A_100 = tpu.vector_load %arg17[%swap3A, %swap3A_99] {strides = array<i32>} : memref<640x32xf32, #tpu.memory_space<vmem>>, vector<1x16xf32>,
          %swap3A_101 = vector.shape_cast %swap3A_100 : vector<1x16xf32> to vector<16xf32>
          %swap3A_102 = vector.shape_cast %add3A : vector<16xf32> to vector<1x16xf32>
          tpu.vector_store %arg17[%swap3A, %swap3A_99], %swap3A_102 {strides = array<i32>} : memref<640x32xf32, #tpu.memory_space<vmem>>, vector<1x16xf32>,
          %get3A_103 = arith.index_cast %scan3A_85 : i32 to index
          %get3A_104 = arith.constant 16 : index
          %get3A_105 = tpu.vector_load %arg17[%get3A_103, %get3A_104] {strides = array<i32>} : memref<640x32xf32, #tpu.memory_space<vmem>>, vector<1x16xf32>,
          %get3A_106 = vector.shape_cast %get3A_105 : vector<1x16xf32> to vector<16xf32>
          %get3A_107 = arith.index_cast %scan3A_85 : i32 to index
          %get3A_108 = arith.constant 16 : index
          %get3A_109 = tpu.vector_load %arg18[%get3A_107, %get3A_108] {strides = array<i32>} : memref<640x32xf32, #tpu.memory_space<vmem>>, vector<1x16xf32>,
          %get3A_110 = vector.shape_cast %get3A_109 : vector<1x16xf32> to vector<16xf32>
          %mul3A_111 = arith.mulf %get3A_106, %get3A_110 : vector<16xf32>
          %get3A_112 = arith.constant 0 : i32
          %get3A_113 = arith.index_cast %get3A_112 : i32 to index
          %get3A_114 = arith.constant 16 : index
          %get3A_115 = tpu.vector_load %arg19[%get3A_113, %get3A_114] {strides = array<i32>} : memref<2x32xf32, #tpu.memory_space<vmem>>, vector<1x16xf32>,
          %get3A_116 = vector.shape_cast %get3A_115 : vector<1x16xf32> to vector<16xf32>
          %add3A_117 = arith.addf %mul3A_111, %get3A_116 : vector<16xf32>
          %swap3A_118 = arith.index_cast %scan3A_85 : i32 to index
          %swap3A_119 = arith.constant 16 : index
          %swap3A_120 = tpu.vector_load %arg17[%swap3A_118, %swap3A_119] {strides = array<i32>} : memref<640x32xf32, #tpu.memory_space<vmem>>, vector<1x16xf32>,
          %swap3A_121 = vector.shape_cast %swap3A_120 : vector<1x16xf32> to vector<16xf32>
          %swap3A_122 = vector.shape_cast %add3A_117 : vector<16xf32> to vector<1x16xf32>
          tpu.vector_store %arg17[%swap3A_118, %swap3A_119], %swap3A_122 {strides = array<i32>} : memref<640x32xf32, #tpu.memory_space<vmem>>, vector<1x16xf32>,
        }
        %scan3A_84 = arith.constant 16 : i32
      } else {
      }
      %mul3A_72 = arith.constant 624 : i32
      %mul3A_73 = arith.muli %arg1, %mul3A_72 : i32
      "tpu.region"() ({
        %run_scoped3A_79 = tpu.sem_alloc : memref<!tpu.dma_semaphore, #tpu.memory_space<semaphore_mem>>
        %dma_start3A_80 = arith.constant 0 : i32
        %dma_start3A_81 = arith.constant 0 : i32
        %dma_start3A_82 = tpu.memref_slice %arg17[%dma_start3A_80, %dma_start3A_81] : memref<640x32xf32, #tpu.memory_space<vmem>> -> memref<624x32xf32, #tpu.memory_space<vmem>>
        %dma_start3A_83 = arith.constant 0 : i32
        %dma_start3A_84 = tpu.memref_slice %arg8[%mul3A_73, %dma_start3A_83] : memref<10000x64xf32, #tpu.memory_space<hbm>> -> memref<624x32xf32, #tpu.memory_space<hbm>>
        %dma_start3A_85 = arith.constant 0 : i32
        %dma_start3A_86 = tpu.memref_slice %arg8[%mul3A_73, %dma_start3A_85] : memref<10000x64xf32, #tpu.memory_space<hbm>> -> memref<624x32xf32, #tpu.memory_space<hbm>>
        %dma_start3A_87 = arith.constant 0 : i32
        %dma_start3A_88 = arith.constant 0 : i32
        %dma_start3A_89 = tpu.memref_slice %arg17[%dma_start3A_87, %dma_start3A_88] : memref<640x32xf32, #tpu.memory_space<vmem>> -> memref<624x32xf32, #tpu.memory_space<vmem>>
        tpu.enqueue_dma source(%dma_start3A_89 : memref<624x32xf32, #tpu.memory_space<vmem>>) target(%dma_start3A_86 : memref<624x32xf32, #tpu.memory_space<hbm>>) target_semaphore(%run_scoped3A_79 : memref<!tpu.dma_semaphore, #tpu.memory_space<semaphore_mem>>)
        %dma_wait3A_90 = arith.constant 0 : i32
        %dma_wait3A_91 = arith.constant 0 : i32
        %dma_wait3A_92 = tpu.memref_slice %arg17[%dma_wait3A_90, %dma_wait3A_91] : memref<640x32xf32, #tpu.memory_space<vmem>> -> memref<624x32xf32, #tpu.memory_space<vmem>>
        %dma_wait3A_93 = arith.constant 0 : i32
        %dma_wait3A_94 = tpu.memref_slice %arg8[%mul3A_73, %dma_wait3A_93] : memref<10000x64xf32, #tpu.memory_space<hbm>> -> memref<624x32xf32, #tpu.memory_space<hbm>>
        %dma_wait3A_95 = arith.constant 0 : i32
        %dma_wait3A_96 = tpu.memref_slice %arg8[%mul3A_73, %dma_wait3A_95] : memref<10000x64xf32, #tpu.memory_space<hbm>> -> memref<624x32xf32, #tpu.memory_space<hbm>>
        %dma_wait3A_97 = arith.constant 0 : i32
        %dma_wait3A_98 = arith.constant 0 : i32
        %dma_wait3A_99 = tpu.memref_slice %arg17[%dma_wait3A_97, %dma_wait3A_98] : memref<640x32xf32, #tpu.memory_space<vmem>> -> memref<624x32xf32, #tpu.memory_space<vmem>>
        tpu.wait_dma2 semaphore(%run_scoped3A_79 : memref<!tpu.dma_semaphore, #tpu.memory_space<semaphore_mem>>) src(%dma_wait3A_99 : memref<624x32xf32, #tpu.memory_space<vmem>>) dst(%dma_wait3A_96 : memref<624x32xf32, #tpu.memory_space<hbm>>)
        tpu.yield
      }) : () -> ()
      %eq3A_74 = arith.constant 15 : i32
      %eq3A_75 = arith.cmpi eq, %arg1, %eq3A_74 : i32
      %convert_element_type3A_76 = arith.extui %eq3A_75 : i1 to i32
      %cond3A_77 = arith.constant 0 : i32
      %cond3A_78 = arith.cmpi ne, %convert_element_type3A_76, %cond3A_77 : i32
      scf.if %cond3A_78 {
        "tpu.region"() ({
          %run_scoped3A_79 = tpu.sem_alloc : memref<!tpu.dma_semaphore, #tpu.memory_space<semaphore_mem>>
          %dma_start3A_80 = arith.constant 624 : i32
          %dma_start3A_81 = arith.constant 0 : i32
          %dma_start3A_82 = tpu.memref_slice %arg17[%dma_start3A_80, %dma_start3A_81] : memref<640x32xf32, #tpu.memory_space<vmem>> -> memref<16x32xf32, #tpu.memory_space<vmem>>
          %dma_start3A_83 = arith.constant 9984 : i32
          %dma_start3A_84 = arith.constant 0 : i32
          %dma_start3A_85 = tpu.memref_slice %arg8[%dma_start3A_83, %dma_start3A_84] : memref<10000x64xf32, #tpu.memory_space<hbm>> -> memref<16x32xf32, #tpu.memory_space<hbm>>
          %dma_start3A_86 = arith.constant 9984 : i32
          %dma_start3A_87 = arith.constant 0 : i32
          %dma_start3A_88 = tpu.memref_slice %arg8[%dma_start3A_86, %dma_start3A_87] : memref<10000x64xf32, #tpu.memory_space<hbm>> -> memref<16x32xf32, #tpu.memory_space<hbm>>
          %dma_start3A_89 = arith.constant 624 : i32
          %dma_start3A_90 = arith.constant 0 : i32
          %dma_start3A_91 = tpu.memref_slice %arg17[%dma_start3A_89, %dma_start3A_90] : memref<640x32xf32, #tpu.memory_space<vmem>> -> memref<16x32xf32, #tpu.memory_space<vmem>>
          tpu.enqueue_dma source(%dma_start3A_91 : memref<16x32xf32, #tpu.memory_space<vmem>>) target(%dma_start3A_88 : memref<16x32xf32, #tpu.memory_space<hbm>>) target_semaphore(%run_scoped3A_79 : memref<!tpu.dma_semaphore, #tpu.memory_space<semaphore_mem>>)
          %dma_wait3A_92 = arith.constant 624 : i32
          %dma_wait3A_93 = arith.constant 0 : i32
          %dma_wait3A_94 = tpu.memref_slice %arg17[%dma_wait3A_92, %dma_wait3A_93] : memref<640x32xf32, #tpu.memory_space<vmem>> -> memref<16x32xf32, #tpu.memory_space<vmem>>
          %dma_wait3A_95 = arith.constant 9984 : i32
          %dma_wait3A_96 = arith.constant 0 : i32
          %dma_wait3A_97 = tpu.memref_slice %arg8[%dma_wait3A_95, %dma_wait3A_96] : memref<10000x64xf32, #tpu.memory_space<hbm>> -> memref<16x32xf32, #tpu.memory_space<hbm>>
          %dma_wait3A_98 = arith.constant 9984 : i32
          %dma_wait3A_99 = arith.constant 0 : i32
          %dma_wait3A_100 = tpu.memref_slice %arg8[%dma_wait3A_98, %dma_wait3A_99] : memref<10000x64xf32, #tpu.memory_space<hbm>> -> memref<16x32xf32, #tpu.memory_space<hbm>>
          %dma_wait3A_101 = arith.constant 624 : i32
          %dma_wait3A_102 = arith.constant 0 : i32
          %dma_wait3A_103 = tpu.memref_slice %arg17[%dma_wait3A_101, %dma_wait3A_102] : memref<640x32xf32, #tpu.memory_space<vmem>> -> memref<16x32xf32, #tpu.memory_space<vmem>>
          tpu.wait_dma2 semaphore(%run_scoped3A_79 : memref<!tpu.dma_semaphore, #tpu.memory_space<semaphore_mem>>) src(%dma_wait3A_103 : memref<16x32xf32, #tpu.memory_space<vmem>>) dst(%dma_wait3A_100 : memref<16x32xf32, #tpu.memory_space<hbm>>)
          tpu.yield
        }) : () -> ()
      } else {
      }
    } else {
    }
    %eq3A_13 = arith.constant 1 : i32
    %eq3A_14 = arith.cmpi eq, %arg0, %eq3A_13 : i32
    %convert_element_type3A_15 = arith.extui %eq3A_14 : i1 to i32
    %cond3A_16 = arith.constant 0 : i32
    %cond3A_17 = arith.cmpi ne, %convert_element_type3A_15, %cond3A_16 : i32
    scf.if %cond3A_17 {
      %mul3A_18 = arith.constant 624 : i32
      %mul3A_19 = arith.muli %arg1, %mul3A_18 : i32
      "tpu.region"() ({
        %run_scoped3A_79 = tpu.sem_alloc : memref<!tpu.dma_semaphore, #tpu.memory_space<semaphore_mem>>
        %dma_start3A_80 = arith.constant 0 : i32
        %dma_start3A_81 = tpu.memref_slice %arg16[%mul3A_19, %dma_start3A_80] : memref<10000x32xf32, #tpu.memory_space<vmem_shared>> -> memref<624x32xf32, #tpu.memory_space<vmem_shared>>
        %dma_start3A_82 = arith.constant 0 : i32
        %dma_start3A_83 = arith.constant 0 : i32
        %dma_start3A_84 = tpu.memref_slice %arg5[%dma_start3A_82, %dma_start3A_83] : memref<624x32xf32, #tpu.memory_space<hbm>> -> memref<624x32xf32, #tpu.memory_space<hbm>>
        tpu.enqueue_dma source(%dma_start3A_84 : memref<624x32xf32, #tpu.memory_space<hbm>>) target(%dma_start3A_81 : memref<624x32xf32, #tpu.memory_space<vmem_shared>>) target_semaphore(%run_scoped3A_79 : memref<!tpu.dma_semaphore, #tpu.memory_space<semaphore_mem>>)
        %dma_wait3A_85 = arith.constant 0 : i32
        %dma_wait3A_86 = tpu.memref_slice %arg16[%mul3A_19, %dma_wait3A_85] : memref<10000x32xf32, #tpu.memory_space<vmem_shared>> -> memref<624x32xf32, #tpu.memory_space<vmem_shared>>
        %dma_wait3A_87 = arith.constant 0 : i32
        %dma_wait3A_88 = arith.constant 0 : i32
        %dma_wait3A_89 = tpu.memref_slice %arg5[%dma_wait3A_87, %dma_wait3A_88] : memref<624x32xf32, #tpu.memory_space<hbm>> -> memref<624x32xf32, #tpu.memory_space<hbm>>
        tpu.wait_dma2 semaphore(%run_scoped3A_79 : memref<!tpu.dma_semaphore, #tpu.memory_space<semaphore_mem>>) src(%dma_wait3A_89 : memref<624x32xf32, #tpu.memory_space<hbm>>) dst(%dma_wait3A_86 : memref<624x32xf32, #tpu.memory_space<vmem_shared>>)
        tpu.yield
      }) : () -> ()
      %eq3A_20 = arith.constant 15 : i32
      %eq3A_21 = arith.cmpi eq, %arg1, %eq3A_20 : i32
      %convert_element_type3A_22 = arith.extui %eq3A_21 : i1 to i32
      %cond3A_23 = arith.constant 0 : i32
      %cond3A_24 = arith.cmpi ne, %convert_element_type3A_22, %cond3A_23 : i32
      scf.if %cond3A_24 {
        "tpu.region"() ({
          %run_scoped3A_79 = tpu.sem_alloc : memref<!tpu.dma_semaphore, #tpu.memory_space<semaphore_mem>>
          %dma_start3A_80 = arith.constant 9984 : i32
          %dma_start3A_81 = arith.constant 0 : i32
          %dma_start3A_82 = tpu.memref_slice %arg16[%dma_start3A_80, %dma_start3A_81] : memref<10000x32xf32, #tpu.memory_space<vmem_shared>> -> memref<16x32xf32, #tpu.memory_space<vmem_shared>>
          %dma_start3A_83 = arith.constant 0 : i32
          %dma_start3A_84 = arith.constant 0 : i32
          %dma_start3A_85 = tpu.memref_slice %arg5[%dma_start3A_83, %dma_start3A_84] : memref<624x32xf32, #tpu.memory_space<hbm>> -> memref<16x32xf32, #tpu.memory_space<hbm>>
          tpu.enqueue_dma source(%dma_start3A_85 : memref<16x32xf32, #tpu.memory_space<hbm>>) target(%dma_start3A_82 : memref<16x32xf32, #tpu.memory_space<vmem_shared>>) target_semaphore(%run_scoped3A_79 : memref<!tpu.dma_semaphore, #tpu.memory_space<semaphore_mem>>)
          %dma_wait3A_86 = arith.constant 9984 : i32
          %dma_wait3A_87 = arith.constant 0 : i32
          %dma_wait3A_88 = tpu.memref_slice %arg16[%dma_wait3A_86, %dma_wait3A_87] : memref<10000x32xf32, #tpu.memory_space<vmem_shared>> -> memref<16x32xf32, #tpu.memory_space<vmem_shared>>
          %dma_wait3A_89 = arith.constant 0 : i32
          %dma_wait3A_90 = arith.constant 0 : i32
          %dma_wait3A_91 = tpu.memref_slice %arg5[%dma_wait3A_89, %dma_wait3A_90] : memref<624x32xf32, #tpu.memory_space<hbm>> -> memref<16x32xf32, #tpu.memory_space<hbm>>
          tpu.wait_dma2 semaphore(%run_scoped3A_79 : memref<!tpu.dma_semaphore, #tpu.memory_space<semaphore_mem>>) src(%dma_wait3A_91 : memref<16x32xf32, #tpu.memory_space<hbm>>) dst(%dma_wait3A_88 : memref<16x32xf32, #tpu.memory_space<vmem_shared>>)
          tpu.yield
        }) : () -> ()
      } else {
      }
      %barrier3A = arith.constant 0 : index
      tpu.barrier barrier_id(%barrier3A)
      %dma_start3A = arith.constant 0 : i32
      %dma_start3A_25 = tpu.memref_slice %arg9[%dma_start3A] : memref<10000xi32, #tpu.memory_space<vmem>> -> memref<80xi32, #tpu.memory_space<vmem>>
      %dma_start3A_26 = arith.constant 0 : i32
      %dma_start3A_27 = arith.constant 0 : i32
      %dma_start3A_28 = tpu.memref_slice %arg3[%dma_start3A_26, %dma_start3A_27] : memref<10000x32xf32, #tpu.memory_space<hbm>> -> memref<10000x32xf32, #tpu.memory_space<hbm>>
      tpu.enqueue_indirect_dma source(%dma_start3A_28 : memref<10000x32xf32, #tpu.memory_space<hbm>>) target(%arg11 : memref<80x32xf32, #tpu.memory_space<vmem>>) offsets(%dma_start3A_25 : memref<80xi32, #tpu.memory_space<vmem>>) semaphore(%arg20 : memref<!tpu.dma_semaphore, #tpu.memory_space<semaphore_mem>>)
      %dma_start3A_29 = arith.constant 80 : i32
      %dma_start3A_30 = tpu.memref_slice %arg9[%dma_start3A_29] : memref<10000xi32, #tpu.memory_space<vmem>> -> memref<80xi32, #tpu.memory_space<vmem>>
      %dma_start3A_31 = arith.constant 0 : i32
      %dma_start3A_32 = arith.constant 0 : i32
      %dma_start3A_33 = tpu.memref_slice %arg3[%dma_start3A_31, %dma_start3A_32] : memref<10000x32xf32, #tpu.memory_space<hbm>> -> memref<10000x32xf32, #tpu.memory_space<hbm>>
      tpu.enqueue_indirect_dma source(%dma_start3A_33 : memref<10000x32xf32, #tpu.memory_space<hbm>>) target(%arg12 : memref<80x32xf32, #tpu.memory_space<vmem>>) offsets(%dma_start3A_30 : memref<80xi32, #tpu.memory_space<vmem>>) semaphore(%arg21 : memref<!tpu.dma_semaphore, #tpu.memory_space<semaphore_mem>>)
      %dma_start3A_34 = arith.constant 160 : i32
      %dma_start3A_35 = tpu.memref_slice %arg9[%dma_start3A_34] : memref<10000xi32, #tpu.memory_space<vmem>> -> memref<80xi32, #tpu.memory_space<vmem>>
      %dma_start3A_36 = arith.constant 0 : i32
      %dma_start3A_37 = arith.constant 0 : i32
      %dma_start3A_38 = tpu.memref_slice %arg3[%dma_start3A_36, %dma_start3A_37] : memref<10000x32xf32, #tpu.memory_space<hbm>> -> memref<10000x32xf32, #tpu.memory_space<hbm>>
      tpu.enqueue_indirect_dma source(%dma_start3A_38 : memref<10000x32xf32, #tpu.memory_space<hbm>>) target(%arg13 : memref<80x32xf32, #tpu.memory_space<vmem>>) offsets(%dma_start3A_35 : memref<80xi32, #tpu.memory_space<vmem>>) semaphore(%arg22 : memref<!tpu.dma_semaphore, #tpu.memory_space<semaphore_mem>>)
      %dma_start3A_39 = arith.constant 240 : i32
      %dma_start3A_40 = tpu.memref_slice %arg9[%dma_start3A_39] : memref<10000xi32, #tpu.memory_space<vmem>> -> memref<80xi32, #tpu.memory_space<vmem>>
      %dma_start3A_41 = arith.constant 0 : i32
      %dma_start3A_42 = arith.constant 0 : i32
      %dma_start3A_43 = tpu.memref_slice %arg3[%dma_start3A_41, %dma_start3A_42] : memref<10000x32xf32, #tpu.memory_space<hbm>> -> memref<10000x32xf32, #tpu.memory_space<hbm>>
      tpu.enqueue_indirect_dma source(%dma_start3A_43 : memref<10000x32xf32, #tpu.memory_space<hbm>>) target(%arg14 : memref<80x32xf32, #tpu.memory_space<vmem>>) offsets(%dma_start3A_40 : memref<80xi32, #tpu.memory_space<vmem>>) semaphore(%arg23 : memref<!tpu.dma_semaphore, #tpu.memory_space<semaphore_mem>>)
      %scan3A = arith.constant 0 : i32
      %scan3A_44 = arith.constant 0 : i32
      %scan3A_45 = arith.constant 25 : i32
      %scan3A_46 = arith.addi %scan3A_44, %scan3A_45 : i32
      %scan3A_47 = arith.constant 1 : i32
      scf.for %scan3A_79 = %scan3A_44 to %scan3A_46 step %scan3A_47  : i32 {
        %mul3A_80 = arith.constant 5 : i32
        %mul3A_81 = arith.muli %scan3A_79, %mul3A_80 : i32
        %add3A = arith.constant 0 : i32
        %add3A_82 = arith.addi %mul3A_81, %add3A : i32
        %gt3A = arith.constant 0 : i32
        %gt3A_83 = arith.cmpi sgt, %scan3A_79, %gt3A : i32
        %convert_element_type3A_84 = arith.extui %gt3A_83 : i1 to i32
        %cond3A_85 = arith.constant 0 : i32
        %cond3A_86 = arith.cmpi ne, %convert_element_type3A_84, %cond3A_85 : i32
        scf.if %cond3A_86 {
          %sub3A_223 = arith.constant 1 : i32
          %sub3A_224 = arith.subi %add3A_82, %sub3A_223 : i32
          %mul3A_225 = arith.constant 80 : i32
          %mul3A_226 = arith.muli %sub3A_224, %mul3A_225 : i32
          %dma_wait3A_227 = tpu.memref_slice %arg10[%mul3A_226] : memref<10000xi32, #tpu.memory_space<vmem>> -> memref<80xi32, #tpu.memory_space<vmem>>
          %dma_wait3A_228 = arith.constant 0 : i32
          %dma_wait3A_229 = arith.constant 0 : i32
          %dma_wait3A_230 = tpu.memref_slice %arg16[%dma_wait3A_228, %dma_wait3A_229] : memref<10000x32xf32, #tpu.memory_space<vmem_shared>> -> memref<10000x32xf32, #tpu.memory_space<vmem_shared>>
          tpu.wait_indirect_dma semaphore(%arg29 : memref<!tpu.dma_semaphore, #tpu.memory_space<semaphore_mem>>) src(%arg15 : memref<80x32xf32, #tpu.memory_space<vmem>>) dst(%dma_wait3A_230 : memref<10000x32xf32, #tpu.memory_space<vmem_shared>>)
        } else {
        }
        %add3A_87 = arith.constant 5 : i32
        %add3A_88 = arith.addi %add3A_82, %add3A_87 : i32
        %sub3A = arith.constant 1 : i32
        %sub3A_89 = arith.subi %add3A_88, %sub3A : i32
        %mul3A_90 = arith.constant 80 : i32
        %mul3A_91 = arith.muli %sub3A_89, %mul3A_90 : i32
        %dma_start3A_92 = tpu.memref_slice %arg9[%mul3A_91] : memref<10000xi32, #tpu.memory_space<vmem>> -> memref<80xi32, #tpu.memory_space<vmem>>
        %dma_start3A_93 = arith.constant 0 : i32
        %dma_start3A_94 = arith.constant 0 : i32
        %dma_start3A_95 = tpu.memref_slice %arg3[%dma_start3A_93, %dma_start3A_94] : memref<10000x32xf32, #tpu.memory_space<hbm>> -> memref<10000x32xf32, #tpu.memory_space<hbm>>
        tpu.enqueue_indirect_dma source(%dma_start3A_95 : memref<10000x32xf32, #tpu.memory_space<hbm>>) target(%arg15 : memref<80x32xf32, #tpu.memory_space<vmem>>) offsets(%dma_start3A_92 : memref<80xi32, #tpu.memory_space<vmem>>) semaphore(%arg24 : memref<!tpu.dma_semaphore, #tpu.memory_space<semaphore_mem>>)
        %mul3A_96 = arith.constant 80 : i32
        %mul3A_97 = arith.muli %add3A_82, %mul3A_96 : i32
        %dma_wait3A_98 = tpu.memref_slice %arg9[%mul3A_97] : memref<10000xi32, #tpu.memory_space<vmem>> -> memref<80xi32, #tpu.memory_space<vmem>>
        %dma_wait3A_99 = arith.constant 0 : i32
        %dma_wait3A_100 = arith.constant 0 : i32
        %dma_wait3A_101 = tpu.memref_slice %arg3[%dma_wait3A_99, %dma_wait3A_100] : memref<10000x32xf32, #tpu.memory_space<hbm>> -> memref<10000x32xf32, #tpu.memory_space<hbm>>
        tpu.wait_indirect_dma semaphore(%arg20 : memref<!tpu.dma_semaphore, #tpu.memory_space<semaphore_mem>>) src(%dma_wait3A_101 : memref<10000x32xf32, #tpu.memory_space<hbm>>) dst(%arg11 : memref<80x32xf32, #tpu.memory_space<vmem>>)
        %mul3A_102 = arith.constant 80 : i32
        %mul3A_103 = arith.muli %add3A_82, %mul3A_102 : i32
        %dma_start3A_104 = tpu.memref_slice %arg10[%mul3A_103] : memref<10000xi32, #tpu.memory_space<vmem>> -> memref<80xi32, #tpu.memory_space<vmem>>
        %dma_start3A_105 = arith.constant 0 : i32
        %dma_start3A_106 = arith.constant 0 : i32
        %dma_start3A_107 = tpu.memref_slice %arg16[%dma_start3A_105, %dma_start3A_106] : memref<10000x32xf32, #tpu.memory_space<vmem_shared>> -> memref<10000x32xf32, #tpu.memory_space<vmem_shared>>
        tpu.enqueue_indirect_dma source(%arg11 : memref<80x32xf32, #tpu.memory_space<vmem>>) target(%dma_start3A_107 : memref<10000x32xf32, #tpu.memory_space<vmem_shared>>) offsets(%dma_start3A_104 : memref<80xi32, #tpu.memory_space<vmem>>) semaphore(%arg25 : memref<!tpu.dma_semaphore, #tpu.memory_space<semaphore_mem>>) {add = true}
        %mul3A_108 = arith.constant 5 : i32
        %mul3A_109 = arith.muli %scan3A_79, %mul3A_108 : i32
        %add3A_110 = arith.constant 1 : i32
        %add3A_111 = arith.addi %mul3A_109, %add3A_110 : i32
        %sub3A_112 = arith.constant 1 : i32
        %sub3A_113 = arith.subi %add3A_111, %sub3A_112 : i32
        %mul3A_114 = arith.constant 80 : i32
        %mul3A_115 = arith.muli %sub3A_113, %mul3A_114 : i32
        %dma_wait3A_116 = tpu.memref_slice %arg10[%mul3A_115] : memref<10000xi32, #tpu.memory_space<vmem>> -> memref<80xi32, #tpu.memory_space<vmem>>
        %dma_wait3A_117 = arith.constant 0 : i32
        %dma_wait3A_118 = arith.constant 0 : i32
        %dma_wait3A_119 = tpu.memref_slice %arg16[%dma_wait3A_117, %dma_wait3A_118] : memref<10000x32xf32, #tpu.memory_space<vmem_shared>> -> memref<10000x32xf32, #tpu.memory_space<vmem_shared>>
        tpu.wait_indirect_dma semaphore(%arg25 : memref<!tpu.dma_semaphore, #tpu.memory_space<semaphore_mem>>) src(%arg11 : memref<80x32xf32, #tpu.memory_space<vmem>>) dst(%dma_wait3A_119 : memref<10000x32xf32, #tpu.memory_space<vmem_shared>>)
        %lt3A = arith.constant 24 : i32
        %lt3A_120 = arith.cmpi slt, %scan3A_79, %lt3A : i32
        %convert_element_type3A_121 = arith.extui %lt3A_120 : i1 to i32
        %cond3A_122 = arith.constant 0 : i32
        %cond3A_123 = arith.cmpi ne, %convert_element_type3A_121, %cond3A_122 : i32
        scf.if %cond3A_123 {
          %add3A_223 = arith.constant 5 : i32
          %add3A_224 = arith.addi %add3A_111, %add3A_223 : i32
          %sub3A_225 = arith.constant 1 : i32
          %sub3A_226 = arith.subi %add3A_224, %sub3A_225 : i32
          %mul3A_227 = arith.constant 80 : i32
          %mul3A_228 = arith.muli %sub3A_226, %mul3A_227 : i32
          %dma_start3A_229 = tpu.memref_slice %arg9[%mul3A_228] : memref<10000xi32, #tpu.memory_space<vmem>> -> memref<80xi32, #tpu.memory_space<vmem>>
          %dma_start3A_230 = arith.constant 0 : i32
          %dma_start3A_231 = arith.constant 0 : i32
          %dma_start3A_232 = tpu.memref_slice %arg3[%dma_start3A_230, %dma_start3A_231] : memref<10000x32xf32, #tpu.memory_space<hbm>> -> memref<10000x32xf32, #tpu.memory_space<hbm>>
          tpu.enqueue_indirect_dma source(%dma_start3A_232 : memref<10000x32xf32, #tpu.memory_space<hbm>>) target(%arg11 : memref<80x32xf32, #tpu.memory_space<vmem>>) offsets(%dma_start3A_229 : memref<80xi32, #tpu.memory_space<vmem>>) semaphore(%arg20 : memref<!tpu.dma_semaphore, #tpu.memory_space<semaphore_mem>>)
        } else {
        }
        %mul3A_124 = arith.constant 80 : i32
        %mul3A_125 = arith.muli %add3A_111, %mul3A_124 : i32
        %dma_wait3A_126 = tpu.memref_slice %arg9[%mul3A_125] : memref<10000xi32, #tpu.memory_space<vmem>> -> memref<80xi32, #tpu.memory_space<vmem>>
        %dma_wait3A_127 = arith.constant 0 : i32
        %dma_wait3A_128 = arith.constant 0 : i32
        %dma_wait3A_129 = tpu.memref_slice %arg3[%dma_wait3A_127, %dma_wait3A_128] : memref<10000x32xf32, #tpu.memory_space<hbm>> -> memref<10000x32xf32, #tpu.memory_space<hbm>>
        tpu.wait_indirect_dma semaphore(%arg21 : memref<!tpu.dma_semaphore, #tpu.memory_space<semaphore_mem>>) src(%dma_wait3A_129 : memref<10000x32xf32, #tpu.memory_space<hbm>>) dst(%arg12 : memref<80x32xf32, #tpu.memory_space<vmem>>)
        %mul3A_130 = arith.constant 80 : i32
        %mul3A_131 = arith.muli %add3A_111, %mul3A_130 : i32
        %dma_start3A_132 = tpu.memref_slice %arg10[%mul3A_131] : memref<10000xi32, #tpu.memory_space<vmem>> -> memref<80xi32, #tpu.memory_space<vmem>>
        %dma_start3A_133 = arith.constant 0 : i32
        %dma_start3A_134 = arith.constant 0 : i32
        %dma_start3A_135 = tpu.memref_slice %arg16[%dma_start3A_133, %dma_start3A_134] : memref<10000x32xf32, #tpu.memory_space<vmem_shared>> -> memref<10000x32xf32, #tpu.memory_space<vmem_shared>>
        tpu.enqueue_indirect_dma source(%arg12 : memref<80x32xf32, #tpu.memory_space<vmem>>) target(%dma_start3A_135 : memref<10000x32xf32, #tpu.memory_space<vmem_shared>>) offsets(%dma_start3A_132 : memref<80xi32, #tpu.memory_space<vmem>>) semaphore(%arg26 : memref<!tpu.dma_semaphore, #tpu.memory_space<semaphore_mem>>) {add = true}
        %mul3A_136 = arith.constant 5 : i32
        %mul3A_137 = arith.muli %scan3A_79, %mul3A_136 : i32
        %add3A_138 = arith.constant 2 : i32
        %add3A_139 = arith.addi %mul3A_137, %add3A_138 : i32
        %sub3A_140 = arith.constant 1 : i32
        %sub3A_141 = arith.subi %add3A_139, %sub3A_140 : i32
        %mul3A_142 = arith.constant 80 : i32
        %mul3A_143 = arith.muli %sub3A_141, %mul3A_142 : i32
        %dma_wait3A_144 = tpu.memref_slice %arg10[%mul3A_143] : memref<10000xi32, #tpu.memory_space<vmem>> -> memref<80xi32, #tpu.memory_space<vmem>>
        %dma_wait3A_145 = arith.constant 0 : i32
        %dma_wait3A_146 = arith.constant 0 : i32
        %dma_wait3A_147 = tpu.memref_slice %arg16[%dma_wait3A_145, %dma_wait3A_146] : memref<10000x32xf32, #tpu.memory_space<vmem_shared>> -> memref<10000x32xf32, #tpu.memory_space<vmem_shared>>
        tpu.wait_indirect_dma semaphore(%arg26 : memref<!tpu.dma_semaphore, #tpu.memory_space<semaphore_mem>>) src(%arg12 : memref<80x32xf32, #tpu.memory_space<vmem>>) dst(%dma_wait3A_147 : memref<10000x32xf32, #tpu.memory_space<vmem_shared>>)
        %lt3A_148 = arith.constant 24 : i32
        %lt3A_149 = arith.cmpi slt, %scan3A_79, %lt3A_148 : i32
        %convert_element_type3A_150 = arith.extui %lt3A_149 : i1 to i32
        %cond3A_151 = arith.constant 0 : i32
        %cond3A_152 = arith.cmpi ne, %convert_element_type3A_150, %cond3A_151 : i32
        scf.if %cond3A_152 {
          %add3A_223 = arith.constant 5 : i32
          %add3A_224 = arith.addi %add3A_139, %add3A_223 : i32
          %sub3A_225 = arith.constant 1 : i32
          %sub3A_226 = arith.subi %add3A_224, %sub3A_225 : i32
          %mul3A_227 = arith.constant 80 : i32
          %mul3A_228 = arith.muli %sub3A_226, %mul3A_227 : i32
          %dma_start3A_229 = tpu.memref_slice %arg9[%mul3A_228] : memref<10000xi32, #tpu.memory_space<vmem>> -> memref<80xi32, #tpu.memory_space<vmem>>
          %dma_start3A_230 = arith.constant 0 : i32
          %dma_start3A_231 = arith.constant 0 : i32
          %dma_start3A_232 = tpu.memref_slice %arg3[%dma_start3A_230, %dma_start3A_231] : memref<10000x32xf32, #tpu.memory_space<hbm>> -> memref<10000x32xf32, #tpu.memory_space<hbm>>
          tpu.enqueue_indirect_dma source(%dma_start3A_232 : memref<10000x32xf32, #tpu.memory_space<hbm>>) target(%arg12 : memref<80x32xf32, #tpu.memory_space<vmem>>) offsets(%dma_start3A_229 : memref<80xi32, #tpu.memory_space<vmem>>) semaphore(%arg21 : memref<!tpu.dma_semaphore, #tpu.memory_space<semaphore_mem>>)
        } else {
        }
        %mul3A_153 = arith.constant 80 : i32
        %mul3A_154 = arith.muli %add3A_139, %mul3A_153 : i32
        %dma_wait3A_155 = tpu.memref_slice %arg9[%mul3A_154] : memref<10000xi32, #tpu.memory_space<vmem>> -> memref<80xi32, #tpu.memory_space<vmem>>
        %dma_wait3A_156 = arith.constant 0 : i32
        %dma_wait3A_157 = arith.constant 0 : i32
        %dma_wait3A_158 = tpu.memref_slice %arg3[%dma_wait3A_156, %dma_wait3A_157] : memref<10000x32xf32, #tpu.memory_space<hbm>> -> memref<10000x32xf32, #tpu.memory_space<hbm>>
        tpu.wait_indirect_dma semaphore(%arg22 : memref<!tpu.dma_semaphore, #tpu.memory_space<semaphore_mem>>) src(%dma_wait3A_158 : memref<10000x32xf32, #tpu.memory_space<hbm>>) dst(%arg13 : memref<80x32xf32, #tpu.memory_space<vmem>>)
        %mul3A_159 = arith.constant 80 : i32
        %mul3A_160 = arith.muli %add3A_139, %mul3A_159 : i32
        %dma_start3A_161 = tpu.memref_slice %arg10[%mul3A_160] : memref<10000xi32, #tpu.memory_space<vmem>> -> memref<80xi32, #tpu.memory_space<vmem>>
        %dma_start3A_162 = arith.constant 0 : i32
        %dma_start3A_163 = arith.constant 0 : i32
        %dma_start3A_164 = tpu.memref_slice %arg16[%dma_start3A_162, %dma_start3A_163] : memref<10000x32xf32, #tpu.memory_space<vmem_shared>> -> memref<10000x32xf32, #tpu.memory_space<vmem_shared>>
        tpu.enqueue_indirect_dma source(%arg13 : memref<80x32xf32, #tpu.memory_space<vmem>>) target(%dma_start3A_164 : memref<10000x32xf32, #tpu.memory_space<vmem_shared>>) offsets(%dma_start3A_161 : memref<80xi32, #tpu.memory_space<vmem>>) semaphore(%arg27 : memref<!tpu.dma_semaphore, #tpu.memory_space<semaphore_mem>>) {add = true}
        %mul3A_165 = arith.constant 5 : i32
        %mul3A_166 = arith.muli %scan3A_79, %mul3A_165 : i32
        %add3A_167 = arith.constant 3 : i32
        %add3A_168 = arith.addi %mul3A_166, %add3A_167 : i32
        %sub3A_169 = arith.constant 1 : i32
        %sub3A_170 = arith.subi %add3A_168, %sub3A_169 : i32
        %mul3A_171 = arith.constant 80 : i32
        %mul3A_172 = arith.muli %sub3A_170, %mul3A_171 : i32
        %dma_wait3A_173 = tpu.memref_slice %arg10[%mul3A_172] : memref<10000xi32, #tpu.memory_space<vmem>> -> memref<80xi32, #tpu.memory_space<vmem>>
        %dma_wait3A_174 = arith.constant 0 : i32
        %dma_wait3A_175 = arith.constant 0 : i32
        %dma_wait3A_176 = tpu.memref_slice %arg16[%dma_wait3A_174, %dma_wait3A_175] : memref<10000x32xf32, #tpu.memory_space<vmem_shared>> -> memref<10000x32xf32, #tpu.memory_space<vmem_shared>>
        tpu.wait_indirect_dma semaphore(%arg27 : memref<!tpu.dma_semaphore, #tpu.memory_space<semaphore_mem>>) src(%arg13 : memref<80x32xf32, #tpu.memory_space<vmem>>) dst(%dma_wait3A_176 : memref<10000x32xf32, #tpu.memory_space<vmem_shared>>)
        %lt3A_177 = arith.constant 24 : i32
        %lt3A_178 = arith.cmpi slt, %scan3A_79, %lt3A_177 : i32
        %convert_element_type3A_179 = arith.extui %lt3A_178 : i1 to i32
        %cond3A_180 = arith.constant 0 : i32
        %cond3A_181 = arith.cmpi ne, %convert_element_type3A_179, %cond3A_180 : i32
        scf.if %cond3A_181 {
          %add3A_223 = arith.constant 5 : i32
          %add3A_224 = arith.addi %add3A_168, %add3A_223 : i32
          %sub3A_225 = arith.constant 1 : i32
          %sub3A_226 = arith.subi %add3A_224, %sub3A_225 : i32
          %mul3A_227 = arith.constant 80 : i32
          %mul3A_228 = arith.muli %sub3A_226, %mul3A_227 : i32
          %dma_start3A_229 = tpu.memref_slice %arg9[%mul3A_228] : memref<10000xi32, #tpu.memory_space<vmem>> -> memref<80xi32, #tpu.memory_space<vmem>>
          %dma_start3A_230 = arith.constant 0 : i32
          %dma_start3A_231 = arith.constant 0 : i32
          %dma_start3A_232 = tpu.memref_slice %arg3[%dma_start3A_230, %dma_start3A_231] : memref<10000x32xf32, #tpu.memory_space<hbm>> -> memref<10000x32xf32, #tpu.memory_space<hbm>>
          tpu.enqueue_indirect_dma source(%dma_start3A_232 : memref<10000x32xf32, #tpu.memory_space<hbm>>) target(%arg13 : memref<80x32xf32, #tpu.memory_space<vmem>>) offsets(%dma_start3A_229 : memref<80xi32, #tpu.memory_space<vmem>>) semaphore(%arg22 : memref<!tpu.dma_semaphore, #tpu.memory_space<semaphore_mem>>)
        } else {
        }
        %mul3A_182 = arith.constant 80 : i32
        %mul3A_183 = arith.muli %add3A_168, %mul3A_182 : i32
        %dma_wait3A_184 = tpu.memref_slice %arg9[%mul3A_183] : memref<10000xi32, #tpu.memory_space<vmem>> -> memref<80xi32, #tpu.memory_space<vmem>>
        %dma_wait3A_185 = arith.constant 0 : i32
        %dma_wait3A_186 = arith.constant 0 : i32
        %dma_wait3A_187 = tpu.memref_slice %arg3[%dma_wait3A_185, %dma_wait3A_186] : memref<10000x32xf32, #tpu.memory_space<hbm>> -> memref<10000x32xf32, #tpu.memory_space<hbm>>
        tpu.wait_indirect_dma semaphore(%arg23 : memref<!tpu.dma_semaphore, #tpu.memory_space<semaphore_mem>>) src(%dma_wait3A_187 : memref<10000x32xf32, #tpu.memory_space<hbm>>) dst(%arg14 : memref<80x32xf32, #tpu.memory_space<vmem>>)
        %mul3A_188 = arith.constant 80 : i32
        %mul3A_189 = arith.muli %add3A_168, %mul3A_188 : i32
        %dma_start3A_190 = tpu.memref_slice %arg10[%mul3A_189] : memref<10000xi32, #tpu.memory_space<vmem>> -> memref<80xi32, #tpu.memory_space<vmem>>
        %dma_start3A_191 = arith.constant 0 : i32
        %dma_start3A_192 = arith.constant 0 : i32
        %dma_start3A_193 = tpu.memref_slice %arg16[%dma_start3A_191, %dma_start3A_192] : memref<10000x32xf32, #tpu.memory_space<vmem_shared>> -> memref<10000x32xf32, #tpu.memory_space<vmem_shared>>
        tpu.enqueue_indirect_dma source(%arg14 : memref<80x32xf32, #tpu.memory_space<vmem>>) target(%dma_start3A_193 : memref<10000x32xf32, #tpu.memory_space<vmem_shared>>) offsets(%dma_start3A_190 : memref<80xi32, #tpu.memory_space<vmem>>) semaphore(%arg28 : memref<!tpu.dma_semaphore, #tpu.memory_space<semaphore_mem>>) {add = true}
        %mul3A_194 = arith.constant 5 : i32
        %mul3A_195 = arith.muli %scan3A_79, %mul3A_194 : i32
        %add3A_196 = arith.constant 4 : i32
        %add3A_197 = arith.addi %mul3A_195, %add3A_196 : i32
        %sub3A_198 = arith.constant 1 : i32
        %sub3A_199 = arith.subi %add3A_197, %sub3A_198 : i32
        %mul3A_200 = arith.constant 80 : i32
        %mul3A_201 = arith.muli %sub3A_199, %mul3A_200 : i32
        %dma_wait3A_202 = tpu.memref_slice %arg10[%mul3A_201] : memref<10000xi32, #tpu.memory_space<vmem>> -> memref<80xi32, #tpu.memory_space<vmem>>
        %dma_wait3A_203 = arith.constant 0 : i32
        %dma_wait3A_204 = arith.constant 0 : i32
        %dma_wait3A_205 = tpu.memref_slice %arg16[%dma_wait3A_203, %dma_wait3A_204] : memref<10000x32xf32, #tpu.memory_space<vmem_shared>> -> memref<10000x32xf32, #tpu.memory_space<vmem_shared>>
        tpu.wait_indirect_dma semaphore(%arg28 : memref<!tpu.dma_semaphore, #tpu.memory_space<semaphore_mem>>) src(%arg14 : memref<80x32xf32, #tpu.memory_space<vmem>>) dst(%dma_wait3A_205 : memref<10000x32xf32, #tpu.memory_space<vmem_shared>>)
        %lt3A_206 = arith.constant 24 : i32
        %lt3A_207 = arith.cmpi slt, %scan3A_79, %lt3A_206 : i32
        %convert_element_type3A_208 = arith.extui %lt3A_207 : i1 to i32
        %cond3A_209 = arith.constant 0 : i32
        %cond3A_210 = arith.cmpi ne, %convert_element_type3A_208, %cond3A_209 : i32
        scf.if %cond3A_210 {
          %add3A_223 = arith.constant 5 : i32
          %add3A_224 = arith.addi %add3A_197, %add3A_223 : i32
          %sub3A_225 = arith.constant 1 : i32
          %sub3A_226 = arith.subi %add3A_224, %sub3A_225 : i32
          %mul3A_227 = arith.constant 80 : i32
          %mul3A_228 = arith.muli %sub3A_226, %mul3A_227 : i32
          %dma_start3A_229 = tpu.memref_slice %arg9[%mul3A_228] : memref<10000xi32, #tpu.memory_space<vmem>> -> memref<80xi32, #tpu.memory_space<vmem>>
          %dma_start3A_230 = arith.constant 0 : i32
          %dma_start3A_231 = arith.constant 0 : i32
          %dma_start3A_232 = tpu.memref_slice %arg3[%dma_start3A_230, %dma_start3A_231] : memref<10000x32xf32, #tpu.memory_space<hbm>> -> memref<10000x32xf32, #tpu.memory_space<hbm>>
          tpu.enqueue_indirect_dma source(%dma_start3A_232 : memref<10000x32xf32, #tpu.memory_space<hbm>>) target(%arg14 : memref<80x32xf32, #tpu.memory_space<vmem>>) offsets(%dma_start3A_229 : memref<80xi32, #tpu.memory_space<vmem>>) semaphore(%arg23 : memref<!tpu.dma_semaphore, #tpu.memory_space<semaphore_mem>>)
        } else {
        }
        %mul3A_211 = arith.constant 80 : i32
        %mul3A_212 = arith.muli %add3A_197, %mul3A_211 : i32
        %dma_wait3A_213 = tpu.memref_slice %arg9[%mul3A_212] : memref<10000xi32, #tpu.memory_space<vmem>> -> memref<80xi32, #tpu.memory_space<vmem>>
        %dma_wait3A_214 = arith.constant 0 : i32
        %dma_wait3A_215 = arith.constant 0 : i32
        %dma_wait3A_216 = tpu.memref_slice %arg3[%dma_wait3A_214, %dma_wait3A_215] : memref<10000x32xf32, #tpu.memory_space<hbm>> -> memref<10000x32xf32, #tpu.memory_space<hbm>>
        tpu.wait_indirect_dma semaphore(%arg24 : memref<!tpu.dma_semaphore, #tpu.memory_space<semaphore_mem>>) src(%dma_wait3A_216 : memref<10000x32xf32, #tpu.memory_space<hbm>>) dst(%arg15 : memref<80x32xf32, #tpu.memory_space<vmem>>)
        %mul3A_217 = arith.constant 80 : i32
        %mul3A_218 = arith.muli %add3A_197, %mul3A_217 : i32
        %dma_start3A_219 = tpu.memref_slice %arg10[%mul3A_218] : memref<10000xi32, #tpu.memory_space<vmem>> -> memref<80xi32, #tpu.memory_space<vmem>>
        %dma_start3A_220 = arith.constant 0 : i32
        %dma_start3A_221 = arith.constant 0 : i32
        %dma_start3A_222 = tpu.memref_slice %arg16[%dma_start3A_220, %dma_start3A_221] : memref<10000x32xf32, #tpu.memory_space<vmem_shared>> -> memref<10000x32xf32, #tpu.memory_space<vmem_shared>>
        tpu.enqueue_indirect_dma source(%arg15 : memref<80x32xf32, #tpu.memory_space<vmem>>) target(%dma_start3A_222 : memref<10000x32xf32, #tpu.memory_space<vmem_shared>>) offsets(%dma_start3A_219 : memref<80xi32, #tpu.memory_space<vmem>>) semaphore(%arg29 : memref<!tpu.dma_semaphore, #tpu.memory_space<semaphore_mem>>) {add = true}
      }
      %scan3A_48 = arith.constant 25 : i32
      %dma_wait3A = arith.constant 9920 : i32
      %dma_wait3A_49 = tpu.memref_slice %arg10[%dma_wait3A] : memref<10000xi32, #tpu.memory_space<vmem>> -> memref<80xi32, #tpu.memory_space<vmem>>
      %dma_wait3A_50 = arith.constant 0 : i32
      %dma_wait3A_51 = arith.constant 0 : i32
      %dma_wait3A_52 = tpu.memref_slice %arg16[%dma_wait3A_50, %dma_wait3A_51] : memref<10000x32xf32, #tpu.memory_space<vmem_shared>> -> memref<10000x32xf32, #tpu.memory_space<vmem_shared>>
      tpu.wait_indirect_dma semaphore(%arg29 : memref<!tpu.dma_semaphore, #tpu.memory_space<semaphore_mem>>) src(%arg15 : memref<80x32xf32, #tpu.memory_space<vmem>>) dst(%dma_wait3A_52 : memref<10000x32xf32, #tpu.memory_space<vmem_shared>>)
      %barrier3A_53 = arith.constant 0 : index
      tpu.barrier barrier_id(%barrier3A_53)
      %mul3A_54 = arith.constant 624 : i32
      %mul3A_55 = arith.muli %arg1, %mul3A_54 : i32
      "tpu.region"() ({
        %run_scoped3A_79 = tpu.sem_alloc : memref<!tpu.dma_semaphore, #tpu.memory_space<semaphore_mem>>
        %dma_start3A_80 = arith.constant 0 : i32
        %dma_start3A_81 = arith.constant 0 : i32
        %dma_start3A_82 = tpu.memref_slice %arg17[%dma_start3A_80, %dma_start3A_81] : memref<640x32xf32, #tpu.memory_space<vmem>> -> memref<624x32xf32, #tpu.memory_space<vmem>>
        %dma_start3A_83 = arith.constant 0 : i32
        %dma_start3A_84 = tpu.memref_slice %arg16[%mul3A_55, %dma_start3A_83] : memref<10000x32xf32, #tpu.memory_space<vmem_shared>> -> memref<624x32xf32, #tpu.memory_space<vmem_shared>>
        %dma_start3A_85 = arith.constant 0 : i32
        %dma_start3A_86 = arith.constant 0 : i32
        %dma_start3A_87 = tpu.memref_slice %arg17[%dma_start3A_85, %dma_start3A_86] : memref<640x32xf32, #tpu.memory_space<vmem>> -> memref<624x32xf32, #tpu.memory_space<vmem>>
        %dma_start3A_88 = arith.constant 0 : i32
        %dma_start3A_89 = tpu.memref_slice %arg16[%mul3A_55, %dma_start3A_88] : memref<10000x32xf32, #tpu.memory_space<vmem_shared>> -> memref<624x32xf32, #tpu.memory_space<vmem_shared>>
        tpu.enqueue_dma source(%dma_start3A_89 : memref<624x32xf32, #tpu.memory_space<vmem_shared>>) target(%dma_start3A_87 : memref<624x32xf32, #tpu.memory_space<vmem>>) target_semaphore(%run_scoped3A_79 : memref<!tpu.dma_semaphore, #tpu.memory_space<semaphore_mem>>)
        %dma_wait3A_90 = arith.constant 0 : i32
        %dma_wait3A_91 = arith.constant 0 : i32
        %dma_wait3A_92 = tpu.memref_slice %arg17[%dma_wait3A_90, %dma_wait3A_91] : memref<640x32xf32, #tpu.memory_space<vmem>> -> memref<624x32xf32, #tpu.memory_space<vmem>>
        %dma_wait3A_93 = arith.constant 0 : i32
        %dma_wait3A_94 = tpu.memref_slice %arg16[%mul3A_55, %dma_wait3A_93] : memref<10000x32xf32, #tpu.memory_space<vmem_shared>> -> memref<624x32xf32, #tpu.memory_space<vmem_shared>>
        %dma_wait3A_95 = arith.constant 0 : i32
        %dma_wait3A_96 = arith.constant 0 : i32
        %dma_wait3A_97 = tpu.memref_slice %arg17[%dma_wait3A_95, %dma_wait3A_96] : memref<640x32xf32, #tpu.memory_space<vmem>> -> memref<624x32xf32, #tpu.memory_space<vmem>>
        %dma_wait3A_98 = arith.constant 0 : i32
        %dma_wait3A_99 = tpu.memref_slice %arg16[%mul3A_55, %dma_wait3A_98] : memref<10000x32xf32, #tpu.memory_space<vmem_shared>> -> memref<624x32xf32, #tpu.memory_space<vmem_shared>>
        tpu.wait_dma2 semaphore(%run_scoped3A_79 : memref<!tpu.dma_semaphore, #tpu.memory_space<semaphore_mem>>) src(%dma_wait3A_99 : memref<624x32xf32, #tpu.memory_space<vmem_shared>>) dst(%dma_wait3A_97 : memref<624x32xf32, #tpu.memory_space<vmem>>)
        tpu.yield
      }) : () -> ()
      %eq3A_56 = arith.constant 15 : i32
      %eq3A_57 = arith.cmpi eq, %arg1, %eq3A_56 : i32
      %convert_element_type3A_58 = arith.extui %eq3A_57 : i1 to i32
      %cond3A_59 = arith.constant 0 : i32
      %cond3A_60 = arith.cmpi ne, %convert_element_type3A_58, %cond3A_59 : i32
      scf.if %cond3A_60 {
        "tpu.region"() ({
          %run_scoped3A_79 = tpu.sem_alloc : memref<!tpu.dma_semaphore, #tpu.memory_space<semaphore_mem>>
          %dma_start3A_80 = arith.constant 624 : i32
          %dma_start3A_81 = arith.constant 0 : i32
          %dma_start3A_82 = tpu.memref_slice %arg17[%dma_start3A_80, %dma_start3A_81] : memref<640x32xf32, #tpu.memory_space<vmem>> -> memref<16x32xf32, #tpu.memory_space<vmem>>
          %dma_start3A_83 = arith.constant 9984 : i32
          %dma_start3A_84 = arith.constant 0 : i32
          %dma_start3A_85 = tpu.memref_slice %arg16[%dma_start3A_83, %dma_start3A_84] : memref<10000x32xf32, #tpu.memory_space<vmem_shared>> -> memref<16x32xf32, #tpu.memory_space<vmem_shared>>
          %dma_start3A_86 = arith.constant 624 : i32
          %dma_start3A_87 = arith.constant 0 : i32
          %dma_start3A_88 = tpu.memref_slice %arg17[%dma_start3A_86, %dma_start3A_87] : memref<640x32xf32, #tpu.memory_space<vmem>> -> memref<16x32xf32, #tpu.memory_space<vmem>>
          %dma_start3A_89 = arith.constant 9984 : i32
          %dma_start3A_90 = arith.constant 0 : i32
          %dma_start3A_91 = tpu.memref_slice %arg16[%dma_start3A_89, %dma_start3A_90] : memref<10000x32xf32, #tpu.memory_space<vmem_shared>> -> memref<16x32xf32, #tpu.memory_space<vmem_shared>>
          tpu.enqueue_dma source(%dma_start3A_91 : memref<16x32xf32, #tpu.memory_space<vmem_shared>>) target(%dma_start3A_88 : memref<16x32xf32, #tpu.memory_space<vmem>>) target_semaphore(%run_scoped3A_79 : memref<!tpu.dma_semaphore, #tpu.memory_space<semaphore_mem>>)
          %dma_wait3A_92 = arith.constant 624 : i32
          %dma_wait3A_93 = arith.constant 0 : i32
          %dma_wait3A_94 = tpu.memref_slice %arg17[%dma_wait3A_92, %dma_wait3A_93] : memref<640x32xf32, #tpu.memory_space<vmem>> -> memref<16x32xf32, #tpu.memory_space<vmem>>
          %dma_wait3A_95 = arith.constant 9984 : i32
          %dma_wait3A_96 = arith.constant 0 : i32
          %dma_wait3A_97 = tpu.memref_slice %arg16[%dma_wait3A_95, %dma_wait3A_96] : memref<10000x32xf32, #tpu.memory_space<vmem_shared>> -> memref<16x32xf32, #tpu.memory_space<vmem_shared>>
          %dma_wait3A_98 = arith.constant 624 : i32
          %dma_wait3A_99 = arith.constant 0 : i32
          %dma_wait3A_100 = tpu.memref_slice %arg17[%dma_wait3A_98, %dma_wait3A_99] : memref<640x32xf32, #tpu.memory_space<vmem>> -> memref<16x32xf32, #tpu.memory_space<vmem>>
          %dma_wait3A_101 = arith.constant 9984 : i32
          %dma_wait3A_102 = arith.constant 0 : i32
          %dma_wait3A_103 = tpu.memref_slice %arg16[%dma_wait3A_101, %dma_wait3A_102] : memref<10000x32xf32, #tpu.memory_space<vmem_shared>> -> memref<16x32xf32, #tpu.memory_space<vmem_shared>>
          tpu.wait_dma2 semaphore(%run_scoped3A_79 : memref<!tpu.dma_semaphore, #tpu.memory_space<semaphore_mem>>) src(%dma_wait3A_103 : memref<16x32xf32, #tpu.memory_space<vmem_shared>>) dst(%dma_wait3A_100 : memref<16x32xf32, #tpu.memory_space<vmem>>)
          tpu.yield
        }) : () -> ()
      } else {
      }
      %scan3A_61 = arith.constant 0 : i32
      %scan3A_62 = arith.constant 0 : i32
      %scan3A_63 = arith.constant 624 : i32
      %scan3A_64 = arith.addi %scan3A_62, %scan3A_63 : i32
      %scan3A_65 = arith.constant 1 : i32
      scf.for %scan3A_79 = %scan3A_62 to %scan3A_64 step %scan3A_65  : i32 {
        %get3A = arith.index_cast %scan3A_79 : i32 to index
        %get3A_80 = arith.constant 0 : index
        %get3A_81 = tpu.vector_load %arg17[%get3A, %get3A_80] {strides = array<i32>} : memref<640x32xf32, #tpu.memory_space<vmem>>, vector<1x16xf32>,
        %get3A_82 = vector.shape_cast %get3A_81 : vector<1x16xf32> to vector<16xf32>
        %get3A_83 = arith.index_cast %scan3A_79 : i32 to index
        %get3A_84 = arith.constant 0 : index
        %get3A_85 = tpu.vector_load %arg18[%get3A_83, %get3A_84] {strides = array<i32>} : memref<640x32xf32, #tpu.memory_space<vmem>>, vector<1x16xf32>,
        %get3A_86 = vector.shape_cast %get3A_85 : vector<1x16xf32> to vector<16xf32>
        %mul3A_87 = arith.mulf %get3A_82, %get3A_86 : vector<16xf32>
        %get3A_88 = arith.constant 1 : i32
        %get3A_89 = arith.index_cast %get3A_88 : i32 to index
        %get3A_90 = arith.constant 0 : index
        %get3A_91 = tpu.vector_load %arg19[%get3A_89, %get3A_90] {strides = array<i32>} : memref<2x32xf32, #tpu.memory_space<vmem>>, vector<1x16xf32>,
        %get3A_92 = vector.shape_cast %get3A_91 : vector<1x16xf32> to vector<16xf32>
        %add3A = arith.addf %mul3A_87, %get3A_92 : vector<16xf32>
        %swap3A = arith.index_cast %scan3A_79 : i32 to index
        %swap3A_93 = arith.constant 0 : index
        %swap3A_94 = tpu.vector_load %arg17[%swap3A, %swap3A_93] {strides = array<i32>} : memref<640x32xf32, #tpu.memory_space<vmem>>, vector<1x16xf32>,
        %swap3A_95 = vector.shape_cast %swap3A_94 : vector<1x16xf32> to vector<16xf32>
        %swap3A_96 = vector.shape_cast %add3A : vector<16xf32> to vector<1x16xf32>
        tpu.vector_store %arg17[%swap3A, %swap3A_93], %swap3A_96 {strides = array<i32>} : memref<640x32xf32, #tpu.memory_space<vmem>>, vector<1x16xf32>,
        %get3A_97 = arith.index_cast %scan3A_79 : i32 to index
        %get3A_98 = arith.constant 16 : index
        %get3A_99 = tpu.vector_load %arg17[%get3A_97, %get3A_98] {strides = array<i32>} : memref<640x32xf32, #tpu.memory_space<vmem>>, vector<1x16xf32>,
        %get3A_100 = vector.shape_cast %get3A_99 : vector<1x16xf32> to vector<16xf32>
        %get3A_101 = arith.index_cast %scan3A_79 : i32 to index
        %get3A_102 = arith.constant 16 : index
        %get3A_103 = tpu.vector_load %arg18[%get3A_101, %get3A_102] {strides = array<i32>} : memref<640x32xf32, #tpu.memory_space<vmem>>, vector<1x16xf32>,
        %get3A_104 = vector.shape_cast %get3A_103 : vector<1x16xf32> to vector<16xf32>
        %mul3A_105 = arith.mulf %get3A_100, %get3A_104 : vector<16xf32>
        %get3A_106 = arith.constant 1 : i32
        %get3A_107 = arith.index_cast %get3A_106 : i32 to index
        %get3A_108 = arith.constant 16 : index
        %get3A_109 = tpu.vector_load %arg19[%get3A_107, %get3A_108] {strides = array<i32>} : memref<2x32xf32, #tpu.memory_space<vmem>>, vector<1x16xf32>,
        %get3A_110 = vector.shape_cast %get3A_109 : vector<1x16xf32> to vector<16xf32>
        %add3A_111 = arith.addf %mul3A_105, %get3A_110 : vector<16xf32>
        %swap3A_112 = arith.index_cast %scan3A_79 : i32 to index
        %swap3A_113 = arith.constant 16 : index
        %swap3A_114 = tpu.vector_load %arg17[%swap3A_112, %swap3A_113] {strides = array<i32>} : memref<640x32xf32, #tpu.memory_space<vmem>>, vector<1x16xf32>,
        %swap3A_115 = vector.shape_cast %swap3A_114 : vector<1x16xf32> to vector<16xf32>
        %swap3A_116 = vector.shape_cast %add3A_111 : vector<16xf32> to vector<1x16xf32>
        tpu.vector_store %arg17[%swap3A_112, %swap3A_113], %swap3A_116 {strides = array<i32>} : memref<640x32xf32, #tpu.memory_space<vmem>>, vector<1x16xf32>,
      }
      %scan3A_66 = arith.constant 624 : i32
      %eq3A_67 = arith.constant 15 : i32
      %eq3A_68 = arith.cmpi eq, %arg1, %eq3A_67 : i32
      %convert_element_type3A_69 = arith.extui %eq3A_68 : i1 to i32
      %cond3A_70 = arith.constant 0 : i32
      %cond3A_71 = arith.cmpi ne, %convert_element_type3A_69, %cond3A_70 : i32
      scf.if %cond3A_71 {
        %scan3A_79 = arith.constant 0 : i32
        %scan3A_80 = arith.constant 624 : i32
        %scan3A_81 = arith.constant 16 : i32
        %scan3A_82 = arith.addi %scan3A_80, %scan3A_81 : i32
        %scan3A_83 = arith.constant 1 : i32
        scf.for %scan3A_85 = %scan3A_80 to %scan3A_82 step %scan3A_83  : i32 {
          %get3A = arith.index_cast %scan3A_85 : i32 to index
          %get3A_86 = arith.constant 0 : index
          %get3A_87 = tpu.vector_load %arg17[%get3A, %get3A_86] {strides = array<i32>} : memref<640x32xf32, #tpu.memory_space<vmem>>, vector<1x16xf32>,
          %get3A_88 = vector.shape_cast %get3A_87 : vector<1x16xf32> to vector<16xf32>
          %get3A_89 = arith.index_cast %scan3A_85 : i32 to index
          %get3A_90 = arith.constant 0 : index
          %get3A_91 = tpu.vector_load %arg18[%get3A_89, %get3A_90] {strides = array<i32>} : memref<640x32xf32, #tpu.memory_space<vmem>>, vector<1x16xf32>,
          %get3A_92 = vector.shape_cast %get3A_91 : vector<1x16xf32> to vector<16xf32>
          %mul3A_93 = arith.mulf %get3A_88, %get3A_92 : vector<16xf32>
          %get3A_94 = arith.constant 1 : i32
          %get3A_95 = arith.index_cast %get3A_94 : i32 to index
          %get3A_96 = arith.constant 0 : index
          %get3A_97 = tpu.vector_load %arg19[%get3A_95, %get3A_96] {strides = array<i32>} : memref<2x32xf32, #tpu.memory_space<vmem>>, vector<1x16xf32>,
          %get3A_98 = vector.shape_cast %get3A_97 : vector<1x16xf32> to vector<16xf32>
          %add3A = arith.addf %mul3A_93, %get3A_98 : vector<16xf32>
          %swap3A = arith.index_cast %scan3A_85 : i32 to index
          %swap3A_99 = arith.constant 0 : index
          %swap3A_100 = tpu.vector_load %arg17[%swap3A, %swap3A_99] {strides = array<i32>} : memref<640x32xf32, #tpu.memory_space<vmem>>, vector<1x16xf32>,
          %swap3A_101 = vector.shape_cast %swap3A_100 : vector<1x16xf32> to vector<16xf32>
          %swap3A_102 = vector.shape_cast %add3A : vector<16xf32> to vector<1x16xf32>
          tpu.vector_store %arg17[%swap3A, %swap3A_99], %swap3A_102 {strides = array<i32>} : memref<640x32xf32, #tpu.memory_space<vmem>>, vector<1x16xf32>,
          %get3A_103 = arith.index_cast %scan3A_85 : i32 to index
          %get3A_104 = arith.constant 16 : index
          %get3A_105 = tpu.vector_load %arg17[%get3A_103, %get3A_104] {strides = array<i32>} : memref<640x32xf32, #tpu.memory_space<vmem>>, vector<1x16xf32>,
          %get3A_106 = vector.shape_cast %get3A_105 : vector<1x16xf32> to vector<16xf32>
          %get3A_107 = arith.index_cast %scan3A_85 : i32 to index
          %get3A_108 = arith.constant 16 : index
          %get3A_109 = tpu.vector_load %arg18[%get3A_107, %get3A_108] {strides = array<i32>} : memref<640x32xf32, #tpu.memory_space<vmem>>, vector<1x16xf32>,
          %get3A_110 = vector.shape_cast %get3A_109 : vector<1x16xf32> to vector<16xf32>
          %mul3A_111 = arith.mulf %get3A_106, %get3A_110 : vector<16xf32>
          %get3A_112 = arith.constant 1 : i32
          %get3A_113 = arith.index_cast %get3A_112 : i32 to index
          %get3A_114 = arith.constant 16 : index
          %get3A_115 = tpu.vector_load %arg19[%get3A_113, %get3A_114] {strides = array<i32>} : memref<2x32xf32, #tpu.memory_space<vmem>>, vector<1x16xf32>,
          %get3A_116 = vector.shape_cast %get3A_115 : vector<1x16xf32> to vector<16xf32>
          %add3A_117 = arith.addf %mul3A_111, %get3A_116 : vector<16xf32>
          %swap3A_118 = arith.index_cast %scan3A_85 : i32 to index
          %swap3A_119 = arith.constant 16 : index
          %swap3A_120 = tpu.vector_load %arg17[%swap3A_118, %swap3A_119] {strides = array<i32>} : memref<640x32xf32, #tpu.memory_space<vmem>>, vector<1x16xf32>,
          %swap3A_121 = vector.shape_cast %swap3A_120 : vector<1x16xf32> to vector<16xf32>
          %swap3A_122 = vector.shape_cast %add3A_117 : vector<16xf32> to vector<1x16xf32>
          tpu.vector_store %arg17[%swap3A_118, %swap3A_119], %swap3A_122 {strides = array<i32>} : memref<640x32xf32, #tpu.memory_space<vmem>>, vector<1x16xf32>,
        }
        %scan3A_84 = arith.constant 16 : i32
      } else {
      }
      %mul3A_72 = arith.constant 624 : i32
      %mul3A_73 = arith.muli %arg1, %mul3A_72 : i32
      "tpu.region"() ({
        %run_scoped3A_79 = tpu.sem_alloc : memref<!tpu.dma_semaphore, #tpu.memory_space<semaphore_mem>>
        %dma_start3A_80 = arith.constant 0 : i32
        %dma_start3A_81 = arith.constant 0 : i32
        %dma_start3A_82 = tpu.memref_slice %arg17[%dma_start3A_80, %dma_start3A_81] : memref<640x32xf32, #tpu.memory_space<vmem>> -> memref<624x32xf32, #tpu.memory_space<vmem>>
        %dma_start3A_83 = arith.constant 32 : i32
        %dma_start3A_84 = tpu.memref_slice %arg8[%mul3A_73, %dma_start3A_83] : memref<10000x64xf32, #tpu.memory_space<hbm>> -> memref<624x32xf32, #tpu.memory_space<hbm>>
        %dma_start3A_85 = arith.constant 32 : i32
        %dma_start3A_86 = tpu.memref_slice %arg8[%mul3A_73, %dma_start3A_85] : memref<10000x64xf32, #tpu.memory_space<hbm>> -> memref<624x32xf32, #tpu.memory_space<hbm>>
        %dma_start3A_87 = arith.constant 0 : i32
        %dma_start3A_88 = arith.constant 0 : i32
        %dma_start3A_89 = tpu.memref_slice %arg17[%dma_start3A_87, %dma_start3A_88] : memref<640x32xf32, #tpu.memory_space<vmem>> -> memref<624x32xf32, #tpu.memory_space<vmem>>
        tpu.enqueue_dma source(%dma_start3A_89 : memref<624x32xf32, #tpu.memory_space<vmem>>) target(%dma_start3A_86 : memref<624x32xf32, #tpu.memory_space<hbm>>) target_semaphore(%run_scoped3A_79 : memref<!tpu.dma_semaphore, #tpu.memory_space<semaphore_mem>>)
        %dma_wait3A_90 = arith.constant 0 : i32
        %dma_wait3A_91 = arith.constant 0 : i32
        %dma_wait3A_92 = tpu.memref_slice %arg17[%dma_wait3A_90, %dma_wait3A_91] : memref<640x32xf32, #tpu.memory_space<vmem>> -> memref<624x32xf32, #tpu.memory_space<vmem>>
        %dma_wait3A_93 = arith.constant 32 : i32
        %dma_wait3A_94 = tpu.memref_slice %arg8[%mul3A_73, %dma_wait3A_93] : memref<10000x64xf32, #tpu.memory_space<hbm>> -> memref<624x32xf32, #tpu.memory_space<hbm>>
        %dma_wait3A_95 = arith.constant 32 : i32
        %dma_wait3A_96 = tpu.memref_slice %arg8[%mul3A_73, %dma_wait3A_95] : memref<10000x64xf32, #tpu.memory_space<hbm>> -> memref<624x32xf32, #tpu.memory_space<hbm>>
        %dma_wait3A_97 = arith.constant 0 : i32
        %dma_wait3A_98 = arith.constant 0 : i32
        %dma_wait3A_99 = tpu.memref_slice %arg17[%dma_wait3A_97, %dma_wait3A_98] : memref<640x32xf32, #tpu.memory_space<vmem>> -> memref<624x32xf32, #tpu.memory_space<vmem>>
        tpu.wait_dma2 semaphore(%run_scoped3A_79 : memref<!tpu.dma_semaphore, #tpu.memory_space<semaphore_mem>>) src(%dma_wait3A_99 : memref<624x32xf32, #tpu.memory_space<vmem>>) dst(%dma_wait3A_96 : memref<624x32xf32, #tpu.memory_space<hbm>>)
        tpu.yield
      }) : () -> ()
      %eq3A_74 = arith.constant 15 : i32
      %eq3A_75 = arith.cmpi eq, %arg1, %eq3A_74 : i32
      %convert_element_type3A_76 = arith.extui %eq3A_75 : i1 to i32
      %cond3A_77 = arith.constant 0 : i32
      %cond3A_78 = arith.cmpi ne, %convert_element_type3A_76, %cond3A_77 : i32
      scf.if %cond3A_78 {
        "tpu.region"() ({
          %run_scoped3A_79 = tpu.sem_alloc : memref<!tpu.dma_semaphore, #tpu.memory_space<semaphore_mem>>
          %dma_start3A_80 = arith.constant 624 : i32
          %dma_start3A_81 = arith.constant 0 : i32
          %dma_start3A_82 = tpu.memref_slice %arg17[%dma_start3A_80, %dma_start3A_81] : memref<640x32xf32, #tpu.memory_space<vmem>> -> memref<16x32xf32, #tpu.memory_space<vmem>>
          %dma_start3A_83 = arith.constant 9984 : i32
          %dma_start3A_84 = arith.constant 32 : i32
          %dma_start3A_85 = tpu.memref_slice %arg8[%dma_start3A_83, %dma_start3A_84] : memref<10000x64xf32, #tpu.memory_space<hbm>> -> memref<16x32xf32, #tpu.memory_space<hbm>>
          %dma_start3A_86 = arith.constant 9984 : i32
          %dma_start3A_87 = arith.constant 32 : i32
          %dma_start3A_88 = tpu.memref_slice %arg8[%dma_start3A_86, %dma_start3A_87] : memref<10000x64xf32, #tpu.memory_space<hbm>> -> memref<16x32xf32, #tpu.memory_space<hbm>>
          %dma_start3A_89 = arith.constant 624 : i32
          %dma_start3A_90 = arith.constant 0 : i32
          %dma_start3A_91 = tpu.memref_slice %arg17[%dma_start3A_89, %dma_start3A_90] : memref<640x32xf32, #tpu.memory_space<vmem>> -> memref<16x32xf32, #tpu.memory_space<vmem>>
          tpu.enqueue_dma source(%dma_start3A_91 : memref<16x32xf32, #tpu.memory_space<vmem>>) target(%dma_start3A_88 : memref<16x32xf32, #tpu.memory_space<hbm>>) target_semaphore(%run_scoped3A_79 : memref<!tpu.dma_semaphore, #tpu.memory_space<semaphore_mem>>)
          %dma_wait3A_92 = arith.constant 624 : i32
          %dma_wait3A_93 = arith.constant 0 : i32
          %dma_wait3A_94 = tpu.memref_slice %arg17[%dma_wait3A_92, %dma_wait3A_93] : memref<640x32xf32, #tpu.memory_space<vmem>> -> memref<16x32xf32, #tpu.memory_space<vmem>>
          %dma_wait3A_95 = arith.constant 9984 : i32
          %dma_wait3A_96 = arith.constant 32 : i32
          %dma_wait3A_97 = tpu.memref_slice %arg8[%dma_wait3A_95, %dma_wait3A_96] : memref<10000x64xf32, #tpu.memory_space<hbm>> -> memref<16x32xf32, #tpu.memory_space<hbm>>
          %dma_wait3A_98 = arith.constant 9984 : i32
          %dma_wait3A_99 = arith.constant 32 : i32
          %dma_wait3A_100 = tpu.memref_slice %arg8[%dma_wait3A_98, %dma_wait3A_99] : memref<10000x64xf32, #tpu.memory_space<hbm>> -> memref<16x32xf32, #tpu.memory_space<hbm>>
          %dma_wait3A_101 = arith.constant 624 : i32
          %dma_wait3A_102 = arith.constant 0 : i32
          %dma_wait3A_103 = tpu.memref_slice %arg17[%dma_wait3A_101, %dma_wait3A_102] : memref<640x32xf32, #tpu.memory_space<vmem>> -> memref<16x32xf32, #tpu.memory_space<vmem>>
          tpu.wait_dma2 semaphore(%run_scoped3A_79 : memref<!tpu.dma_semaphore, #tpu.memory_space<semaphore_mem>>) src(%dma_wait3A_103 : memref<16x32xf32, #tpu.memory_space<vmem>>) dst(%dma_wait3A_100 : memref<16x32xf32, #tpu.memory_space<hbm>>)
          tpu.yield
        }) : () -> ()
      } else {
      }
    } else {
    }
    return
  }
}

module attributes {stable_mosaic.version = 14 : i64} {
  func.func @_tc1_body(%arg0: i32, %arg1: memref<2000x256xf32, #tpu.memory_space<vmem>>, %arg2: memref<1x2000x16xf32, #tpu.memory_space<vmem>>, %arg3: memref<256x256xf32, #tpu.memory_space<vmem>>, %arg4: memref<2000x64xf32, #tpu.memory_space<vmem>>, %arg5: memref<2000x64xf32, #tpu.memory_space<vmem>>, %arg6: memref<2000x64xf32, #tpu.memory_space<vmem>>, %arg7: memref<2000x64xf32, #tpu.memory_space<vmem>>) attributes {dimension_semantics = [#tpu.dimension_semantics<arbitrary>], iteration_bounds = array<i64: 5>, scalar_prefetch = 0 : i64, scratch_operands = 0 : i64, tpu.core_type = #tpu.core_type<tc>, window_params = [{transform_indices = @transform_0, window_bounds = array<i64: 2000, 256>}, {transform_indices = @transform_1, window_bounds = array<i64: 1, 2000, 16>}, {pipeline_mode = #tpu.pipeline_mode<synchronous>, transform_indices = @transform_2, window_bounds = array<i64: 256, 256>}, {transform_indices = @transform_3, window_bounds = array<i64: 2000, 64>}, {transform_indices = @transform_4, window_bounds = array<i64: 2000, 64>}, {transform_indices = @transform_5, window_bounds = array<i64: 2000, 64>}, {transform_indices = @transform_6, window_bounds = array<i64: 2000, 64>}]} {
    %get3A = arith.constant 0 : index
    %get3A_0 = arith.constant 0 : index
    %get3A_1 = arith.constant 0 : index
    %get3A_2 = vector.load %arg2[%get3A, %get3A_0, %get3A_1] : memref<1x2000x16xf32, #tpu.memory_space<vmem>>, vector<1x2000x1xf32>
    %get3A_3 = vector.shape_cast %get3A_2 : vector<1x2000x1xf32> to vector<2000x1xf32>
    %max3A = arith.constant 1.000000e+00 : f32
    %max3A_4 = vector.broadcast %max3A : f32 to vector<2000x1xf32>
    %max3A_5 = arith.maximumf %get3A_3, %max3A_4 : vector<2000x1xf32>
    %rsqrt3A = math.rsqrt %max3A_5 : vector<2000x1xf32>
    %get3A_6 = arith.constant 0 : index
    %get3A_7 = arith.constant 0 : index
    %get3A_8 = vector.load %arg1[%get3A_6, %get3A_7] : memref<2000x256xf32, #tpu.memory_space<vmem>>, vector<2000x256xf32>
    %mul3A = vector.broadcast %rsqrt3A : vector<2000x1xf32> to vector<2000x256xf32>
    %mul3A_9 = arith.mulf %get3A_8, %mul3A : vector<2000x256xf32>
    %convert_element_type3A = arith.truncf %mul3A_9 : vector<2000x256xf32> to vector<2000x256xbf16>
    %get3A_10 = arith.constant 0 : index
    %get3A_11 = arith.constant 0 : index
    %get3A_12 = vector.load %arg3[%get3A_10, %get3A_11] : memref<256x256xf32, #tpu.memory_space<vmem>>, vector<256x256xf32>
    %convert_element_type3A_13 = arith.truncf %get3A_12 : vector<256x256xf32> to vector<256x256xbf16>
    %dot_general3A = arith.constant dense<0.000000e+00> : vector<2000x256xf32>
    %dot_general3A_14 = tpu.matmul %convert_element_type3A, %convert_element_type3A_13, %dot_general3A {dimension_numbers = #tpu.dot_dimension_numbers<[1], [0], [0], [1], [0, 0, 1, 1], [], []>, transpose_lhs_hint = false} : vector<2000x256xbf16>, vector<256x256xbf16>, vector<2000x256xf32> -> vector<2000x256xf32>
    %slice3A = vector.extract_strided_slice %dot_general3A_14 {offsets = [0, 0], sizes = [2000, 64], strides = [1, 1]} : vector<2000x256xf32> to vector<2000x64xf32>
    %swap3A = arith.constant 0 : index
    %swap3A_15 = arith.constant 0 : index
    %swap3A_16 = vector.load %arg4[%swap3A, %swap3A_15] : memref<2000x64xf32, #tpu.memory_space<vmem>>, vector<2000x64xf32>
    tpu.vector_store %arg4[%swap3A, %swap3A_15], %slice3A {strides = array<i32>} : memref<2000x64xf32, #tpu.memory_space<vmem>>, vector<2000x64xf32>,
    %slice3A_17 = vector.extract_strided_slice %dot_general3A_14 {offsets = [0, 64], sizes = [2000, 64], strides = [1, 1]} : vector<2000x256xf32> to vector<2000x64xf32>
    %swap3A_18 = arith.constant 0 : index
    %swap3A_19 = arith.constant 0 : index
    %swap3A_20 = vector.load %arg5[%swap3A_18, %swap3A_19] : memref<2000x64xf32, #tpu.memory_space<vmem>>, vector<2000x64xf32>
    tpu.vector_store %arg5[%swap3A_18, %swap3A_19], %slice3A_17 {strides = array<i32>} : memref<2000x64xf32, #tpu.memory_space<vmem>>, vector<2000x64xf32>,
    %slice3A_21 = vector.extract_strided_slice %dot_general3A_14 {offsets = [0, 128], sizes = [2000, 64], strides = [1, 1]} : vector<2000x256xf32> to vector<2000x64xf32>
    %swap3A_22 = arith.constant 0 : index
    %swap3A_23 = arith.constant 0 : index
    %swap3A_24 = vector.load %arg6[%swap3A_22, %swap3A_23] : memref<2000x64xf32, #tpu.memory_space<vmem>>, vector<2000x64xf32>
    tpu.vector_store %arg6[%swap3A_22, %swap3A_23], %slice3A_21 {strides = array<i32>} : memref<2000x64xf32, #tpu.memory_space<vmem>>, vector<2000x64xf32>,
    %slice3A_25 = vector.extract_strided_slice %dot_general3A_14 {offsets = [0, 192], sizes = [2000, 64], strides = [1, 1]} : vector<2000x256xf32> to vector<2000x64xf32>
    %swap3A_26 = arith.constant 0 : index
    %swap3A_27 = arith.constant 0 : index
    %swap3A_28 = vector.load %arg7[%swap3A_26, %swap3A_27] : memref<2000x64xf32, #tpu.memory_space<vmem>>, vector<2000x64xf32>
    tpu.vector_store %arg7[%swap3A_26, %swap3A_27], %slice3A_25 {strides = array<i32>} : memref<2000x64xf32, #tpu.memory_space<vmem>>, vector<2000x64xf32>,
    return
  }
  func.func @transform_0(%arg0: i32) -> (i32, i32) {
    %c0_i32 = arith.constant 0 : i32
    %c0_i32_0 = arith.constant 0 : i32
    return %arg0, %c0_i32 : i32, i32
  }
  func.func @transform_1(%arg0: i32) -> (i32, i32, i32) {
    %c0_i32 = arith.constant 0 : i32
    %c0_i32_0 = arith.constant 0 : i32
    %c0_i32_1 = arith.constant 0 : i32
    return %c0_i32, %arg0, %c0_i32_0 : i32, i32, i32
  }
  func.func @transform_2(%arg0: i32) -> (i32, i32) {
    %c0_i32 = arith.constant 0 : i32
    %c0_i32_0 = arith.constant 0 : i32
    %c0_i32_1 = arith.constant 0 : i32
    return %c0_i32, %c0_i32_0 : i32, i32
  }
  func.func @transform_3(%arg0: i32) -> (i32, i32) {
    %c0_i32 = arith.constant 0 : i32
    %c0_i32_0 = arith.constant 0 : i32
    return %arg0, %c0_i32 : i32, i32
  }
  func.func @transform_4(%arg0: i32) -> (i32, i32) {
    %c0_i32 = arith.constant 0 : i32
    %c0_i32_0 = arith.constant 0 : i32
    return %arg0, %c0_i32 : i32, i32
  }
  func.func @transform_5(%arg0: i32) -> (i32, i32) {
    %c0_i32 = arith.constant 0 : i32
    %c0_i32_0 = arith.constant 0 : i32
    return %arg0, %c0_i32 : i32, i32
  }
  func.func @transform_6(%arg0: i32) -> (i32, i32) {
    %c0_i32 = arith.constant 0 : i32
    %c0_i32_0 = arith.constant 0 : i32
    return %arg0, %c0_i32 : i32, i32
  }
}

module attributes {stable_mosaic.version = 14 : i64} {
  func.func @_tc2_body(%arg0: i32, %arg1: memref<2000x64xf32, #tpu.memory_space<vmem>>, %arg2: memref<2000x64xf32, #tpu.memory_space<vmem>>, %arg3: memref<2000x64xf32, #tpu.memory_space<vmem>>, %arg4: memref<2000x64xf32, #tpu.memory_space<vmem>>, %arg5: memref<2x2000x16xf32, #tpu.memory_space<vmem>>, %arg6: memref<1x256xf32, #tpu.memory_space<vmem>>, %arg7: memref<256x64xf32, #tpu.memory_space<vmem>>, %arg8: memref<2000x32xf32, #tpu.memory_space<vmem>>, %arg9: memref<2000x32xf32, #tpu.memory_space<vmem>>, %arg10: memref<2000x32xf32, #tpu.memory_space<vmem>>) attributes {dimension_semantics = [#tpu.dimension_semantics<arbitrary>], iteration_bounds = array<i64: 5>, scalar_prefetch = 0 : i64, scratch_operands = 0 : i64, tpu.core_type = #tpu.core_type<tc>, window_params = [{transform_indices = @transform_0, window_bounds = array<i64: 2000, 64>}, {transform_indices = @transform_1, window_bounds = array<i64: 2000, 64>}, {transform_indices = @transform_2, window_bounds = array<i64: 2000, 64>}, {transform_indices = @transform_3, window_bounds = array<i64: 2000, 64>}, {transform_indices = @transform_4, window_bounds = array<i64: 2, 2000, 16>}, {pipeline_mode = #tpu.pipeline_mode<synchronous>, transform_indices = @transform_5, window_bounds = array<i64: 1, 256>}, {pipeline_mode = #tpu.pipeline_mode<synchronous>, transform_indices = @transform_6, window_bounds = array<i64: 256, 64>}, {transform_indices = @transform_7, window_bounds = array<i64: 2000, 32>}, {transform_indices = @transform_8, window_bounds = array<i64: 2000, 32>}, {transform_indices = @transform_9, window_bounds = array<i64: 2000, 32>}]} {
    %get3A = arith.constant 0 : index
    %get3A_0 = arith.constant 0 : index
    %get3A_1 = arith.constant 0 : index
    %get3A_2 = vector.load %arg5[%get3A, %get3A_0, %get3A_1] : memref<2x2000x16xf32, #tpu.memory_space<vmem>>, vector<1x2000x1xf32>
    %get3A_3 = vector.shape_cast %get3A_2 : vector<1x2000x1xf32> to vector<2000x1xf32>
    %max3A = arith.constant 1.000000e+00 : f32
    %max3A_4 = vector.broadcast %max3A : f32 to vector<2000x1xf32>
    %max3A_5 = arith.maximumf %get3A_3, %max3A_4 : vector<2000x1xf32>
    %rsqrt3A = math.rsqrt %max3A_5 : vector<2000x1xf32>
    %get3A_6 = arith.constant 1 : index
    %get3A_7 = arith.constant 0 : index
    %get3A_8 = arith.constant 0 : index
    %get3A_9 = vector.load %arg5[%get3A_6, %get3A_7, %get3A_8] : memref<2x2000x16xf32, #tpu.memory_space<vmem>>, vector<1x2000x1xf32>
    %get3A_10 = vector.shape_cast %get3A_9 : vector<1x2000x1xf32> to vector<2000x1xf32>
    %max3A_11 = arith.constant 1.000000e+00 : f32
    %max3A_12 = vector.broadcast %max3A_11 : f32 to vector<2000x1xf32>
    %max3A_13 = arith.maximumf %get3A_10, %max3A_12 : vector<2000x1xf32>
    %rsqrt3A_14 = math.rsqrt %max3A_13 : vector<2000x1xf32>
    %get3A_15 = arith.constant 0 : index
    %get3A_16 = arith.constant 0 : index
    %get3A_17 = vector.load %arg1[%get3A_15, %get3A_16] : memref<2000x64xf32, #tpu.memory_space<vmem>>, vector<2000x64xf32>
    %get3A_18 = arith.constant 0 : index
    %get3A_19 = arith.constant 0 : index
    %get3A_20 = vector.load %arg2[%get3A_18, %get3A_19] : memref<2000x64xf32, #tpu.memory_space<vmem>>, vector<2000x64xf32>
    %get3A_21 = arith.constant 0 : index
    %get3A_22 = arith.constant 0 : index
    %get3A_23 = vector.load %arg3[%get3A_21, %get3A_22] : memref<2000x64xf32, #tpu.memory_space<vmem>>, vector<2000x64xf32>
    %get3A_24 = arith.constant 0 : index
    %get3A_25 = arith.constant 0 : index
    %get3A_26 = vector.load %arg4[%get3A_24, %get3A_25] : memref<2000x64xf32, #tpu.memory_space<vmem>>, vector<2000x64xf32>
    %concatenate3A = tpu.concatenate %get3A_17, %get3A_20, %get3A_23, %get3A_26 in 1 : vector<2000x64xf32>, vector<2000x64xf32>, vector<2000x64xf32>, vector<2000x64xf32> -> vector<2000x256xf32>
    %mul3A = vector.broadcast %rsqrt3A_14 : vector<2000x1xf32> to vector<2000x256xf32>
    %mul3A_27 = arith.mulf %concatenate3A, %mul3A : vector<2000x256xf32>
    %get3A_28 = arith.constant 0 : index
    %get3A_29 = arith.constant 0 : index
    %get3A_30 = vector.load %arg6[%get3A_28, %get3A_29] : memref<1x256xf32, #tpu.memory_space<vmem>>, vector<1x256xf32>
    %add3A = vector.broadcast %get3A_30 : vector<1x256xf32> to vector<2000x256xf32>
    %add3A_31 = arith.addf %mul3A_27, %add3A : vector<2000x256xf32>
    %max3A_32 = arith.constant 0.000000e+00 : f32
    %max3A_33 = vector.broadcast %max3A_32 : f32 to vector<2000x256xf32>
    %max3A_34 = arith.maximumf %add3A_31, %max3A_33 : vector<2000x256xf32>
    %mul3A_35 = vector.broadcast %rsqrt3A : vector<2000x1xf32> to vector<2000x256xf32>
    %mul3A_36 = arith.mulf %max3A_34, %mul3A_35 : vector<2000x256xf32>
    %convert_element_type3A = arith.truncf %mul3A_36 : vector<2000x256xf32> to vector<2000x256xbf16>
    %get3A_37 = arith.constant 0 : index
    %get3A_38 = arith.constant 0 : index
    %get3A_39 = vector.load %arg7[%get3A_37, %get3A_38] : memref<256x64xf32, #tpu.memory_space<vmem>>, vector<256x64xf32>
    %convert_element_type3A_40 = arith.truncf %get3A_39 : vector<256x64xf32> to vector<256x64xbf16>
    %dot_general3A = arith.constant dense<0.000000e+00> : vector<2000x64xf32>
    %dot_general3A_41 = tpu.matmul %convert_element_type3A, %convert_element_type3A_40, %dot_general3A {dimension_numbers = #tpu.dot_dimension_numbers<[1], [0], [0], [1], [0, 0, 1, 1], [], []>, transpose_lhs_hint = false} : vector<2000x256xbf16>, vector<256x64xbf16>, vector<2000x64xf32> -> vector<2000x64xf32>
    %slice3A = vector.extract_strided_slice %dot_general3A_41 {offsets = [0, 0], sizes = [2000, 32], strides = [1, 1]} : vector<2000x64xf32> to vector<2000x32xf32>
    %swap3A = arith.constant 0 : index
    %swap3A_42 = arith.constant 0 : index
    %swap3A_43 = vector.load %arg8[%swap3A, %swap3A_42] : memref<2000x32xf32, #tpu.memory_space<vmem>>, vector<2000x32xf32>
    tpu.vector_store %arg8[%swap3A, %swap3A_42], %slice3A {strides = array<i32>} : memref<2000x32xf32, #tpu.memory_space<vmem>>, vector<2000x32xf32>,
    %slice3A_44 = vector.extract_strided_slice %dot_general3A_41 {offsets = [0, 32], sizes = [2000, 32], strides = [1, 1]} : vector<2000x64xf32> to vector<2000x32xf32>
    %swap3A_45 = arith.constant 0 : index
    %swap3A_46 = arith.constant 0 : index
    %swap3A_47 = vector.load %arg9[%swap3A_45, %swap3A_46] : memref<2000x32xf32, #tpu.memory_space<vmem>>, vector<2000x32xf32>
    tpu.vector_store %arg9[%swap3A_45, %swap3A_46], %slice3A_44 {strides = array<i32>} : memref<2000x32xf32, #tpu.memory_space<vmem>>, vector<2000x32xf32>,
    %broadcast_in_dim3A = vector.shape_cast %rsqrt3A_14 : vector<2000x1xf32> to vector<2000x1xf32>
    %broadcast_in_dim3A_48 = vector.broadcast %broadcast_in_dim3A : vector<2000x1xf32> to vector<2000x32xf32>
    %swap3A_49 = arith.constant 0 : index
    %swap3A_50 = arith.constant 0 : index
    %swap3A_51 = vector.load %arg10[%swap3A_49, %swap3A_50] : memref<2000x32xf32, #tpu.memory_space<vmem>>, vector<2000x32xf32>
    tpu.vector_store %arg10[%swap3A_49, %swap3A_50], %broadcast_in_dim3A_48 {strides = array<i32>} : memref<2000x32xf32, #tpu.memory_space<vmem>>, vector<2000x32xf32>,
    return
  }
  func.func @transform_0(%arg0: i32) -> (i32, i32) {
    %c0_i32 = arith.constant 0 : i32
    %c0_i32_0 = arith.constant 0 : i32
    return %arg0, %c0_i32 : i32, i32
  }
  func.func @transform_1(%arg0: i32) -> (i32, i32) {
    %c0_i32 = arith.constant 0 : i32
    %c0_i32_0 = arith.constant 0 : i32
    return %arg0, %c0_i32 : i32, i32
  }
  func.func @transform_2(%arg0: i32) -> (i32, i32) {
    %c0_i32 = arith.constant 0 : i32
    %c0_i32_0 = arith.constant 0 : i32
    return %arg0, %c0_i32 : i32, i32
  }
  func.func @transform_3(%arg0: i32) -> (i32, i32) {
    %c0_i32 = arith.constant 0 : i32
    %c0_i32_0 = arith.constant 0 : i32
    return %arg0, %c0_i32 : i32, i32
  }
  func.func @transform_4(%arg0: i32) -> (i32, i32, i32) {
    %c0_i32 = arith.constant 0 : i32
    %c0_i32_0 = arith.constant 0 : i32
    %c0_i32_1 = arith.constant 0 : i32
    return %c0_i32, %arg0, %c0_i32_0 : i32, i32, i32
  }
  func.func @transform_5(%arg0: i32) -> (i32, i32) {
    %c0_i32 = arith.constant 0 : i32
    %c0_i32_0 = arith.constant 0 : i32
    %c0_i32_1 = arith.constant 0 : i32
    return %c0_i32, %c0_i32_0 : i32, i32
  }
  func.func @transform_6(%arg0: i32) -> (i32, i32) {
    %c0_i32 = arith.constant 0 : i32
    %c0_i32_0 = arith.constant 0 : i32
    %c0_i32_1 = arith.constant 0 : i32
    return %c0_i32, %c0_i32_0 : i32, i32
  }
  func.func @transform_7(%arg0: i32) -> (i32, i32) {
    %c0_i32 = arith.constant 0 : i32
    %c0_i32_0 = arith.constant 0 : i32
    return %arg0, %c0_i32 : i32, i32
  }
  func.func @transform_8(%arg0: i32) -> (i32, i32) {
    %c0_i32 = arith.constant 0 : i32
    %c0_i32_0 = arith.constant 0 : i32
    return %arg0, %c0_i32 : i32, i32
  }
  func.func @transform_9(%arg0: i32) -> (i32, i32) {
    %c0_i32 = arith.constant 0 : i32
    %c0_i32_0 = arith.constant 0 : i32
    return %arg0, %c0_i32 : i32, i32
  }
}

</mosaic_0001>

<sc_bundles>
// kernel: kernel.10.cloned.1.call-start
scs
__scs_entry_jumppad:
0x0: {  	(pc) =	sbr.rel $0x88, $3  }
0x1: {  	(tag) =	ssettag $0x0;
	lr =	simm.s32 $0x1  }
0x2: {  	[smem:$0x3F9B] =	sst lr;
	_ =	strace $0xD0000000  }
0x3: {  	_ = 	snop  }
0x4: {  	_ = 	snop  }
0x5: {  	_ = 	snop  }
0x6: {  	_ = 	snop  }
0x7: {  	_ = 	snop  }
__scs_overlays_trampoline_lowered:
0x8: {  	[smem:$0x3FAA] =	sst s0  }
0x9: {  	[smem:$0x3FAB] =	sst s1  }
0xa: {  	[smem:$0x3FAC] =	sst s2  }
0xb: {  	[smem:$0x3FAD] =	sst s3  }
0xc: {  	[smem:$0x3FAE] =	sst s4  }
0xd: {  	[smem:$0x3FAF] =	sst s5  }
0xe: {  	[smem:$0x3FB0] =	sst s6  }
0xf: {  	[smem:$0x3FB1] =	sst s7  }
0x10: {  	[smem:$0x3FB2] =	sst s8  }
0x11: {  	[smem:$0x3FB3] =	sst s9;
	s0 =	simm.s32 @!p0 $0x0  }
0x12: {  	s1 =	sld [smem:$0x3F99];
	s0 =	simm.s32 @p0 $0x1  }
0x13: {  	[smem:$0x3FB4] =	sst s0;
	s0 =	simm.s32 @!p1 $0x0  }
0x14: {  	s2 =	sld [smem:$0x3F98];
	s0 =	simm.s32 @p1 $0x1  }
0x15: {  	[smem:$0x3FB5] =	sst s0;
	s0 =	simm.s32 @!p2 $0x0  }
0x16: {  	s3 =	sld [smem:$0x3FDB];
	s0 =	simm.s32 @p2 $0x1  }
0x17: {  	s4 =	simm.s32 $0x1BF5;
	[smem:$0x3FB7] =	sst s0  }
0x18: {  	s0 =	sld [smem:$0x3F9A];
	_ =	swait.ge [sflag:s4], $0x0  }
0x19: {  	s7 =	sld [smem:$0x3F9B]  }
0x1a: {  	s8 =	sadd.s32 $0xFFFFE003, lr  }
0x1b: {  	s9 =	sadd.s32 $0xFFFFFEF7, lr;
	s5 =	simm.s32 $0xFFFFFFFF;
	p2 =	slt.u32 s8, $0xFFFFF086  }
0x1c: {  	p1 =	slt.u32 s9, $0xF7A;
	s5 =	simm.s32 @!p2 $0x0  }
0x1d: {  	s5 =	simm.s32 @p1 $0x1;
	p0 =	seq.s32 s7, s2  }
0x1e: {  	s7 =	smul.u32 @!p0 $0xF7A, s2;
	p2 =	seq.s32 @!p0 s5, $0x0  }
0x1f: {  	s9 =	smul.u32 $0xF7A, s1;
	s8 =	simm.s32 @!p0 $0x1BF5;
	p2 =	por !p2, p0  }
0x20: {  	[sflag:s8] =	ssyncset.s32 @!p0 $0xFFFFF086;
	s6 =	sadd.s32 @!p0 s3, s7;
	s7 =	simm.s32 @!p0 $0x108  }
0x21: {  	s3 =	sadd.s32 s3, s9;
	s6 =	sadd.s32 @!p0 $0x88, s6;
	s7 =	simm.s32 @p2 $0x1082  }
0x22: {  	[simem:s7], [sflag:s8] =	dma.local @!p0 [hbm:s6], $0xF7A  }
0x23: {  	s9 =	sor.u32 $0xD0000000, s2;
	s6 =	simm.s32 $0x108;
	_ =	swait.ge @!p0 [sflag:s8], $0x0  }
0x24: {  	s3 =	sadd.s32 $0x88, s3;
	s6 =	simm.s32 @!p1 $0x1082;
	[sflag:s4] =	ssyncset.s32 $0xFFFFF086  }
0x25: {  	[simem:s6], [sflag:s4] =	dma.local [hbm:s3], $0xF7A  }
0x26: {  	[smem:$0x3F9B] =	sst s1;
	(tag) =	ssettag s2;
	_ =	strace s9  }
0x27: {  	s1 =	sld [smem:$0x3FAB]  }
0x28: {  	s2 =	sld [smem:$0x3FAC]  }
0x29: {  	s4 =	sld [smem:$0x3FAE]  }
0x2a: {  	p0 =	seq.s32 s5, $0x0;
	s5 =	sld [smem:$0x3FAF]  }
0x2b: {  	s6 =	sld [smem:$0x3FB0]  }
0x2c: {  	s7 =	sld [smem:$0x3FB1]  }
0x2d: {  	s3 =	simm.s32 $0x108;
	s8 =	sld [smem:$0x3FB2]  }
0x2e: {  	s3 =	simm.s32 @!p0 $0x1082;
	s9 =	sld [smem:$0x3FB3]  }
0x2f: {  	lr =	sadd.s32 s0, s3;
	s0 =	sld [smem:$0x3FAA]  }
0x30: {  	s3 =	sld [smem:$0x3FAD]  }
0x31: {  	[smem:$0x3FB6] =	sst s10  }
0x32: {  	s10 =	sld [smem:$0x3FB4];
	_ =	sdelay $0x3  }
0x33: {  	p0 =	seq.s32 s10, $0x1;
	s10 =	sld [smem:$0x3FB6];
	_ =	sdelay $0x3  }
0x34: {  	[smem:$0x3FB6] =	sst s10  }
0x35: {  	s10 =	sld [smem:$0x3FB5];
	_ =	sdelay $0x3  }
0x36: {  	p1 =	seq.s32 s10, $0x1;
	s10 =	sld [smem:$0x3FB6];
	_ =	sdelay $0x3  }
0x37: {  	[smem:$0x3FB6] =	sst s10  }
0x38: {  	s10 =	sld [smem:$0x3FB7]  }
0x39: {  	_ = 	snop;
	(pc) =	sbr.ind lr, $3  }
0x3a: {  	_ = 	snop  }
0x3b: {  	_ = 	snop  }
0x3c: {  	p2 =	seq.s32 s10, $0x1;
	s10 =	sld [smem:$0x3FB6]  }
0x3d: {  	_ =	shalt  }
0x3e: {  	_ =	shalt  }
0x3f: {  	_ =	shalt  }
0x40: {  	_ =	shalt  }
0x41: {  	_ =	shalt  }
0x42: {  	_ =	shalt  }
0x43: {  	_ =	shalt  }
0x44: {  	_ =	shalt  }
0x45: {  	_ =	shalt  }
0x46: {  	_ =	shalt  }
0x47: {  	_ =	shalt  }
0x48: {  	_ =	shalt  }
0x49: {  	_ =	shalt  }
0x4a: {  	_ =	shalt  }
0x4b: {  	_ =	shalt  }
0x4c: {  	_ =	shalt  }
0x4d: {  	_ =	shalt  }
0x4e: {  	_ =	shalt  }
0x4f: {  	_ =	shalt  }
0x50: {  	_ =	shalt  }
0x51: {  	_ =	shalt  }
0x52: {  	_ =	shalt  }
0x53: {  	_ =	shalt  }
0x54: {  	_ =	shalt  }
0x55: {  	_ =	shalt  }
0x56: {  	_ =	shalt  }
0x57: {  	_ =	shalt  }
0x58: {  	_ =	shalt  }
0x59: {  	_ =	shalt  }
0x5a: {  	_ =	shalt  }
0x5b: {  	_ =	shalt  }
0x5c: {  	_ =	shalt  }
0x5d: {  	_ =	shalt  }
0x5e: {  	_ =	shalt  }
0x5f: {  	_ =	shalt  }
0x60: {  	_ =	shalt  }
0x61: {  	_ =	shalt  }
0x62: {  	_ =	shalt  }
0x63: {  	_ =	shalt  }
0x64: {  	_ =	shalt  }
0x65: {  	_ =	shalt  }
0x66: {  	_ =	shalt  }
0x67: {  	_ =	shalt  }
0x68: {  	_ =	shalt  }
0x69: {  	_ =	shalt  }
0x6a: {  	_ =	shalt  }
0x6b: {  	_ =	shalt  }
0x6c: {  	_ =	shalt  }
0x6d: {  	_ =	shalt  }
0x6e: {  	_ =	shalt  }
0x6f: {  	_ =	shalt  }
0x70: {  	_ =	shalt  }
0x71: {  	_ =	shalt  }
0x72: {  	_ =	shalt  }
0x73: {  	_ =	shalt  }
0x74: {  	_ =	shalt  }
0x75: {  	_ =	shalt  }
0x76: {  	_ =	shalt  }
0x77: {  	_ =	shalt  }
0x78: {  	_ =	shalt  }
0x79: {  	_ =	shalt  }
0x7a: {  	_ =	shalt  }
0x7b: {  	_ =	shalt  }
0x7c: {  	_ =	shalt  }
0x7d: {  	_ =	shalt  }
0x7e: {  	_ =	shalt  }
0x7f: {  	_ =	shalt  }
0x80: {  	_ =	shalt  }
0x81: {  	_ =	shalt  }
0x82: {  	_ =	shalt  }
0x83: {  	_ =	shalt  }
0x84: {  	_ =	shalt  }
0x85: {  	_ =	shalt  }
0x86: {  	_ =	shalt  }
0x87: {  	_ =	shalt  }
.Lfunc_end0:
.L_simem_size_0:
called_computation.1_lowered:
.L_overlay_start_0:
0x88: {  	s2 =	sld [smem:$0x3FD9]  }
0x89: {  	s3 =	sld [smem:$0x3FFE];
	_ =	sdelay $0x1  }
0x8a: {  	s1 =	srdreg.scid  }
0x8b: {  	s0 =	sand.u32 $0x1, s1  }
0x8c: {  	s17 =	sshll.u32 s0, $0xA;
	s2 =	sadd.s32 s3, s2  }
0x8d: {  	s2 =	sadd.s32 s2, s17  }
0x8e: {  	[smem:$0x3FC2] =	sst s2  }
0x8f: {  	_ = 	snop  }
0x90: {  	s2 =	sld [smem:$0x3FD0];
	(tm) =	ssettm $0x1  }
0x91: {  	s18 =	sld [smem:$0x3FFB];
	_ =	sdelay $0x3  }
0x92: {  	_ =	strace s18  }
0x93: {  	s3 =	sld [smem:$0x3FFC];
	_ =	sdelay $0x3  }
0x94: {  	_ =	strace s3  }
0x95: {  	s3 =	sld [smem:$0x3FFD];
	_ =	sdelay $0x3  }
0x96: {  	_ =	strace s3  }
0x97: {  	_ =	strace $0x8FFFFFFF  }
0x98: {  	s19 =	sld [smem:$0x3FDB];
	_ =	sdelay $0x1  }
0x99: {  	s4 =	simm.s32 $_scs_section_size  }
0x9a: {  	s5 =	simm.s32 $_size__tile_overlayer_lowered;
	s6 =	simm.s32 $_tile_overlayer_lowered  }
0x9b: {  	s22 =	simm.s32 $0x1BFF;
	s21 =	sshll.u32 s6, $0x1;
	s3 =	sadd.s32 s4, s19  }
0x9c: {  	s7 =	simm.s32 $0x0;
	s20 =	sshll.u32 s5, $0x1;
	s5 =	sadd.s32 s21, s3  }
0x9d: {  	[timem:s7], [sflag:s22] =	dma.local [hbm:s5], s20  }
0x9e: {  	_ =	swait.ge [sflag:s22], s20  }
0x9f: {  	s4 =	ssub.s32 $0x0, s20;
	[sflag:s22] =	ssyncset.done $0x0  }
0xa0: {  	[sflag:s22] =	ssyncadd.s32 s4;
	_ =	sdelay $0x1  }
0xa1: {  	s23 =	simm.s32 $0x1B8B  }
0xa2: {  	_ =	swait.ge [sflag:s23], $0x1  }
0xa3: {  	[sflag:s23] =	ssyncset.done $0x0  }
0xa4: {  	s25 =	simm.s32 $0x1B8E;
	s24 =	sld [smem:$0x3FFE];
	[sflag:s23] =	ssyncadd.s32 $0xFFFFFFFF  }
0xa5: {  	s26 =	simm.s32 $execute0_lowered;
	[smem:$0x3FD2] =	sst s25  }
0xa6: {  	s5 =	sshll.u32 s26, $0x1;
	_ =	strace $0x80000049;
	[dreg:$0x1] =	wrdreg $0xFFFFFFFF  }
0xa7: {  	s28 =	simm.s32 $_size_execute0_lowered;
	s3 =	sadd.s32 s3, s5;
	[dreg:$0x0] =	wrdreg $0x0  }
0xa8: {  	s5 =	sshll.u32 s28, $0x1;
	[dreg:$0x2] =	wrdreg s3  }
0xa9: {  	[dreg:$0x3] =	wrdreg s5  }
0xaa: {  	[dreg:$0x4] =	wrdreg $0xC0  }
0xab: {  	_ =	task [dreg:s7], $0x5FFFF  }
0xac: {  	[dreg:$0x1] =	wrdreg $0xFFFFFFFF  }
0xad: {  	[dreg:$0x0] =	wrdreg $0x60  }
0xae: {  	[dreg:$0x2] =	wrdreg s2  }
0xaf: {  	[dreg:$0x3] =	wrdreg s24  }
0xb0: {  	[dreg:$0x4] =	wrdreg $0xB2200  }
0xb1: {  	[dreg:$0x5] =	wrdreg $0x9  }
0xb2: {  	_ =	task.clear_ibuf [dreg:s7], $0x6FFFF;
	_ =	strace $0x90000049  }
0xb3: {  	s29 =	simm.s32 $0x9;
	_ =	strace $0x8000004B  }
0xb4: {  	_ =	swait.ge [sflag:s29], $0x1  }
0xb5: {  	[sflag:s29] =	ssyncadd.s32 $0xFFFFFFFF  }
0xb6: {  	_ =	strace $0x9000004B  }
0xb7: {  	_ =	sfence  }
0xb8: {  	s30 =	sld [smem:$0x0];
	_ =	sdelay $0x2  }
0xb9: {  	s31 =	sshll.u32 s1, $0xD;
	s1 =	sshrl.u32 s1, $0x2  }
0xba: {  	s3 =	sand.u32 $0x4000, s31;
	s1 =	sadd.s32 s1, s30  }
0xbb: {  	s0 =	sor.u32 s3, s0;
	s1 =	sshll.u32 s1, $0x11  }
0xbc: {  	s0 =	sor.u32 s1, s0  }
0xbd: {  	s0 =	sadd.s32 $0x8F2B, s0  }
0xbe: {  	[sflag:s0] =	ssyncadd.remote.s32 $0x1  }
0xbf: {  	_ =	sfence.sel $0xFFFF  }
0xc0: {  	[dreg:$0x0] =	wrdreg $0xFFFFFFFF;
	(pc) =	sbr.abs _section_cstart, $3  }
0xc1: {  	[dreg:$0x1] =	wrdreg $0xFFFFFFFF  }
0xc2: {  	_ =	task.clear_ibuf [dreg:s7], $0x2FFFF;
	_ =	strace $0x9FFFFFFF  }
0xc3: {  	(tm) =	ssettm $0x7FFFFFFF  }
tec
execute0_lowered:
.L_overlay_start_1:
0x0: {  	(tag) =	ssettag $0x1  }
0x1: {  	s1 =	rddreg [dreg:$0x0]  }
0x2: {  	s0 =	rddreg [dreg:$0x1]  }
0x3: {  	s3 =	rddreg [dreg:$0x2];
	s2 =	simm.s32 $0x0;
	s14 =	stileid.u32  }
0x4: {  	s9 =	srdreg.scid;
	s29 =	simm.s32 $0x7620;
	s31 =	simm.s32 $0x8A20  }
0x5: {  	s17 =	simm.s32 $0x6;
	s28 =	simm.s32 $0x4;
	[smem:$0x7FF] =	sst s2  }
0x6: {  	s18 =	smul.u32 $0x2710, s14;
	s5 =	sadd.s32 $0x81000, s0;
	s6 =	sadd.s32 $0x6D600, s0  }
0x7: {  	s7 =	sadd.s32 $0x59C00, s0;
	s4 =	smul.u32 $0x9C00, s14;
	s8 =	sadd.s32 $0x94A00, s0  }
0x8: {  	s9 =	sand.u32 $0x1, s9;
	s15 =	sadd.s32 $0xBD200, s0;
	s21 =	sadd.s32 $0x9C000, s3  }
0x9: {  	s23 =	sadd.s32 $0xE4400, s0;
	_ =	strace $0x8000004A;
	[dreg:$0x9] =	wrdreg s21  }
0xa: {  	s16 =	sadd.s32 $0x95E00, s0;
	p1 =	sne.s32 s14, $0xF;
	[dreg:$0xb] =	wrdreg s23  }
0xb: {  	p2 =	seq.s32 s14, $0xF;
	s11 =	ssub.s32 $0x2, s9;
	[dreg:$0x4] =	wrdreg s15  }
0xc: {  	p0 =	seq.s32 s9, $0x1;
	[dreg:$0x5] =	wrdreg s16;
	s9 =	simm.s32 $0x7  }
0xd: {  	s21 =	simm.s32 $0x5;
	s2 =	sshrl.u32 s18, $0x3;
	s10 =	sshrl.u32 s4, $0x3  }
0xe: {  	s13 =	sshrl.u32 s11, $0x1;
	s20 =	sadd.s32 s4, s3;
	s4 =	simm.s32 $0x0  }
0xf: {  	s2 =	sadd.s32 s2, s0;
	s12 =	sadd.s32 s10, s0;
	s11 =	ssub.s32 s11, s13  }
0x10: {  	[dreg:$0x8] =	wrdreg s20;
	s24 =	sadd.s32 s15, s10;
	s0 =	sadd.s32 $0xBD000, s0  }
0x11: {  	s26 =	sadd.s32 s16, s10;
	s20 =	simm.s32 $0x2710;
	[dreg:$0xc] =	wrdreg s24  }
0x12: {  	s15 =	simm.s32 $0x9E20;
	s16 =	simm.s32 $0x1;
	[dreg:$0xe] =	wrdreg s0  }
0x13: {  	s10 =	simm.s32 $0xA;
	s19 =	sadd.s32 $0x1C00, s2;
	[dreg:$0xf] =	wrdreg s26  }
0x14: {  	s2 =	sadd.s32 $0x6A20, s2;
	s22 =	sadd.s32 $0xD0C00, s12;
	[dreg:$0x6] =	wrdreg s19  }
.Ltmp0:
0x15: {  	s25 =	sadd.s32 $0xA9800, s12;
	[dreg:$0x7] =	wrdreg s2;
	(pc) =	sbr.rel .LBB2_1-.Ltmp0, $4  }
0x16: {  	s30 =	smax.u32 s11, $0x1;
	s24 =	simm.s32 $0x50;
	[dreg:$0xa] =	wrdreg s22  }
0x17: {  	s26 =	simm.s32 $0x6220;
	s11 =	simm.s32 $0x8;
	[dreg:$0xd] =	wrdreg s25  }
0x18: {  	s0 =	simm.s32 $0x9;
	[dreg:$0x10] =	wrdreg s30;
	s22 =	simm.s32 $0xB  }
0x19: {  	s25 =	simm.s32 $0x4E20;
	s19 =	simm.s32 $0x2;
	s2 =	simm.s32 $0x3  }
.LBB2_12:
0x1a: {  	s14 =	rddreg [dreg:$0x9]  }
0x1b: {  	s13 =	sadd.s32 $0x13800, s13;
	s14 =	sshrl.u32 s14, $0x3  }
0x1c: {  	[hbm:s13], [sflag:s12] =	dma.local [spmem:s14], $0x80  }
0x1d: {  	_ =	swait.ge [sflag:s22], $0x80  }
0x1e: {  	[sflag:s22] =	ssyncset.done $0x0  }
0x1f: {  	[sflag:s22] =	ssyncadd.s32 $0xFFFFFF80  }
.LBB2_13:
0x20: {  	s4 =	sadd.s32 $0x1, s4;
	s12 =	rddreg [dreg:$0x10]  }
0x21: {  	p3 =	sne.s32 s4, s12  }
.Ltmp1:
0x22: {  	_ = 	snop;
	(pc) =	sbr.rel @!p3 .LBB2_14-.Ltmp1, $2  }
0x23: {  	_ =	sdelay $0x1  }
0x24: {  	[bflag:$0x0] =	sbarrier.arrive $0xFFFF;
	_ =	sdelay $0x1  }
.LBB2_1:
0x25: {  	s12 =	simm.s32 $0x0;
	s13 =	rddreg [dreg:$0x6]  }
0x26: {  	[tilespmem:s12], [sflag:$0xB] =	stream.linear.gather [hbm4b:s13+s12], $0x2710, $0x38;
	[tilespmem:$0x14E60] =	vst v63  }
0x27: {  	_ =	swait.ge [sflag:s22], $0x2710  }
0x28: {  	[sflag:s22] =	ssyncset.done $0x0  }
0x29: {  	s23 =	stileid.u32;
	s18 =	rddreg [dreg:$0x7];
	[sflag:s22] =	ssyncadd.s32 $0xFFFFD8F0  }
0x2a: {  	[tilespmem:s20], [sflag:$0xB] =	stream.linear.gather [hbm4b:s18+s12], $0x2710, $0x38;
	[tilespmem:$0x14E60] =	vst v63  }
0x2b: {  	s12 =	sshll.u32 s23, $0x6;
	_ =	swait.ge [sflag:s22], $0x2710  }
0x2c: {  	s12 =	sor.u32 $0x1C0B, s12;
	[sflag:s22] =	ssyncset.done $0x0;
	s13 =	rddreg [dreg:$0x8]  }
.Ltmp2:
0x2d: {  	[sflag:s22] =	ssyncadd.s32 $0xFFFFD8F0;
	s30 =	sshrl.u32 s13, $0x3;
	(pc) =	sbr.rel @!p0 .LBB2_2-.Ltmp2, $4  }
0x2e: {  	[spmem:s30], [sflag:s12] =	dma.local [hbm:s8], $0x1380  }
0x2f: {  	s23 =	sshrl.u32 @p1 s13, $0x3;
	_ =	swait.ge [sflag:s22], $0x1380  }
0x30: {  	s13 =	sshrl.u32 @!p1 s13, $0x3;
	[sflag:s22] =	ssyncset.done $0x0;
	s14 =	rddreg [dreg:$0x9]  }
0x31: {  	[dreg:$0x11] =	wrdreg s13;
	[sflag:s22] =	ssyncadd.s32 $0xFFFFEC80;
	s18 =	sshrl.u32 @!p1 s14, $0x3  }
0x32: {  	[spmem:s18], [sflag:s12] =	dma.local @!p1 [hbm:s8], $0x80  }
0x33: {  	s13 =	simm.s32 @!p1 $0xB  }
0x34: {  	_ =	swait.ge @!p1 [sflag:s13], $0x80  }
0x35: {  	[sflag:s13] =	ssyncset.done @!p1 $0x0  }
0x36: {  	[sflag:s13] =	ssyncadd.s32 @!p1 $0xFFFFFF80  }
0x37: {  	s14 =	simm.s32 $0x0;
	[bflag:$0x0] =	sbarrier.arrive $0xFFFF  }
0x38: {  	[tilespmem:s25], [sflag:$0x1] =	stream.indirect.gather [hbm4b:s6+s24], $0x40, s14, s24, $0xb8;
	[tilespmem:$0x14E60] =	vst v63  }
0x39: {  	_ = 	snop  }
0x3a: {  	[tilespmem:s26], [sflag:$0x2] =	stream.indirect.gather [hbm4b:s6+s24], $0x40, s24, s24, $0xb8;
	[tilespmem:$0x14E60] =	vst v63  }
0x3b: {  	s14 =	simm.s32 $0xA0  }
0x3c: {  	[tilespmem:s29], [sflag:$0x3] =	stream.indirect.gather [hbm4b:s6+s24], $0x40, s14, s24, $0xb8;
	[tilespmem:$0x14E60] =	vst v63  }
0x3d: {  	s14 =	simm.s32 $0xF0  }
0x3e: {  	[tilespmem:s31], [sflag:$0x4] =	stream.indirect.gather [hbm4b:s6+s24], $0x40, s14, s24, $0xb8;
	[tilespmem:$0x14E60] =	vst v63  }
0x3f: {  	s14 =	simm.s32 $0x140  }
0x40: {  	[tilespmem:s15], [sflag:$0x5] =	stream.indirect.gather [hbm4b:s6+s24], $0x40, s14, s24, $0xb8;
	[tilespmem:$0x14E60] =	vst v63  }
0x41: {  	_ =	swait.ge [sflag:s16], $0x1400  }
0x42: {  	[sflag:s16] =	ssyncset.done $0x0  }
0x43: {  	[sflag:s16] =	ssyncadd.s32 $0xFFFFEC00  }
0x44: {  	[spmem:s3] =	stream.indirect.scatter.add.f32 [tilespmem:s25], [sflag:$0x6], $0x40, s20, s24, $0xb8;
	[tilespmem:$0x14E60] =	vst v63  }
0x45: {  	_ =	swait.ge [sflag:s17], $0x1400  }
0x46: {  	[sflag:s17] =	ssyncset.done $0x0  }
0x47: {  	s20 =	simm.s32 $0x190;
	[sflag:s17] =	ssyncadd.s32 $0xFFFFEC00  }
0x48: {  	[tilespmem:s25], [sflag:$0x1] =	stream.indirect.gather [hbm4b:s6+s24], $0x40, s20, s24, $0xb8;
	[tilespmem:$0x14E60] =	vst v63  }
0x49: {  	_ =	swait.ge [sflag:s19], $0x1400  }
0x4a: {  	[sflag:s19] =	ssyncset.done $0x0  }
0x4b: {  	s14 =	simm.s32 $0x2760;
	[sflag:s19] =	ssyncadd.s32 $0xFFFFEC00  }
0x4c: {  	[spmem:s3] =	stream.indirect.scatter.add.f32 [tilespmem:s26], [sflag:$0x7], $0x40, s14, s24, $0xb8;
	[tilespmem:$0x14E60] =	vst v63  }
0x4d: {  	_ =	swait.ge [sflag:s9], $0x1400  }
0x4e: {  	[sflag:s9] =	ssyncset.done $0x0  }
0x4f: {  	s20 =	simm.s32 $0x1E0;
	[sflag:s9] =	ssyncadd.s32 $0xFFFFEC00  }
0x50: {  	[tilespmem:s26], [sflag:$0x2] =	stream.indirect.gather [hbm4b:s6+s24], $0x40, s20, s24, $0xb8;
	[tilespmem:$0x14E60] =	vst v63  }
0x51: {  	_ =	swait.ge [sflag:s2], $0x1400  }
0x52: {  	[sflag:s2] =	ssyncset.done $0x0  }
0x53: {  	s14 =	simm.s32 $0x27B0;
	[sflag:s2] =	ssyncadd.s32 $0xFFFFEC00  }
0x54: {  	[spmem:s3] =	stream.indirect.scatter.add.f32 [tilespmem:s29], [sflag:$0x8], $0x40, s14, s24, $0xb8;
	[tilespmem:$0x14E60] =	vst v63  }
0x55: {  	_ =	swait.ge [sflag:s11], $0x1400  }
0x56: {  	[sflag:s11] =	ssyncset.done $0x0  }
0x57: {  	s20 =	simm.s32 $0x230;
	[sflag:s11] =	ssyncadd.s32 $0xFFFFEC00  }
0x58: {  	[tilespmem:s29], [sflag:$0x3] =	stream.indirect.gather [hbm4b:s6+s24], $0x40, s20, s24, $0xb8;
	[tilespmem:$0x14E60] =	vst v63  }
0x59: {  	_ =	swait.ge [sflag:s28], $0x1400  }
0x5a: {  	[sflag:s28] =	ssyncset.done $0x0  }
0x5b: {  	s14 =	simm.s32 $0x2800;
	[sflag:s28] =	ssyncadd.s32 $0xFFFFEC00  }
0x5c: {  	[spmem:s3] =	stream.indirect.scatter.add.f32 [tilespmem:s31], [sflag:$0x9], $0x40, s14, s24, $0xb8;
	[tilespmem:$0x14E60] =	vst v63  }
0x5d: {  	_ =	swait.ge [sflag:s0], $0x1400  }
0x5e: {  	[sflag:s0] =	ssyncset.done $0x0  }
0x5f: {  	s20 =	simm.s32 $0x280;
	[sflag:s0] =	ssyncadd.s32 $0xFFFFEC00  }
0x60: {  	[tilespmem:s31], [sflag:$0x4] =	stream.indirect.gather [hbm4b:s6+s24], $0x40, s20, s24, $0xb8;
	[tilespmem:$0x14E60] =	vst v63  }
0x61: {  	_ =	swait.ge [sflag:s21], $0x1400  }
0x62: {  	[sflag:s21] =	ssyncset.done $0x0  }
0x63: {  	s14 =	simm.s32 $0x2850;
	[sflag:s21] =	ssyncadd.s32 $0xFFFFEC00  }
0x64: {  	[spmem:s3] =	stream.indirect.scatter.add.f32 [tilespmem:s15], [sflag:$0xA], $0x40, s14, s24, $0xb8;
	[tilespmem:$0x14E60] =	vst v63  }
0x65: {  	_ =	swait.ge [sflag:s10], $0x1400  }
0x66: {  	[sflag:s10] =	ssyncset.done $0x0  }
0x67: {  	s20 =	simm.s32 $0x2D0;
	[sflag:s10] =	ssyncadd.s32 $0xFFFFEC00  }
0x68: {  	[tilespmem:s15], [sflag:$0x5] =	stream.indirect.gather [hbm4b:s6+s24], $0x40, s20, s24, $0xb8;
	[tilespmem:$0x14E60] =	vst v63  }
0x69: {  	_ =	swait.ge [sflag:s16], $0x1400  }
0x6a: {  	[sflag:s16] =	ssyncset.done $0x0  }
0x6b: {  	s14 =	simm.s32 $0x28A0;
	[sflag:s16] =	ssyncadd.s32 $0xFFFFEC00  }
0x6c: {  	[spmem:s3] =	stream.indirect.scatter.add.f32 [tilespmem:s25], [sflag:$0x6], $0x40, s14, s24, $0xb8;
	[tilespmem:$0x14E60] =	vst v63  }
0x6d: {  	_ =	swait.ge [sflag:s17], $0x1400  }
0x6e: {  	[sflag:s17] =	ssyncset.done $0x0  }
0x6f: {  	s20 =	simm.s32 $0x320;
	[sflag:s17] =	ssyncadd.s32 $0xFFFFEC00  }
0x70: {  	[tilespmem:s25], [sflag:$0x1] =	stream.indirect.gather [hbm4b:s6+s24], $0x40, s20, s24, $0xb8;
	[tilespmem:$0x14E60] =	vst v63  }
0x71: {  	_ =	swait.ge [sflag:s19], $0x1400  }
0x72: {  	[sflag:s19] =	ssyncset.done $0x0  }
0x73: {  	s14 =	simm.s32 $0x28F0;
	[sflag:s19] =	ssyncadd.s32 $0xFFFFEC00  }
0x74: {  	[spmem:s3] =	stream.indirect.scatter.add.f32 [tilespmem:s26], [sflag:$0x7], $0x40, s14, s24, $0xb8;
	[tilespmem:$0x14E60] =	vst v63  }
0x75: {  	_ =	swait.ge [sflag:s9], $0x1400  }
0x76: {  	[sflag:s9] =	ssyncset.done $0x0  }
0x77: {  	s20 =	simm.s32 $0x370;
	[sflag:s9] =	ssyncadd.s32 $0xFFFFEC00  }
0x78: {  	[tilespmem:s26], [sflag:$0x2] =	stream.indirect.gather [hbm4b:s6+s24], $0x40, s20, s24, $0xb8;
	[tilespmem:$0x14E60] =	vst v63  }
0x79: {  	_ =	swait.ge [sflag:s2], $0x1400  }
0x7a: {  	[sflag:s2] =	ssyncset.done $0x0  }
0x7b: {  	s14 =	simm.s32 $0x2940;
	[sflag:s2] =	ssyncadd.s32 $0xFFFFEC00  }
0x7c: {  	[spmem:s3] =	stream.indirect.scatter.add.f32 [tilespmem:s29], [sflag:$0x8], $0x40, s14, s24, $0xb8;
	[tilespmem:$0x14E60] =	vst v63  }
0x7d: {  	_ =	swait.ge [sflag:s11], $0x1400  }
0x7e: {  	[sflag:s11] =	ssyncset.done $0x0  }
0x7f: {  	s20 =	simm.s32 $0x3C0;
	[sflag:s11] =	ssyncadd.s32 $0xFFFFEC00  }
0x80: {  	[tilespmem:s29], [sflag:$0x3] =	stream.indirect.gather [hbm4b:s6+s24], $0x40, s20, s24, $0xb8;
	[tilespmem:$0x14E60] =	vst v63  }
0x81: {  	_ =	swait.ge [sflag:s28], $0x1400  }
0x82: {  	[sflag:s28] =	ssyncset.done $0x0  }
0x83: {  	s14 =	simm.s32 $0x2990;
	[sflag:s28] =	ssyncadd.s32 $0xFFFFEC00  }
0x84: {  	[spmem:s3] =	stream.indirect.scatter.add.f32 [tilespmem:s31], [sflag:$0x9], $0x40, s14, s24, $0xb8;
	[tilespmem:$0x14E60] =	vst v63  }
0x85: {  	_ =	swait.ge [sflag:s0], $0x1400  }
0x86: {  	[sflag:s0] =	ssyncset.done $0x0  }
0x87: {  	s20 =	simm.s32 $0x410;
	[sflag:s0] =	ssyncadd.s32 $0xFFFFEC00  }
0x88: {  	[tilespmem:s31], [sflag:$0x4] =	stream.indirect.gather [hbm4b:s6+s24], $0x40, s20, s24, $0xb8;
	[tilespmem:$0x14E60] =	vst v63  }
0x89: {  	_ =	swait.ge [sflag:s21], $0x1400  }
0x8a: {  	[sflag:s21] =	ssyncset.done $0x0  }
0x8b: {  	s13 =	simm.s32 $0x29E0;
	s14 =	simm.s32 $0x640;
	[sflag:s21] =	ssyncadd.s32 $0xFFFFEC00  }
.LBB2_8:
0x8c: {  	[spmem:s3] =	stream.indirect.scatter.add.f32 [tilespmem:s15], [sflag:$0xA], $0x40, s13, s24, $0xb8;
	[tilespmem:$0x14E60] =	vst v63  }
0x8d: {  	s13 =	smov.u32 s14;
	s14 =	sadd.s32 $0x640, s14;
	_ =	swait.ge [sflag:s10], $0x1400  }
0x8e: {  	s13 =	sshra.s32 s13, $0x2;
	p3 =	sne.s32 s14, $0x8FC0;
	[sflag:s10] =	ssyncset.done $0x0  }
0x8f: {  	s20 =	sadd.s32 $0x2D0, s13;
	[sflag:s10] =	ssyncadd.s32 $0xFFFFEC00  }
0x90: {  	[tilespmem:s15], [sflag:$0x5] =	stream.indirect.gather [hbm4b:s6+s24], $0x40, s20, s24, $0xb8;
	[tilespmem:$0x14E60] =	vst v63  }
0x91: {  	_ =	swait.ge [sflag:s16], $0x1400  }
0x92: {  	[sflag:s16] =	ssyncset.done $0x0  }
0x93: {  	s20 =	sadd.s32 $0x28A0, s13;
	[sflag:s16] =	ssyncadd.s32 $0xFFFFEC00  }
0x94: {  	[spmem:s3] =	stream.indirect.scatter.add.f32 [tilespmem:s25], [sflag:$0x6], $0x40, s20, s24, $0xb8;
	[tilespmem:$0x14E60] =	vst v63  }
0x95: {  	_ =	swait.ge [sflag:s17], $0x1400  }
0x96: {  	[sflag:s17] =	ssyncset.done $0x0  }
0x97: {  	s20 =	sadd.s32 $0x320, s13;
	[sflag:s17] =	ssyncadd.s32 $0xFFFFEC00  }
0x98: {  	[tilespmem:s25], [sflag:$0x1] =	stream.indirect.gather [hbm4b:s6+s24], $0x40, s20, s24, $0xb8;
	[tilespmem:$0x14E60] =	vst v63  }
0x99: {  	_ =	swait.ge [sflag:s19], $0x1400  }
0x9a: {  	[sflag:s19] =	ssyncset.done $0x0  }
0x9b: {  	s20 =	sadd.s32 $0x28F0, s13;
	[sflag:s19] =	ssyncadd.s32 $0xFFFFEC00  }
0x9c: {  	[spmem:s3] =	stream.indirect.scatter.add.f32 [tilespmem:s26], [sflag:$0x7], $0x40, s20, s24, $0xb8;
	[tilespmem:$0x14E60] =	vst v63  }
0x9d: {  	_ =	swait.ge [sflag:s9], $0x1400  }
0x9e: {  	[sflag:s9] =	ssyncset.done $0x0  }
0x9f: {  	s20 =	sadd.s32 $0x370, s13;
	[sflag:s9] =	ssyncadd.s32 $0xFFFFEC00  }
0xa0: {  	[tilespmem:s26], [sflag:$0x2] =	stream.indirect.gather [hbm4b:s6+s24], $0x40, s20, s24, $0xb8;
	[tilespmem:$0x14E60] =	vst v63  }
0xa1: {  	_ =	swait.ge [sflag:s2], $0x1400  }
0xa2: {  	[sflag:s2] =	ssyncset.done $0x0  }
0xa3: {  	s20 =	sadd.s32 $0x2940, s13;
	[sflag:s2] =	ssyncadd.s32 $0xFFFFEC00  }
0xa4: {  	[spmem:s3] =	stream.indirect.scatter.add.f32 [tilespmem:s29], [sflag:$0x8], $0x40, s20, s24, $0xb8;
	[tilespmem:$0x14E60] =	vst v63  }
0xa5: {  	_ =	swait.ge [sflag:s11], $0x1400  }
0xa6: {  	[sflag:s11] =	ssyncset.done $0x0  }
0xa7: {  	s20 =	sadd.s32 $0x3C0, s13;
	[sflag:s11] =	ssyncadd.s32 $0xFFFFEC00  }
0xa8: {  	[tilespmem:s29], [sflag:$0x3] =	stream.indirect.gather [hbm4b:s6+s24], $0x40, s20, s24, $0xb8;
	[tilespmem:$0x14E60] =	vst v63  }
0xa9: {  	_ =	swait.ge [sflag:s28], $0x1400  }
0xaa: {  	[sflag:s28] =	ssyncset.done $0x0  }
0xab: {  	s20 =	sadd.s32 $0x2990, s13;
	[sflag:s28] =	ssyncadd.s32 $0xFFFFEC00  }
0xac: {  	[spmem:s3] =	stream.indirect.scatter.add.f32 [tilespmem:s31], [sflag:$0x9], $0x40, s20, s24, $0xb8;
	[tilespmem:$0x14E60] =	vst v63  }
0xad: {  	_ =	swait.ge [sflag:s0], $0x1400  }
0xae: {  	[sflag:s0] =	ssyncset.done $0x0  }
.Ltmp3:
0xaf: {  	s20 =	sadd.s32 $0x410, s13;
	[sflag:s0] =	ssyncadd.s32 $0xFFFFEC00;
	(pc) =	sbr.rel @p3 .LBB2_8-.Ltmp3, $4  }
0xb0: {  	[tilespmem:s31], [sflag:$0x4] =	stream.indirect.gather [hbm4b:s6+s24], $0x40, s20, s24, $0xb8;
	[tilespmem:$0x14E60] =	vst v63  }
0xb1: {  	_ =	swait.ge [sflag:s21], $0x1400  }
0xb2: {  	[sflag:s21] =	ssyncset.done $0x0  }
0xb3: {  	s13 =	sadd.s32 $0x29E0, s13;
	[sflag:s21] =	ssyncadd.s32 $0xFFFFEC00  }
0xb4: {  	[spmem:s3] =	stream.indirect.scatter.add.f32 [tilespmem:s15], [sflag:$0xA], $0x40, s13, s24, $0xb8;
	[tilespmem:$0x14E60] =	vst v63  }
0xb5: {  	_ =	swait.ge [sflag:s10], $0x1400  }
0xb6: {  	s13 =	sshra.s32 s14, $0x2;
	[sflag:s10] =	ssyncset.done $0x0  }
0xb7: {  	s14 =	sadd.s32 $0x2D0, s13;
	[sflag:s10] =	ssyncadd.s32 $0xFFFFEC00  }
0xb8: {  	[tilespmem:s15], [sflag:$0x5] =	stream.indirect.gather [hbm4b:s6+s24], $0x40, s14, s24, $0xb8;
	[tilespmem:$0x14E60] =	vst v63  }
0xb9: {  	_ =	swait.ge [sflag:s16], $0x1400  }
0xba: {  	[sflag:s16] =	ssyncset.done $0x0  }
0xbb: {  	s20 =	sadd.s32 $0x28A0, s13;
	[sflag:s16] =	ssyncadd.s32 $0xFFFFEC00  }
0xbc: {  	[spmem:s3] =	stream.indirect.scatter.add.f32 [tilespmem:s25], [sflag:$0x6], $0x40, s20, s24, $0xb8;
	[tilespmem:$0x14E60] =	vst v63  }
0xbd: {  	_ =	swait.ge [sflag:s17], $0x1400  }
0xbe: {  	[sflag:s17] =	ssyncset.done $0x0  }
0xbf: {  	[sflag:s17] =	ssyncadd.s32 $0xFFFFEC00  }
0xc0: {  	_ =	swait.ge [sflag:s19], $0x1400  }
0xc1: {  	[sflag:s19] =	ssyncset.done $0x0  }
0xc2: {  	s20 =	sadd.s32 $0x28F0, s13;
	[sflag:s19] =	ssyncadd.s32 $0xFFFFEC00  }
0xc3: {  	[spmem:s3] =	stream.indirect.scatter.add.f32 [tilespmem:s26], [sflag:$0x7], $0x40, s20, s24, $0xb8;
	[tilespmem:$0x14E60] =	vst v63  }
0xc4: {  	_ =	swait.ge [sflag:s9], $0x1400  }
0xc5: {  	[sflag:s9] =	ssyncset.done $0x0  }
0xc6: {  	[sflag:s9] =	ssyncadd.s32 $0xFFFFEC00  }
0xc7: {  	_ =	swait.ge [sflag:s2], $0x1400  }
0xc8: {  	[sflag:s2] =	ssyncset.done $0x0  }
0xc9: {  	s20 =	sadd.s32 $0x2940, s13;
	[sflag:s2] =	ssyncadd.s32 $0xFFFFEC00  }
0xca: {  	[spmem:s3] =	stream.indirect.scatter.add.f32 [tilespmem:s29], [sflag:$0x8], $0x40, s20, s24, $0xb8;
	[tilespmem:$0x14E60] =	vst v63  }
0xcb: {  	_ =	swait.ge [sflag:s11], $0x1400  }
0xcc: {  	[sflag:s11] =	ssyncset.done $0x0  }
0xcd: {  	[sflag:s11] =	ssyncadd.s32 $0xFFFFEC00  }
0xce: {  	_ =	swait.ge [sflag:s28], $0x1400  }
0xcf: {  	[sflag:s28] =	ssyncset.done $0x0  }
0xd0: {  	s20 =	sadd.s32 $0x2990, s13;
	[sflag:s28] =	ssyncadd.s32 $0xFFFFEC00  }
0xd1: {  	[spmem:s3] =	stream.indirect.scatter.add.f32 [tilespmem:s31], [sflag:$0x9], $0x40, s20, s24, $0xb8;
	[tilespmem:$0x14E60] =	vst v63  }
0xd2: {  	_ =	swait.ge [sflag:s0], $0x1400  }
0xd3: {  	[sflag:s0] =	ssyncset.done $0x0  }
0xd4: {  	[sflag:s0] =	ssyncadd.s32 $0xFFFFEC00  }
0xd5: {  	_ =	swait.ge [sflag:s21], $0x1400  }
0xd6: {  	[sflag:s21] =	ssyncset.done $0x0  }
0xd7: {  	s13 =	sadd.s32 $0x29E0, s13;
	[sflag:s21] =	ssyncadd.s32 $0xFFFFEC00  }
0xd8: {  	[spmem:s3] =	stream.indirect.scatter.add.f32 [tilespmem:s15], [sflag:$0xA], $0x40, s13, s24, $0xb8;
	[tilespmem:$0x14E60] =	vst v63  }
0xd9: {  	_ =	swait.ge [sflag:s10], $0x1400  }
0xda: {  	[sflag:s10] =	ssyncset.done $0x0  }
0xdb: {  	[sflag:s10] =	ssyncadd.s32 $0xFFFFEC00  }
0xdc: {  	[bflag:$0x0] =	sbarrier.arrive $0xFFFF  }
0xdd: {  	s14 =	rddreg [dreg:$0xd]  }
0xde: {  	[hbm:s14], [sflag:s12] =	dma.local [spmem:s30], $0x1380  }
0xdf: {  	_ =	swait.ge [sflag:s22], $0x1380  }
0xe0: {  	[sflag:s22] =	ssyncset.done $0x0  }
0xe1: {  	[sflag:s22] =	ssyncadd.s32 $0xFFFFEC80  }
0xe2: {  	s13 =	simm.s32 @p1 $0xB;
	[bflag:$0x0] =	sbarrier.arrive @p1 $0xFFFF  }
0xe3: {  	[spmem:s23], [sflag:s12] =	dma.local @p1 [hbm:s8], $0x1380  }
0xe4: {  	_ =	swait.ge @p1 [sflag:s13], $0x1380  }
0xe5: {  	[sflag:s13] =	ssyncset.done @p1 $0x0  }
0xe6: {  	[sflag:s13] =	ssyncadd.s32 @p1 $0xFFFFEC80;
	s13 =	rddreg [dreg:$0xe]  }
0xe7: {  	[hbm:s13], [sflag:s12] =	dma.local @!p1 [spmem:s18], $0x80  }
0xe8: {  	s13 =	simm.s32 @!p1 $0xB  }
0xe9: {  	_ =	swait.ge @!p1 [sflag:s13], $0x80  }
0xea: {  	[sflag:s13] =	ssyncset.done @!p1 $0x0  }
0xeb: {  	[sflag:s13] =	ssyncadd.s32 @!p1 $0xFFFFFF80  }
0xec: {  	[bflag:$0x0] =	sbarrier.arrive @!p1 $0xFFFF  }
0xed: {  	s14 =	rddreg [dreg:$0x11]  }
0xee: {  	[spmem:s14], [sflag:s12] =	dma.local @!p1 [hbm:s8], $0x1380  }
0xef: {  	_ =	swait.ge @!p1 [sflag:s13], $0x1380  }
0xf0: {  	[sflag:s13] =	ssyncset.done @!p1 $0x0  }
0xf1: {  	[sflag:s13] =	ssyncadd.s32 @!p1 $0xFFFFEC80  }
0xf2: {  	[spmem:s18], [sflag:s12] =	dma.local @!p1 [hbm:s8], $0x80  }
0xf3: {  	_ =	swait.ge @!p1 [sflag:s13], $0x80  }
0xf4: {  	[sflag:s13] =	ssyncset.done @!p1 $0x0  }
0xf5: {  	[sflag:s13] =	ssyncadd.s32 @!p1 $0xFFFFFF80  }
0xf6: {  	s18 =	simm.s32 $0x0;
	[bflag:$0x0] =	sbarrier.arrive $0xFFFF  }
0xf7: {  	[tilespmem:s25], [sflag:$0x1] =	stream.indirect.gather [hbm4b:s7+s24], $0x40, s18, s24, $0xb8;
	[tilespmem:$0x14E60] =	vst v63  }
0xf8: {  	_ = 	snop  }
0xf9: {  	[tilespmem:s26], [sflag:$0x2] =	stream.indirect.gather [hbm4b:s7+s24], $0x40, s24, s24, $0xb8;
	[tilespmem:$0x14E60] =	vst v63  }
0xfa: {  	s20 =	simm.s32 $0xA0  }
0xfb: {  	[tilespmem:s29], [sflag:$0x3] =	stream.indirect.gather [hbm4b:s7+s24], $0x40, s20, s24, $0xb8;
	[tilespmem:$0x14E60] =	vst v63  }
0xfc: {  	s23 =	simm.s32 $0xF0  }
0xfd: {  	[tilespmem:s31], [sflag:$0x4] =	stream.indirect.gather [hbm4b:s7+s24], $0x40, s23, s24, $0xb8;
	[tilespmem:$0x14E60] =	vst v63  }
0xfe: {  	s14 =	simm.s32 $0x140  }
0xff: {  	[tilespmem:s15], [sflag:$0x5] =	stream.indirect.gather [hbm4b:s7+s24], $0x40, s14, s24, $0xb8;
	[tilespmem:$0x14E60] =	vst v63  }
0x100: {  	_ =	swait.ge [sflag:s16], $0x1400  }
0x101: {  	[sflag:s16] =	ssyncset.done $0x0  }
0x102: {  	s20 =	simm.s32 $0x2710;
	[sflag:s16] =	ssyncadd.s32 $0xFFFFEC00  }
0x103: {  	[spmem:s3] =	stream.indirect.scatter.add.f32 [tilespmem:s25], [sflag:$0x6], $0x40, s20, s24, $0xb8;
	[tilespmem:$0x14E60] =	vst v63  }
0x104: {  	_ =	swait.ge [sflag:s17], $0x1400  }
0x105: {  	[sflag:s17] =	ssyncset.done $0x0  }
0x106: {  	s18 =	simm.s32 $0x190;
	[sflag:s17] =	ssyncadd.s32 $0xFFFFEC00  }
0x107: {  	[tilespmem:s25], [sflag:$0x1] =	stream.indirect.gather [hbm4b:s7+s24], $0x40, s18, s24, $0xb8;
	[tilespmem:$0x14E60] =	vst v63  }
0x108: {  	_ =	swait.ge [sflag:s19], $0x1400  }
0x109: {  	[sflag:s19] =	ssyncset.done $0x0  }
0x10a: {  	s23 =	simm.s32 $0x2760;
	[sflag:s19] =	ssyncadd.s32 $0xFFFFEC00  }
0x10b: {  	[spmem:s3] =	stream.indirect.scatter.add.f32 [tilespmem:s26], [sflag:$0x7], $0x40, s23, s24, $0xb8;
	[tilespmem:$0x14E60] =	vst v63  }
0x10c: {  	_ =	swait.ge [sflag:s9], $0x1400  }
0x10d: {  	[sflag:s9] =	ssyncset.done $0x0  }
0x10e: {  	s14 =	simm.s32 $0x1E0;
	[sflag:s9] =	ssyncadd.s32 $0xFFFFEC00  }
0x10f: {  	[tilespmem:s26], [sflag:$0x2] =	stream.indirect.gather [hbm4b:s7+s24], $0x40, s14, s24, $0xb8;
	[tilespmem:$0x14E60] =	vst v63  }
0x110: {  	_ =	swait.ge [sflag:s2], $0x1400  }
0x111: {  	[sflag:s2] =	ssyncset.done $0x0  }
0x112: {  	s18 =	simm.s32 $0x27B0;
	[sflag:s2] =	ssyncadd.s32 $0xFFFFEC00  }
0x113: {  	[spmem:s3] =	stream.indirect.scatter.add.f32 [tilespmem:s29], [sflag:$0x8], $0x40, s18, s24, $0xb8;
	[tilespmem:$0x14E60] =	vst v63  }
0x114: {  	_ =	swait.ge [sflag:s11], $0x1400  }
0x115: {  	[sflag:s11] =	ssyncset.done $0x0  }
0x116: {  	s23 =	simm.s32 $0x230;
	[sflag:s11] =	ssyncadd.s32 $0xFFFFEC00  }
0x117: {  	[tilespmem:s29], [sflag:$0x3] =	stream.indirect.gather [hbm4b:s7+s24], $0x40, s23, s24, $0xb8;
	[tilespmem:$0x14E60] =	vst v63  }
0x118: {  	_ =	swait.ge [sflag:s28], $0x1400  }
0x119: {  	[sflag:s28] =	ssyncset.done $0x0  }
0x11a: {  	s14 =	simm.s32 $0x2800;
	[sflag:s28] =	ssyncadd.s32 $0xFFFFEC00  }
0x11b: {  	[spmem:s3] =	stream.indirect.scatter.add.f32 [tilespmem:s31], [sflag:$0x9], $0x40, s14, s24, $0xb8;
	[tilespmem:$0x14E60] =	vst v63  }
0x11c: {  	_ =	swait.ge [sflag:s0], $0x1400  }
0x11d: {  	[sflag:s0] =	ssyncset.done $0x0  }
0x11e: {  	s18 =	simm.s32 $0x280;
	[sflag:s0] =	ssyncadd.s32 $0xFFFFEC00  }
0x11f: {  	[tilespmem:s31], [sflag:$0x4] =	stream.indirect.gather [hbm4b:s7+s24], $0x40, s18, s24, $0xb8;
	[tilespmem:$0x14E60] =	vst v63  }
0x120: {  	_ =	swait.ge [sflag:s21], $0x1400  }
0x121: {  	[sflag:s21] =	ssyncset.done $0x0  }
0x122: {  	s23 =	simm.s32 $0x2850;
	[sflag:s21] =	ssyncadd.s32 $0xFFFFEC00  }
0x123: {  	[spmem:s3] =	stream.indirect.scatter.add.f32 [tilespmem:s15], [sflag:$0xA], $0x40, s23, s24, $0xb8;
	[tilespmem:$0x14E60] =	vst v63  }
0x124: {  	_ =	swait.ge [sflag:s10], $0x1400  }
0x125: {  	[sflag:s10] =	ssyncset.done $0x0  }
0x126: {  	s14 =	simm.s32 $0x2D0;
	[sflag:s10] =	ssyncadd.s32 $0xFFFFEC00  }
0x127: {  	[tilespmem:s15], [sflag:$0x5] =	stream.indirect.gather [hbm4b:s7+s24], $0x40, s14, s24, $0xb8;
	[tilespmem:$0x14E60] =	vst v63  }
0x128: {  	_ =	swait.ge [sflag:s16], $0x1400  }
0x129: {  	[sflag:s16] =	ssyncset.done $0x0  }
0x12a: {  	s18 =	simm.s32 $0x28A0;
	[sflag:s16] =	ssyncadd.s32 $0xFFFFEC00  }
0x12b: {  	[spmem:s3] =	stream.indirect.scatter.add.f32 [tilespmem:s25], [sflag:$0x6], $0x40, s18, s24, $0xb8;
	[tilespmem:$0x14E60] =	vst v63  }
0x12c: {  	_ =	swait.ge [sflag:s17], $0x1400  }
0x12d: {  	[sflag:s17] =	ssyncset.done $0x0  }
0x12e: {  	s23 =	simm.s32 $0x320;
	[sflag:s17] =	ssyncadd.s32 $0xFFFFEC00  }
0x12f: {  	[tilespmem:s25], [sflag:$0x1] =	stream.indirect.gather [hbm4b:s7+s24], $0x40, s23, s24, $0xb8;
	[tilespmem:$0x14E60] =	vst v63  }
0x130: {  	_ =	swait.ge [sflag:s19], $0x1400  }
0x131: {  	[sflag:s19] =	ssyncset.done $0x0  }
0x132: {  	s14 =	simm.s32 $0x28F0;
	[sflag:s19] =	ssyncadd.s32 $0xFFFFEC00  }
0x133: {  	[spmem:s3] =	stream.indirect.scatter.add.f32 [tilespmem:s26], [sflag:$0x7], $0x40, s14, s24, $0xb8;
	[tilespmem:$0x14E60] =	vst v63  }
0x134: {  	_ =	swait.ge [sflag:s9], $0x1400  }
0x135: {  	[sflag:s9] =	ssyncset.done $0x0  }
0x136: {  	s18 =	simm.s32 $0x370;
	[sflag:s9] =	ssyncadd.s32 $0xFFFFEC00  }
0x137: {  	[tilespmem:s26], [sflag:$0x2] =	stream.indirect.gather [hbm4b:s7+s24], $0x40, s18, s24, $0xb8;
	[tilespmem:$0x14E60] =	vst v63  }
0x138: {  	_ =	swait.ge [sflag:s2], $0x1400  }
0x139: {  	[sflag:s2] =	ssyncset.done $0x0  }
0x13a: {  	s23 =	simm.s32 $0x2940;
	[sflag:s2] =	ssyncadd.s32 $0xFFFFEC00  }
0x13b: {  	[spmem:s3] =	stream.indirect.scatter.add.f32 [tilespmem:s29], [sflag:$0x8], $0x40, s23, s24, $0xb8;
	[tilespmem:$0x14E60] =	vst v63  }
0x13c: {  	_ =	swait.ge [sflag:s11], $0x1400  }
0x13d: {  	[sflag:s11] =	ssyncset.done $0x0  }
0x13e: {  	s14 =	simm.s32 $0x3C0;
	[sflag:s11] =	ssyncadd.s32 $0xFFFFEC00  }
0x13f: {  	[tilespmem:s29], [sflag:$0x3] =	stream.indirect.gather [hbm4b:s7+s24], $0x40, s14, s24, $0xb8;
	[tilespmem:$0x14E60] =	vst v63  }
0x140: {  	_ =	swait.ge [sflag:s28], $0x1400  }
0x141: {  	[sflag:s28] =	ssyncset.done $0x0  }
0x142: {  	s18 =	simm.s32 $0x2990;
	[sflag:s28] =	ssyncadd.s32 $0xFFFFEC00  }
0x143: {  	[spmem:s3] =	stream.indirect.scatter.add.f32 [tilespmem:s31], [sflag:$0x9], $0x40, s18, s24, $0xb8;
	[tilespmem:$0x14E60] =	vst v63  }
0x144: {  	_ =	swait.ge [sflag:s0], $0x1400  }
0x145: {  	[sflag:s0] =	ssyncset.done $0x0  }
0x146: {  	s23 =	simm.s32 $0x410;
	[sflag:s0] =	ssyncadd.s32 $0xFFFFEC00  }
0x147: {  	[tilespmem:s31], [sflag:$0x4] =	stream.indirect.gather [hbm4b:s7+s24], $0x40, s23, s24, $0xb8;
	[tilespmem:$0x14E60] =	vst v63  }
0x148: {  	_ =	swait.ge [sflag:s21], $0x1400  }
0x149: {  	[sflag:s21] =	ssyncset.done $0x0  }
0x14a: {  	s13 =	simm.s32 $0x29E0;
	s14 =	simm.s32 $0x640;
	[sflag:s21] =	ssyncadd.s32 $0xFFFFEC00  }
.LBB2_10:
0x14b: {  	[spmem:s3] =	stream.indirect.scatter.add.f32 [tilespmem:s15], [sflag:$0xA], $0x40, s13, s24, $0xb8;
	[tilespmem:$0x14E60] =	vst v63  }
0x14c: {  	s13 =	smov.u32 s14;
	s14 =	sadd.s32 $0x640, s14;
	_ =	swait.ge [sflag:s10], $0x1400  }
0x14d: {  	s13 =	sshra.s32 s13, $0x2;
	p3 =	sne.s32 s14, $0x8FC0;
	[sflag:s10] =	ssyncset.done $0x0  }
0x14e: {  	s18 =	sadd.s32 $0x2D0, s13;
	[sflag:s10] =	ssyncadd.s32 $0xFFFFEC00  }
0x14f: {  	[tilespmem:s15], [sflag:$0x5] =	stream.indirect.gather [hbm4b:s7+s24], $0x40, s18, s24, $0xb8;
	[tilespmem:$0x14E60] =	vst v63  }
0x150: {  	_ =	swait.ge [sflag:s16], $0x1400  }
0x151: {  	[sflag:s16] =	ssyncset.done $0x0  }
0x152: {  	s18 =	sadd.s32 $0x28A0, s13;
	[sflag:s16] =	ssyncadd.s32 $0xFFFFEC00  }
0x153: {  	[spmem:s3] =	stream.indirect.scatter.add.f32 [tilespmem:s25], [sflag:$0x6], $0x40, s18, s24, $0xb8;
	[tilespmem:$0x14E60] =	vst v63  }
0x154: {  	_ =	swait.ge [sflag:s17], $0x1400  }
0x155: {  	[sflag:s17] =	ssyncset.done $0x0  }
0x156: {  	s18 =	sadd.s32 $0x320, s13;
	[sflag:s17] =	ssyncadd.s32 $0xFFFFEC00  }
0x157: {  	[tilespmem:s25], [sflag:$0x1] =	stream.indirect.gather [hbm4b:s7+s24], $0x40, s18, s24, $0xb8;
	[tilespmem:$0x14E60] =	vst v63  }
0x158: {  	_ =	swait.ge [sflag:s19], $0x1400  }
0x159: {  	[sflag:s19] =	ssyncset.done $0x0  }
0x15a: {  	s18 =	sadd.s32 $0x28F0, s13;
	[sflag:s19] =	ssyncadd.s32 $0xFFFFEC00  }
0x15b: {  	[spmem:s3] =	stream.indirect.scatter.add.f32 [tilespmem:s26], [sflag:$0x7], $0x40, s18, s24, $0xb8;
	[tilespmem:$0x14E60] =	vst v63  }
0x15c: {  	_ =	swait.ge [sflag:s9], $0x1400  }
0x15d: {  	[sflag:s9] =	ssyncset.done $0x0  }
0x15e: {  	s18 =	sadd.s32 $0x370, s13;
	[sflag:s9] =	ssyncadd.s32 $0xFFFFEC00  }
0x15f: {  	[tilespmem:s26], [sflag:$0x2] =	stream.indirect.gather [hbm4b:s7+s24], $0x40, s18, s24, $0xb8;
	[tilespmem:$0x14E60] =	vst v63  }
0x160: {  	_ =	swait.ge [sflag:s2], $0x1400  }
0x161: {  	[sflag:s2] =	ssyncset.done $0x0  }
0x162: {  	s18 =	sadd.s32 $0x2940, s13;
	[sflag:s2] =	ssyncadd.s32 $0xFFFFEC00  }
0x163: {  	[spmem:s3] =	stream.indirect.scatter.add.f32 [tilespmem:s29], [sflag:$0x8], $0x40, s18, s24, $0xb8;
	[tilespmem:$0x14E60] =	vst v63  }
0x164: {  	_ =	swait.ge [sflag:s11], $0x1400  }
0x165: {  	[sflag:s11] =	ssyncset.done $0x0  }
0x166: {  	s18 =	sadd.s32 $0x3C0, s13;
	[sflag:s11] =	ssyncadd.s32 $0xFFFFEC00  }
0x167: {  	[tilespmem:s29], [sflag:$0x3] =	stream.indirect.gather [hbm4b:s7+s24], $0x40, s18, s24, $0xb8;
	[tilespmem:$0x14E60] =	vst v63  }
0x168: {  	_ =	swait.ge [sflag:s28], $0x1400  }
0x169: {  	[sflag:s28] =	ssyncset.done $0x0  }
0x16a: {  	s18 =	sadd.s32 $0x2990, s13;
	[sflag:s28] =	ssyncadd.s32 $0xFFFFEC00  }
0x16b: {  	[spmem:s3] =	stream.indirect.scatter.add.f32 [tilespmem:s31], [sflag:$0x9], $0x40, s18, s24, $0xb8;
	[tilespmem:$0x14E60] =	vst v63  }
0x16c: {  	_ =	swait.ge [sflag:s0], $0x1400  }
0x16d: {  	[sflag:s0] =	ssyncset.done $0x0  }
.Ltmp4:
0x16e: {  	s18 =	sadd.s32 $0x410, s13;
	[sflag:s0] =	ssyncadd.s32 $0xFFFFEC00;
	(pc) =	sbr.rel @p3 .LBB2_10-.Ltmp4, $4  }
0x16f: {  	[tilespmem:s31], [sflag:$0x4] =	stream.indirect.gather [hbm4b:s7+s24], $0x40, s18, s24, $0xb8;
	[tilespmem:$0x14E60] =	vst v63  }
0x170: {  	_ =	swait.ge [sflag:s21], $0x1400  }
0x171: {  	[sflag:s21] =	ssyncset.done $0x0  }
0x172: {  	s13 =	sadd.s32 $0x29E0, s13;
	[sflag:s21] =	ssyncadd.s32 $0xFFFFEC00  }
0x173: {  	[spmem:s3] =	stream.indirect.scatter.add.f32 [tilespmem:s15], [sflag:$0xA], $0x40, s13, s24, $0xb8;
	[tilespmem:$0x14E60] =	vst v63  }
0x174: {  	_ =	swait.ge [sflag:s10], $0x1400  }
0x175: {  	s13 =	sshra.s32 s14, $0x2;
	[sflag:s10] =	ssyncset.done $0x0  }
0x176: {  	s14 =	sadd.s32 $0x2D0, s13;
	[sflag:s10] =	ssyncadd.s32 $0xFFFFEC00  }
0x177: {  	[tilespmem:s15], [sflag:$0x5] =	stream.indirect.gather [hbm4b:s7+s24], $0x40, s14, s24, $0xb8;
	[tilespmem:$0x14E60] =	vst v63  }
0x178: {  	_ =	swait.ge [sflag:s16], $0x1400  }
0x179: {  	[sflag:s16] =	ssyncset.done $0x0  }
0x17a: {  	s23 =	sadd.s32 $0x28A0, s13;
	[sflag:s16] =	ssyncadd.s32 $0xFFFFEC00  }
0x17b: {  	[spmem:s3] =	stream.indirect.scatter.add.f32 [tilespmem:s25], [sflag:$0x6], $0x40, s23, s24, $0xb8;
	[tilespmem:$0x14E60] =	vst v63  }
0x17c: {  	_ =	swait.ge [sflag:s17], $0x1400  }
0x17d: {  	[sflag:s17] =	ssyncset.done $0x0  }
0x17e: {  	[sflag:s17] =	ssyncadd.s32 $0xFFFFEC00  }
0x17f: {  	_ =	swait.ge [sflag:s19], $0x1400  }
0x180: {  	[sflag:s19] =	ssyncset.done $0x0  }
0x181: {  	s18 =	sadd.s32 $0x28F0, s13;
	[sflag:s19] =	ssyncadd.s32 $0xFFFFEC00  }
0x182: {  	[spmem:s3] =	stream.indirect.scatter.add.f32 [tilespmem:s26], [sflag:$0x7], $0x40, s18, s24, $0xb8;
	[tilespmem:$0x14E60] =	vst v63  }
0x183: {  	_ =	swait.ge [sflag:s9], $0x1400  }
0x184: {  	[sflag:s9] =	ssyncset.done $0x0  }
0x185: {  	[sflag:s9] =	ssyncadd.s32 $0xFFFFEC00  }
0x186: {  	_ =	swait.ge [sflag:s2], $0x1400  }
0x187: {  	[sflag:s2] =	ssyncset.done $0x0  }
0x188: {  	s23 =	sadd.s32 $0x2940, s13;
	[sflag:s2] =	ssyncadd.s32 $0xFFFFEC00  }
0x189: {  	[spmem:s3] =	stream.indirect.scatter.add.f32 [tilespmem:s29], [sflag:$0x8], $0x40, s23, s24, $0xb8;
	[tilespmem:$0x14E60] =	vst v63  }
0x18a: {  	_ =	swait.ge [sflag:s11], $0x1400  }
0x18b: {  	[sflag:s11] =	ssyncset.done $0x0  }
0x18c: {  	[sflag:s11] =	ssyncadd.s32 $0xFFFFEC00  }
0x18d: {  	_ =	swait.ge [sflag:s28], $0x1400  }
0x18e: {  	[sflag:s28] =	ssyncset.done $0x0  }
0x18f: {  	s18 =	sadd.s32 $0x2990, s13;
	[sflag:s28] =	ssyncadd.s32 $0xFFFFEC00  }
0x190: {  	[spmem:s3] =	stream.indirect.scatter.add.f32 [tilespmem:s31], [sflag:$0x9], $0x40, s18, s24, $0xb8;
	[tilespmem:$0x14E60] =	vst v63  }
0x191: {  	_ =	swait.ge [sflag:s0], $0x1400  }
0x192: {  	[sflag:s0] =	ssyncset.done $0x0  }
0x193: {  	[sflag:s0] =	ssyncadd.s32 $0xFFFFEC00  }
0x194: {  	_ =	swait.ge [sflag:s21], $0x1400  }
0x195: {  	[sflag:s21] =	ssyncset.done $0x0  }
0x196: {  	s13 =	sadd.s32 $0x29E0, s13;
	[sflag:s21] =	ssyncadd.s32 $0xFFFFEC00  }
0x197: {  	[spmem:s3] =	stream.indirect.scatter.add.f32 [tilespmem:s15], [sflag:$0xA], $0x40, s13, s24, $0xb8;
	[tilespmem:$0x14E60] =	vst v63  }
0x198: {  	_ =	swait.ge [sflag:s10], $0x1400  }
0x199: {  	[sflag:s10] =	ssyncset.done $0x0  }
0x19a: {  	[sflag:s10] =	ssyncadd.s32 $0xFFFFEC00  }
0x19b: {  	[bflag:$0x0] =	sbarrier.arrive $0xFFFF  }
0x19c: {  	s23 =	rddreg [dreg:$0xf]  }
0x19d: {  	[hbm:s23], [sflag:s12] =	dma.local [spmem:s30], $0x1380  }
.Ltmp5:
0x19e: {  	_ = 	snop;
	(pc) =	sbr.rel @p1 .LBB2_13-.Ltmp5, $4  }
.Ltmp6:
0x19f: {  	_ = 	snop;
	(pc) =	sbr.rel @!p1 .LBB2_12-.Ltmp6, $4  }
0x1a0: {  	_ =	swait.ge [sflag:s22], $0x1380  }
0x1a1: {  	[sflag:s22] =	ssyncset.done $0x0  }
0x1a2: {  	s13 =	rddreg [dreg:$0x5];
	[sflag:s22] =	ssyncadd.s32 $0xFFFFEC80  }
0x1a3: {  	_ = 	snop  }
.LBB2_2:
0x1a4: {  	[spmem:s18], [sflag:s12] =	dma.local @!p1 [hbm:s8], $0x80  }
0x1a5: {  	s13 =	simm.s32 @!p1 $0xB  }
0x1a6: {  	_ =	swait.ge @!p1 [sflag:s13], $0x80  }
0x1a7: {  	[sflag:s13] =	ssyncset.done @!p1 $0x0  }
0x1a8: {  	[sflag:s13] =	ssyncadd.s32 @!p1 $0xFFFFFF80  }
0x1a9: {  	s14 =	simm.s32 $0x0;
	[bflag:$0x0] =	sbarrier.arrive $0xFFFF  }
0x1aa: {  	[tilespmem:s25], [sflag:$0x1] =	stream.indirect.gather [hbm4b:s1+s24], $0x40, s14, s24, $0xb8;
	[tilespmem:$0x14E60] =	vst v63  }
0x1ab: {  	_ = 	snop  }
0x1ac: {  	[tilespmem:s26], [sflag:$0x2] =	stream.indirect.gather [hbm4b:s1+s24], $0x40, s24, s24, $0xb8;
	[tilespmem:$0x14E60] =	vst v63  }
0x1ad: {  	s14 =	simm.s32 $0xA0  }
0x1ae: {  	[tilespmem:s29], [sflag:$0x3] =	stream.indirect.gather [hbm4b:s1+s24], $0x40, s14, s24, $0xb8;
	[tilespmem:$0x14E60] =	vst v63  }
0x1af: {  	s14 =	simm.s32 $0xF0  }
0x1b0: {  	[tilespmem:s31], [sflag:$0x4] =	stream.indirect.gather [hbm4b:s1+s24], $0x40, s14, s24, $0xb8;
	[tilespmem:$0x14E60] =	vst v63  }
0x1b1: {  	s14 =	simm.s32 $0x140  }
0x1b2: {  	[tilespmem:s15], [sflag:$0x5] =	stream.indirect.gather [hbm4b:s1+s24], $0x40, s14, s24, $0xb8;
	[tilespmem:$0x14E60] =	vst v63  }
0x1b3: {  	_ =	swait.ge [sflag:s16], $0x1400  }
0x1b4: {  	[sflag:s16] =	ssyncset.done $0x0  }
0x1b5: {  	[sflag:s16] =	ssyncadd.s32 $0xFFFFEC00  }
0x1b6: {  	[spmem:s3] =	stream.indirect.scatter.add.f32 [tilespmem:s25], [sflag:$0x6], $0x40, s20, s24, $0xb8;
	[tilespmem:$0x14E60] =	vst v63  }
0x1b7: {  	_ =	swait.ge [sflag:s17], $0x1400  }
0x1b8: {  	[sflag:s17] =	ssyncset.done $0x0  }
0x1b9: {  	s20 =	simm.s32 $0x190;
	[sflag:s17] =	ssyncadd.s32 $0xFFFFEC00  }
0x1ba: {  	[tilespmem:s25], [sflag:$0x1] =	stream.indirect.gather [hbm4b:s1+s24], $0x40, s20, s24, $0xb8;
	[tilespmem:$0x14E60] =	vst v63  }
0x1bb: {  	_ =	swait.ge [sflag:s19], $0x1400  }
0x1bc: {  	[sflag:s19] =	ssyncset.done $0x0  }
0x1bd: {  	s14 =	simm.s32 $0x2760;
	[sflag:s19] =	ssyncadd.s32 $0xFFFFEC00  }
0x1be: {  	[spmem:s3] =	stream.indirect.scatter.add.f32 [tilespmem:s26], [sflag:$0x7], $0x40, s14, s24, $0xb8;
	[tilespmem:$0x14E60] =	vst v63  }
0x1bf: {  	_ =	swait.ge [sflag:s9], $0x1400  }
0x1c0: {  	[sflag:s9] =	ssyncset.done $0x0  }
0x1c1: {  	s20 =	simm.s32 $0x1E0;
	[sflag:s9] =	ssyncadd.s32 $0xFFFFEC00  }
0x1c2: {  	[tilespmem:s26], [sflag:$0x2] =	stream.indirect.gather [hbm4b:s1+s24], $0x40, s20, s24, $0xb8;
	[tilespmem:$0x14E60] =	vst v63  }
0x1c3: {  	_ =	swait.ge [sflag:s2], $0x1400  }
0x1c4: {  	[sflag:s2] =	ssyncset.done $0x0  }
0x1c5: {  	s14 =	simm.s32 $0x27B0;
	[sflag:s2] =	ssyncadd.s32 $0xFFFFEC00  }
0x1c6: {  	[spmem:s3] =	stream.indirect.scatter.add.f32 [tilespmem:s29], [sflag:$0x8], $0x40, s14, s24, $0xb8;
	[tilespmem:$0x14E60] =	vst v63  }
0x1c7: {  	_ =	swait.ge [sflag:s11], $0x1400  }
0x1c8: {  	[sflag:s11] =	ssyncset.done $0x0  }
0x1c9: {  	s20 =	simm.s32 $0x230;
	[sflag:s11] =	ssyncadd.s32 $0xFFFFEC00  }
0x1ca: {  	[tilespmem:s29], [sflag:$0x3] =	stream.indirect.gather [hbm4b:s1+s24], $0x40, s20, s24, $0xb8;
	[tilespmem:$0x14E60] =	vst v63  }
0x1cb: {  	_ =	swait.ge [sflag:s28], $0x1400  }
0x1cc: {  	[sflag:s28] =	ssyncset.done $0x0  }
0x1cd: {  	s14 =	simm.s32 $0x2800;
	[sflag:s28] =	ssyncadd.s32 $0xFFFFEC00  }
0x1ce: {  	[spmem:s3] =	stream.indirect.scatter.add.f32 [tilespmem:s31], [sflag:$0x9], $0x40, s14, s24, $0xb8;
	[tilespmem:$0x14E60] =	vst v63  }
0x1cf: {  	_ =	swait.ge [sflag:s0], $0x1400  }
0x1d0: {  	[sflag:s0] =	ssyncset.done $0x0  }
0x1d1: {  	s20 =	simm.s32 $0x280;
	[sflag:s0] =	ssyncadd.s32 $0xFFFFEC00  }
0x1d2: {  	[tilespmem:s31], [sflag:$0x4] =	stream.indirect.gather [hbm4b:s1+s24], $0x40, s20, s24, $0xb8;
	[tilespmem:$0x14E60] =	vst v63  }
0x1d3: {  	_ =	swait.ge [sflag:s21], $0x1400  }
0x1d4: {  	[sflag:s21] =	ssyncset.done $0x0  }
0x1d5: {  	s14 =	simm.s32 $0x2850;
	[sflag:s21] =	ssyncadd.s32 $0xFFFFEC00  }
0x1d6: {  	[spmem:s3] =	stream.indirect.scatter.add.f32 [tilespmem:s15], [sflag:$0xA], $0x40, s14, s24, $0xb8;
	[tilespmem:$0x14E60] =	vst v63  }
0x1d7: {  	_ =	swait.ge [sflag:s10], $0x1400  }
0x1d8: {  	[sflag:s10] =	ssyncset.done $0x0  }
0x1d9: {  	s20 =	simm.s32 $0x2D0;
	[sflag:s10] =	ssyncadd.s32 $0xFFFFEC00  }
0x1da: {  	[tilespmem:s15], [sflag:$0x5] =	stream.indirect.gather [hbm4b:s1+s24], $0x40, s20, s24, $0xb8;
	[tilespmem:$0x14E60] =	vst v63  }
0x1db: {  	_ =	swait.ge [sflag:s16], $0x1400  }
0x1dc: {  	[sflag:s16] =	ssyncset.done $0x0  }
0x1dd: {  	s14 =	simm.s32 $0x28A0;
	[sflag:s16] =	ssyncadd.s32 $0xFFFFEC00  }
0x1de: {  	[spmem:s3] =	stream.indirect.scatter.add.f32 [tilespmem:s25], [sflag:$0x6], $0x40, s14, s24, $0xb8;
	[tilespmem:$0x14E60] =	vst v63  }
0x1df: {  	_ =	swait.ge [sflag:s17], $0x1400  }
0x1e0: {  	[sflag:s17] =	ssyncset.done $0x0  }
0x1e1: {  	s20 =	simm.s32 $0x320;
	[sflag:s17] =	ssyncadd.s32 $0xFFFFEC00  }
0x1e2: {  	[tilespmem:s25], [sflag:$0x1] =	stream.indirect.gather [hbm4b:s1+s24], $0x40, s20, s24, $0xb8;
	[tilespmem:$0x14E60] =	vst v63  }
0x1e3: {  	_ =	swait.ge [sflag:s19], $0x1400  }
0x1e4: {  	[sflag:s19] =	ssyncset.done $0x0  }
0x1e5: {  	s14 =	simm.s32 $0x28F0;
	[sflag:s19] =	ssyncadd.s32 $0xFFFFEC00  }
0x1e6: {  	[spmem:s3] =	stream.indirect.scatter.add.f32 [tilespmem:s26], [sflag:$0x7], $0x40, s14, s24, $0xb8;
	[tilespmem:$0x14E60] =	vst v63  }
0x1e7: {  	_ =	swait.ge [sflag:s9], $0x1400  }
0x1e8: {  	[sflag:s9] =	ssyncset.done $0x0  }
0x1e9: {  	s20 =	simm.s32 $0x370;
	[sflag:s9] =	ssyncadd.s32 $0xFFFFEC00  }
0x1ea: {  	[tilespmem:s26], [sflag:$0x2] =	stream.indirect.gather [hbm4b:s1+s24], $0x40, s20, s24, $0xb8;
	[tilespmem:$0x14E60] =	vst v63  }
0x1eb: {  	_ =	swait.ge [sflag:s2], $0x1400  }
0x1ec: {  	[sflag:s2] =	ssyncset.done $0x0  }
0x1ed: {  	s14 =	simm.s32 $0x2940;
	[sflag:s2] =	ssyncadd.s32 $0xFFFFEC00  }
0x1ee: {  	[spmem:s3] =	stream.indirect.scatter.add.f32 [tilespmem:s29], [sflag:$0x8], $0x40, s14, s24, $0xb8;
	[tilespmem:$0x14E60] =	vst v63  }
0x1ef: {  	_ =	swait.ge [sflag:s11], $0x1400  }
0x1f0: {  	[sflag:s11] =	ssyncset.done $0x0  }
0x1f1: {  	s20 =	simm.s32 $0x3C0;
	[sflag:s11] =	ssyncadd.s32 $0xFFFFEC00  }
0x1f2: {  	[tilespmem:s29], [sflag:$0x3] =	stream.indirect.gather [hbm4b:s1+s24], $0x40, s20, s24, $0xb8;
	[tilespmem:$0x14E60] =	vst v63  }
0x1f3: {  	_ =	swait.ge [sflag:s28], $0x1400  }
0x1f4: {  	[sflag:s28] =	ssyncset.done $0x0  }
0x1f5: {  	s14 =	simm.s32 $0x2990;
	[sflag:s28] =	ssyncadd.s32 $0xFFFFEC00  }
0x1f6: {  	[spmem:s3] =	stream.indirect.scatter.add.f32 [tilespmem:s31], [sflag:$0x9], $0x40, s14, s24, $0xb8;
	[tilespmem:$0x14E60] =	vst v63  }
0x1f7: {  	_ =	swait.ge [sflag:s0], $0x1400  }
0x1f8: {  	[sflag:s0] =	ssyncset.done $0x0  }
0x1f9: {  	s20 =	simm.s32 $0x410;
	[sflag:s0] =	ssyncadd.s32 $0xFFFFEC00  }
0x1fa: {  	[tilespmem:s31], [sflag:$0x4] =	stream.indirect.gather [hbm4b:s1+s24], $0x40, s20, s24, $0xb8;
	[tilespmem:$0x14E60] =	vst v63  }
0x1fb: {  	_ =	swait.ge [sflag:s21], $0x1400  }
0x1fc: {  	[sflag:s21] =	ssyncset.done $0x0  }
0x1fd: {  	s13 =	simm.s32 $0x29E0;
	s14 =	simm.s32 $0x640;
	[sflag:s21] =	ssyncadd.s32 $0xFFFFEC00  }
.LBB2_3:
0x1fe: {  	[spmem:s3] =	stream.indirect.scatter.add.f32 [tilespmem:s15], [sflag:$0xA], $0x40, s13, s24, $0xb8;
	[tilespmem:$0x14E60] =	vst v63  }
0x1ff: {  	s13 =	smov.u32 s14;
	s14 =	sadd.s32 $0x640, s14;
	_ =	swait.ge [sflag:s10], $0x1400  }
0x200: {  	s13 =	sshra.s32 s13, $0x2;
	p3 =	sne.s32 s14, $0x8FC0;
	[sflag:s10] =	ssyncset.done $0x0  }
0x201: {  	s20 =	sadd.s32 $0x2D0, s13;
	[sflag:s10] =	ssyncadd.s32 $0xFFFFEC00  }
0x202: {  	[tilespmem:s15], [sflag:$0x5] =	stream.indirect.gather [hbm4b:s1+s24], $0x40, s20, s24, $0xb8;
	[tilespmem:$0x14E60] =	vst v63  }
0x203: {  	_ =	swait.ge [sflag:s16], $0x1400  }
0x204: {  	[sflag:s16] =	ssyncset.done $0x0  }
0x205: {  	s20 =	sadd.s32 $0x28A0, s13;
	[sflag:s16] =	ssyncadd.s32 $0xFFFFEC00  }
0x206: {  	[spmem:s3] =	stream.indirect.scatter.add.f32 [tilespmem:s25], [sflag:$0x6], $0x40, s20, s24, $0xb8;
	[tilespmem:$0x14E60] =	vst v63  }
0x207: {  	_ =	swait.ge [sflag:s17], $0x1400  }
0x208: {  	[sflag:s17] =	ssyncset.done $0x0  }
0x209: {  	s20 =	sadd.s32 $0x320, s13;
	[sflag:s17] =	ssyncadd.s32 $0xFFFFEC00  }
0x20a: {  	[tilespmem:s25], [sflag:$0x1] =	stream.indirect.gather [hbm4b:s1+s24], $0x40, s20, s24, $0xb8;
	[tilespmem:$0x14E60] =	vst v63  }
0x20b: {  	_ =	swait.ge [sflag:s19], $0x1400  }
0x20c: {  	[sflag:s19] =	ssyncset.done $0x0  }
0x20d: {  	s20 =	sadd.s32 $0x28F0, s13;
	[sflag:s19] =	ssyncadd.s32 $0xFFFFEC00  }
0x20e: {  	[spmem:s3] =	stream.indirect.scatter.add.f32 [tilespmem:s26], [sflag:$0x7], $0x40, s20, s24, $0xb8;
	[tilespmem:$0x14E60] =	vst v63  }
0x20f: {  	_ =	swait.ge [sflag:s9], $0x1400  }
0x210: {  	[sflag:s9] =	ssyncset.done $0x0  }
0x211: {  	s20 =	sadd.s32 $0x370, s13;
	[sflag:s9] =	ssyncadd.s32 $0xFFFFEC00  }
0x212: {  	[tilespmem:s26], [sflag:$0x2] =	stream.indirect.gather [hbm4b:s1+s24], $0x40, s20, s24, $0xb8;
	[tilespmem:$0x14E60] =	vst v63  }
0x213: {  	_ =	swait.ge [sflag:s2], $0x1400  }
0x214: {  	[sflag:s2] =	ssyncset.done $0x0  }
0x215: {  	s20 =	sadd.s32 $0x2940, s13;
	[sflag:s2] =	ssyncadd.s32 $0xFFFFEC00  }
0x216: {  	[spmem:s3] =	stream.indirect.scatter.add.f32 [tilespmem:s29], [sflag:$0x8], $0x40, s20, s24, $0xb8;
	[tilespmem:$0x14E60] =	vst v63  }
0x217: {  	_ =	swait.ge [sflag:s11], $0x1400  }
0x218: {  	[sflag:s11] =	ssyncset.done $0x0  }
0x219: {  	s20 =	sadd.s32 $0x3C0, s13;
	[sflag:s11] =	ssyncadd.s32 $0xFFFFEC00  }
0x21a: {  	[tilespmem:s29], [sflag:$0x3] =	stream.indirect.gather [hbm4b:s1+s24], $0x40, s20, s24, $0xb8;
	[tilespmem:$0x14E60] =	vst v63  }
0x21b: {  	_ =	swait.ge [sflag:s28], $0x1400  }
0x21c: {  	[sflag:s28] =	ssyncset.done $0x0  }
0x21d: {  	s20 =	sadd.s32 $0x2990, s13;
	[sflag:s28] =	ssyncadd.s32 $0xFFFFEC00  }
0x21e: {  	[spmem:s3] =	stream.indirect.scatter.add.f32 [tilespmem:s31], [sflag:$0x9], $0x40, s20, s24, $0xb8;
	[tilespmem:$0x14E60] =	vst v63  }
0x21f: {  	_ =	swait.ge [sflag:s0], $0x1400  }
0x220: {  	[sflag:s0] =	ssyncset.done $0x0  }
.Ltmp7:
0x221: {  	s20 =	sadd.s32 $0x410, s13;
	[sflag:s0] =	ssyncadd.s32 $0xFFFFEC00;
	(pc) =	sbr.rel @p3 .LBB2_3-.Ltmp7, $4  }
0x222: {  	[tilespmem:s31], [sflag:$0x4] =	stream.indirect.gather [hbm4b:s1+s24], $0x40, s20, s24, $0xb8;
	[tilespmem:$0x14E60] =	vst v63  }
0x223: {  	_ =	swait.ge [sflag:s21], $0x1400  }
0x224: {  	[sflag:s21] =	ssyncset.done $0x0  }
0x225: {  	s13 =	sadd.s32 $0x29E0, s13;
	[sflag:s21] =	ssyncadd.s32 $0xFFFFEC00  }
0x226: {  	[spmem:s3] =	stream.indirect.scatter.add.f32 [tilespmem:s15], [sflag:$0xA], $0x40, s13, s24, $0xb8;
	[tilespmem:$0x14E60] =	vst v63  }
0x227: {  	_ =	swait.ge [sflag:s10], $0x1400  }
0x228: {  	s13 =	sshra.s32 s14, $0x2;
	[sflag:s10] =	ssyncset.done $0x0  }
0x229: {  	s14 =	sadd.s32 $0x2D0, s13;
	[sflag:s10] =	ssyncadd.s32 $0xFFFFEC00  }
0x22a: {  	[tilespmem:s15], [sflag:$0x5] =	stream.indirect.gather [hbm4b:s1+s24], $0x40, s14, s24, $0xb8;
	[tilespmem:$0x14E60] =	vst v63  }
0x22b: {  	_ =	swait.ge [sflag:s16], $0x1400  }
0x22c: {  	[sflag:s16] =	ssyncset.done $0x0  }
0x22d: {  	s20 =	sadd.s32 $0x28A0, s13;
	[sflag:s16] =	ssyncadd.s32 $0xFFFFEC00  }
0x22e: {  	[spmem:s3] =	stream.indirect.scatter.add.f32 [tilespmem:s25], [sflag:$0x6], $0x40, s20, s24, $0xb8;
	[tilespmem:$0x14E60] =	vst v63  }
0x22f: {  	_ =	swait.ge [sflag:s17], $0x1400  }
0x230: {  	[sflag:s17] =	ssyncset.done $0x0  }
0x231: {  	[sflag:s17] =	ssyncadd.s32 $0xFFFFEC00  }
0x232: {  	_ =	swait.ge [sflag:s19], $0x1400  }
0x233: {  	[sflag:s19] =	ssyncset.done $0x0  }
0x234: {  	s20 =	sadd.s32 $0x28F0, s13;
	[sflag:s19] =	ssyncadd.s32 $0xFFFFEC00  }
0x235: {  	[spmem:s3] =	stream.indirect.scatter.add.f32 [tilespmem:s26], [sflag:$0x7], $0x40, s20, s24, $0xb8;
	[tilespmem:$0x14E60] =	vst v63  }
0x236: {  	_ =	swait.ge [sflag:s9], $0x1400  }
0x237: {  	[sflag:s9] =	ssyncset.done $0x0  }
0x238: {  	[sflag:s9] =	ssyncadd.s32 $0xFFFFEC00  }
0x239: {  	_ =	swait.ge [sflag:s2], $0x1400  }
0x23a: {  	[sflag:s2] =	ssyncset.done $0x0  }
0x23b: {  	s20 =	sadd.s32 $0x2940, s13;
	[sflag:s2] =	ssyncadd.s32 $0xFFFFEC00  }
0x23c: {  	[spmem:s3] =	stream.indirect.scatter.add.f32 [tilespmem:s29], [sflag:$0x8], $0x40, s20, s24, $0xb8;
	[tilespmem:$0x14E60] =	vst v63  }
0x23d: {  	_ =	swait.ge [sflag:s11], $0x1400  }
0x23e: {  	[sflag:s11] =	ssyncset.done $0x0  }
0x23f: {  	[sflag:s11] =	ssyncadd.s32 $0xFFFFEC00  }
0x240: {  	_ =	swait.ge [sflag:s28], $0x1400  }
0x241: {  	[sflag:s28] =	ssyncset.done $0x0  }
0x242: {  	s20 =	sadd.s32 $0x2990, s13;
	[sflag:s28] =	ssyncadd.s32 $0xFFFFEC00  }
0x243: {  	[spmem:s3] =	stream.indirect.scatter.add.f32 [tilespmem:s31], [sflag:$0x9], $0x40, s20, s24, $0xb8;
	[tilespmem:$0x14E60] =	vst v63  }
0x244: {  	_ =	swait.ge [sflag:s0], $0x1400  }
0x245: {  	[sflag:s0] =	ssyncset.done $0x0  }
0x246: {  	[sflag:s0] =	ssyncadd.s32 $0xFFFFEC00  }
0x247: {  	_ =	swait.ge [sflag:s21], $0x1400  }
0x248: {  	[sflag:s21] =	ssyncset.done $0x0  }
0x249: {  	s13 =	sadd.s32 $0x29E0, s13;
	[sflag:s21] =	ssyncadd.s32 $0xFFFFEC00  }
0x24a: {  	[spmem:s3] =	stream.indirect.scatter.add.f32 [tilespmem:s15], [sflag:$0xA], $0x40, s13, s24, $0xb8;
	[tilespmem:$0x14E60] =	vst v63  }
0x24b: {  	_ =	swait.ge [sflag:s10], $0x1400  }
0x24c: {  	[sflag:s10] =	ssyncset.done $0x0  }
0x24d: {  	[sflag:s10] =	ssyncadd.s32 $0xFFFFEC00  }
0x24e: {  	[bflag:$0x0] =	sbarrier.arrive $0xFFFF  }
0x24f: {  	s14 =	rddreg [dreg:$0xa]  }
0x250: {  	[hbm:s14], [sflag:s12] =	dma.local [spmem:s30], $0x1380  }
0x251: {  	_ =	swait.ge [sflag:s22], $0x1380  }
0x252: {  	[sflag:s22] =	ssyncset.done $0x0  }
0x253: {  	[sflag:s22] =	ssyncadd.s32 $0xFFFFEC80  }
0x254: {  	s13 =	simm.s32 @p1 $0xB;
	[bflag:$0x0] =	sbarrier.arrive @p1 $0xFFFF  }
0x255: {  	[spmem:s23], [sflag:s12] =	dma.local @p1 [hbm:s8], $0x1380  }
0x256: {  	_ =	swait.ge @p1 [sflag:s13], $0x1380  }
0x257: {  	[sflag:s13] =	ssyncset.done @p1 $0x0  }
0x258: {  	[sflag:s13] =	ssyncadd.s32 @p1 $0xFFFFEC80;
	s13 =	rddreg [dreg:$0xb]  }
0x259: {  	[hbm:s13], [sflag:s12] =	dma.local @!p1 [spmem:s18], $0x80  }
0x25a: {  	s13 =	simm.s32 @!p1 $0xB  }
0x25b: {  	_ =	swait.ge @!p1 [sflag:s13], $0x80  }
0x25c: {  	[sflag:s13] =	ssyncset.done @!p1 $0x0  }
0x25d: {  	[sflag:s13] =	ssyncadd.s32 @!p1 $0xFFFFFF80  }
0x25e: {  	[bflag:$0x0] =	sbarrier.arrive @!p1 $0xFFFF  }
0x25f: {  	s14 =	rddreg [dreg:$0x11]  }
0x260: {  	[spmem:s14], [sflag:s12] =	dma.local @!p1 [hbm:s8], $0x1380  }
0x261: {  	_ =	swait.ge @!p1 [sflag:s13], $0x1380  }
0x262: {  	[sflag:s13] =	ssyncset.done @!p1 $0x0  }
0x263: {  	[sflag:s13] =	ssyncadd.s32 @!p1 $0xFFFFEC80  }
0x264: {  	[spmem:s18], [sflag:s12] =	dma.local @!p1 [hbm:s8], $0x80  }
0x265: {  	_ =	swait.ge @!p1 [sflag:s13], $0x80  }
0x266: {  	[sflag:s13] =	ssyncset.done @!p1 $0x0  }
0x267: {  	[sflag:s13] =	ssyncadd.s32 @!p1 $0xFFFFFF80  }
0x268: {  	s18 =	simm.s32 $0x0;
	[bflag:$0x0] =	sbarrier.arrive $0xFFFF  }
0x269: {  	[tilespmem:s25], [sflag:$0x1] =	stream.indirect.gather [hbm4b:s5+s24], $0x40, s18, s24, $0xb8;
	[tilespmem:$0x14E60] =	vst v63  }
0x26a: {  	_ = 	snop  }
0x26b: {  	[tilespmem:s26], [sflag:$0x2] =	stream.indirect.gather [hbm4b:s5+s24], $0x40, s24, s24, $0xb8;
	[tilespmem:$0x14E60] =	vst v63  }
0x26c: {  	s20 =	simm.s32 $0xA0  }
0x26d: {  	[tilespmem:s29], [sflag:$0x3] =	stream.indirect.gather [hbm4b:s5+s24], $0x40, s20, s24, $0xb8;
	[tilespmem:$0x14E60] =	vst v63  }
0x26e: {  	s23 =	simm.s32 $0xF0  }
0x26f: {  	[tilespmem:s31], [sflag:$0x4] =	stream.indirect.gather [hbm4b:s5+s24], $0x40, s23, s24, $0xb8;
	[tilespmem:$0x14E60] =	vst v63  }
0x270: {  	s14 =	simm.s32 $0x140  }
0x271: {  	[tilespmem:s15], [sflag:$0x5] =	stream.indirect.gather [hbm4b:s5+s24], $0x40, s14, s24, $0xb8;
	[tilespmem:$0x14E60] =	vst v63  }
0x272: {  	_ =	swait.ge [sflag:s16], $0x1400  }
0x273: {  	[sflag:s16] =	ssyncset.done $0x0  }
0x274: {  	s20 =	simm.s32 $0x2710;
	[sflag:s16] =	ssyncadd.s32 $0xFFFFEC00  }
0x275: {  	[spmem:s3] =	stream.indirect.scatter.add.f32 [tilespmem:s25], [sflag:$0x6], $0x40, s20, s24, $0xb8;
	[tilespmem:$0x14E60] =	vst v63  }
0x276: {  	_ =	swait.ge [sflag:s17], $0x1400  }
0x277: {  	[sflag:s17] =	ssyncset.done $0x0  }
0x278: {  	s18 =	simm.s32 $0x190;
	[sflag:s17] =	ssyncadd.s32 $0xFFFFEC00  }
0x279: {  	[tilespmem:s25], [sflag:$0x1] =	stream.indirect.gather [hbm4b:s5+s24], $0x40, s18, s24, $0xb8;
	[tilespmem:$0x14E60] =	vst v63  }
0x27a: {  	_ =	swait.ge [sflag:s19], $0x1400  }
0x27b: {  	[sflag:s19] =	ssyncset.done $0x0  }
0x27c: {  	s23 =	simm.s32 $0x2760;
	[sflag:s19] =	ssyncadd.s32 $0xFFFFEC00  }
0x27d: {  	[spmem:s3] =	stream.indirect.scatter.add.f32 [tilespmem:s26], [sflag:$0x7], $0x40, s23, s24, $0xb8;
	[tilespmem:$0x14E60] =	vst v63  }
0x27e: {  	_ =	swait.ge [sflag:s9], $0x1400  }
0x27f: {  	[sflag:s9] =	ssyncset.done $0x0  }
0x280: {  	s14 =	simm.s32 $0x1E0;
	[sflag:s9] =	ssyncadd.s32 $0xFFFFEC00  }
0x281: {  	[tilespmem:s26], [sflag:$0x2] =	stream.indirect.gather [hbm4b:s5+s24], $0x40, s14, s24, $0xb8;
	[tilespmem:$0x14E60] =	vst v63  }
0x282: {  	_ =	swait.ge [sflag:s2], $0x1400  }
0x283: {  	[sflag:s2] =	ssyncset.done $0x0  }
0x284: {  	s18 =	simm.s32 $0x27B0;
	[sflag:s2] =	ssyncadd.s32 $0xFFFFEC00  }
0x285: {  	[spmem:s3] =	stream.indirect.scatter.add.f32 [tilespmem:s29], [sflag:$0x8], $0x40, s18, s24, $0xb8;
	[tilespmem:$0x14E60] =	vst v63  }
0x286: {  	_ =	swait.ge [sflag:s11], $0x1400  }
0x287: {  	[sflag:s11] =	ssyncset.done $0x0  }
0x288: {  	s23 =	simm.s32 $0x230;
	[sflag:s11] =	ssyncadd.s32 $0xFFFFEC00  }
0x289: {  	[tilespmem:s29], [sflag:$0x3] =	stream.indirect.gather [hbm4b:s5+s24], $0x40, s23, s24, $0xb8;
	[tilespmem:$0x14E60] =	vst v63  }
0x28a: {  	_ =	swait.ge [sflag:s28], $0x1400  }
0x28b: {  	[sflag:s28] =	ssyncset.done $0x0  }
0x28c: {  	s14 =	simm.s32 $0x2800;
	[sflag:s28] =	ssyncadd.s32 $0xFFFFEC00  }
0x28d: {  	[spmem:s3] =	stream.indirect.scatter.add.f32 [tilespmem:s31], [sflag:$0x9], $0x40, s14, s24, $0xb8;
	[tilespmem:$0x14E60] =	vst v63  }
0x28e: {  	_ =	swait.ge [sflag:s0], $0x1400  }
0x28f: {  	[sflag:s0] =	ssyncset.done $0x0  }
0x290: {  	s18 =	simm.s32 $0x280;
	[sflag:s0] =	ssyncadd.s32 $0xFFFFEC00  }
0x291: {  	[tilespmem:s31], [sflag:$0x4] =	stream.indirect.gather [hbm4b:s5+s24], $0x40, s18, s24, $0xb8;
	[tilespmem:$0x14E60] =	vst v63  }
0x292: {  	_ =	swait.ge [sflag:s21], $0x1400  }
0x293: {  	[sflag:s21] =	ssyncset.done $0x0  }
0x294: {  	s23 =	simm.s32 $0x2850;
	[sflag:s21] =	ssyncadd.s32 $0xFFFFEC00  }
0x295: {  	[spmem:s3] =	stream.indirect.scatter.add.f32 [tilespmem:s15], [sflag:$0xA], $0x40, s23, s24, $0xb8;
	[tilespmem:$0x14E60] =	vst v63  }
0x296: {  	_ =	swait.ge [sflag:s10], $0x1400  }
0x297: {  	[sflag:s10] =	ssyncset.done $0x0  }
0x298: {  	s14 =	simm.s32 $0x2D0;
	[sflag:s10] =	ssyncadd.s32 $0xFFFFEC00  }
0x299: {  	[tilespmem:s15], [sflag:$0x5] =	stream.indirect.gather [hbm4b:s5+s24], $0x40, s14, s24, $0xb8;
	[tilespmem:$0x14E60] =	vst v63  }
0x29a: {  	_ =	swait.ge [sflag:s16], $0x1400  }
0x29b: {  	[sflag:s16] =	ssyncset.done $0x0  }
0x29c: {  	s18 =	simm.s32 $0x28A0;
	[sflag:s16] =	ssyncadd.s32 $0xFFFFEC00  }
0x29d: {  	[spmem:s3] =	stream.indirect.scatter.add.f32 [tilespmem:s25], [sflag:$0x6], $0x40, s18, s24, $0xb8;
	[tilespmem:$0x14E60] =	vst v63  }
0x29e: {  	_ =	swait.ge [sflag:s17], $0x1400  }
0x29f: {  	[sflag:s17] =	ssyncset.done $0x0  }
0x2a0: {  	s23 =	simm.s32 $0x320;
	[sflag:s17] =	ssyncadd.s32 $0xFFFFEC00  }
0x2a1: {  	[tilespmem:s25], [sflag:$0x1] =	stream.indirect.gather [hbm4b:s5+s24], $0x40, s23, s24, $0xb8;
	[tilespmem:$0x14E60] =	vst v63  }
0x2a2: {  	_ =	swait.ge [sflag:s19], $0x1400  }
0x2a3: {  	[sflag:s19] =	ssyncset.done $0x0  }
0x2a4: {  	s14 =	simm.s32 $0x28F0;
	[sflag:s19] =	ssyncadd.s32 $0xFFFFEC00  }
0x2a5: {  	[spmem:s3] =	stream.indirect.scatter.add.f32 [tilespmem:s26], [sflag:$0x7], $0x40, s14, s24, $0xb8;
	[tilespmem:$0x14E60] =	vst v63  }
0x2a6: {  	_ =	swait.ge [sflag:s9], $0x1400  }
0x2a7: {  	[sflag:s9] =	ssyncset.done $0x0  }
0x2a8: {  	s18 =	simm.s32 $0x370;
	[sflag:s9] =	ssyncadd.s32 $0xFFFFEC00  }
0x2a9: {  	[tilespmem:s26], [sflag:$0x2] =	stream.indirect.gather [hbm4b:s5+s24], $0x40, s18, s24, $0xb8;
	[tilespmem:$0x14E60] =	vst v63  }
0x2aa: {  	_ =	swait.ge [sflag:s2], $0x1400  }
0x2ab: {  	[sflag:s2] =	ssyncset.done $0x0  }
0x2ac: {  	s23 =	simm.s32 $0x2940;
	[sflag:s2] =	ssyncadd.s32 $0xFFFFEC00  }
0x2ad: {  	[spmem:s3] =	stream.indirect.scatter.add.f32 [tilespmem:s29], [sflag:$0x8], $0x40, s23, s24, $0xb8;
	[tilespmem:$0x14E60] =	vst v63  }
0x2ae: {  	_ =	swait.ge [sflag:s11], $0x1400  }
0x2af: {  	[sflag:s11] =	ssyncset.done $0x0  }
0x2b0: {  	s14 =	simm.s32 $0x3C0;
	[sflag:s11] =	ssyncadd.s32 $0xFFFFEC00  }
0x2b1: {  	[tilespmem:s29], [sflag:$0x3] =	stream.indirect.gather [hbm4b:s5+s24], $0x40, s14, s24, $0xb8;
	[tilespmem:$0x14E60] =	vst v63  }
0x2b2: {  	_ =	swait.ge [sflag:s28], $0x1400  }
0x2b3: {  	[sflag:s28] =	ssyncset.done $0x0  }
0x2b4: {  	s18 =	simm.s32 $0x2990;
	[sflag:s28] =	ssyncadd.s32 $0xFFFFEC00  }
0x2b5: {  	[spmem:s3] =	stream.indirect.scatter.add.f32 [tilespmem:s31], [sflag:$0x9], $0x40, s18, s24, $0xb8;
	[tilespmem:$0x14E60] =	vst v63  }
0x2b6: {  	_ =	swait.ge [sflag:s0], $0x1400  }
0x2b7: {  	[sflag:s0] =	ssyncset.done $0x0  }
0x2b8: {  	s23 =	simm.s32 $0x410;
	[sflag:s0] =	ssyncadd.s32 $0xFFFFEC00  }
0x2b9: {  	[tilespmem:s31], [sflag:$0x4] =	stream.indirect.gather [hbm4b:s5+s24], $0x40, s23, s24, $0xb8;
	[tilespmem:$0x14E60] =	vst v63  }
0x2ba: {  	_ =	swait.ge [sflag:s21], $0x1400  }
0x2bb: {  	[sflag:s21] =	ssyncset.done $0x0  }
0x2bc: {  	s13 =	simm.s32 $0x29E0;
	s14 =	simm.s32 $0x640;
	[sflag:s21] =	ssyncadd.s32 $0xFFFFEC00  }
.LBB2_5:
0x2bd: {  	[spmem:s3] =	stream.indirect.scatter.add.f32 [tilespmem:s15], [sflag:$0xA], $0x40, s13, s24, $0xb8;
	[tilespmem:$0x14E60] =	vst v63  }
0x2be: {  	s13 =	smov.u32 s14;
	s14 =	sadd.s32 $0x640, s14;
	_ =	swait.ge [sflag:s10], $0x1400  }
0x2bf: {  	s13 =	sshra.s32 s13, $0x2;
	p3 =	sne.s32 s14, $0x8FC0;
	[sflag:s10] =	ssyncset.done $0x0  }
0x2c0: {  	s18 =	sadd.s32 $0x2D0, s13;
	[sflag:s10] =	ssyncadd.s32 $0xFFFFEC00  }
0x2c1: {  	[tilespmem:s15], [sflag:$0x5] =	stream.indirect.gather [hbm4b:s5+s24], $0x40, s18, s24, $0xb8;
	[tilespmem:$0x14E60] =	vst v63  }
0x2c2: {  	_ =	swait.ge [sflag:s16], $0x1400  }
0x2c3: {  	[sflag:s16] =	ssyncset.done $0x0  }
0x2c4: {  	s18 =	sadd.s32 $0x28A0, s13;
	[sflag:s16] =	ssyncadd.s32 $0xFFFFEC00  }
0x2c5: {  	[spmem:s3] =	stream.indirect.scatter.add.f32 [tilespmem:s25], [sflag:$0x6], $0x40, s18, s24, $0xb8;
	[tilespmem:$0x14E60] =	vst v63  }
0x2c6: {  	_ =	swait.ge [sflag:s17], $0x1400  }
0x2c7: {  	[sflag:s17] =	ssyncset.done $0x0  }
0x2c8: {  	s18 =	sadd.s32 $0x320, s13;
	[sflag:s17] =	ssyncadd.s32 $0xFFFFEC00  }
0x2c9: {  	[tilespmem:s25], [sflag:$0x1] =	stream.indirect.gather [hbm4b:s5+s24], $0x40, s18, s24, $0xb8;
	[tilespmem:$0x14E60] =	vst v63  }
0x2ca: {  	_ =	swait.ge [sflag:s19], $0x1400  }
0x2cb: {  	[sflag:s19] =	ssyncset.done $0x0  }
0x2cc: {  	s18 =	sadd.s32 $0x28F0, s13;
	[sflag:s19] =	ssyncadd.s32 $0xFFFFEC00  }
0x2cd: {  	[spmem:s3] =	stream.indirect.scatter.add.f32 [tilespmem:s26], [sflag:$0x7], $0x40, s18, s24, $0xb8;
	[tilespmem:$0x14E60] =	vst v63  }
0x2ce: {  	_ =	swait.ge [sflag:s9], $0x1400  }
0x2cf: {  	[sflag:s9] =	ssyncset.done $0x0  }
0x2d0: {  	s18 =	sadd.s32 $0x370, s13;
	[sflag:s9] =	ssyncadd.s32 $0xFFFFEC00  }
0x2d1: {  	[tilespmem:s26], [sflag:$0x2] =	stream.indirect.gather [hbm4b:s5+s24], $0x40, s18, s24, $0xb8;
	[tilespmem:$0x14E60] =	vst v63  }
0x2d2: {  	_ =	swait.ge [sflag:s2], $0x1400  }
0x2d3: {  	[sflag:s2] =	ssyncset.done $0x0  }
0x2d4: {  	s18 =	sadd.s32 $0x2940, s13;
	[sflag:s2] =	ssyncadd.s32 $0xFFFFEC00  }
0x2d5: {  	[spmem:s3] =	stream.indirect.scatter.add.f32 [tilespmem:s29], [sflag:$0x8], $0x40, s18, s24, $0xb8;
	[tilespmem:$0x14E60] =	vst v63  }
0x2d6: {  	_ =	swait.ge [sflag:s11], $0x1400  }
0x2d7: {  	[sflag:s11] =	ssyncset.done $0x0  }
0x2d8: {  	s18 =	sadd.s32 $0x3C0, s13;
	[sflag:s11] =	ssyncadd.s32 $0xFFFFEC00  }
0x2d9: {  	[tilespmem:s29], [sflag:$0x3] =	stream.indirect.gather [hbm4b:s5+s24], $0x40, s18, s24, $0xb8;
	[tilespmem:$0x14E60] =	vst v63  }
0x2da: {  	_ =	swait.ge [sflag:s28], $0x1400  }
0x2db: {  	[sflag:s28] =	ssyncset.done $0x0  }
0x2dc: {  	s18 =	sadd.s32 $0x2990, s13;
	[sflag:s28] =	ssyncadd.s32 $0xFFFFEC00  }
0x2dd: {  	[spmem:s3] =	stream.indirect.scatter.add.f32 [tilespmem:s31], [sflag:$0x9], $0x40, s18, s24, $0xb8;
	[tilespmem:$0x14E60] =	vst v63  }
0x2de: {  	_ =	swait.ge [sflag:s0], $0x1400  }
0x2df: {  	[sflag:s0] =	ssyncset.done $0x0  }
.Ltmp8:
0x2e0: {  	s18 =	sadd.s32 $0x410, s13;
	[sflag:s0] =	ssyncadd.s32 $0xFFFFEC00;
	(pc) =	sbr.rel @p3 .LBB2_5-.Ltmp8, $4  }
0x2e1: {  	[tilespmem:s31], [sflag:$0x4] =	stream.indirect.gather [hbm4b:s5+s24], $0x40, s18, s24, $0xb8;
	[tilespmem:$0x14E60] =	vst v63  }
0x2e2: {  	_ =	swait.ge [sflag:s21], $0x1400  }
0x2e3: {  	[sflag:s21] =	ssyncset.done $0x0  }
0x2e4: {  	s13 =	sadd.s32 $0x29E0, s13;
	[sflag:s21] =	ssyncadd.s32 $0xFFFFEC00  }
0x2e5: {  	[spmem:s3] =	stream.indirect.scatter.add.f32 [tilespmem:s15], [sflag:$0xA], $0x40, s13, s24, $0xb8;
	[tilespmem:$0x14E60] =	vst v63  }
0x2e6: {  	_ =	swait.ge [sflag:s10], $0x1400  }
0x2e7: {  	s13 =	sshra.s32 s14, $0x2;
	[sflag:s10] =	ssyncset.done $0x0  }
0x2e8: {  	s14 =	sadd.s32 $0x2D0, s13;
	[sflag:s10] =	ssyncadd.s32 $0xFFFFEC00  }
0x2e9: {  	[tilespmem:s15], [sflag:$0x5] =	stream.indirect.gather [hbm4b:s5+s24], $0x40, s14, s24, $0xb8;
	[tilespmem:$0x14E60] =	vst v63  }
0x2ea: {  	_ =	swait.ge [sflag:s16], $0x1400  }
0x2eb: {  	[sflag:s16] =	ssyncset.done $0x0  }
0x2ec: {  	s23 =	sadd.s32 $0x28A0, s13;
	[sflag:s16] =	ssyncadd.s32 $0xFFFFEC00  }
0x2ed: {  	[spmem:s3] =	stream.indirect.scatter.add.f32 [tilespmem:s25], [sflag:$0x6], $0x40, s23, s24, $0xb8;
	[tilespmem:$0x14E60] =	vst v63  }
0x2ee: {  	_ =	swait.ge [sflag:s17], $0x1400  }
0x2ef: {  	[sflag:s17] =	ssyncset.done $0x0  }
0x2f0: {  	[sflag:s17] =	ssyncadd.s32 $0xFFFFEC00  }
0x2f1: {  	_ =	swait.ge [sflag:s19], $0x1400  }
0x2f2: {  	[sflag:s19] =	ssyncset.done $0x0  }
0x2f3: {  	s18 =	sadd.s32 $0x28F0, s13;
	[sflag:s19] =	ssyncadd.s32 $0xFFFFEC00  }
0x2f4: {  	[spmem:s3] =	stream.indirect.scatter.add.f32 [tilespmem:s26], [sflag:$0x7], $0x40, s18, s24, $0xb8;
	[tilespmem:$0x14E60] =	vst v63  }
0x2f5: {  	_ =	swait.ge [sflag:s9], $0x1400  }
0x2f6: {  	[sflag:s9] =	ssyncset.done $0x0  }
0x2f7: {  	[sflag:s9] =	ssyncadd.s32 $0xFFFFEC00  }
0x2f8: {  	_ =	swait.ge [sflag:s2], $0x1400  }
0x2f9: {  	[sflag:s2] =	ssyncset.done $0x0  }
0x2fa: {  	s23 =	sadd.s32 $0x2940, s13;
	[sflag:s2] =	ssyncadd.s32 $0xFFFFEC00  }
0x2fb: {  	[spmem:s3] =	stream.indirect.scatter.add.f32 [tilespmem:s29], [sflag:$0x8], $0x40, s23, s24, $0xb8;
	[tilespmem:$0x14E60] =	vst v63  }
0x2fc: {  	_ =	swait.ge [sflag:s11], $0x1400  }
0x2fd: {  	[sflag:s11] =	ssyncset.done $0x0  }
0x2fe: {  	[sflag:s11] =	ssyncadd.s32 $0xFFFFEC00  }
0x2ff: {  	_ =	swait.ge [sflag:s28], $0x1400  }
0x300: {  	[sflag:s28] =	ssyncset.done $0x0  }
0x301: {  	s18 =	sadd.s32 $0x2990, s13;
	[sflag:s28] =	ssyncadd.s32 $0xFFFFEC00  }
0x302: {  	[spmem:s3] =	stream.indirect.scatter.add.f32 [tilespmem:s31], [sflag:$0x9], $0x40, s18, s24, $0xb8;
	[tilespmem:$0x14E60] =	vst v63  }
0x303: {  	_ =	swait.ge [sflag:s0], $0x1400  }
0x304: {  	[sflag:s0] =	ssyncset.done $0x0  }
0x305: {  	[sflag:s0] =	ssyncadd.s32 $0xFFFFEC00  }
0x306: {  	_ =	swait.ge [sflag:s21], $0x1400  }
0x307: {  	[sflag:s21] =	ssyncset.done $0x0  }
0x308: {  	s13 =	sadd.s32 $0x29E0, s13;
	[sflag:s21] =	ssyncadd.s32 $0xFFFFEC00  }
0x309: {  	[spmem:s3] =	stream.indirect.scatter.add.f32 [tilespmem:s15], [sflag:$0xA], $0x40, s13, s24, $0xb8;
	[tilespmem:$0x14E60] =	vst v63  }
0x30a: {  	_ =	swait.ge [sflag:s10], $0x1400  }
0x30b: {  	[sflag:s10] =	ssyncset.done $0x0  }
0x30c: {  	[sflag:s10] =	ssyncadd.s32 $0xFFFFEC00  }
0x30d: {  	[bflag:$0x0] =	sbarrier.arrive $0xFFFF  }
0x30e: {  	s23 =	rddreg [dreg:$0xc]  }
0x30f: {  	[hbm:s23], [sflag:s12] =	dma.local [spmem:s30], $0x1380  }
.Ltmp9:
0x310: {  	_ = 	snop;
	(pc) =	sbr.rel @p2 .LBB2_12-.Ltmp9, $4  }
.Ltmp10:
0x311: {  	_ = 	snop;
	(pc) =	sbr.rel @!p2 .LBB2_13-.Ltmp10, $4  }
0x312: {  	_ =	swait.ge [sflag:s22], $0x1380  }
0x313: {  	[sflag:s22] =	ssyncset.done $0x0  }
0x314: {  	s13 =	rddreg [dreg:$0x4];
	[sflag:s22] =	ssyncadd.s32 $0xFFFFEC80  }
0x315: {  	_ = 	snop  }
.LBB2_14:
0x316: {  	_ =	sfence.sel $0x180000  }
0x317: {  	[bflag:$0x0] =	sbarrier.arrive $0xFFFF  }
0x318: {  	_ =	strace $0x9000004A  }
0x319: {  	s0 =	stileid.u32;
	[bflag:$0x2] =	sbarrier.arrive $0xFFFF  }
0x31a: {  	p0 =	sne.s32 s0, $0x0;
	s0 =	rddreg [dreg:$0x3]  }
0x31b: {  	s0 =	sadd.s32 @!p0 $0x100000, s0  }
0x31c: {  	[sflag:s0] =	ssyncadd.tile.s32 @!p0 $0x1;
	_ =	shalt  }
.Lfunc_end2:
_tile_overlayer_lowered:
.L_overlay_start_2:
0x31d: {  	(tag) =	ssettag $0x2  }
0x31e: {  	s0 =	rddreg [dreg:$0x0];
	s2 =	stileid.u32  }
0x31f: {  	s1 =	rddreg [dreg:$0x1];
	p0 =	sne.s32 s2, $0x0  }
0x320: {  	s3 =	rddreg [dreg:$0x2];
	[bflag:$0x3] =	sbarrier.arrive $0xFFFF;
	s2 =	simm.s32 @!p0 $0x1C0B  }
0x321: {  	[timem:s3], [sflag:s2] =	dma.local @!p0 [hbm:s0], s1  }
0x322: {  	s0 =	simm.s32 @!p0 $0xB  }
0x323: {  	_ =	swait.ge @!p0 [sflag:s0], s1  }
0x324: {  	s1 =	ssub.s32 @!p0 $0x0, s1;
	[sflag:s0] =	ssyncset.done @!p0 $0x0  }
0x325: {  	[sflag:s0] =	ssyncadd.s32 @!p0 s1  }
0x326: {  	[bflag:$0x3] =	sbarrier.arrive $0xFFFF  }
0x327: {  	_ =	shalt  }

// kernel: kernel.13.cloned.1.call-start
scs
__scs_entry_jumppad:
0x0: {  	(pc) =	sbr.rel $0x88, $3  }
0x1: {  	(tag) =	ssettag $0x0;
	lr =	simm.s32 $0x1  }
0x2: {  	[smem:$0x3F9B] =	sst lr;
	_ =	strace $0xD0000000  }
0x3: {  	_ = 	snop  }
0x4: {  	_ = 	snop  }
0x5: {  	_ = 	snop  }
0x6: {  	_ = 	snop  }
0x7: {  	_ = 	snop  }
__scs_overlays_trampoline_lowered:
0x8: {  	[smem:$0x3FAA] =	sst s0  }
0x9: {  	[smem:$0x3FAB] =	sst s1  }
0xa: {  	[smem:$0x3FAC] =	sst s2  }
0xb: {  	[smem:$0x3FAD] =	sst s3  }
0xc: {  	[smem:$0x3FAE] =	sst s4  }
0xd: {  	[smem:$0x3FAF] =	sst s5  }
0xe: {  	[smem:$0x3FB0] =	sst s6  }
0xf: {  	[smem:$0x3FB1] =	sst s7  }
0x10: {  	[smem:$0x3FB2] =	sst s8  }
0x11: {  	[smem:$0x3FB3] =	sst s9;
	s0 =	simm.s32 @!p0 $0x0  }
0x12: {  	s1 =	sld [smem:$0x3F99];
	s0 =	simm.s32 @p0 $0x1  }
0x13: {  	[smem:$0x3FB4] =	sst s0;
	s0 =	simm.s32 @!p1 $0x0  }
0x14: {  	s2 =	sld [smem:$0x3F98];
	s0 =	simm.s32 @p1 $0x1  }
0x15: {  	[smem:$0x3FB5] =	sst s0;
	s0 =	simm.s32 @!p2 $0x0  }
0x16: {  	s3 =	sld [smem:$0x3FDB];
	s0 =	simm.s32 @p2 $0x1  }
0x17: {  	s4 =	simm.s32 $0x1BF5;
	[smem:$0x3FB7] =	sst s0  }
0x18: {  	s0 =	sld [smem:$0x3F9A];
	_ =	swait.ge [sflag:s4], $0x0  }
0x19: {  	s7 =	sld [smem:$0x3F9B]  }
0x1a: {  	s8 =	sadd.s32 $0xFFFFE003, lr  }
0x1b: {  	s9 =	sadd.s32 $0xFFFFFEF7, lr;
	s5 =	simm.s32 $0xFFFFFFFF;
	p2 =	slt.u32 s8, $0xFFFFF086  }
0x1c: {  	p1 =	slt.u32 s9, $0xF7A;
	s5 =	simm.s32 @!p2 $0x0  }
0x1d: {  	s5 =	simm.s32 @p1 $0x1;
	p0 =	seq.s32 s7, s2  }
0x1e: {  	s7 =	smul.u32 @!p0 $0xF7A, s2;
	p2 =	seq.s32 @!p0 s5, $0x0  }
0x1f: {  	s9 =	smul.u32 $0xF7A, s1;
	s8 =	simm.s32 @!p0 $0x1BF5;
	p2 =	por !p2, p0  }
0x20: {  	[sflag:s8] =	ssyncset.s32 @!p0 $0xFFFFF086;
	s6 =	sadd.s32 @!p0 s3, s7;
	s7 =	simm.s32 @!p0 $0x108  }
0x21: {  	s3 =	sadd.s32 s3, s9;
	s6 =	sadd.s32 @!p0 $0x88, s6;
	s7 =	simm.s32 @p2 $0x1082  }
0x22: {  	[simem:s7], [sflag:s8] =	dma.local @!p0 [hbm:s6], $0xF7A  }
0x23: {  	s9 =	sor.u32 $0xD0000000, s2;
	s6 =	simm.s32 $0x108;
	_ =	swait.ge @!p0 [sflag:s8], $0x0  }
0x24: {  	s3 =	sadd.s32 $0x88, s3;
	s6 =	simm.s32 @!p1 $0x1082;
	[sflag:s4] =	ssyncset.s32 $0xFFFFF086  }
0x25: {  	[simem:s6], [sflag:s4] =	dma.local [hbm:s3], $0xF7A  }
0x26: {  	[smem:$0x3F9B] =	sst s1;
	(tag) =	ssettag s2;
	_ =	strace s9  }
0x27: {  	s1 =	sld [smem:$0x3FAB]  }
0x28: {  	s2 =	sld [smem:$0x3FAC]  }
0x29: {  	s4 =	sld [smem:$0x3FAE]  }
0x2a: {  	p0 =	seq.s32 s5, $0x0;
	s5 =	sld [smem:$0x3FAF]  }
0x2b: {  	s6 =	sld [smem:$0x3FB0]  }
0x2c: {  	s7 =	sld [smem:$0x3FB1]  }
0x2d: {  	s3 =	simm.s32 $0x108;
	s8 =	sld [smem:$0x3FB2]  }
0x2e: {  	s3 =	simm.s32 @!p0 $0x1082;
	s9 =	sld [smem:$0x3FB3]  }
0x2f: {  	lr =	sadd.s32 s0, s3;
	s0 =	sld [smem:$0x3FAA]  }
0x30: {  	s3 =	sld [smem:$0x3FAD]  }
0x31: {  	[smem:$0x3FB6] =	sst s10  }
0x32: {  	s10 =	sld [smem:$0x3FB4];
	_ =	sdelay $0x3  }
0x33: {  	p0 =	seq.s32 s10, $0x1;
	s10 =	sld [smem:$0x3FB6];
	_ =	sdelay $0x3  }
0x34: {  	[smem:$0x3FB6] =	sst s10  }
0x35: {  	s10 =	sld [smem:$0x3FB5];
	_ =	sdelay $0x3  }
0x36: {  	p1 =	seq.s32 s10, $0x1;
	s10 =	sld [smem:$0x3FB6];
	_ =	sdelay $0x3  }
0x37: {  	[smem:$0x3FB6] =	sst s10  }
0x38: {  	s10 =	sld [smem:$0x3FB7]  }
0x39: {  	_ = 	snop;
	(pc) =	sbr.ind lr, $3  }
0x3a: {  	_ = 	snop  }
0x3b: {  	_ = 	snop  }
0x3c: {  	p2 =	seq.s32 s10, $0x1;
	s10 =	sld [smem:$0x3FB6]  }
0x3d: {  	_ =	shalt  }
0x3e: {  	_ =	shalt  }
0x3f: {  	_ =	shalt  }
0x40: {  	_ =	shalt  }
0x41: {  	_ =	shalt  }
0x42: {  	_ =	shalt  }
0x43: {  	_ =	shalt  }
0x44: {  	_ =	shalt  }
0x45: {  	_ =	shalt  }
0x46: {  	_ =	shalt  }
0x47: {  	_ =	shalt  }
0x48: {  	_ =	shalt  }
0x49: {  	_ =	shalt  }
0x4a: {  	_ =	shalt  }
0x4b: {  	_ =	shalt  }
0x4c: {  	_ =	shalt  }
0x4d: {  	_ =	shalt  }
0x4e: {  	_ =	shalt  }
0x4f: {  	_ =	shalt  }
0x50: {  	_ =	shalt  }
0x51: {  	_ =	shalt  }
0x52: {  	_ =	shalt  }
0x53: {  	_ =	shalt  }
0x54: {  	_ =	shalt  }
0x55: {  	_ =	shalt  }
0x56: {  	_ =	shalt  }
0x57: {  	_ =	shalt  }
0x58: {  	_ =	shalt  }
0x59: {  	_ =	shalt  }
0x5a: {  	_ =	shalt  }
0x5b: {  	_ =	shalt  }
0x5c: {  	_ =	shalt  }
0x5d: {  	_ =	shalt  }
0x5e: {  	_ =	shalt  }
0x5f: {  	_ =	shalt  }
0x60: {  	_ =	shalt  }
0x61: {  	_ =	shalt  }
0x62: {  	_ =	shalt  }
0x63: {  	_ =	shalt  }
0x64: {  	_ =	shalt  }
0x65: {  	_ =	shalt  }
0x66: {  	_ =	shalt  }
0x67: {  	_ =	shalt  }
0x68: {  	_ =	shalt  }
0x69: {  	_ =	shalt  }
0x6a: {  	_ =	shalt  }
0x6b: {  	_ =	shalt  }
0x6c: {  	_ =	shalt  }
0x6d: {  	_ =	shalt  }
0x6e: {  	_ =	shalt  }
0x6f: {  	_ =	shalt  }
0x70: {  	_ =	shalt  }
0x71: {  	_ =	shalt  }
0x72: {  	_ =	shalt  }
0x73: {  	_ =	shalt  }
0x74: {  	_ =	shalt  }
0x75: {  	_ =	shalt  }
0x76: {  	_ =	shalt  }
0x77: {  	_ =	shalt  }
0x78: {  	_ =	shalt  }
0x79: {  	_ =	shalt  }
0x7a: {  	_ =	shalt  }
0x7b: {  	_ =	shalt  }
0x7c: {  	_ =	shalt  }
0x7d: {  	_ =	shalt  }
0x7e: {  	_ =	shalt  }
0x7f: {  	_ =	shalt  }
0x80: {  	_ =	shalt  }
0x81: {  	_ =	shalt  }
0x82: {  	_ =	shalt  }
0x83: {  	_ =	shalt  }
0x84: {  	_ =	shalt  }
0x85: {  	_ =	shalt  }
0x86: {  	_ =	shalt  }
0x87: {  	_ =	shalt  }
.Lfunc_end0:
.L_simem_size_0:
called_computation.2_lowered:
.L_overlay_start_0:
0x88: {  	s2 =	sld [smem:$0x3FD9]  }
0x89: {  	s3 =	sld [smem:$0x3FFE];
	_ =	sdelay $0x1  }
0x8a: {  	s1 =	srdreg.scid  }
0x8b: {  	s0 =	sand.u32 $0x1, s1  }
0x8c: {  	s17 =	sshll.u32 s0, $0xA;
	s2 =	sadd.s32 s3, s2  }
0x8d: {  	s2 =	sadd.s32 s2, s17  }
0x8e: {  	[smem:$0x3FC2] =	sst s2  }
0x8f: {  	_ = 	snop  }
0x90: {  	s2 =	sld [smem:$0x3FC4]  }
0x91: {  	s18 =	sld [smem:$0x3FD0];
	(tm) =	ssettm $0x1  }
0x92: {  	s4 =	sld [smem:$0x3FFB];
	_ =	sdelay $0x3  }
0x93: {  	_ =	strace s4  }
0x94: {  	s4 =	sld [smem:$0x3FFC];
	_ =	sdelay $0x3  }
0x95: {  	_ =	strace s4  }
0x96: {  	s4 =	sld [smem:$0x3FFD];
	_ =	sdelay $0x3  }
0x97: {  	_ =	strace s4  }
0x98: {  	_ =	strace $0x8FFFFFFF  }
0x99: {  	s19 =	sld [smem:$0x3FDB];
	_ =	sdelay $0x1  }
0x9a: {  	s5 =	simm.s32 $_scs_section_size  }
0x9b: {  	s6 =	simm.s32 $_size__tile_overlayer_lowered;
	s7 =	simm.s32 $_tile_overlayer_lowered  }
0x9c: {  	s22 =	simm.s32 $0x1BFF;
	s21 =	sshll.u32 s7, $0x1;
	s4 =	sadd.s32 s5, s19  }
0x9d: {  	s8 =	simm.s32 $0x0;
	s20 =	sshll.u32 s6, $0x1;
	s6 =	sadd.s32 s21, s4  }
0x9e: {  	[timem:s8], [sflag:s22] =	dma.local [hbm:s6], s20  }
0x9f: {  	_ =	swait.ge [sflag:s22], s20  }
0xa0: {  	s5 =	ssub.s32 $0x0, s20;
	[sflag:s22] =	ssyncset.done $0x0  }
0xa1: {  	[sflag:s22] =	ssyncadd.s32 s5;
	_ =	sdelay $0x1  }
0xa2: {  	s23 =	simm.s32 $0x1B8B  }
0xa3: {  	_ =	swait.ge [sflag:s23], $0x1  }
0xa4: {  	[sflag:s23] =	ssyncset.done $0x0  }
0xa5: {  	s25 =	simm.s32 $0x1B8E;
	s24 =	sld [smem:$0x3FFE];
	[sflag:s23] =	ssyncadd.s32 $0xFFFFFFFF  }
0xa6: {  	s26 =	simm.s32 $execute0_lowered;
	[smem:$0x3FD2] =	sst s25  }
0xa7: {  	s6 =	sshll.u32 s26, $0x1;
	_ =	strace $0x8000004C;
	[dreg:$0x1] =	wrdreg $0xFFFFFFFF  }
0xa8: {  	s28 =	simm.s32 $_size_execute0_lowered;
	s4 =	sadd.s32 s4, s6;
	[dreg:$0x0] =	wrdreg $0x0  }
0xa9: {  	s6 =	sshll.u32 s28, $0x1;
	[dreg:$0x2] =	wrdreg s4  }
0xaa: {  	[dreg:$0x3] =	wrdreg s6  }
0xab: {  	[dreg:$0x4] =	wrdreg $0xC0  }
0xac: {  	_ =	task [dreg:s8], $0x5FFFF  }
0xad: {  	[dreg:$0x1] =	wrdreg $0xFFFFFFFF  }
0xae: {  	[dreg:$0x0] =	wrdreg $0x60  }
0xaf: {  	[dreg:$0x2] =	wrdreg s24  }
0xb0: {  	[dreg:$0x3] =	wrdreg s2  }
0xb1: {  	[dreg:$0x4] =	wrdreg s18  }
0xb2: {  	[dreg:$0x5] =	wrdreg $0x80200  }
0xb3: {  	[dreg:$0x6] =	wrdreg $0x9  }
0xb4: {  	_ =	task.clear_ibuf [dreg:s8], $0x7FFFF;
	_ =	strace $0x9000004C  }
0xb5: {  	s29 =	simm.s32 $0x9;
	_ =	strace $0x8000004E  }
0xb6: {  	_ =	swait.ge [sflag:s29], $0x1  }
0xb7: {  	[sflag:s29] =	ssyncadd.s32 $0xFFFFFFFF  }
0xb8: {  	_ =	strace $0x9000004E  }
0xb9: {  	_ =	sfence  }
0xba: {  	s30 =	sld [smem:$0x0];
	_ =	sdelay $0x2  }
0xbb: {  	s31 =	sshll.u32 s1, $0xD;
	s1 =	sshrl.u32 s1, $0x2  }
0xbc: {  	s3 =	sand.u32 $0x4000, s31;
	s1 =	sadd.s32 s1, s30  }
0xbd: {  	s0 =	sor.u32 s3, s0;
	s1 =	sshll.u32 s1, $0x11  }
0xbe: {  	s0 =	sor.u32 s1, s0  }
0xbf: {  	s0 =	sadd.s32 $0x8F2B, s0  }
0xc0: {  	[sflag:s0] =	ssyncadd.remote.s32 $0x1  }
0xc1: {  	_ =	sfence.sel $0xFFFF  }
0xc2: {  	[dreg:$0x0] =	wrdreg $0xFFFFFFFF;
	(pc) =	sbr.abs _section_cstart, $3  }
0xc3: {  	[dreg:$0x1] =	wrdreg $0xFFFFFFFF  }
0xc4: {  	_ =	task.clear_ibuf [dreg:s8], $0x2FFFF;
	_ =	strace $0x9FFFFFFF  }
0xc5: {  	(tm) =	ssettm $0x7FFFFFFF  }
tec
execute0_lowered:
.L_overlay_start_1:
0x0: {  	(tag) =	ssettag $0x1  }
0x1: {  	s0 =	rddreg [dreg:$0x0]  }
0x2: {  	s1 =	rddreg [dreg:$0x2]  }
0x3: {  	s3 =	rddreg [dreg:$0x3]  }
0x4: {  	s4 =	simm.s32 $0x0;
	s15 =	stileid.u32;
	s7 =	srdreg.scid  }
0x5: {  	s28 =	simm.s32 $0x5820;
	s30 =	simm.s32 $0x6220;
	s16 =	simm.s32 $0x1  }
0x6: {  	s17 =	simm.s32 $0x6;
	s31 =	simm.s32 $0x3;
	s18 =	simm.s32 $0x8  }
0x7: {  	s29 =	simm.s32 $0x4;
	[smem:$0x7FF] =	sst s4;
	s2 =	smul.u32 $0x2710, s15  }
0x8: {  	s5 =	sadd.s32 $0x1F600, s0;
	s8 =	smul.u32 $0x4E00, s15;
	s6 =	sadd.s32 $0x15800, s0  }
0x9: {  	s9 =	sand.u32 $0x1, s7;
	s7 =	sadd.s32 $0x29400, s0;
	s13 =	smul.u32 $0x1380, s15  }
0xa: {  	s14 =	sadd.s32 $0x4E000, s3;
	s22 =	sadd.s32 $0x13800, s1;
	s23 =	sadd.s32 $0x12484, s1  }
0xb: {  	s24 =	sadd.s32 $0x13804, s1;
	p1 =	sne.s32 s15, $0xF;
	s26 =	sshll.u32 s15, $0x6  }
0xc: {  	s15 =	simm.s32 $0x7620;
	_ =	strace $0x8000004D;
	[dreg:$0xa] =	wrdreg s22  }
0xd: {  	s11 =	ssub.s32 $0x2, s9;
	p0 =	seq.s32 s9, $0x1;
	[dreg:$0xc] =	wrdreg s23  }
0xe: {  	[dreg:$0xd] =	wrdreg s24;
	s24 =	sor.u32 $0x1C0B, s26;
	s26 =	simm.s32 $0x4E20  }
0xf: {  	s23 =	simm.s32 $0x7;
	s22 =	simm.s32 $0x9;
	s9 =	simm.s32 $0x0  }
0x10: {  	s2 =	sshrl.u32 s2, $0x3;
	s10 =	sshrl.u32 s8, $0x3;
	s12 =	sshrl.u32 s11, $0x1  }
0x11: {  	s21 =	sadd.s32 s1, s13;
	s1 =	simm.s32 $0x2;
	s2 =	sadd.s32 s2, s0  }
0x12: {  	s10 =	sadd.s32 s10, s0;
	s0 =	sadd.s32 $0x15600, s0;
	[dreg:$0x9] =	wrdreg s21  }
0x13: {  	s13 =	simm.s32 $0xA;
	s19 =	sadd.s32 $0x1C00, s2;
	[dreg:$0x8] =	wrdreg s0  }
0x14: {  	s11 =	ssub.s32 s11, s12;
	s2 =	sadd.s32 $0x6A20, s2;
	[dreg:$0x5] =	wrdreg s19  }
.Ltmp0:
0x15: {  	s20 =	sadd.s32 $0xBA00, s10;
	[dreg:$0x6] =	wrdreg s2;
	(pc) =	sbr.rel .LBB2_1-.Ltmp0, $4  }
0x16: {  	s12 =	sadd.s32 s8, s3;
	s0 =	sadd.s32 $0x4, s21;
	[dreg:$0x7] =	wrdreg s20  }
0x17: {  	s8 =	simm.s32 $0x40;
	s25 =	smax.u32 s11, $0x1;
	[dreg:$0xb] =	wrdreg s0  }
0x18: {  	s11 =	simm.s32 $0x2710;
	[dreg:$0xe] =	wrdreg s25;
	s20 =	simm.s32 $0xB  }
0x19: {  	s25 =	simm.s32 $0x50;
	s0 =	simm.s32 $0x6C20;
	s2 =	simm.s32 $0x5  }
.LBB2_19:
0x1a: {  	s10 =	rddreg [dreg:$0xb];
	s11 =	simm.s32 $0x20  }
0x1b: {  	[hbm4b:s10+s11] =	stream.strided.scatter [tilespmem:s19], [sflag:$0xB], $0x4E00, s8, s11, $0x38;
	[tilespmem:$0x16E80] =	vst v63  }
0x1c: {  	_ =	swait.ge [sflag:s20], $0x4E00  }
0x1d: {  	[sflag:s20] =	ssyncset.done $0x0  }
0x1e: {  	[sflag:s20] =	ssyncadd.s32 $0xFFFFB200  }
.LBB2_20:
0x1f: {  	s9 =	sadd.s32 $0x1, s9;
	s10 =	rddreg [dreg:$0xe]  }
0x20: {  	p2 =	sne.s32 s9, s10  }
.Ltmp1:
0x21: {  	_ = 	snop;
	(pc) =	sbr.rel @!p2 .LBB2_21-.Ltmp1, $2  }
0x22: {  	_ =	sdelay $0x2  }
0x23: {  	s11 =	simm.s32 $0x2710  }
.LBB2_1:
0x24: {  	s10 =	rddreg [dreg:$0x5]  }
0x25: {  	[tilespmem:s4], [sflag:$0xB] =	stream.linear.gather [hbm4b:s10+s4], $0x2710, $0x38;
	[tilespmem:$0x16E80] =	vst v63  }
0x26: {  	_ =	swait.ge [sflag:s20], $0x2710  }
0x27: {  	[sflag:s20] =	ssyncset.done $0x0  }
0x28: {  	s21 =	rddreg [dreg:$0x6];
	[sflag:s20] =	ssyncadd.s32 $0xFFFFD8F0  }
0x29: {  	[tilespmem:s11], [sflag:$0xB] =	stream.linear.gather [hbm4b:s21+s4], $0x2710, $0x38;
	[tilespmem:$0x16E80] =	vst v63  }
0x2a: {  	_ =	swait.ge [sflag:s20], $0x2710  }
0x2b: {  	[sflag:s20] =	ssyncset.done $0x0  }
0x2c: {  	[sflag:s20] =	ssyncadd.s32 $0xFFFFD8F0  }
0x2d: {  	s21 =	simm.s32 $0x16E40;
	s19 =	rddreg [dreg:$0x1]  }
0x2e: {  	[tilespmem:s21], [sflag:$0xB] =	stream.linear.gather [hbm4b:s19+s4], $0x40, $0x38;
	[tilespmem:$0x16E80] =	vst v63  }
0x2f: {  	_ =	swait.ge [sflag:s20], $0x40  }
0x30: {  	[sflag:s20] =	ssyncset.done $0x0  }
0x31: {  	s19 =	simm.s32 $0x11E40;
	s11 =	rddreg [dreg:$0x7];
	[sflag:s20] =	ssyncadd.s32 $0xFFFFFFC0  }
0x32: {  	[tilespmem:s19], [sflag:$0xB] =	stream.linear.gather [hbm4b:s11+s4], $0x4E00, $0x38;
	[tilespmem:$0x16E80] =	vst v63  }
0x33: {  	_ =	swait.ge [sflag:s20], $0x4E00  }
0x34: {  	s10 =	simm.s32 @!p1 $0x0;
	[sflag:s20] =	ssyncset.done $0x0  }
0x35: {  	s11 =	simm.s32 @!p1 $0x16C40;
	s21 =	rddreg [dreg:$0x8];
	[sflag:s20] =	ssyncadd.s32 $0xFFFFB200  }
0x36: {  	[tilespmem:s11], [sflag:$0xB] =	stream.linear.gather @!p1 [hbm4b:s21+s10], $0x200, $0x38;
	[tilespmem:$0x16E80] =	vst v63  }
0x37: {  	s10 =	simm.s32 @!p1 $0xB  }
0x38: {  	_ =	swait.ge @!p1 [sflag:s10], $0x200  }
0x39: {  	[sflag:s10] =	ssyncset.done @!p1 $0x0  }
.Ltmp2:
0x3a: {  	s21 =	sshrl.u32 s12, $0x3;
	[sflag:s10] =	ssyncadd.s32 @!p1 $0xFFFFFE00;
	(pc) =	sbr.rel @!p0 .LBB2_2-.Ltmp2, $4  }
0x3b: {  	[spmem:s21], [sflag:s24] =	dma.local [hbm:s7], $0x9C0  }
0x3c: {  	_ =	swait.ge [sflag:s20], $0x9C0  }
0x3d: {  	[sflag:s20] =	ssyncset.done $0x0  }
0x3e: {  	s19 =	simm.s32 $0x2710;
	s11 =	sshrl.u32 @!p1 s14, $0x3;
	[sflag:s20] =	ssyncadd.s32 $0xFFFFF640  }
0x3f: {  	[spmem:s11], [sflag:s24] =	dma.local @!p1 [hbm:s7], $0x40  }
0x40: {  	_ =	swait.ge @!p1 [sflag:s10], $0x40  }
0x41: {  	[sflag:s10] =	ssyncset.done @!p1 $0x0  }
0x42: {  	[sflag:s10] =	ssyncadd.s32 @!p1 $0xFFFFFFC0  }
0x43: {  	s21 =	simm.s32 $0x0;
	[bflag:$0x0] =	sbarrier.arrive $0xFFFF  }
0x44: {  	[tilespmem:s26], [sflag:$0x1] =	stream.indirect.gather [hbm4b:s6+s25], $0x20, s21, s25, $0xb8;
	[tilespmem:$0x16E80] =	vst v63  }
0x45: {  	_ = 	snop  }
0x46: {  	[tilespmem:s28], [sflag:$0x2] =	stream.indirect.gather [hbm4b:s6+s25], $0x20, s25, s25, $0xb8;
	[tilespmem:$0x16E80] =	vst v63  }
0x47: {  	s11 =	simm.s32 $0xA0  }
0x48: {  	[tilespmem:s30], [sflag:$0x3] =	stream.indirect.gather [hbm4b:s6+s25], $0x20, s11, s25, $0xb8;
	[tilespmem:$0x16E80] =	vst v63  }
0x49: {  	s21 =	simm.s32 $0xF0  }
0x4a: {  	[tilespmem:s0], [sflag:$0x4] =	stream.indirect.gather [hbm4b:s6+s25], $0x20, s21, s25, $0xb8;
	[tilespmem:$0x16E80] =	vst v63  }
0x4b: {  	s11 =	simm.s32 $0x140  }
0x4c: {  	[tilespmem:s15], [sflag:$0x5] =	stream.indirect.gather [hbm4b:s6+s25], $0x20, s11, s25, $0xb8;
	[tilespmem:$0x16E80] =	vst v63  }
0x4d: {  	_ =	swait.ge [sflag:s16], $0xA00  }
0x4e: {  	[sflag:s16] =	ssyncset.done $0x0  }
0x4f: {  	[sflag:s16] =	ssyncadd.s32 $0xFFFFF600  }
0x50: {  	[spmem:s3] =	stream.indirect.scatter.add.f32 [tilespmem:s26], [sflag:$0x6], $0x20, s19, s25, $0xb8;
	[tilespmem:$0x16E80] =	vst v63  }
0x51: {  	_ =	swait.ge [sflag:s17], $0xA00  }
0x52: {  	[sflag:s17] =	ssyncset.done $0x0  }
0x53: {  	s19 =	simm.s32 $0x190;
	[sflag:s17] =	ssyncadd.s32 $0xFFFFF600  }
0x54: {  	[tilespmem:s26], [sflag:$0x1] =	stream.indirect.gather [hbm4b:s6+s25], $0x20, s19, s25, $0xb8;
	[tilespmem:$0x16E80] =	vst v63  }
0x55: {  	_ =	swait.ge [sflag:s1], $0xA00  }
0x56: {  	[sflag:s1] =	ssyncset.done $0x0  }
0x57: {  	s21 =	simm.s32 $0x2760;
	[sflag:s1] =	ssyncadd.s32 $0xFFFFF600  }
0x58: {  	[spmem:s3] =	stream.indirect.scatter.add.f32 [tilespmem:s28], [sflag:$0x7], $0x20, s21, s25, $0xb8;
	[tilespmem:$0x16E80] =	vst v63  }
0x59: {  	_ =	swait.ge [sflag:s23], $0xA00  }
0x5a: {  	[sflag:s23] =	ssyncset.done $0x0  }
0x5b: {  	s11 =	simm.s32 $0x1E0;
	[sflag:s23] =	ssyncadd.s32 $0xFFFFF600  }
0x5c: {  	[tilespmem:s28], [sflag:$0x2] =	stream.indirect.gather [hbm4b:s6+s25], $0x20, s11, s25, $0xb8;
	[tilespmem:$0x16E80] =	vst v63  }
0x5d: {  	_ =	swait.ge [sflag:s31], $0xA00  }
0x5e: {  	[sflag:s31] =	ssyncset.done $0x0  }
0x5f: {  	s19 =	simm.s32 $0x27B0;
	[sflag:s31] =	ssyncadd.s32 $0xFFFFF600  }
0x60: {  	[spmem:s3] =	stream.indirect.scatter.add.f32 [tilespmem:s30], [sflag:$0x8], $0x20, s19, s25, $0xb8;
	[tilespmem:$0x16E80] =	vst v63  }
0x61: {  	_ =	swait.ge [sflag:s18], $0xA00  }
0x62: {  	[sflag:s18] =	ssyncset.done $0x0  }
0x63: {  	s21 =	simm.s32 $0x230;
	[sflag:s18] =	ssyncadd.s32 $0xFFFFF600  }
0x64: {  	[tilespmem:s30], [sflag:$0x3] =	stream.indirect.gather [hbm4b:s6+s25], $0x20, s21, s25, $0xb8;
	[tilespmem:$0x16E80] =	vst v63  }
0x65: {  	_ =	swait.ge [sflag:s29], $0xA00  }
0x66: {  	[sflag:s29] =	ssyncset.done $0x0  }
0x67: {  	s11 =	simm.s32 $0x2800;
	[sflag:s29] =	ssyncadd.s32 $0xFFFFF600  }
0x68: {  	[spmem:s3] =	stream.indirect.scatter.add.f32 [tilespmem:s0], [sflag:$0x9], $0x20, s11, s25, $0xb8;
	[tilespmem:$0x16E80] =	vst v63  }
0x69: {  	_ =	swait.ge [sflag:s22], $0xA00  }
0x6a: {  	[sflag:s22] =	ssyncset.done $0x0  }
0x6b: {  	s19 =	simm.s32 $0x280;
	[sflag:s22] =	ssyncadd.s32 $0xFFFFF600  }
0x6c: {  	[tilespmem:s0], [sflag:$0x4] =	stream.indirect.gather [hbm4b:s6+s25], $0x20, s19, s25, $0xb8;
	[tilespmem:$0x16E80] =	vst v63  }
0x6d: {  	_ =	swait.ge [sflag:s2], $0xA00  }
0x6e: {  	[sflag:s2] =	ssyncset.done $0x0  }
0x6f: {  	s21 =	simm.s32 $0x2850;
	[sflag:s2] =	ssyncadd.s32 $0xFFFFF600  }
0x70: {  	[spmem:s3] =	stream.indirect.scatter.add.f32 [tilespmem:s15], [sflag:$0xA], $0x20, s21, s25, $0xb8;
	[tilespmem:$0x16E80] =	vst v63  }
0x71: {  	_ =	swait.ge [sflag:s13], $0xA00  }
0x72: {  	[sflag:s13] =	ssyncset.done $0x0  }
0x73: {  	s11 =	simm.s32 $0x2D0;
	[sflag:s13] =	ssyncadd.s32 $0xFFFFF600  }
0x74: {  	[tilespmem:s15], [sflag:$0x5] =	stream.indirect.gather [hbm4b:s6+s25], $0x20, s11, s25, $0xb8;
	[tilespmem:$0x16E80] =	vst v63  }
0x75: {  	_ =	swait.ge [sflag:s16], $0xA00  }
0x76: {  	[sflag:s16] =	ssyncset.done $0x0  }
0x77: {  	s19 =	simm.s32 $0x28A0;
	[sflag:s16] =	ssyncadd.s32 $0xFFFFF600  }
0x78: {  	[spmem:s3] =	stream.indirect.scatter.add.f32 [tilespmem:s26], [sflag:$0x6], $0x20, s19, s25, $0xb8;
	[tilespmem:$0x16E80] =	vst v63  }
0x79: {  	_ =	swait.ge [sflag:s17], $0xA00  }
0x7a: {  	[sflag:s17] =	ssyncset.done $0x0  }
0x7b: {  	s21 =	simm.s32 $0x320;
	[sflag:s17] =	ssyncadd.s32 $0xFFFFF600  }
0x7c: {  	[tilespmem:s26], [sflag:$0x1] =	stream.indirect.gather [hbm4b:s6+s25], $0x20, s21, s25, $0xb8;
	[tilespmem:$0x16E80] =	vst v63  }
0x7d: {  	_ =	swait.ge [sflag:s1], $0xA00  }
0x7e: {  	[sflag:s1] =	ssyncset.done $0x0  }
0x7f: {  	s11 =	simm.s32 $0x28F0;
	[sflag:s1] =	ssyncadd.s32 $0xFFFFF600  }
0x80: {  	[spmem:s3] =	stream.indirect.scatter.add.f32 [tilespmem:s28], [sflag:$0x7], $0x20, s11, s25, $0xb8;
	[tilespmem:$0x16E80] =	vst v63  }
0x81: {  	_ =	swait.ge [sflag:s23], $0xA00  }
0x82: {  	[sflag:s23] =	ssyncset.done $0x0  }
0x83: {  	s19 =	simm.s32 $0x370;
	[sflag:s23] =	ssyncadd.s32 $0xFFFFF600  }
0x84: {  	[tilespmem:s28], [sflag:$0x2] =	stream.indirect.gather [hbm4b:s6+s25], $0x20, s19, s25, $0xb8;
	[tilespmem:$0x16E80] =	vst v63  }
0x85: {  	_ =	swait.ge [sflag:s31], $0xA00  }
0x86: {  	[sflag:s31] =	ssyncset.done $0x0  }
0x87: {  	s21 =	simm.s32 $0x2940;
	[sflag:s31] =	ssyncadd.s32 $0xFFFFF600  }
0x88: {  	[spmem:s3] =	stream.indirect.scatter.add.f32 [tilespmem:s30], [sflag:$0x8], $0x20, s21, s25, $0xb8;
	[tilespmem:$0x16E80] =	vst v63  }
0x89: {  	_ =	swait.ge [sflag:s18], $0xA00  }
0x8a: {  	[sflag:s18] =	ssyncset.done $0x0  }
0x8b: {  	s11 =	simm.s32 $0x3C0;
	[sflag:s18] =	ssyncadd.s32 $0xFFFFF600  }
0x8c: {  	[tilespmem:s30], [sflag:$0x3] =	stream.indirect.gather [hbm4b:s6+s25], $0x20, s11, s25, $0xb8;
	[tilespmem:$0x16E80] =	vst v63  }
0x8d: {  	_ =	swait.ge [sflag:s29], $0xA00  }
0x8e: {  	[sflag:s29] =	ssyncset.done $0x0  }
0x8f: {  	s19 =	simm.s32 $0x2990;
	[sflag:s29] =	ssyncadd.s32 $0xFFFFF600  }
0x90: {  	[spmem:s3] =	stream.indirect.scatter.add.f32 [tilespmem:s0], [sflag:$0x9], $0x20, s19, s25, $0xb8;
	[tilespmem:$0x16E80] =	vst v63  }
0x91: {  	_ =	swait.ge [sflag:s22], $0xA00  }
0x92: {  	[sflag:s22] =	ssyncset.done $0x0  }
0x93: {  	s21 =	simm.s32 $0x410;
	[sflag:s22] =	ssyncadd.s32 $0xFFFFF600  }
0x94: {  	[tilespmem:s0], [sflag:$0x4] =	stream.indirect.gather [hbm4b:s6+s25], $0x20, s21, s25, $0xb8;
	[tilespmem:$0x16E80] =	vst v63  }
0x95: {  	_ =	swait.ge [sflag:s2], $0xA00  }
0x96: {  	[sflag:s2] =	ssyncset.done $0x0  }
0x97: {  	s10 =	simm.s32 $0x29E0;
	s21 =	simm.s32 $0x640;
	[sflag:s2] =	ssyncadd.s32 $0xFFFFF600  }
.LBB2_12:
0x98: {  	[spmem:s3] =	stream.indirect.scatter.add.f32 [tilespmem:s15], [sflag:$0xA], $0x20, s10, s25, $0xb8;
	[tilespmem:$0x16E80] =	vst v63  }
0x99: {  	s10 =	smov.u32 s21;
	s21 =	sadd.s32 $0x640, s21;
	_ =	swait.ge [sflag:s13], $0xA00  }
0x9a: {  	s10 =	sshra.s32 s10, $0x2;
	p2 =	sne.s32 s21, $0x8FC0;
	[sflag:s13] =	ssyncset.done $0x0  }
0x9b: {  	s11 =	sadd.s32 $0x2D0, s10;
	[sflag:s13] =	ssyncadd.s32 $0xFFFFF600  }
0x9c: {  	[tilespmem:s15], [sflag:$0x5] =	stream.indirect.gather [hbm4b:s6+s25], $0x20, s11, s25, $0xb8;
	[tilespmem:$0x16E80] =	vst v63  }
0x9d: {  	_ =	swait.ge [sflag:s16], $0xA00  }
0x9e: {  	[sflag:s16] =	ssyncset.done $0x0  }
0x9f: {  	s11 =	sadd.s32 $0x28A0, s10;
	[sflag:s16] =	ssyncadd.s32 $0xFFFFF600  }
0xa0: {  	[spmem:s3] =	stream.indirect.scatter.add.f32 [tilespmem:s26], [sflag:$0x6], $0x20, s11, s25, $0xb8;
	[tilespmem:$0x16E80] =	vst v63  }
0xa1: {  	_ =	swait.ge [sflag:s17], $0xA00  }
0xa2: {  	[sflag:s17] =	ssyncset.done $0x0  }
0xa3: {  	s11 =	sadd.s32 $0x320, s10;
	[sflag:s17] =	ssyncadd.s32 $0xFFFFF600  }
0xa4: {  	[tilespmem:s26], [sflag:$0x1] =	stream.indirect.gather [hbm4b:s6+s25], $0x20, s11, s25, $0xb8;
	[tilespmem:$0x16E80] =	vst v63  }
0xa5: {  	_ =	swait.ge [sflag:s1], $0xA00  }
0xa6: {  	[sflag:s1] =	ssyncset.done $0x0  }
0xa7: {  	s11 =	sadd.s32 $0x28F0, s10;
	[sflag:s1] =	ssyncadd.s32 $0xFFFFF600  }
0xa8: {  	[spmem:s3] =	stream.indirect.scatter.add.f32 [tilespmem:s28], [sflag:$0x7], $0x20, s11, s25, $0xb8;
	[tilespmem:$0x16E80] =	vst v63  }
0xa9: {  	_ =	swait.ge [sflag:s23], $0xA00  }
0xaa: {  	[sflag:s23] =	ssyncset.done $0x0  }
0xab: {  	s11 =	sadd.s32 $0x370, s10;
	[sflag:s23] =	ssyncadd.s32 $0xFFFFF600  }
0xac: {  	[tilespmem:s28], [sflag:$0x2] =	stream.indirect.gather [hbm4b:s6+s25], $0x20, s11, s25, $0xb8;
	[tilespmem:$0x16E80] =	vst v63  }
0xad: {  	_ =	swait.ge [sflag:s31], $0xA00  }
0xae: {  	[sflag:s31] =	ssyncset.done $0x0  }
0xaf: {  	s11 =	sadd.s32 $0x2940, s10;
	[sflag:s31] =	ssyncadd.s32 $0xFFFFF600  }
0xb0: {  	[spmem:s3] =	stream.indirect.scatter.add.f32 [tilespmem:s30], [sflag:$0x8], $0x20, s11, s25, $0xb8;
	[tilespmem:$0x16E80] =	vst v63  }
0xb1: {  	_ =	swait.ge [sflag:s18], $0xA00  }
0xb2: {  	[sflag:s18] =	ssyncset.done $0x0  }
0xb3: {  	s11 =	sadd.s32 $0x3C0, s10;
	[sflag:s18] =	ssyncadd.s32 $0xFFFFF600  }
0xb4: {  	[tilespmem:s30], [sflag:$0x3] =	stream.indirect.gather [hbm4b:s6+s25], $0x20, s11, s25, $0xb8;
	[tilespmem:$0x16E80] =	vst v63  }
0xb5: {  	_ =	swait.ge [sflag:s29], $0xA00  }
0xb6: {  	[sflag:s29] =	ssyncset.done $0x0  }
0xb7: {  	s11 =	sadd.s32 $0x2990, s10;
	[sflag:s29] =	ssyncadd.s32 $0xFFFFF600  }
0xb8: {  	[spmem:s3] =	stream.indirect.scatter.add.f32 [tilespmem:s0], [sflag:$0x9], $0x20, s11, s25, $0xb8;
	[tilespmem:$0x16E80] =	vst v63  }
0xb9: {  	_ =	swait.ge [sflag:s22], $0xA00  }
0xba: {  	[sflag:s22] =	ssyncset.done $0x0  }
.Ltmp3:
0xbb: {  	s11 =	sadd.s32 $0x410, s10;
	[sflag:s22] =	ssyncadd.s32 $0xFFFFF600;
	(pc) =	sbr.rel @p2 .LBB2_12-.Ltmp3, $4  }
0xbc: {  	[tilespmem:s0], [sflag:$0x4] =	stream.indirect.gather [hbm4b:s6+s25], $0x20, s11, s25, $0xb8;
	[tilespmem:$0x16E80] =	vst v63  }
0xbd: {  	_ =	swait.ge [sflag:s2], $0xA00  }
0xbe: {  	[sflag:s2] =	ssyncset.done $0x0  }
0xbf: {  	s10 =	sadd.s32 $0x29E0, s10;
	[sflag:s2] =	ssyncadd.s32 $0xFFFFF600  }
0xc0: {  	[spmem:s3] =	stream.indirect.scatter.add.f32 [tilespmem:s15], [sflag:$0xA], $0x20, s10, s25, $0xb8;
	[tilespmem:$0x16E80] =	vst v63  }
0xc1: {  	_ =	swait.ge [sflag:s13], $0xA00  }
0xc2: {  	s10 =	sshra.s32 s21, $0x2;
	[sflag:s13] =	ssyncset.done $0x0  }
0xc3: {  	s11 =	sadd.s32 $0x2D0, s10;
	[sflag:s13] =	ssyncadd.s32 $0xFFFFF600  }
0xc4: {  	[tilespmem:s15], [sflag:$0x5] =	stream.indirect.gather [hbm4b:s6+s25], $0x20, s11, s25, $0xb8;
	[tilespmem:$0x16E80] =	vst v63  }
0xc5: {  	_ =	swait.ge [sflag:s16], $0xA00  }
0xc6: {  	[sflag:s16] =	ssyncset.done $0x0  }
0xc7: {  	s19 =	sadd.s32 $0x28A0, s10;
	[sflag:s16] =	ssyncadd.s32 $0xFFFFF600  }
0xc8: {  	[spmem:s3] =	stream.indirect.scatter.add.f32 [tilespmem:s26], [sflag:$0x6], $0x20, s19, s25, $0xb8;
	[tilespmem:$0x16E80] =	vst v63  }
0xc9: {  	_ =	swait.ge [sflag:s17], $0xA00  }
0xca: {  	[sflag:s17] =	ssyncset.done $0x0  }
0xcb: {  	[sflag:s17] =	ssyncadd.s32 $0xFFFFF600  }
0xcc: {  	_ =	swait.ge [sflag:s1], $0xA00  }
0xcd: {  	[sflag:s1] =	ssyncset.done $0x0  }
0xce: {  	s21 =	sadd.s32 $0x28F0, s10;
	[sflag:s1] =	ssyncadd.s32 $0xFFFFF600  }
0xcf: {  	[spmem:s3] =	stream.indirect.scatter.add.f32 [tilespmem:s28], [sflag:$0x7], $0x20, s21, s25, $0xb8;
	[tilespmem:$0x16E80] =	vst v63  }
0xd0: {  	_ =	swait.ge [sflag:s23], $0xA00  }
0xd1: {  	[sflag:s23] =	ssyncset.done $0x0  }
0xd2: {  	[sflag:s23] =	ssyncadd.s32 $0xFFFFF600  }
0xd3: {  	_ =	swait.ge [sflag:s31], $0xA00  }
0xd4: {  	[sflag:s31] =	ssyncset.done $0x0  }
0xd5: {  	s19 =	sadd.s32 $0x2940, s10;
	[sflag:s31] =	ssyncadd.s32 $0xFFFFF600  }
0xd6: {  	[spmem:s3] =	stream.indirect.scatter.add.f32 [tilespmem:s30], [sflag:$0x8], $0x20, s19, s25, $0xb8;
	[tilespmem:$0x16E80] =	vst v63  }
0xd7: {  	_ =	swait.ge [sflag:s18], $0xA00  }
0xd8: {  	[sflag:s18] =	ssyncset.done $0x0  }
0xd9: {  	[sflag:s18] =	ssyncadd.s32 $0xFFFFF600  }
0xda: {  	_ =	swait.ge [sflag:s29], $0xA00  }
0xdb: {  	[sflag:s29] =	ssyncset.done $0x0  }
0xdc: {  	s21 =	sadd.s32 $0x2990, s10;
	[sflag:s29] =	ssyncadd.s32 $0xFFFFF600  }
0xdd: {  	[spmem:s3] =	stream.indirect.scatter.add.f32 [tilespmem:s0], [sflag:$0x9], $0x20, s21, s25, $0xb8;
	[tilespmem:$0x16E80] =	vst v63  }
0xde: {  	_ =	swait.ge [sflag:s22], $0xA00  }
0xdf: {  	[sflag:s22] =	ssyncset.done $0x0  }
0xe0: {  	[sflag:s22] =	ssyncadd.s32 $0xFFFFF600  }
0xe1: {  	_ =	swait.ge [sflag:s2], $0xA00  }
0xe2: {  	[sflag:s2] =	ssyncset.done $0x0  }
0xe3: {  	s10 =	sadd.s32 $0x29E0, s10;
	[sflag:s2] =	ssyncadd.s32 $0xFFFFF600  }
0xe4: {  	[spmem:s3] =	stream.indirect.scatter.add.f32 [tilespmem:s15], [sflag:$0xA], $0x20, s10, s25, $0xb8;
	[tilespmem:$0x16E80] =	vst v63  }
0xe5: {  	_ =	swait.ge [sflag:s13], $0xA00  }
0xe6: {  	[sflag:s13] =	ssyncset.done $0x0  }
0xe7: {  	[sflag:s13] =	ssyncadd.s32 $0xFFFFF600  }
0xe8: {  	s19 =	simm.s32 $0xCE40;
	[bflag:$0x0] =	sbarrier.arrive $0xFFFF  }
0xe9: {  	[tilespmem:s19], [sflag:$0xB] =	stream.linear.gather [spmem:s12], $0x4E00, $0x38;
	[tilespmem:$0x16E80] =	vst v63  }
0xea: {  	_ =	swait.ge [sflag:s20], $0x4E00  }
0xeb: {  	[sflag:s20] =	ssyncset.done $0x0  }
0xec: {  	s10 =	simm.s32 @!p1 $0x11C40;
	[sflag:s20] =	ssyncadd.s32 $0xFFFFB200  }
0xed: {  	[tilespmem:s10], [sflag:$0xB] =	stream.linear.gather @!p1 [spmem:s14], $0x200, $0x38;
	[tilespmem:$0x16E80] =	vst v63  }
0xee: {  	s10 =	simm.s32 @!p1 $0xB  }
0xef: {  	_ =	swait.ge @!p1 [sflag:s10], $0x200  }
0xf0: {  	[sflag:s10] =	ssyncset.done @!p1 $0x0  }
0xf1: {  	[sflag:s10] =	ssyncadd.s32 @!p1 $0xFFFFFE00;
	s10 =	simm.s32 $0x0  }
0xf2: {  	v0 =	vld [tilespmem:s10+$0x11E40]  }
0xf3: {  	v1 =	vld [tilespmem:s10+$0xCE40];
	_ =	sdelay $0x1  }
0xf4: {  	v2 =	vld [tilespmem:$0x16E60];
	_ =	sdelay $0x2  }
0xf5: {  	v0 =	vmul.f32 v0, v1;
	_ =	sdelay $0x1  }
0xf6: {  	v1 =	vld [tilespmem:s10+$0x11E50];
	v0 =	vadd.f32 v2, v0  }
0xf7: {  	v2 =	vld [tilespmem:s10+$0xCE50]  }
0xf8: {  	[tilespmem:s10+$0xCE40] =	vst v0  }
0xf9: {  	v3 =	vld [tilespmem:$0x16E70];
	_ =	sdelay $0x2  }
0xfa: {  	v1 =	vmul.f32 v1, v2  }
0xfb: {  	s11 =	simm.s32 $0x20  }
0xfc: {  	s21 =	simm.s32 $0x100;
	v0 =	vld [tilespmem:s11+$0x11E40];
	v1 =	vadd.f32 v3, v1  }
.LBB2_14:
0xfd: {  	p2 =	sne.s32 s21, $0x13780;
	v2 =	vld [tilespmem:s11+$0xCE40]  }
0xfe: {  	[tilespmem:s10+$0xCE50] =	vst v1;
	s10 =	smov.u32 s11  }
0xff: {  	v1 =	vld [tilespmem:$0x16E60];
	_ =	sdelay $0x2  }
0x100: {  	v0 =	vmul.f32 v0, v2;
	_ =	sdelay $0x1  }
0x101: {  	v0 =	vadd.f32 v1, v0;
	v1 =	vld [tilespmem:s10+$0x11E50]  }
0x102: {  	v2 =	vld [tilespmem:s10+$0xCE50]  }
0x103: {  	[tilespmem:s10+$0xCE40] =	vst v0  }
0x104: {  	v3 =	vld [tilespmem:$0x16E70]  }
.Ltmp4:
0x105: {  	(pc) =	sbr.rel @p2 .LBB2_14-.Ltmp4, $4  }
0x106: {  	_ = 	snop  }
0x107: {  	v1 =	vmul.f32 v1, v2  }
0x108: {  	s11 =	sshra.s32 s21, $0x2  }
0x109: {  	s21 =	sadd.s32 $0x80, s21;
	v0 =	vld [tilespmem:s11+$0x11E40];
	v1 =	vadd.f32 v3, v1  }
0x10a: {  	v2 =	vld [tilespmem:s11+$0xCE40]  }
0x10b: {  	[tilespmem:s10+$0xCE50] =	vst v1  }
0x10c: {  	v1 =	vld [tilespmem:$0x16E60];
	_ =	sdelay $0x2  }
0x10d: {  	v0 =	vmul.f32 v0, v2;
	_ =	sdelay $0x1  }
0x10e: {  	v62 =	vld [tilespmem:s11+$0x11E50];
	v0 =	vadd.f32 v1, v0  }
0x10f: {  	v63 =	vld [tilespmem:s11+$0xCE50]  }
0x110: {  	[tilespmem:s11+$0xCE40] =	vst v0  }
0x111: {  	v0 =	vld [tilespmem:$0x16E70];
	_ =	sdelay $0x2  }
.Ltmp5:
0x112: {  	v1 =	vmul.f32 v62, v63;
	(pc) =	sbr.rel @p1 .LBB2_19-.Ltmp5, $3  }
0x113: {  	_ = 	snop  }
0x114: {  	v0 =	vadd.f32 v0, v1;
	_ =	sdelay $0x1  }
0x115: {  	[tilespmem:s11+$0xCE50] =	vst v0  }
0x116: {  	s10 =	simm.s32 $0x0  }
0x117: {  	v0 =	vld [tilespmem:s10+$0x16C40]  }
0x118: {  	v1 =	vld [tilespmem:s10+$0x11C40];
	_ =	sdelay $0x1  }
0x119: {  	v2 =	vld [tilespmem:$0x16E60];
	_ =	sdelay $0x2  }
0x11a: {  	v0 =	vmul.f32 v0, v1;
	_ =	sdelay $0x1  }
0x11b: {  	v1 =	vld [tilespmem:s10+$0x16C50];
	v0 =	vadd.f32 v2, v0  }
0x11c: {  	v2 =	vld [tilespmem:s10+$0x11C50]  }
0x11d: {  	[tilespmem:s10+$0x11C40] =	vst v0  }
0x11e: {  	v3 =	vld [tilespmem:$0x16E70];
	_ =	sdelay $0x2  }
0x11f: {  	v1 =	vmul.f32 v1, v2  }
0x120: {  	s11 =	simm.s32 $0x20  }
0x121: {  	s21 =	simm.s32 $0x100;
	v0 =	vld [tilespmem:s11+$0x16C40];
	v1 =	vadd.f32 v3, v1  }
.LBB2_17:
0x122: {  	p2 =	sne.s32 s21, $0x780;
	v2 =	vld [tilespmem:s11+$0x11C40]  }
0x123: {  	[tilespmem:s10+$0x11C50] =	vst v1;
	s10 =	smov.u32 s11  }
0x124: {  	v1 =	vld [tilespmem:$0x16E60];
	_ =	sdelay $0x2  }
0x125: {  	v0 =	vmul.f32 v0, v2;
	_ =	sdelay $0x1  }
0x126: {  	v0 =	vadd.f32 v1, v0;
	v1 =	vld [tilespmem:s10+$0x16C50]  }
0x127: {  	v2 =	vld [tilespmem:s10+$0x11C50]  }
0x128: {  	[tilespmem:s10+$0x11C40] =	vst v0  }
0x129: {  	v3 =	vld [tilespmem:$0x16E70]  }
.Ltmp6:
0x12a: {  	(pc) =	sbr.rel @p2 .LBB2_17-.Ltmp6, $4  }
0x12b: {  	_ = 	snop  }
0x12c: {  	v1 =	vmul.f32 v1, v2  }
0x12d: {  	s11 =	sshra.s32 s21, $0x2  }
0x12e: {  	s21 =	sadd.s32 $0x80, s21;
	v0 =	vld [tilespmem:s11+$0x16C40];
	v1 =	vadd.f32 v3, v1  }
0x12f: {  	v2 =	vld [tilespmem:s11+$0x11C40]  }
0x130: {  	[tilespmem:s10+$0x11C50] =	vst v1  }
0x131: {  	v1 =	vld [tilespmem:$0x16E60];
	_ =	sdelay $0x2  }
0x132: {  	v0 =	vmul.f32 v0, v2;
	_ =	sdelay $0x1  }
0x133: {  	v62 =	vld [tilespmem:s11+$0x16C50];
	v0 =	vadd.f32 v1, v0  }
0x134: {  	v63 =	vld [tilespmem:s11+$0x11C50]  }
0x135: {  	[tilespmem:s11+$0x11C40] =	vst v0  }
0x136: {  	v0 =	vld [tilespmem:$0x16E70];
	_ =	sdelay $0x2  }
0x137: {  	v1 =	vmul.f32 v62, v63;
	_ =	sdelay $0x1  }
0x138: {  	v0 =	vadd.f32 v0, v1;
	_ =	sdelay $0x1  }
0x139: {  	s8 =	rddreg [dreg:$0xc];
	s21 =	simm.s32 $0x40;
	[tilespmem:s11+$0x11C50] =	vst v0;
	s11 =	simm.s32 $0x20  }
0x13a: {  	[hbm4b:s8+s11] =	stream.strided.scatter [tilespmem:s19], [sflag:$0xB], $0x4E00, s21, s11, $0x38;
	[tilespmem:$0x16E80] =	vst v63  }
0x13b: {  	_ =	swait.ge [sflag:s20], $0x4E00  }
0x13c: {  	s19 =	simm.s32 $0x11C40;
	[sflag:s20] =	ssyncset.done $0x0  }
.Ltmp7:
0x13d: {  	s10 =	rddreg [dreg:$0xd];
	[sflag:s20] =	ssyncadd.s32 $0xFFFFB200;
	(pc) =	sbr.rel .LBB2_20-.Ltmp7, $4  }
0x13e: {  	[hbm4b:s10+s11] =	stream.strided.scatter [tilespmem:s19], [sflag:$0xB], $0x200, s21, s11, $0x38;
	[tilespmem:$0x16E80] =	vst v63  }
0x13f: {  	_ =	swait.ge [sflag:s20], $0x200  }
0x140: {  	[sflag:s20] =	ssyncset.done $0x0  }
0x141: {  	s8 =	simm.s32 $0x40;
	[sflag:s20] =	ssyncadd.s32 $0xFFFFFE00  }
.LBB2_2:
0x142: {  	[spmem:s11], [sflag:s24] =	dma.local @!p1 [hbm:s7], $0x40  }
0x143: {  	_ =	swait.ge @!p1 [sflag:s10], $0x40  }
0x144: {  	[sflag:s10] =	ssyncset.done @!p1 $0x0  }
0x145: {  	[sflag:s10] =	ssyncadd.s32 @!p1 $0xFFFFFFC0  }
0x146: {  	s21 =	simm.s32 $0x0;
	[bflag:$0x0] =	sbarrier.arrive $0xFFFF  }
0x147: {  	[tilespmem:s26], [sflag:$0x1] =	stream.indirect.gather [hbm4b:s5+s25], $0x20, s21, s25, $0xb8;
	[tilespmem:$0x16E80] =	vst v63  }
0x148: {  	_ = 	snop  }
0x149: {  	[tilespmem:s28], [sflag:$0x2] =	stream.indirect.gather [hbm4b:s5+s25], $0x20, s25, s25, $0xb8;
	[tilespmem:$0x16E80] =	vst v63  }
0x14a: {  	s11 =	simm.s32 $0xA0  }
0x14b: {  	[tilespmem:s30], [sflag:$0x3] =	stream.indirect.gather [hbm4b:s5+s25], $0x20, s11, s25, $0xb8;
	[tilespmem:$0x16E80] =	vst v63  }
0x14c: {  	s21 =	simm.s32 $0xF0  }
0x14d: {  	[tilespmem:s0], [sflag:$0x4] =	stream.indirect.gather [hbm4b:s5+s25], $0x20, s21, s25, $0xb8;
	[tilespmem:$0x16E80] =	vst v63  }
0x14e: {  	s11 =	simm.s32 $0x140  }
0x14f: {  	[tilespmem:s15], [sflag:$0x5] =	stream.indirect.gather [hbm4b:s5+s25], $0x20, s11, s25, $0xb8;
	[tilespmem:$0x16E80] =	vst v63  }
0x150: {  	_ =	swait.ge [sflag:s16], $0xA00  }
0x151: {  	[sflag:s16] =	ssyncset.done $0x0  }
0x152: {  	[sflag:s16] =	ssyncadd.s32 $0xFFFFF600  }
0x153: {  	[spmem:s3] =	stream.indirect.scatter.add.f32 [tilespmem:s26], [sflag:$0x6], $0x20, s19, s25, $0xb8;
	[tilespmem:$0x16E80] =	vst v63  }
0x154: {  	_ =	swait.ge [sflag:s17], $0xA00  }
0x155: {  	[sflag:s17] =	ssyncset.done $0x0  }
0x156: {  	s19 =	simm.s32 $0x190;
	[sflag:s17] =	ssyncadd.s32 $0xFFFFF600  }
0x157: {  	[tilespmem:s26], [sflag:$0x1] =	stream.indirect.gather [hbm4b:s5+s25], $0x20, s19, s25, $0xb8;
	[tilespmem:$0x16E80] =	vst v63  }
0x158: {  	_ =	swait.ge [sflag:s1], $0xA00  }
0x159: {  	[sflag:s1] =	ssyncset.done $0x0  }
0x15a: {  	s21 =	simm.s32 $0x2760;
	[sflag:s1] =	ssyncadd.s32 $0xFFFFF600  }
0x15b: {  	[spmem:s3] =	stream.indirect.scatter.add.f32 [tilespmem:s28], [sflag:$0x7], $0x20, s21, s25, $0xb8;
	[tilespmem:$0x16E80] =	vst v63  }
0x15c: {  	_ =	swait.ge [sflag:s23], $0xA00  }
0x15d: {  	[sflag:s23] =	ssyncset.done $0x0  }
0x15e: {  	s11 =	simm.s32 $0x1E0;
	[sflag:s23] =	ssyncadd.s32 $0xFFFFF600  }
0x15f: {  	[tilespmem:s28], [sflag:$0x2] =	stream.indirect.gather [hbm4b:s5+s25], $0x20, s11, s25, $0xb8;
	[tilespmem:$0x16E80] =	vst v63  }
0x160: {  	_ =	swait.ge [sflag:s31], $0xA00  }
0x161: {  	[sflag:s31] =	ssyncset.done $0x0  }
0x162: {  	s19 =	simm.s32 $0x27B0;
	[sflag:s31] =	ssyncadd.s32 $0xFFFFF600  }
0x163: {  	[spmem:s3] =	stream.indirect.scatter.add.f32 [tilespmem:s30], [sflag:$0x8], $0x20, s19, s25, $0xb8;
	[tilespmem:$0x16E80] =	vst v63  }
0x164: {  	_ =	swait.ge [sflag:s18], $0xA00  }
0x165: {  	[sflag:s18] =	ssyncset.done $0x0  }
0x166: {  	s21 =	simm.s32 $0x230;
	[sflag:s18] =	ssyncadd.s32 $0xFFFFF600  }
0x167: {  	[tilespmem:s30], [sflag:$0x3] =	stream.indirect.gather [hbm4b:s5+s25], $0x20, s21, s25, $0xb8;
	[tilespmem:$0x16E80] =	vst v63  }
0x168: {  	_ =	swait.ge [sflag:s29], $0xA00  }
0x169: {  	[sflag:s29] =	ssyncset.done $0x0  }
0x16a: {  	s11 =	simm.s32 $0x2800;
	[sflag:s29] =	ssyncadd.s32 $0xFFFFF600  }
0x16b: {  	[spmem:s3] =	stream.indirect.scatter.add.f32 [tilespmem:s0], [sflag:$0x9], $0x20, s11, s25, $0xb8;
	[tilespmem:$0x16E80] =	vst v63  }
0x16c: {  	_ =	swait.ge [sflag:s22], $0xA00  }
0x16d: {  	[sflag:s22] =	ssyncset.done $0x0  }
0x16e: {  	s19 =	simm.s32 $0x280;
	[sflag:s22] =	ssyncadd.s32 $0xFFFFF600  }
0x16f: {  	[tilespmem:s0], [sflag:$0x4] =	stream.indirect.gather [hbm4b:s5+s25], $0x20, s19, s25, $0xb8;
	[tilespmem:$0x16E80] =	vst v63  }
0x170: {  	_ =	swait.ge [sflag:s2], $0xA00  }
0x171: {  	[sflag:s2] =	ssyncset.done $0x0  }
0x172: {  	s21 =	simm.s32 $0x2850;
	[sflag:s2] =	ssyncadd.s32 $0xFFFFF600  }
0x173: {  	[spmem:s3] =	stream.indirect.scatter.add.f32 [tilespmem:s15], [sflag:$0xA], $0x20, s21, s25, $0xb8;
	[tilespmem:$0x16E80] =	vst v63  }
0x174: {  	_ =	swait.ge [sflag:s13], $0xA00  }
0x175: {  	[sflag:s13] =	ssyncset.done $0x0  }
0x176: {  	s11 =	simm.s32 $0x2D0;
	[sflag:s13] =	ssyncadd.s32 $0xFFFFF600  }
0x177: {  	[tilespmem:s15], [sflag:$0x5] =	stream.indirect.gather [hbm4b:s5+s25], $0x20, s11, s25, $0xb8;
	[tilespmem:$0x16E80] =	vst v63  }
0x178: {  	_ =	swait.ge [sflag:s16], $0xA00  }
0x179: {  	[sflag:s16] =	ssyncset.done $0x0  }
0x17a: {  	s19 =	simm.s32 $0x28A0;
	[sflag:s16] =	ssyncadd.s32 $0xFFFFF600  }
0x17b: {  	[spmem:s3] =	stream.indirect.scatter.add.f32 [tilespmem:s26], [sflag:$0x6], $0x20, s19, s25, $0xb8;
	[tilespmem:$0x16E80] =	vst v63  }
0x17c: {  	_ =	swait.ge [sflag:s17], $0xA00  }
0x17d: {  	[sflag:s17] =	ssyncset.done $0x0  }
0x17e: {  	s21 =	simm.s32 $0x320;
	[sflag:s17] =	ssyncadd.s32 $0xFFFFF600  }
0x17f: {  	[tilespmem:s26], [sflag:$0x1] =	stream.indirect.gather [hbm4b:s5+s25], $0x20, s21, s25, $0xb8;
	[tilespmem:$0x16E80] =	vst v63  }
0x180: {  	_ =	swait.ge [sflag:s1], $0xA00  }
0x181: {  	[sflag:s1] =	ssyncset.done $0x0  }
0x182: {  	s11 =	simm.s32 $0x28F0;
	[sflag:s1] =	ssyncadd.s32 $0xFFFFF600  }
0x183: {  	[spmem:s3] =	stream.indirect.scatter.add.f32 [tilespmem:s28], [sflag:$0x7], $0x20, s11, s25, $0xb8;
	[tilespmem:$0x16E80] =	vst v63  }
0x184: {  	_ =	swait.ge [sflag:s23], $0xA00  }
0x185: {  	[sflag:s23] =	ssyncset.done $0x0  }
0x186: {  	s19 =	simm.s32 $0x370;
	[sflag:s23] =	ssyncadd.s32 $0xFFFFF600  }
0x187: {  	[tilespmem:s28], [sflag:$0x2] =	stream.indirect.gather [hbm4b:s5+s25], $0x20, s19, s25, $0xb8;
	[tilespmem:$0x16E80] =	vst v63  }
0x188: {  	_ =	swait.ge [sflag:s31], $0xA00  }
0x189: {  	[sflag:s31] =	ssyncset.done $0x0  }
0x18a: {  	s21 =	simm.s32 $0x2940;
	[sflag:s31] =	ssyncadd.s32 $0xFFFFF600  }
0x18b: {  	[spmem:s3] =	stream.indirect.scatter.add.f32 [tilespmem:s30], [sflag:$0x8], $0x20, s21, s25, $0xb8;
	[tilespmem:$0x16E80] =	vst v63  }
0x18c: {  	_ =	swait.ge [sflag:s18], $0xA00  }
0x18d: {  	[sflag:s18] =	ssyncset.done $0x0  }
0x18e: {  	s11 =	simm.s32 $0x3C0;
	[sflag:s18] =	ssyncadd.s32 $0xFFFFF600  }
0x18f: {  	[tilespmem:s30], [sflag:$0x3] =	stream.indirect.gather [hbm4b:s5+s25], $0x20, s11, s25, $0xb8;
	[tilespmem:$0x16E80] =	vst v63  }
0x190: {  	_ =	swait.ge [sflag:s29], $0xA00  }
0x191: {  	[sflag:s29] =	ssyncset.done $0x0  }
0x192: {  	s19 =	simm.s32 $0x2990;
	[sflag:s29] =	ssyncadd.s32 $0xFFFFF600  }
0x193: {  	[spmem:s3] =	stream.indirect.scatter.add.f32 [tilespmem:s0], [sflag:$0x9], $0x20, s19, s25, $0xb8;
	[tilespmem:$0x16E80] =	vst v63  }
0x194: {  	_ =	swait.ge [sflag:s22], $0xA00  }
0x195: {  	[sflag:s22] =	ssyncset.done $0x0  }
0x196: {  	s21 =	simm.s32 $0x410;
	[sflag:s22] =	ssyncadd.s32 $0xFFFFF600  }
0x197: {  	[tilespmem:s0], [sflag:$0x4] =	stream.indirect.gather [hbm4b:s5+s25], $0x20, s21, s25, $0xb8;
	[tilespmem:$0x16E80] =	vst v63  }
0x198: {  	_ =	swait.ge [sflag:s2], $0xA00  }
0x199: {  	[sflag:s2] =	ssyncset.done $0x0  }
0x19a: {  	s10 =	simm.s32 $0x29E0;
	s21 =	simm.s32 $0x640;
	[sflag:s2] =	ssyncadd.s32 $0xFFFFF600  }
.LBB2_3:
0x19b: {  	[spmem:s3] =	stream.indirect.scatter.add.f32 [tilespmem:s15], [sflag:$0xA], $0x20, s10, s25, $0xb8;
	[tilespmem:$0x16E80] =	vst v63  }
0x19c: {  	s10 =	smov.u32 s21;
	s21 =	sadd.s32 $0x640, s21;
	_ =	swait.ge [sflag:s13], $0xA00  }
0x19d: {  	s10 =	sshra.s32 s10, $0x2;
	p2 =	sne.s32 s21, $0x8FC0;
	[sflag:s13] =	ssyncset.done $0x0  }
0x19e: {  	s11 =	sadd.s32 $0x2D0, s10;
	[sflag:s13] =	ssyncadd.s32 $0xFFFFF600  }
0x19f: {  	[tilespmem:s15], [sflag:$0x5] =	stream.indirect.gather [hbm4b:s5+s25], $0x20, s11, s25, $0xb8;
	[tilespmem:$0x16E80] =	vst v63  }
0x1a0: {  	_ =	swait.ge [sflag:s16], $0xA00  }
0x1a1: {  	[sflag:s16] =	ssyncset.done $0x0  }
0x1a2: {  	s11 =	sadd.s32 $0x28A0, s10;
	[sflag:s16] =	ssyncadd.s32 $0xFFFFF600  }
0x1a3: {  	[spmem:s3] =	stream.indirect.scatter.add.f32 [tilespmem:s26], [sflag:$0x6], $0x20, s11, s25, $0xb8;
	[tilespmem:$0x16E80] =	vst v63  }
0x1a4: {  	_ =	swait.ge [sflag:s17], $0xA00  }
0x1a5: {  	[sflag:s17] =	ssyncset.done $0x0  }
0x1a6: {  	s11 =	sadd.s32 $0x320, s10;
	[sflag:s17] =	ssyncadd.s32 $0xFFFFF600  }
0x1a7: {  	[tilespmem:s26], [sflag:$0x1] =	stream.indirect.gather [hbm4b:s5+s25], $0x20, s11, s25, $0xb8;
	[tilespmem:$0x16E80] =	vst v63  }
0x1a8: {  	_ =	swait.ge [sflag:s1], $0xA00  }
0x1a9: {  	[sflag:s1] =	ssyncset.done $0x0  }
0x1aa: {  	s11 =	sadd.s32 $0x28F0, s10;
	[sflag:s1] =	ssyncadd.s32 $0xFFFFF600  }
0x1ab: {  	[spmem:s3] =	stream.indirect.scatter.add.f32 [tilespmem:s28], [sflag:$0x7], $0x20, s11, s25, $0xb8;
	[tilespmem:$0x16E80] =	vst v63  }
0x1ac: {  	_ =	swait.ge [sflag:s23], $0xA00  }
0x1ad: {  	[sflag:s23] =	ssyncset.done $0x0  }
0x1ae: {  	s11 =	sadd.s32 $0x370, s10;
	[sflag:s23] =	ssyncadd.s32 $0xFFFFF600  }
0x1af: {  	[tilespmem:s28], [sflag:$0x2] =	stream.indirect.gather [hbm4b:s5+s25], $0x20, s11, s25, $0xb8;
	[tilespmem:$0x16E80] =	vst v63  }
0x1b0: {  	_ =	swait.ge [sflag:s31], $0xA00  }
0x1b1: {  	[sflag:s31] =	ssyncset.done $0x0  }
0x1b2: {  	s11 =	sadd.s32 $0x2940, s10;
	[sflag:s31] =	ssyncadd.s32 $0xFFFFF600  }
0x1b3: {  	[spmem:s3] =	stream.indirect.scatter.add.f32 [tilespmem:s30], [sflag:$0x8], $0x20, s11, s25, $0xb8;
	[tilespmem:$0x16E80] =	vst v63  }
0x1b4: {  	_ =	swait.ge [sflag:s18], $0xA00  }
0x1b5: {  	[sflag:s18] =	ssyncset.done $0x0  }
0x1b6: {  	s11 =	sadd.s32 $0x3C0, s10;
	[sflag:s18] =	ssyncadd.s32 $0xFFFFF600  }
0x1b7: {  	[tilespmem:s30], [sflag:$0x3] =	stream.indirect.gather [hbm4b:s5+s25], $0x20, s11, s25, $0xb8;
	[tilespmem:$0x16E80] =	vst v63  }
0x1b8: {  	_ =	swait.ge [sflag:s29], $0xA00  }
0x1b9: {  	[sflag:s29] =	ssyncset.done $0x0  }
0x1ba: {  	s11 =	sadd.s32 $0x2990, s10;
	[sflag:s29] =	ssyncadd.s32 $0xFFFFF600  }
0x1bb: {  	[spmem:s3] =	stream.indirect.scatter.add.f32 [tilespmem:s0], [sflag:$0x9], $0x20, s11, s25, $0xb8;
	[tilespmem:$0x16E80] =	vst v63  }
0x1bc: {  	_ =	swait.ge [sflag:s22], $0xA00  }
0x1bd: {  	[sflag:s22] =	ssyncset.done $0x0  }
.Ltmp8:
0x1be: {  	s11 =	sadd.s32 $0x410, s10;
	[sflag:s22] =	ssyncadd.s32 $0xFFFFF600;
	(pc) =	sbr.rel @p2 .LBB2_3-.Ltmp8, $4  }
0x1bf: {  	[tilespmem:s0], [sflag:$0x4] =	stream.indirect.gather [hbm4b:s5+s25], $0x20, s11, s25, $0xb8;
	[tilespmem:$0x16E80] =	vst v63  }
0x1c0: {  	_ =	swait.ge [sflag:s2], $0xA00  }
0x1c1: {  	[sflag:s2] =	ssyncset.done $0x0  }
0x1c2: {  	s10 =	sadd.s32 $0x29E0, s10;
	[sflag:s2] =	ssyncadd.s32 $0xFFFFF600  }
0x1c3: {  	[spmem:s3] =	stream.indirect.scatter.add.f32 [tilespmem:s15], [sflag:$0xA], $0x20, s10, s25, $0xb8;
	[tilespmem:$0x16E80] =	vst v63  }
0x1c4: {  	_ =	swait.ge [sflag:s13], $0xA00  }
0x1c5: {  	s10 =	sshra.s32 s21, $0x2;
	[sflag:s13] =	ssyncset.done $0x0  }
0x1c6: {  	s11 =	sadd.s32 $0x2D0, s10;
	[sflag:s13] =	ssyncadd.s32 $0xFFFFF600  }
0x1c7: {  	[tilespmem:s15], [sflag:$0x5] =	stream.indirect.gather [hbm4b:s5+s25], $0x20, s11, s25, $0xb8;
	[tilespmem:$0x16E80] =	vst v63  }
0x1c8: {  	_ =	swait.ge [sflag:s16], $0xA00  }
0x1c9: {  	[sflag:s16] =	ssyncset.done $0x0  }
0x1ca: {  	s19 =	sadd.s32 $0x28A0, s10;
	[sflag:s16] =	ssyncadd.s32 $0xFFFFF600  }
0x1cb: {  	[spmem:s3] =	stream.indirect.scatter.add.f32 [tilespmem:s26], [sflag:$0x6], $0x20, s19, s25, $0xb8;
	[tilespmem:$0x16E80] =	vst v63  }
0x1cc: {  	_ =	swait.ge [sflag:s17], $0xA00  }
0x1cd: {  	[sflag:s17] =	ssyncset.done $0x0  }
0x1ce: {  	[sflag:s17] =	ssyncadd.s32 $0xFFFFF600  }
0x1cf: {  	_ =	swait.ge [sflag:s1], $0xA00  }
0x1d0: {  	[sflag:s1] =	ssyncset.done $0x0  }
0x1d1: {  	s21 =	sadd.s32 $0x28F0, s10;
	[sflag:s1] =	ssyncadd.s32 $0xFFFFF600  }
0x1d2: {  	[spmem:s3] =	stream.indirect.scatter.add.f32 [tilespmem:s28], [sflag:$0x7], $0x20, s21, s25, $0xb8;
	[tilespmem:$0x16E80] =	vst v63  }
0x1d3: {  	_ =	swait.ge [sflag:s23], $0xA00  }
0x1d4: {  	[sflag:s23] =	ssyncset.done $0x0  }
0x1d5: {  	[sflag:s23] =	ssyncadd.s32 $0xFFFFF600  }
0x1d6: {  	_ =	swait.ge [sflag:s31], $0xA00  }
0x1d7: {  	[sflag:s31] =	ssyncset.done $0x0  }
0x1d8: {  	s19 =	sadd.s32 $0x2940, s10;
	[sflag:s31] =	ssyncadd.s32 $0xFFFFF600  }
0x1d9: {  	[spmem:s3] =	stream.indirect.scatter.add.f32 [tilespmem:s30], [sflag:$0x8], $0x20, s19, s25, $0xb8;
	[tilespmem:$0x16E80] =	vst v63  }
0x1da: {  	_ =	swait.ge [sflag:s18], $0xA00  }
0x1db: {  	[sflag:s18] =	ssyncset.done $0x0  }
0x1dc: {  	[sflag:s18] =	ssyncadd.s32 $0xFFFFF600  }
0x1dd: {  	_ =	swait.ge [sflag:s29], $0xA00  }
0x1de: {  	[sflag:s29] =	ssyncset.done $0x0  }
0x1df: {  	s21 =	sadd.s32 $0x2990, s10;
	[sflag:s29] =	ssyncadd.s32 $0xFFFFF600  }
0x1e0: {  	[spmem:s3] =	stream.indirect.scatter.add.f32 [tilespmem:s0], [sflag:$0x9], $0x20, s21, s25, $0xb8;
	[tilespmem:$0x16E80] =	vst v63  }
0x1e1: {  	_ =	swait.ge [sflag:s22], $0xA00  }
0x1e2: {  	[sflag:s22] =	ssyncset.done $0x0  }
0x1e3: {  	[sflag:s22] =	ssyncadd.s32 $0xFFFFF600  }
0x1e4: {  	_ =	swait.ge [sflag:s2], $0xA00  }
0x1e5: {  	[sflag:s2] =	ssyncset.done $0x0  }
0x1e6: {  	s10 =	sadd.s32 $0x29E0, s10;
	[sflag:s2] =	ssyncadd.s32 $0xFFFFF600  }
0x1e7: {  	[spmem:s3] =	stream.indirect.scatter.add.f32 [tilespmem:s15], [sflag:$0xA], $0x20, s10, s25, $0xb8;
	[tilespmem:$0x16E80] =	vst v63  }
0x1e8: {  	_ =	swait.ge [sflag:s13], $0xA00  }
0x1e9: {  	[sflag:s13] =	ssyncset.done $0x0  }
0x1ea: {  	[sflag:s13] =	ssyncadd.s32 $0xFFFFF600  }
0x1eb: {  	s19 =	simm.s32 $0xCE40;
	[bflag:$0x0] =	sbarrier.arrive $0xFFFF  }
0x1ec: {  	[tilespmem:s19], [sflag:$0xB] =	stream.linear.gather [spmem:s12], $0x4E00, $0x38;
	[tilespmem:$0x16E80] =	vst v63  }
0x1ed: {  	_ =	swait.ge [sflag:s20], $0x4E00  }
0x1ee: {  	[sflag:s20] =	ssyncset.done $0x0  }
0x1ef: {  	s10 =	simm.s32 @!p1 $0x11C40;
	[sflag:s20] =	ssyncadd.s32 $0xFFFFB200  }
0x1f0: {  	[tilespmem:s10], [sflag:$0xB] =	stream.linear.gather @!p1 [spmem:s14], $0x200, $0x38;
	[tilespmem:$0x16E80] =	vst v63  }
0x1f1: {  	s10 =	simm.s32 @!p1 $0xB  }
0x1f2: {  	_ =	swait.ge @!p1 [sflag:s10], $0x200  }
0x1f3: {  	[sflag:s10] =	ssyncset.done @!p1 $0x0  }
0x1f4: {  	[sflag:s10] =	ssyncadd.s32 @!p1 $0xFFFFFE00;
	s10 =	simm.s32 $0x0  }
0x1f5: {  	v0 =	vld [tilespmem:s10+$0x11E40]  }
0x1f6: {  	v1 =	vld [tilespmem:s10+$0xCE40];
	_ =	sdelay $0x1  }
0x1f7: {  	v2 =	vld [tilespmem:$0x16E40];
	_ =	sdelay $0x2  }
0x1f8: {  	v0 =	vmul.f32 v0, v1;
	_ =	sdelay $0x1  }
0x1f9: {  	v1 =	vld [tilespmem:s10+$0x11E50];
	v0 =	vadd.f32 v2, v0  }
0x1fa: {  	v2 =	vld [tilespmem:s10+$0xCE50]  }
0x1fb: {  	[tilespmem:s10+$0xCE40] =	vst v0  }
0x1fc: {  	v3 =	vld [tilespmem:$0x16E50];
	_ =	sdelay $0x2  }
0x1fd: {  	v1 =	vmul.f32 v1, v2  }
0x1fe: {  	s11 =	simm.s32 $0x20  }
0x1ff: {  	s21 =	simm.s32 $0x100;
	v0 =	vld [tilespmem:s11+$0x11E40];
	v1 =	vadd.f32 v3, v1  }
.LBB2_5:
0x200: {  	p2 =	sne.s32 s21, $0x13780;
	v2 =	vld [tilespmem:s11+$0xCE40]  }
0x201: {  	[tilespmem:s10+$0xCE50] =	vst v1;
	s10 =	smov.u32 s11  }
0x202: {  	v1 =	vld [tilespmem:$0x16E40];
	_ =	sdelay $0x2  }
0x203: {  	v0 =	vmul.f32 v0, v2;
	_ =	sdelay $0x1  }
0x204: {  	v0 =	vadd.f32 v1, v0;
	v1 =	vld [tilespmem:s10+$0x11E50]  }
0x205: {  	v2 =	vld [tilespmem:s10+$0xCE50]  }
0x206: {  	[tilespmem:s10+$0xCE40] =	vst v0  }
0x207: {  	v3 =	vld [tilespmem:$0x16E50]  }
.Ltmp9:
0x208: {  	(pc) =	sbr.rel @p2 .LBB2_5-.Ltmp9, $4  }
0x209: {  	_ = 	snop  }
0x20a: {  	v1 =	vmul.f32 v1, v2  }
0x20b: {  	s11 =	sshra.s32 s21, $0x2  }
0x20c: {  	s21 =	sadd.s32 $0x80, s21;
	v0 =	vld [tilespmem:s11+$0x11E40];
	v1 =	vadd.f32 v3, v1  }
0x20d: {  	v2 =	vld [tilespmem:s11+$0xCE40]  }
0x20e: {  	[tilespmem:s10+$0xCE50] =	vst v1  }
0x20f: {  	v1 =	vld [tilespmem:$0x16E40];
	_ =	sdelay $0x2  }
0x210: {  	v0 =	vmul.f32 v0, v2;
	_ =	sdelay $0x1  }
0x211: {  	v62 =	vld [tilespmem:s11+$0x11E50];
	v0 =	vadd.f32 v1, v0  }
0x212: {  	v63 =	vld [tilespmem:s11+$0xCE50]  }
0x213: {  	[tilespmem:s11+$0xCE40] =	vst v0  }
0x214: {  	v0 =	vld [tilespmem:$0x16E50];
	_ =	sdelay $0x2  }
.Ltmp10:
0x215: {  	v1 =	vmul.f32 v62, v63;
	(pc) =	sbr.rel @p1 .LBB2_10-.Ltmp10, $3  }
0x216: {  	_ = 	snop  }
0x217: {  	v0 =	vadd.f32 v0, v1;
	_ =	sdelay $0x1  }
0x218: {  	[tilespmem:s11+$0xCE50] =	vst v0  }
0x219: {  	s10 =	simm.s32 $0x0  }
0x21a: {  	v0 =	vld [tilespmem:s10+$0x16C40]  }
0x21b: {  	v1 =	vld [tilespmem:s10+$0x11C40];
	_ =	sdelay $0x1  }
0x21c: {  	v2 =	vld [tilespmem:$0x16E40];
	_ =	sdelay $0x2  }
0x21d: {  	v0 =	vmul.f32 v0, v1;
	_ =	sdelay $0x1  }
0x21e: {  	v1 =	vld [tilespmem:s10+$0x16C50];
	v0 =	vadd.f32 v2, v0  }
0x21f: {  	v2 =	vld [tilespmem:s10+$0x11C50]  }
0x220: {  	[tilespmem:s10+$0x11C40] =	vst v0  }
0x221: {  	v3 =	vld [tilespmem:$0x16E50];
	_ =	sdelay $0x2  }
0x222: {  	v1 =	vmul.f32 v1, v2  }
0x223: {  	s11 =	simm.s32 $0x20  }
0x224: {  	s21 =	simm.s32 $0x100;
	v0 =	vld [tilespmem:s11+$0x16C40];
	v1 =	vadd.f32 v3, v1  }
.LBB2_8:
0x225: {  	p2 =	sne.s32 s21, $0x780;
	v2 =	vld [tilespmem:s11+$0x11C40]  }
0x226: {  	[tilespmem:s10+$0x11C50] =	vst v1;
	s10 =	smov.u32 s11  }
0x227: {  	v1 =	vld [tilespmem:$0x16E40];
	_ =	sdelay $0x2  }
0x228: {  	v0 =	vmul.f32 v0, v2;
	_ =	sdelay $0x1  }
0x229: {  	v0 =	vadd.f32 v1, v0;
	v1 =	vld [tilespmem:s10+$0x16C50]  }
0x22a: {  	v2 =	vld [tilespmem:s10+$0x11C50]  }
0x22b: {  	[tilespmem:s10+$0x11C40] =	vst v0  }
0x22c: {  	v3 =	vld [tilespmem:$0x16E50]  }
.Ltmp11:
0x22d: {  	(pc) =	sbr.rel @p2 .LBB2_8-.Ltmp11, $4  }
0x22e: {  	_ = 	snop  }
0x22f: {  	v1 =	vmul.f32 v1, v2  }
0x230: {  	s11 =	sshra.s32 s21, $0x2  }
0x231: {  	s21 =	sadd.s32 $0x80, s21;
	v0 =	vld [tilespmem:s11+$0x16C40];
	v1 =	vadd.f32 v3, v1  }
0x232: {  	v2 =	vld [tilespmem:s11+$0x11C40]  }
0x233: {  	[tilespmem:s10+$0x11C50] =	vst v1  }
0x234: {  	v1 =	vld [tilespmem:$0x16E40];
	_ =	sdelay $0x2  }
0x235: {  	v0 =	vmul.f32 v0, v2;
	_ =	sdelay $0x1  }
0x236: {  	v62 =	vld [tilespmem:s11+$0x16C50];
	v0 =	vadd.f32 v1, v0  }
0x237: {  	v63 =	vld [tilespmem:s11+$0x11C50]  }
0x238: {  	[tilespmem:s11+$0x11C40] =	vst v0  }
0x239: {  	v0 =	vld [tilespmem:$0x16E50];
	_ =	sdelay $0x2  }
0x23a: {  	v1 =	vmul.f32 v62, v63;
	_ =	sdelay $0x1  }
0x23b: {  	v0 =	vadd.f32 v0, v1;
	_ =	sdelay $0x1  }
0x23c: {  	s8 =	rddreg [dreg:$0x9];
	s21 =	simm.s32 $0x40;
	[tilespmem:s11+$0x11C50] =	vst v0;
	s11 =	simm.s32 $0x20  }
0x23d: {  	[hbm4b:s8+s11] =	stream.strided.scatter [tilespmem:s19], [sflag:$0xB], $0x4E00, s21, s11, $0x38;
	[tilespmem:$0x16E80] =	vst v63  }
0x23e: {  	_ =	swait.ge [sflag:s20], $0x4E00  }
0x23f: {  	s19 =	simm.s32 $0x11C40;
	[sflag:s20] =	ssyncset.done $0x0  }
.Ltmp12:
0x240: {  	s10 =	rddreg [dreg:$0xa];
	[sflag:s20] =	ssyncadd.s32 $0xFFFFB200;
	(pc) =	sbr.rel .LBB2_20-.Ltmp12, $4  }
0x241: {  	[hbm4b:s10+s11] =	stream.strided.scatter [tilespmem:s19], [sflag:$0xB], $0x200, s21, s11, $0x38;
	[tilespmem:$0x16E80] =	vst v63  }
0x242: {  	_ =	swait.ge [sflag:s20], $0x200  }
0x243: {  	[sflag:s20] =	ssyncset.done $0x0  }
0x244: {  	s8 =	simm.s32 $0x40;
	[sflag:s20] =	ssyncadd.s32 $0xFFFFFE00  }
.LBB2_10:
.Ltmp13:
0x245: {  	s10 =	rddreg [dreg:$0x9];
	s11 =	simm.s32 $0x20;
	(pc) =	sbr.rel .LBB2_20-.Ltmp13, $4  }
0x246: {  	[hbm4b:s10+s11] =	stream.strided.scatter [tilespmem:s19], [sflag:$0xB], $0x4E00, s8, s11, $0x38;
	[tilespmem:$0x16E80] =	vst v63  }
0x247: {  	_ =	swait.ge [sflag:s20], $0x4E00  }
0x248: {  	[sflag:s20] =	ssyncset.done $0x0  }
0x249: {  	[sflag:s20] =	ssyncadd.s32 $0xFFFFB200  }
.LBB2_21:
0x24a: {  	_ =	sfence.sel $0x180000  }
0x24b: {  	[bflag:$0x0] =	sbarrier.arrive $0xFFFF  }
0x24c: {  	_ =	strace $0x9000004D  }
0x24d: {  	s0 =	stileid.u32;
	[bflag:$0x2] =	sbarrier.arrive $0xFFFF  }
0x24e: {  	p0 =	sne.s32 s0, $0x0;
	s0 =	rddreg [dreg:$0x4]  }
0x24f: {  	s0 =	sadd.s32 @!p0 $0x100000, s0  }
0x250: {  	[sflag:s0] =	ssyncadd.tile.s32 @!p0 $0x1;
	_ =	shalt  }
.Lfunc_end2:
_tile_overlayer_lowered:
.L_overlay_start_2:
0x251: {  	(tag) =	ssettag $0x2  }
0x252: {  	s0 =	rddreg [dreg:$0x0];
	s2 =	stileid.u32  }
0x253: {  	s1 =	rddreg [dreg:$0x1];
	p0 =	sne.s32 s2, $0x0  }
0x254: {  	s3 =	rddreg [dreg:$0x2];
	[bflag:$0x3] =	sbarrier.arrive $0xFFFF;
	s2 =	simm.s32 @!p0 $0x1C0B  }
0x255: {  	[timem:s3], [sflag:s2] =	dma.local @!p0 [hbm:s0], s1  }
0x256: {  	s0 =	simm.s32 @!p0 $0xB  }
0x257: {  	_ =	swait.ge @!p0 [sflag:s0], s1  }
0x258: {  	s1 =	ssub.s32 @!p0 $0x0, s1;
	[sflag:s0] =	ssyncset.done @!p0 $0x0  }
0x259: {  	[sflag:s0] =	ssyncadd.s32 @!p0 s1  }
0x25a: {  	[bflag:$0x3] =	sbarrier.arrive $0xFFFF  }
0x25b: {  	_ =	shalt  }

// kernel: kernel.7.cloned.1.call-start
scs
__scs_entry_jumppad:
0x0: {  	(pc) =	sbr.rel $0x88, $3  }
0x1: {  	(tag) =	ssettag $0x0;
	lr =	simm.s32 $0x1  }
0x2: {  	[smem:$0x3F9B] =	sst lr;
	_ =	strace $0xD0000000  }
0x3: {  	_ = 	snop  }
0x4: {  	_ = 	snop  }
0x5: {  	_ = 	snop  }
0x6: {  	_ = 	snop  }
0x7: {  	_ = 	snop  }
__scs_overlays_trampoline_lowered:
0x8: {  	[smem:$0x3FAA] =	sst s0  }
0x9: {  	[smem:$0x3FAB] =	sst s1  }
0xa: {  	[smem:$0x3FAC] =	sst s2  }
0xb: {  	[smem:$0x3FAD] =	sst s3  }
0xc: {  	[smem:$0x3FAE] =	sst s4  }
0xd: {  	[smem:$0x3FAF] =	sst s5  }
0xe: {  	[smem:$0x3FB0] =	sst s6  }
0xf: {  	[smem:$0x3FB1] =	sst s7  }
0x10: {  	[smem:$0x3FB2] =	sst s8  }
0x11: {  	[smem:$0x3FB3] =	sst s9;
	s0 =	simm.s32 @!p0 $0x0  }
0x12: {  	s1 =	sld [smem:$0x3F99];
	s0 =	simm.s32 @p0 $0x1  }
0x13: {  	[smem:$0x3FB4] =	sst s0;
	s0 =	simm.s32 @!p1 $0x0  }
0x14: {  	s2 =	sld [smem:$0x3F98];
	s0 =	simm.s32 @p1 $0x1  }
0x15: {  	[smem:$0x3FB5] =	sst s0;
	s0 =	simm.s32 @!p2 $0x0  }
0x16: {  	s3 =	sld [smem:$0x3FDB];
	s0 =	simm.s32 @p2 $0x1  }
0x17: {  	s4 =	simm.s32 $0x1BF5;
	[smem:$0x3FB7] =	sst s0  }
0x18: {  	s0 =	sld [smem:$0x3F9A];
	_ =	swait.ge [sflag:s4], $0x0  }
0x19: {  	s7 =	sld [smem:$0x3F9B]  }
0x1a: {  	s8 =	sadd.s32 $0xFFFFE003, lr  }
0x1b: {  	s9 =	sadd.s32 $0xFFFFFEF7, lr;
	s5 =	simm.s32 $0xFFFFFFFF;
	p2 =	slt.u32 s8, $0xFFFFF086  }
0x1c: {  	p1 =	slt.u32 s9, $0xF7A;
	s5 =	simm.s32 @!p2 $0x0  }
0x1d: {  	s5 =	simm.s32 @p1 $0x1;
	p0 =	seq.s32 s7, s2  }
0x1e: {  	s7 =	smul.u32 @!p0 $0xF7A, s2;
	p2 =	seq.s32 @!p0 s5, $0x0  }
0x1f: {  	s9 =	smul.u32 $0xF7A, s1;
	s8 =	simm.s32 @!p0 $0x1BF5;
	p2 =	por !p2, p0  }
0x20: {  	[sflag:s8] =	ssyncset.s32 @!p0 $0xFFFFF086;
	s6 =	sadd.s32 @!p0 s3, s7;
	s7 =	simm.s32 @!p0 $0x108  }
0x21: {  	s3 =	sadd.s32 s3, s9;
	s6 =	sadd.s32 @!p0 $0x88, s6;
	s7 =	simm.s32 @p2 $0x1082  }
0x22: {  	[simem:s7], [sflag:s8] =	dma.local @!p0 [hbm:s6], $0xF7A  }
0x23: {  	s9 =	sor.u32 $0xD0000000, s2;
	s6 =	simm.s32 $0x108;
	_ =	swait.ge @!p0 [sflag:s8], $0x0  }
0x24: {  	s3 =	sadd.s32 $0x88, s3;
	s6 =	simm.s32 @!p1 $0x1082;
	[sflag:s4] =	ssyncset.s32 $0xFFFFF086  }
0x25: {  	[simem:s6], [sflag:s4] =	dma.local [hbm:s3], $0xF7A  }
0x26: {  	[smem:$0x3F9B] =	sst s1;
	(tag) =	ssettag s2;
	_ =	strace s9  }
0x27: {  	s1 =	sld [smem:$0x3FAB]  }
0x28: {  	s2 =	sld [smem:$0x3FAC]  }
0x29: {  	s4 =	sld [smem:$0x3FAE]  }
0x2a: {  	p0 =	seq.s32 s5, $0x0;
	s5 =	sld [smem:$0x3FAF]  }
0x2b: {  	s6 =	sld [smem:$0x3FB0]  }
0x2c: {  	s7 =	sld [smem:$0x3FB1]  }
0x2d: {  	s3 =	simm.s32 $0x108;
	s8 =	sld [smem:$0x3FB2]  }
0x2e: {  	s3 =	simm.s32 @!p0 $0x1082;
	s9 =	sld [smem:$0x3FB3]  }
0x2f: {  	lr =	sadd.s32 s0, s3;
	s0 =	sld [smem:$0x3FAA]  }
0x30: {  	s3 =	sld [smem:$0x3FAD]  }
0x31: {  	[smem:$0x3FB6] =	sst s10  }
0x32: {  	s10 =	sld [smem:$0x3FB4];
	_ =	sdelay $0x3  }
0x33: {  	p0 =	seq.s32 s10, $0x1;
	s10 =	sld [smem:$0x3FB6];
	_ =	sdelay $0x3  }
0x34: {  	[smem:$0x3FB6] =	sst s10  }
0x35: {  	s10 =	sld [smem:$0x3FB5];
	_ =	sdelay $0x3  }
0x36: {  	p1 =	seq.s32 s10, $0x1;
	s10 =	sld [smem:$0x3FB6];
	_ =	sdelay $0x3  }
0x37: {  	[smem:$0x3FB6] =	sst s10  }
0x38: {  	s10 =	sld [smem:$0x3FB7]  }
0x39: {  	_ = 	snop;
	(pc) =	sbr.ind lr, $3  }
0x3a: {  	_ = 	snop  }
0x3b: {  	_ = 	snop  }
0x3c: {  	p2 =	seq.s32 s10, $0x1;
	s10 =	sld [smem:$0x3FB6]  }
0x3d: {  	_ =	shalt  }
0x3e: {  	_ =	shalt  }
0x3f: {  	_ =	shalt  }
0x40: {  	_ =	shalt  }
0x41: {  	_ =	shalt  }
0x42: {  	_ =	shalt  }
0x43: {  	_ =	shalt  }
0x44: {  	_ =	shalt  }
0x45: {  	_ =	shalt  }
0x46: {  	_ =	shalt  }
0x47: {  	_ =	shalt  }
0x48: {  	_ =	shalt  }
0x49: {  	_ =	shalt  }
0x4a: {  	_ =	shalt  }
0x4b: {  	_ =	shalt  }
0x4c: {  	_ =	shalt  }
0x4d: {  	_ =	shalt  }
0x4e: {  	_ =	shalt  }
0x4f: {  	_ =	shalt  }
0x50: {  	_ =	shalt  }
0x51: {  	_ =	shalt  }
0x52: {  	_ =	shalt  }
0x53: {  	_ =	shalt  }
0x54: {  	_ =	shalt  }
0x55: {  	_ =	shalt  }
0x56: {  	_ =	shalt  }
0x57: {  	_ =	shalt  }
0x58: {  	_ =	shalt  }
0x59: {  	_ =	shalt  }
0x5a: {  	_ =	shalt  }
0x5b: {  	_ =	shalt  }
0x5c: {  	_ =	shalt  }
0x5d: {  	_ =	shalt  }
0x5e: {  	_ =	shalt  }
0x5f: {  	_ =	shalt  }
0x60: {  	_ =	shalt  }
0x61: {  	_ =	shalt  }
0x62: {  	_ =	shalt  }
0x63: {  	_ =	shalt  }
0x64: {  	_ =	shalt  }
0x65: {  	_ =	shalt  }
0x66: {  	_ =	shalt  }
0x67: {  	_ =	shalt  }
0x68: {  	_ =	shalt  }
0x69: {  	_ =	shalt  }
0x6a: {  	_ =	shalt  }
0x6b: {  	_ =	shalt  }
0x6c: {  	_ =	shalt  }
0x6d: {  	_ =	shalt  }
0x6e: {  	_ =	shalt  }
0x6f: {  	_ =	shalt  }
0x70: {  	_ =	shalt  }
0x71: {  	_ =	shalt  }
0x72: {  	_ =	shalt  }
0x73: {  	_ =	shalt  }
0x74: {  	_ =	shalt  }
0x75: {  	_ =	shalt  }
0x76: {  	_ =	shalt  }
0x77: {  	_ =	shalt  }
0x78: {  	_ =	shalt  }
0x79: {  	_ =	shalt  }
0x7a: {  	_ =	shalt  }
0x7b: {  	_ =	shalt  }
0x7c: {  	_ =	shalt  }
0x7d: {  	_ =	shalt  }
0x7e: {  	_ =	shalt  }
0x7f: {  	_ =	shalt  }
0x80: {  	_ =	shalt  }
0x81: {  	_ =	shalt  }
0x82: {  	_ =	shalt  }
0x83: {  	_ =	shalt  }
0x84: {  	_ =	shalt  }
0x85: {  	_ =	shalt  }
0x86: {  	_ =	shalt  }
0x87: {  	_ =	shalt  }
.Lfunc_end0:
.L_simem_size_0:
called_computation_lowered:
.L_overlay_start_0:
0x88: {  	s2 =	sld [smem:$0x3FD9]  }
0x89: {  	s3 =	sld [smem:$0x3FFE];
	_ =	sdelay $0x1  }
0x8a: {  	s1 =	srdreg.scid  }
0x8b: {  	s0 =	sand.u32 $0x1, s1  }
0x8c: {  	s17 =	sshll.u32 s0, $0xA;
	s2 =	sadd.s32 s3, s2  }
0x8d: {  	s2 =	sadd.s32 s2, s17  }
0x8e: {  	[smem:$0x3FC2] =	sst s2  }
0x8f: {  	_ = 	snop  }
0x90: {  	s2 =	sld [smem:$0x3FD0];
	(tm) =	ssettm $0x1  }
0x91: {  	s18 =	sld [smem:$0x3FFB];
	_ =	sdelay $0x3  }
0x92: {  	_ =	strace s18  }
0x93: {  	s3 =	sld [smem:$0x3FFC];
	_ =	sdelay $0x3  }
0x94: {  	_ =	strace s3  }
0x95: {  	s3 =	sld [smem:$0x3FFD];
	_ =	sdelay $0x3  }
0x96: {  	_ =	strace s3  }
0x97: {  	_ =	strace $0x8FFFFFFF  }
0x98: {  	s19 =	sld [smem:$0x3FDB];
	_ =	sdelay $0x1  }
0x99: {  	s4 =	simm.s32 $_scs_section_size  }
0x9a: {  	s5 =	simm.s32 $_size__tile_overlayer_lowered;
	s6 =	simm.s32 $_tile_overlayer_lowered  }
0x9b: {  	s22 =	simm.s32 $0x1BFF;
	s21 =	sshll.u32 s6, $0x1;
	s3 =	sadd.s32 s4, s19  }
0x9c: {  	s7 =	simm.s32 $0x0;
	s20 =	sshll.u32 s5, $0x1;
	s5 =	sadd.s32 s21, s3  }
0x9d: {  	[timem:s7], [sflag:s22] =	dma.local [hbm:s5], s20  }
0x9e: {  	_ =	swait.ge [sflag:s22], s20  }
0x9f: {  	s4 =	ssub.s32 $0x0, s20;
	[sflag:s22] =	ssyncset.done $0x0  }
0xa0: {  	[sflag:s22] =	ssyncadd.s32 s4;
	_ =	sdelay $0x1  }
0xa1: {  	s23 =	simm.s32 $0x1B8B  }
0xa2: {  	_ =	swait.ge [sflag:s23], $0x1  }
0xa3: {  	[sflag:s23] =	ssyncset.done $0x0  }
0xa4: {  	s25 =	simm.s32 $0x1B8E;
	s24 =	sld [smem:$0x3FFE];
	[sflag:s23] =	ssyncadd.s32 $0xFFFFFFFF  }
0xa5: {  	s26 =	simm.s32 $execute0_lowered;
	[smem:$0x3FD2] =	sst s25  }
0xa6: {  	s5 =	sshll.u32 s26, $0x1;
	_ =	strace $0x80000046;
	[dreg:$0x1] =	wrdreg $0xFFFFFFFF  }
0xa7: {  	s28 =	simm.s32 $_size_execute0_lowered;
	s3 =	sadd.s32 s3, s5;
	[dreg:$0x0] =	wrdreg $0x0  }
0xa8: {  	s5 =	sshll.u32 s28, $0x1;
	[dreg:$0x2] =	wrdreg s3  }
0xa9: {  	[dreg:$0x3] =	wrdreg s5  }
0xaa: {  	[dreg:$0x4] =	wrdreg $0xC0  }
0xab: {  	_ =	task [dreg:s7], $0x5FFFF  }
0xac: {  	[dreg:$0x1] =	wrdreg $0xFFFFFFFF  }
0xad: {  	[dreg:$0x0] =	wrdreg $0x60  }
0xae: {  	[dreg:$0x2] =	wrdreg s24  }
0xaf: {  	[dreg:$0x3] =	wrdreg s2  }
0xb0: {  	[dreg:$0x4] =	wrdreg $0x2C100  }
0xb1: {  	[dreg:$0x5] =	wrdreg $0x9  }
0xb2: {  	_ =	task.clear_ibuf [dreg:s7], $0x6FFFF;
	_ =	strace $0x90000046  }
0xb3: {  	s29 =	simm.s32 $0x9;
	_ =	strace $0x80000048  }
0xb4: {  	_ =	swait.ge [sflag:s29], $0x1  }
0xb5: {  	[sflag:s29] =	ssyncadd.s32 $0xFFFFFFFF  }
0xb6: {  	_ =	strace $0x90000048  }
0xb7: {  	_ =	sfence  }
0xb8: {  	s30 =	sld [smem:$0x0];
	_ =	sdelay $0x2  }
0xb9: {  	s31 =	sshll.u32 s1, $0xD;
	s1 =	sshrl.u32 s1, $0x2  }
0xba: {  	s3 =	sand.u32 $0x4000, s31;
	s1 =	sadd.s32 s1, s30  }
0xbb: {  	s0 =	sor.u32 s3, s0;
	s1 =	sshll.u32 s1, $0x11  }
0xbc: {  	s0 =	sor.u32 s1, s0  }
0xbd: {  	s0 =	sadd.s32 $0x8F2B, s0  }
0xbe: {  	[sflag:s0] =	ssyncadd.remote.s32 $0x1  }
0xbf: {  	_ =	sfence.sel $0xFFFF  }
0xc0: {  	[dreg:$0x0] =	wrdreg $0xFFFFFFFF;
	(pc) =	sbr.abs _section_cstart, $3  }
0xc1: {  	[dreg:$0x1] =	wrdreg $0xFFFFFFFF  }
0xc2: {  	_ =	task.clear_ibuf [dreg:s7], $0x2FFFF;
	_ =	strace $0x9FFFFFFF  }
0xc3: {  	(tm) =	ssettm $0x7FFFFFFF  }
tec
execute0_lowered:
.L_overlay_start_1:
0x0: {  	(tag) =	ssettag $0x1  }
0x1: {  	s5 =	rddreg [dreg:$0x0]  }
0x2: {  	s8 =	rddreg [dreg:$0x1]  }
0x3: {  	s0 =	srdreg.scid;
	s2 =	rddreg [dreg:$0x2]  }
0x4: {  	s1 =	rddreg [dreg:$0x3];
	s3 =	simm.s32 $0x0;
	s15 =	simm.s32 $0xA0  }
0x5: {  	s16 =	simm.s32 $0xF0;
	s17 =	simm.s32 $0x140;
	s18 =	simm.s32 $0x1  }
0x6: {  	s19 =	simm.s32 $0x2;
	s20 =	simm.s32 $0x3;
	s21 =	simm.s32 $0x4  }
0x7: {  	s22 =	simm.s32 $0x5;
	s4 =	sand.u32 $0x1, s0;
	s0 =	stileid.u32  }
0x8: {  	s24 =	simm.s32 $0x0;
	[smem:$0x7FF] =	sst s3;
	s7 =	smul.u32 $0x27100, s4  }
0x9: {  	s14 =	sadd.s32 $0x27000, s2;
	s6 =	smul.u32 $0x2710, s0;
	_ =	strace $0x80000047  }
0xa: {  	s30 =	ssub.s32 $0x2, s4;
	s4 =	sadd.s32 $0xBC00, s5;
	s11 =	smul.u32 $0x2700, s0  }
0xb: {  	s31 =	sshll.u32 s0, $0x6;
	p0 =	sne.s32 s0, $0xF;
	s10 =	sshrl.u32 s30, $0x1  }
0xc: {  	s6 =	sadd.s32 s6, s7;
	s10 =	ssub.s32 s30, s10;
	s12 =	sadd.s32 s11, s2  }
0xd: {  	s13 =	sshrl.u32 s7, $0x3;
	s23 =	sshrl.u32 s11, $0x3;
	s11 =	simm.s32 $0x6  }
0xe: {  	s6 =	sshrl.u32 s6, $0x3;
	s8 =	sadd.s32 s8, s13;
	s13 =	simm.s32 $0x2710  }
0xf: {  	s9 =	sadd.s32 s6, s5;
	s5 =	sadd.s32 $0xBA00, s5;
	s6 =	sor.u32 $0x1C06, s31  }
0x10: {  	s23 =	sadd.s32 s23, s8;
	s7 =	sadd.s32 $0x1C00, s9;
	s9 =	smax.u32 s10, $0x1  }
0x11: {  	s10 =	sshrl.u32 s12, $0x3;
	s12 =	sshrl.u32 @!p0 s14, $0x3;
	s14 =	simm.s32 $0x50  }
.LBB2_1:
0x12: {  	[spmem:s10], [sflag:s6] =	dma.local [hbm:s4], $0x4E0  }
0x13: {  	_ =	swait.ge [sflag:s11], $0x4E0  }
0x14: {  	[sflag:s11] =	ssyncset.done $0x0  }
0x15: {  	s25 =	simm.s32 @!p0 $0x6;
	[sflag:s11] =	ssyncadd.s32 $0xFFFFFB20  }
0x16: {  	[spmem:s12], [sflag:s6] =	dma.local @!p0 [hbm:s4], $0x20  }
0x17: {  	_ =	swait.ge @!p0 [sflag:s25], $0x20  }
0x18: {  	[sflag:s25] =	ssyncset.done @!p0 $0x0  }
0x19: {  	[sflag:s25] =	ssyncadd.s32 @!p0 $0xFFFFFFE0  }
0x1a: {  	[tilespmem:s3], [sflag:$0x6] =	stream.linear.gather [hbm4b:s7+s3], $0x2710, $0x38;
	[tilespmem:$0x5320] =	vst v63  }
0x1b: {  	_ =	swait.ge [sflag:s11], $0x2710  }
0x1c: {  	[sflag:s11] =	ssyncset.done $0x0  }
0x1d: {  	[sflag:s11] =	ssyncadd.s32 $0xFFFFD8F0  }
0x1e: {  	[tilespmem:s13], [sflag:$0x6] =	stream.linear.gather [hbm4b:s5+s3], $0x500, $0x38;
	[tilespmem:$0x5320] =	vst v63  }
0x1f: {  	_ =	swait.ge [sflag:s11], $0x500  }
0x20: {  	[sflag:s11] =	ssyncset.done $0x0  }
0x21: {  	[sflag:s11] =	ssyncadd.s32 $0xFFFFFB00  }
0x22: {  	[bflag:$0x0] =	sbarrier.arrive $0xFFFF  }
0x23: {  	[spmem:s2] =	stream.indirect.scatter.add.f32 [tilespmem:s13], [sflag:$0x1], $0x10, s3, s14, $0xb8;
	[tilespmem:$0x5320] =	vst v63  }
0x24: {  	_ = 	snop  }
0x25: {  	[spmem:s2] =	stream.indirect.scatter.add.f32 [tilespmem:s13], [sflag:$0x2], $0x10, s14, s14, $0xb8;
	[tilespmem:$0x5320] =	vst v63  }
0x26: {  	_ = 	snop  }
0x27: {  	[spmem:s2] =	stream.indirect.scatter.add.f32 [tilespmem:s13], [sflag:$0x3], $0x10, s15, s14, $0xb8;
	[tilespmem:$0x5320] =	vst v63  }
0x28: {  	_ = 	snop  }
0x29: {  	[spmem:s2] =	stream.indirect.scatter.add.f32 [tilespmem:s13], [sflag:$0x4], $0x10, s16, s14, $0xb8;
	[tilespmem:$0x5320] =	vst v63  }
0x2a: {  	_ = 	snop  }
0x2b: {  	[spmem:s2] =	stream.indirect.scatter.add.f32 [tilespmem:s13], [sflag:$0x5], $0x10, s17, s14, $0xb8;
	[tilespmem:$0x5320] =	vst v63  }
0x2c: {  	_ =	swait.ge [sflag:s18], $0x500  }
0x2d: {  	[sflag:s18] =	ssyncset.done $0x0  }
0x2e: {  	s28 =	simm.s32 $0x190;
	[sflag:s18] =	ssyncadd.s32 $0xFFFFFB00  }
0x2f: {  	[spmem:s2] =	stream.indirect.scatter.add.f32 [tilespmem:s13], [sflag:$0x1], $0x10, s28, s14, $0xb8;
	[tilespmem:$0x5320] =	vst v63  }
0x30: {  	_ =	swait.ge [sflag:s19], $0x500  }
0x31: {  	[sflag:s19] =	ssyncset.done $0x0  }
0x32: {  	s29 =	simm.s32 $0x1E0;
	[sflag:s19] =	ssyncadd.s32 $0xFFFFFB00  }
0x33: {  	[spmem:s2] =	stream.indirect.scatter.add.f32 [tilespmem:s13], [sflag:$0x2], $0x10, s29, s14, $0xb8;
	[tilespmem:$0x5320] =	vst v63  }
0x34: {  	_ =	swait.ge [sflag:s20], $0x500  }
0x35: {  	[sflag:s20] =	ssyncset.done $0x0  }
0x36: {  	s30 =	simm.s32 $0x230;
	[sflag:s20] =	ssyncadd.s32 $0xFFFFFB00  }
0x37: {  	[spmem:s2] =	stream.indirect.scatter.add.f32 [tilespmem:s13], [sflag:$0x3], $0x10, s30, s14, $0xb8;
	[tilespmem:$0x5320] =	vst v63  }
0x38: {  	_ =	swait.ge [sflag:s21], $0x500  }
0x39: {  	[sflag:s21] =	ssyncset.done $0x0  }
0x3a: {  	s31 =	simm.s32 $0x280;
	[sflag:s21] =	ssyncadd.s32 $0xFFFFFB00  }
0x3b: {  	[spmem:s2] =	stream.indirect.scatter.add.f32 [tilespmem:s13], [sflag:$0x4], $0x10, s31, s14, $0xb8;
	[tilespmem:$0x5320] =	vst v63  }
0x3c: {  	_ =	swait.ge [sflag:s22], $0x500  }
0x3d: {  	[sflag:s22] =	ssyncset.done $0x0  }
0x3e: {  	s26 =	simm.s32 $0x2D0;
	s25 =	simm.s32 $0xFFFF7040;
	[sflag:s22] =	ssyncadd.s32 $0xFFFFFB00  }
.LBB2_2:
0x3f: {  	[spmem:s2] =	stream.indirect.scatter.add.f32 [tilespmem:s13], [sflag:$0x5], $0x10, s26, s14, $0xb8;
	[tilespmem:$0x5320] =	vst v63  }
0x40: {  	s26 =	smov.u32 s25  }
0x41: {  	p1 =	sne.s32 s25, $0xFFFFF9C0;
	s25 =	sadd.s32 $0x640, s25;
	_ =	swait.ge [sflag:s18], $0x500  }
0x42: {  	s26 =	sshra.s32 s26, $0x2;
	[sflag:s18] =	ssyncset.done $0x0  }
0x43: {  	s28 =	sadd.s32 $0x2710, s26;
	[sflag:s18] =	ssyncadd.s32 $0xFFFFFB00  }
0x44: {  	[spmem:s2] =	stream.indirect.scatter.add.f32 [tilespmem:s13], [sflag:$0x1], $0x10, s28, s14, $0xb8;
	[tilespmem:$0x5320] =	vst v63  }
0x45: {  	_ =	swait.ge [sflag:s19], $0x500  }
0x46: {  	[sflag:s19] =	ssyncset.done $0x0  }
0x47: {  	s28 =	sadd.s32 $0x2760, s26;
	[sflag:s19] =	ssyncadd.s32 $0xFFFFFB00  }
0x48: {  	[spmem:s2] =	stream.indirect.scatter.add.f32 [tilespmem:s13], [sflag:$0x2], $0x10, s28, s14, $0xb8;
	[tilespmem:$0x5320] =	vst v63  }
0x49: {  	_ =	swait.ge [sflag:s20], $0x500  }
0x4a: {  	[sflag:s20] =	ssyncset.done $0x0  }
0x4b: {  	s28 =	sadd.s32 $0x27B0, s26;
	[sflag:s20] =	ssyncadd.s32 $0xFFFFFB00  }
0x4c: {  	[spmem:s2] =	stream.indirect.scatter.add.f32 [tilespmem:s13], [sflag:$0x3], $0x10, s28, s14, $0xb8;
	[tilespmem:$0x5320] =	vst v63  }
0x4d: {  	_ =	swait.ge [sflag:s21], $0x500  }
0x4e: {  	[sflag:s21] =	ssyncset.done $0x0  }
.Ltmp0:
0x4f: {  	s28 =	sadd.s32 $0x2800, s26;
	[sflag:s21] =	ssyncadd.s32 $0xFFFFFB00;
	(pc) =	sbr.rel @p1 .LBB2_2-.Ltmp0, $4  }
0x50: {  	[spmem:s2] =	stream.indirect.scatter.add.f32 [tilespmem:s13], [sflag:$0x4], $0x10, s28, s14, $0xb8;
	[tilespmem:$0x5320] =	vst v63  }
0x51: {  	_ =	swait.ge [sflag:s22], $0x500  }
0x52: {  	[sflag:s22] =	ssyncset.done $0x0  }
0x53: {  	s26 =	sadd.s32 $0x2850, s26;
	[sflag:s22] =	ssyncadd.s32 $0xFFFFFB00  }
0x54: {  	[spmem:s2] =	stream.indirect.scatter.add.f32 [tilespmem:s13], [sflag:$0x5], $0x10, s26, s14, $0xb8;
	[tilespmem:$0x5320] =	vst v63  }
0x55: {  	_ =	swait.ge [sflag:s18], $0x500  }
0x56: {  	[sflag:s18] =	ssyncset.done $0x0  }
0x57: {  	[sflag:s18] =	ssyncadd.s32 $0xFFFFFB00  }
0x58: {  	_ =	swait.ge [sflag:s19], $0x500  }
0x59: {  	[sflag:s19] =	ssyncset.done $0x0  }
0x5a: {  	[sflag:s19] =	ssyncadd.s32 $0xFFFFFB00  }
0x5b: {  	_ =	swait.ge [sflag:s20], $0x500  }
0x5c: {  	[sflag:s20] =	ssyncset.done $0x0  }
0x5d: {  	[sflag:s20] =	ssyncadd.s32 $0xFFFFFB00  }
0x5e: {  	_ =	swait.ge [sflag:s21], $0x500  }
0x5f: {  	[sflag:s21] =	ssyncset.done $0x0  }
0x60: {  	[sflag:s21] =	ssyncadd.s32 $0xFFFFFB00  }
0x61: {  	_ =	swait.ge [sflag:s22], $0x500  }
0x62: {  	[sflag:s22] =	ssyncset.done $0x0  }
0x63: {  	[sflag:s22] =	ssyncadd.s32 $0xFFFFFB00  }
0x64: {  	[bflag:$0x0] =	sbarrier.arrive $0xFFFF  }
0x65: {  	[hbm:s23], [sflag:s6] =	dma.local [spmem:s10], $0x4E0  }
0x66: {  	_ =	swait.ge [sflag:s11], $0x4E0  }
0x67: {  	s24 =	sadd.s32 $0x1, s24;
	[sflag:s11] =	ssyncset.done $0x0  }
0x68: {  	s25 =	sadd.s32 @!p0 $0x4E00, s8;
	p1 =	sne.s32 s24, s9;
	[sflag:s11] =	ssyncadd.s32 $0xFFFFFB20  }
0x69: {  	[hbm:s25], [sflag:s6] =	dma.local @!p0 [spmem:s12], $0x20  }
.Ltmp1:
0x6a: {  	_ = 	snop;
	(pc) =	sbr.rel @p1 .LBB2_1-.Ltmp1, $4  }
0x6b: {  	s25 =	simm.s32 @!p0 $0x6  }
0x6c: {  	_ =	swait.ge @!p0 [sflag:s25], $0x20  }
0x6d: {  	[sflag:s25] =	ssyncset.done @!p0 $0x0  }
0x6e: {  	[sflag:s25] =	ssyncadd.s32 @!p0 $0xFFFFFFE0  }
0x6f: {  	_ =	sfence.sel $0x180000  }
0x70: {  	[bflag:$0x0] =	sbarrier.arrive $0xFFFF  }
0x71: {  	p0 =	sne.s32 s0, $0x0;
	_ =	strace $0x90000047  }
0x72: {  	s0 =	sadd.s32 @!p0 $0x100000, s1;
	[bflag:$0x2] =	sbarrier.arrive $0xFFFF  }
0x73: {  	[sflag:s0] =	ssyncadd.tile.s32 @!p0 $0x1;
	_ =	shalt  }
.Lfunc_end2:
_tile_overlayer_lowered:
.L_overlay_start_2:
0x74: {  	(tag) =	ssettag $0x2  }
0x75: {  	s0 =	rddreg [dreg:$0x0];
	s2 =	stileid.u32  }
0x76: {  	s1 =	rddreg [dreg:$0x1];
	p0 =	sne.s32 s2, $0x0  }
0x77: {  	s3 =	rddreg [dreg:$0x2];
	[bflag:$0x3] =	sbarrier.arrive $0xFFFF;
	s2 =	simm.s32 @!p0 $0x1C06  }
0x78: {  	[timem:s3], [sflag:s2] =	dma.local @!p0 [hbm:s0], s1  }
0x79: {  	s0 =	simm.s32 @!p0 $0x6  }
0x7a: {  	_ =	swait.ge @!p0 [sflag:s0], s1  }
0x7b: {  	s1 =	ssub.s32 @!p0 $0x0, s1;
	[sflag:s0] =	ssyncset.done @!p0 $0x0  }
0x7c: {  	[sflag:s0] =	ssyncadd.s32 @!p0 s1  }
0x7d: {  	[bflag:$0x3] =	sbarrier.arrive $0xFFFF  }
0x7e: {  	_ =	shalt  }

</sc_bundles>
